<compile_context>
chip_gen: v7x
topology: tpu7x:2x2x1
jax: 0.10.2.dev20260603
libtpu: 0.0.44.dev20260713+nightly
codegen_flags: <defaults>
</compile_context>

<pallas_src>
import functools

import jax
import jax.numpy as jnp
from jax import lax
from jax.experimental import pallas as pl
from jax.experimental.pallas import tpu as pltpu
from jax.experimental.pallas import tpu_sc as plsc

N = 10000
C = 128
S = 4
P = 32
K = 16
NPAD = 10240
CW = 1024
NCHUNK = NPAD // CW
BQ = 400
BF = 1000
BIG = 1e30



def _proj_body(x_ref, xT_ref, WsT_ref, bs_ref, Wh_ref, bh_ref, sT_ref, s2_ref,
               h_ref):
    st = (
        jnp.dot(WsT_ref[...], xT_ref[...], preferred_element_type=jnp.float32)
        + bs_ref[...]
    )
    sT_ref[...] = (-2.0 * st)[None]
    s2_ref[...] = jnp.sum(st * st, axis=0, keepdims=True)[None]
    h_ref[...] = (
        jnp.dot(x_ref[...], Wh_ref[...], preferred_element_type=jnp.float32)
        + bh_ref[...]
    )


_proj = pl.pallas_call(
    _proj_body,
    grid=(NPAD // CW,),
    in_specs=[
        pl.BlockSpec((CW, C), lambda i: (i, 0)),
        pl.BlockSpec((C, CW), lambda i: (0, i)),
        pl.BlockSpec((S, C), lambda i: (0, 0)),
        pl.BlockSpec((S, 1), lambda i: (0, 0)),
        pl.BlockSpec((C, P), lambda i: (0, 0)),
        pl.BlockSpec((1, P), lambda i: (0, 0)),
    ],
    out_specs=[
        pl.BlockSpec((1, S, CW), lambda i: (i, 0, 0)),
        pl.BlockSpec((1, 1, CW), lambda i: (i, 0, 0)),
        pl.BlockSpec((CW, P), lambda i: (i, 0)),
    ],
    out_shape=[
        jax.ShapeDtypeStruct((NCHUNK, S, CW), jnp.float32),
        jax.ShapeDtypeStruct((NCHUNK, 1, CW), jnp.float32),
        jax.ShapeDtypeStruct((NPAD, P), jnp.float32),
    ],
)



DL = 3
NSUB = CW // 128


def _knn_body(x_ref, sT3_ref, s2_ref, Ws_ref, bs_ref, idx_ref, d2_ref, dsc,
              f_scr, j_scr):
    q = (
        jnp.dot(x_ref[...], Ws_ref[...], preferred_element_type=jnp.float32)
        + bs_ref[...]
    )
    lane = lax.broadcasted_iota(jnp.int32, (1, CW), 1).astype(jnp.float32)
    lane128 = lax.broadcasted_iota(jnp.int32, (1, 128), 1).astype(jnp.float32)

    q2 = jnp.sum(q * q, axis=1, keepdims=True)

    def build(c, carry):
        m, g = carry
        stc = sT3_ref[c]
        s2c = s2_ref[c]
        acc = s2c + q[:, 0:1] * stc[0:1, :]
        for d in range(1, S):
            acc = acc + q[:, d : d + 1] * stc[d : d + 1, :]
        col = lane + c.astype(jnp.float32) * CW
        acc = jnp.where(col < float(N), acc, BIG)
        dsc[c] = acc
        cf = c.astype(jnp.float32)
        for s in range(NSUB):
            xs = acc[:, s * 128 : (s + 1) * 128]
            gid = cf * NSUB + s
            upd = xs < m
            m = jnp.where(upd, xs, m)
            g = jnp.where(upd, gid, g)
        return (m, g)

    m0 = jnp.full((BQ, 128), BIG, jnp.float32)
    g0 = jnp.full((BQ, 128), -2.0, jnp.float32)
    m, g = lax.fori_loop(0, NCHUNK, build, (m0, g0))
    f_scr[:, 0:128] = m
    j_scr[:, 0:128] = g * 128.0 + lane128
    g_prev = g

    for lv in range(1, DL):
        def scan_chunk(c, carry):
            m, g, gp = carry
            xc = dsc[c]
            cf = c.astype(jnp.float32)
            for s in range(NSUB):
                xs = xc[:, s * 128 : (s + 1) * 128]
                gid = cf * NSUB + s
                xs = jnp.where(gp == gid, BIG, xs)
                dsc[c, :, s * 128 : (s + 1) * 128] = xs
                upd = xs < m
                m = jnp.where(upd, xs, m)
                g = jnp.where(upd, gid, g)
            return (m, g, gp)

        m, g, _ = lax.fori_loop(0, NCHUNK, scan_chunk, (m0, g0, g_prev))
        f_scr[:, lv * 128 : (lv + 1) * 128] = m
        j_scr[:, lv * 128 : (lv + 1) * 128] = g * 128.0 + lane128
        g_prev = g

    j_prev = jnp.full((BQ, 1), -1.0, jnp.float32)
    for t in range(K):
        jj = j_scr[...]
        ff = f_scr[...]
        ff = jnp.where(jj == j_prev, BIG, ff)
        f_scr[...] = ff
        m = jnp.min(ff, axis=1, keepdims=True)
        cand = jnp.where(ff == m, jj, BIG)
        j = jnp.min(cand, axis=1, keepdims=True)
        idx_ref[:, t : t + 1] = j.astype(jnp.int32)
        d2_ref[:, t : t + 1] = m + q2
        j_prev = j


_knn = pl.pallas_call(
    _knn_body,
    grid=(N // BQ,),
    in_specs=[
        pl.BlockSpec((BQ, C), lambda i: (i, 0)),
        pl.BlockSpec((NCHUNK, S, CW), lambda i: (0, 0, 0)),
        pl.BlockSpec((NCHUNK, 1, CW), lambda i: (0, 0, 0)),
        pl.BlockSpec((C, S), lambda i: (0, 0)),
        pl.BlockSpec((1, S), lambda i: (0, 0)),
    ],
    out_specs=[
        pl.BlockSpec((BQ, K), lambda i: (i, 0)),
        pl.BlockSpec((BQ, K), lambda i: (i, 0)),
    ],
    out_shape=[
        jax.ShapeDtypeStruct((N, K), jnp.int32),
        jax.ShapeDtypeStruct((N, K), jnp.float32),
    ],
    scratch_shapes=[
        pltpu.VMEM((NCHUNK, BQ, CW), jnp.float32),
        pltpu.VMEM((BQ, DL * 128), jnp.float32),
        pltpu.VMEM((BQ, DL * 128), jnp.float32),
    ],
)


_GCH = 128
_NCH = (N * K) // _GCH
_NW = 32


def _sc_gather_body(h_hbm, idx_hbm, out_hbm, idx_v, rows_v, sem):
    wid = lax.axis_index("s") * 2 + lax.axis_index("c")
    for t in range(-(-_NCH // _NW)):
        cid = wid + t * _NW

        @pl.when(cid < _NCH)
        def _():
            off = pl.multiple_of(cid * _GCH, _GCH)
            pltpu.sync_copy(idx_hbm.at[pl.ds(off, _GCH)], idx_v)
            pltpu.async_copy(h_hbm.at[idx_v], rows_v, sem).wait()
            pltpu.sync_copy(rows_v, out_hbm.at[pl.ds(off, _GCH)])


_sc_gather = functools.partial(
    pl.kernel,
    out_type=jax.ShapeDtypeStruct((N * K, P), jnp.float32),
    mesh=plsc.VectorSubcoreMesh(core_axis_name="c", subcore_axis_name="s"),
    scratch_types=[
        pltpu.VMEM((_GCH,), jnp.int32),
        pltpu.VMEM((_GCH, P), jnp.float32),
        pltpu.SemaphoreType.DMA,
    ],
    compiler_params=pltpu.CompilerParams(use_tc_tiling_on_sc=False),
)(_sc_gather_body)



def _final_body(
    x_ref, g3_ref, d2_ref, W1_ref, W2_ref, b2_ref, Wl_ref, bl_ref, ga_ref,
    be_ref, o_ref
):
    w = jnp.exp(-10.0 * d2_ref[...])
    msgs = g3_ref[...] * w[:, :, None]
    mean = jnp.sum(msgs, axis=1) * (1.0 / K)
    mx = jnp.max(msgs, axis=1)
    agg = jnp.concatenate([mean, mx], axis=1)
    gn = (
        jnp.dot(x_ref[...], W1_ref[...], preferred_element_type=jnp.float32)
        + jnp.dot(agg, W2_ref[...], preferred_element_type=jnp.float32)
        + b2_ref[...]
    )
    y = jnp.dot(gn, Wl_ref[...], preferred_element_type=jnp.float32) + bl_ref[...]
    mu = jnp.mean(y, axis=-1, keepdims=True)
    yc = y - mu
    var = jnp.mean(yc * yc, axis=-1, keepdims=True)
    y = yc / jnp.sqrt(var + 1e-5) * ga_ref[...] + be_ref[...]
    o_ref[...] = jnp.maximum(y, 0.0) + x_ref[...]


_final = pl.pallas_call(
    _final_body,
    grid=(N // BF,),
    in_specs=[
        pl.BlockSpec((BF, C), lambda i: (i, 0)),
        pl.BlockSpec((BF, K, P), lambda i: (i, 0, 0)),
        pl.BlockSpec((BF, K), lambda i: (i, 0)),
        pl.BlockSpec((C, C), lambda i: (0, 0)),
        pl.BlockSpec((2 * P, C), lambda i: (0, 0)),
        pl.BlockSpec((1, C), lambda i: (0, 0)),
        pl.BlockSpec((C, C), lambda i: (0, 0)),
        pl.BlockSpec((1, C), lambda i: (0, 0)),
        pl.BlockSpec((1, C), lambda i: (0, 0)),
        pl.BlockSpec((1, C), lambda i: (0, 0)),
    ],
    out_specs=pl.BlockSpec((BF, C), lambda i: (i, 0)),
    out_shape=jax.ShapeDtypeStruct((N, C), jnp.float32),
)


def kernel(x, Ws, bs, Wh, bh, Wout1, Wout2, bout2, Wlin, blin, gamma, beta):
    x_pad = jnp.pad(x, ((0, NPAD - N), (0, 0)))
    sT3, s2p, h_pad = _proj(
        x_pad,
        x_pad.T,
        Ws.T,
        bs.reshape(S, 1),
        Wh,
        bh.reshape(1, P),
    )
    idx, d2 = _knn(x, sT3, s2p, Ws, bs.reshape(1, S))
    gathered = _sc_gather(h_pad, idx.reshape(N * K))
    g3 = gathered.reshape(N, K, P)
    return _final(
        x,
        g3,
        d2,
        Wout1,
        Wout2,
        bout2.reshape(1, C),
        Wlin,
        blin.reshape(1, C),
        gamma.reshape(1, C),
        beta.reshape(1, C),
    )

# --- scband reference (transcript-rebuilt; emitter-appended) ---
"""Pipeline reference for scband-grav-net-block-3556232921273 (READ-ONLY COPY).

The authoritative reference and input builder live on the scoring server;
editing this copy changes nothing except your own understanding.
"""

import jax, jax.numpy as jnp
import numpy as np

N, C, S, P, K = 10000, 128, 4, 32, 16

def setup_inputs(seed: int = 0):
    key = jax.random.key(seed)
    ks = jax.random.split(key, 8)
    inp = {}
    inp['x'] = jax.random.normal(ks[0], (N, C), jnp.float32)
    inp['Ws'] = jax.random.normal(ks[1], (C, S), jnp.float32) * (1.0 / np.sqrt(C))
    inp['bs'] = jnp.zeros((S,), jnp.float32)
    inp['Wh'] = jax.random.normal(ks[2], (C, P), jnp.float32) * (1.0 / np.sqrt(C))
    inp['bh'] = jnp.zeros((P,), jnp.float32)
    inp['Wout1'] = jax.random.normal(ks[3], (C, C), jnp.float32) * (1.0 / np.sqrt(C))
    inp['Wout2'] = jax.random.normal(ks[4], (2 * P, C), jnp.float32) * (1.0 / np.sqrt(2 * P))
    inp['bout2'] = jnp.zeros((C,), jnp.float32)
    inp['Wlin'] = jax.random.normal(ks[5], (C, C), jnp.float32) * (1.0 / np.sqrt(C))
    inp['blin'] = jnp.zeros((C,), jnp.float32)
    inp['gamma'] = jnp.ones((C,), jnp.float32)
    inp['beta'] = jnp.zeros((C,), jnp.float32)
    return inp

def _knn_idx(s, k):
    # chunked brute-force kNN in learned space (indices are non-differentiable)
    s = jax.lax.stop_gradient(s)
    n = s.shape[0]
    s_sq = jnp.sum(s * s, axis=1)
    chunk = 1000
    idxs = []
    for i in range(0, n, chunk):
        sc = s[i:i + chunk]
        d2 = jnp.sum(sc * sc, axis=1)[:, None] + s_sq[None, :] - 2.0 * (sc @ s.T)
        _, idx = jax.lax.top_k(-d2, k)
        idxs.append(idx)
    return jnp.concatenate(idxs, axis=0)

def _gravnet_block(x, Ws, bs, Wh, bh, Wout1, Wout2, bout2, Wlin, blin, gamma, beta):
    # GravNetConv (torch_geometric semantics)
    s = x @ Ws + bs            # learned spatial coords [N, S]
    h = x @ Wh + bh            # propagate features [N, P]
    idx = _knn_idx(s, K)       # [N, K] neighbor indices (includes self)
    s_nbr = jnp.take(s, idx, axis=0)                         # [N, K, S]
    d2 = jnp.sum((s[:, None, :] - s_nbr) ** 2, axis=-1)      # [N, K] differentiable
    w = jnp.exp(-10.0 * d2)                                  # edge weights
    msgs = jnp.take(h, idx, axis=0) * w[:, :, None]          # [N, K, P]
    mean_agg = jnp.mean(msgs, axis=1)                        # [N, P]
    max_agg = jnp.max(msgs, axis=1)                          # [N, P]
    gn = x @ Wout1 + jnp.concatenate([mean_agg, max_agg], axis=1) @ Wout2 + bout2
    # lin -> layernorm -> relu -> residual
    y = gn @ Wlin + blin
    mu = jnp.mean(y, axis=-1, keepdims=True)
    var = jnp.var(y, axis=-1, keepdims=True)
    y = (y - mu) / jnp.sqrt(var + 1e-5) * gamma + beta
    y = jax.nn.relu(y)
    return y + x

def reference(x, Ws, bs, Wh, bh, Wout1, Wout2, bout2, Wlin, blin, gamma, beta):
    return _gravnet_block(x, Ws, bs, Wh, bh, Wout1, Wout2, bout2, Wlin, blin, gamma, beta)

if __name__ == "__main__":
    import jax
    _d = setup_inputs()
    print(jax.jit(kernel)(*tuple(_d.values())))

</pallas_src>

<mosaic_0001>
#map = affine_map<(d0, d1) -> (0, 0)>
#map1 = affine_map<(d0, d1) -> (0)>
module attributes {stable_mosaic.version = 14 : i64} {
  func.func @_sc_gather_body(%arg0: i32, %arg1: i32, %arg2: memref<10240x32xf32, #tpu.memory_space<hbm>>, %arg3: memref<160000xi32, #tpu.memory_space<hbm>>, %arg4: memref<160000x32xf32, #tpu.memory_space<hbm>>, %arg5: memref<128xi32, #tpu.memory_space<vmem>>, %arg6: memref<128x32xf32, #tpu.memory_space<vmem>>, %arg7: memref<!tpu.dma_semaphore, #tpu.memory_space<semaphore_mem>>) attributes {dimension_semantics = [#tpu.dimension_semantics<core_parallel>, #tpu.dimension_semantics<subcore_parallel>], iteration_bounds = array<i64: 2, 16>, scalar_prefetch = 0 : i64, scratch_operands = 3 : i64, tpu.core_type = #tpu.core_type<sc_vector_subcore>, window_params = [{transform_indices = #map}, {transform_indices = #map1}, {transform_indices = #map}]} {
    %mul3A = arith.constant 2 : i32
    %mul3A_0 = arith.muli %arg1, %mul3A : i32
    %add3A = arith.addi %mul3A_0, %arg0 : i32
    %add3A_1 = arith.constant 0 : i32
    %add3A_2 = arith.addi %add3A, %add3A_1 : i32
    %lt3A = arith.constant 1250 : i32
    %lt3A_3 = arith.cmpi slt, %add3A_2, %lt3A : i32
    %convert_element_type3A = arith.extui %lt3A_3 : i1 to i32
    %cond3A = arith.constant 0 : i32
    %cond3A_4 = arith.cmpi ne, %convert_element_type3A, %cond3A : i32
    scf.if %cond3A_4 {
      %mul3A_278 = arith.constant 128 : i32
      %mul3A_279 = arith.muli %add3A_2, %mul3A_278 : i32
      %multiple_of3A = tpu.assume_multiple %mul3A_279, 128 : i32
      "tpu.region"() ({
        %run_scoped3A = tpu.sem_alloc : memref<!tpu.dma_semaphore, #tpu.memory_space<semaphore_mem>>
        %dma_start3A_284 = tpu.memref_slice %arg3[%multiple_of3A] : memref<160000xi32, #tpu.memory_space<hbm>> -> memref<128xi32, #tpu.memory_space<hbm>>
        %dma_start3A_285 = tpu.memref_slice %arg3[%multiple_of3A] : memref<160000xi32, #tpu.memory_space<hbm>> -> memref<128xi32, #tpu.memory_space<hbm>>
        tpu.enqueue_dma source(%dma_start3A_285 : memref<128xi32, #tpu.memory_space<hbm>>) target(%arg5 : memref<128xi32, #tpu.memory_space<vmem>>) target_semaphore(%run_scoped3A : memref<!tpu.dma_semaphore, #tpu.memory_space<semaphore_mem>>)
        %dma_wait3A_286 = tpu.memref_slice %arg3[%multiple_of3A] : memref<160000xi32, #tpu.memory_space<hbm>> -> memref<128xi32, #tpu.memory_space<hbm>>
        %dma_wait3A_287 = tpu.memref_slice %arg3[%multiple_of3A] : memref<160000xi32, #tpu.memory_space<hbm>> -> memref<128xi32, #tpu.memory_space<hbm>>
        tpu.wait_dma2 semaphore(%run_scoped3A : memref<!tpu.dma_semaphore, #tpu.memory_space<semaphore_mem>>) src(%dma_wait3A_287 : memref<128xi32, #tpu.memory_space<hbm>>) dst(%arg5 : memref<128xi32, #tpu.memory_space<vmem>>)
        tpu.yield
      }) : () -> ()
      %dma_start3A = arith.constant 0 : i32
      %dma_start3A_280 = arith.constant 0 : i32
      %dma_start3A_281 = tpu.memref_slice %arg2[%dma_start3A, %dma_start3A_280] : memref<10240x32xf32, #tpu.memory_space<hbm>> -> memref<10240x32xf32, #tpu.memory_space<hbm>>
      tpu.enqueue_indirect_dma source(%dma_start3A_281 : memref<10240x32xf32, #tpu.memory_space<hbm>>) target(%arg6 : memref<128x32xf32, #tpu.memory_space<vmem>>) offsets(%arg5 : memref<128xi32, #tpu.memory_space<vmem>>) semaphore(%arg7 : memref<!tpu.dma_semaphore, #tpu.memory_space<semaphore_mem>>)
      %dma_wait3A = arith.constant 0 : i32
      %dma_wait3A_282 = arith.constant 0 : i32
      %dma_wait3A_283 = tpu.memref_slice %arg2[%dma_wait3A, %dma_wait3A_282] : memref<10240x32xf32, #tpu.memory_space<hbm>> -> memref<10240x32xf32, #tpu.memory_space<hbm>>
      tpu.wait_indirect_dma semaphore(%arg7 : memref<!tpu.dma_semaphore, #tpu.memory_space<semaphore_mem>>) src(%dma_wait3A_283 : memref<10240x32xf32, #tpu.memory_space<hbm>>) dst(%arg6 : memref<128x32xf32, #tpu.memory_space<vmem>>)
      "tpu.region"() ({
        %run_scoped3A = tpu.sem_alloc : memref<!tpu.dma_semaphore, #tpu.memory_space<semaphore_mem>>
        %dma_start3A_284 = arith.constant 0 : i32
        %dma_start3A_285 = tpu.memref_slice %arg4[%multiple_of3A, %dma_start3A_284] : memref<160000x32xf32, #tpu.memory_space<hbm>> -> memref<128x32xf32, #tpu.memory_space<hbm>>
        %dma_start3A_286 = arith.constant 0 : i32
        %dma_start3A_287 = tpu.memref_slice %arg4[%multiple_of3A, %dma_start3A_286] : memref<160000x32xf32, #tpu.memory_space<hbm>> -> memref<128x32xf32, #tpu.memory_space<hbm>>
        tpu.enqueue_dma source(%arg6 : memref<128x32xf32, #tpu.memory_space<vmem>>) target(%dma_start3A_287 : memref<128x32xf32, #tpu.memory_space<hbm>>) target_semaphore(%run_scoped3A : memref<!tpu.dma_semaphore, #tpu.memory_space<semaphore_mem>>)
        %dma_wait3A_288 = arith.constant 0 : i32
        %dma_wait3A_289 = tpu.memref_slice %arg4[%multiple_of3A, %dma_wait3A_288] : memref<160000x32xf32, #tpu.memory_space<hbm>> -> memref<128x32xf32, #tpu.memory_space<hbm>>
        %dma_wait3A_290 = arith.constant 0 : i32
        %dma_wait3A_291 = tpu.memref_slice %arg4[%multiple_of3A, %dma_wait3A_290] : memref<160000x32xf32, #tpu.memory_space<hbm>> -> memref<128x32xf32, #tpu.memory_space<hbm>>
        tpu.wait_dma2 semaphore(%run_scoped3A : memref<!tpu.dma_semaphore, #tpu.memory_space<semaphore_mem>>) src(%arg6 : memref<128x32xf32, #tpu.memory_space<vmem>>) dst(%dma_wait3A_291 : memref<128x32xf32, #tpu.memory_space<hbm>>)
        tpu.yield
      }) : () -> ()
    } else {
    }
    %add3A_5 = arith.constant 32 : i32
    %add3A_6 = arith.addi %add3A, %add3A_5 : i32
    %lt3A_7 = arith.constant 1250 : i32
    %lt3A_8 = arith.cmpi slt, %add3A_6, %lt3A_7 : i32
    %convert_element_type3A_9 = arith.extui %lt3A_8 : i1 to i32
    %cond3A_10 = arith.constant 0 : i32
    %cond3A_11 = arith.cmpi ne, %convert_element_type3A_9, %cond3A_10 : i32
    scf.if %cond3A_11 {
      %mul3A_278 = arith.constant 128 : i32
      %mul3A_279 = arith.muli %add3A_6, %mul3A_278 : i32
      %multiple_of3A = tpu.assume_multiple %mul3A_279, 128 : i32
      "tpu.region"() ({
        %run_scoped3A = tpu.sem_alloc : memref<!tpu.dma_semaphore, #tpu.memory_space<semaphore_mem>>
        %dma_start3A_284 = tpu.memref_slice %arg3[%multiple_of3A] : memref<160000xi32, #tpu.memory_space<hbm>> -> memref<128xi32, #tpu.memory_space<hbm>>
        %dma_start3A_285 = tpu.memref_slice %arg3[%multiple_of3A] : memref<160000xi32, #tpu.memory_space<hbm>> -> memref<128xi32, #tpu.memory_space<hbm>>
        tpu.enqueue_dma source(%dma_start3A_285 : memref<128xi32, #tpu.memory_space<hbm>>) target(%arg5 : memref<128xi32, #tpu.memory_space<vmem>>) target_semaphore(%run_scoped3A : memref<!tpu.dma_semaphore, #tpu.memory_space<semaphore_mem>>)
        %dma_wait3A_286 = tpu.memref_slice %arg3[%multiple_of3A] : memref<160000xi32, #tpu.memory_space<hbm>> -> memref<128xi32, #tpu.memory_space<hbm>>
        %dma_wait3A_287 = tpu.memref_slice %arg3[%multiple_of3A] : memref<160000xi32, #tpu.memory_space<hbm>> -> memref<128xi32, #tpu.memory_space<hbm>>
        tpu.wait_dma2 semaphore(%run_scoped3A : memref<!tpu.dma_semaphore, #tpu.memory_space<semaphore_mem>>) src(%dma_wait3A_287 : memref<128xi32, #tpu.memory_space<hbm>>) dst(%arg5 : memref<128xi32, #tpu.memory_space<vmem>>)
        tpu.yield
      }) : () -> ()
      %dma_start3A = arith.constant 0 : i32
      %dma_start3A_280 = arith.constant 0 : i32
      %dma_start3A_281 = tpu.memref_slice %arg2[%dma_start3A, %dma_start3A_280] : memref<10240x32xf32, #tpu.memory_space<hbm>> -> memref<10240x32xf32, #tpu.memory_space<hbm>>
      tpu.enqueue_indirect_dma source(%dma_start3A_281 : memref<10240x32xf32, #tpu.memory_space<hbm>>) target(%arg6 : memref<128x32xf32, #tpu.memory_space<vmem>>) offsets(%arg5 : memref<128xi32, #tpu.memory_space<vmem>>) semaphore(%arg7 : memref<!tpu.dma_semaphore, #tpu.memory_space<semaphore_mem>>)
      %dma_wait3A = arith.constant 0 : i32
      %dma_wait3A_282 = arith.constant 0 : i32
      %dma_wait3A_283 = tpu.memref_slice %arg2[%dma_wait3A, %dma_wait3A_282] : memref<10240x32xf32, #tpu.memory_space<hbm>> -> memref<10240x32xf32, #tpu.memory_space<hbm>>
      tpu.wait_indirect_dma semaphore(%arg7 : memref<!tpu.dma_semaphore, #tpu.memory_space<semaphore_mem>>) src(%dma_wait3A_283 : memref<10240x32xf32, #tpu.memory_space<hbm>>) dst(%arg6 : memref<128x32xf32, #tpu.memory_space<vmem>>)
      "tpu.region"() ({
        %run_scoped3A = tpu.sem_alloc : memref<!tpu.dma_semaphore, #tpu.memory_space<semaphore_mem>>
        %dma_start3A_284 = arith.constant 0 : i32
        %dma_start3A_285 = tpu.memref_slice %arg4[%multiple_of3A, %dma_start3A_284] : memref<160000x32xf32, #tpu.memory_space<hbm>> -> memref<128x32xf32, #tpu.memory_space<hbm>>
        %dma_start3A_286 = arith.constant 0 : i32
        %dma_start3A_287 = tpu.memref_slice %arg4[%multiple_of3A, %dma_start3A_286] : memref<160000x32xf32, #tpu.memory_space<hbm>> -> memref<128x32xf32, #tpu.memory_space<hbm>>
        tpu.enqueue_dma source(%arg6 : memref<128x32xf32, #tpu.memory_space<vmem>>) target(%dma_start3A_287 : memref<128x32xf32, #tpu.memory_space<hbm>>) target_semaphore(%run_scoped3A : memref<!tpu.dma_semaphore, #tpu.memory_space<semaphore_mem>>)
        %dma_wait3A_288 = arith.constant 0 : i32
        %dma_wait3A_289 = tpu.memref_slice %arg4[%multiple_of3A, %dma_wait3A_288] : memref<160000x32xf32, #tpu.memory_space<hbm>> -> memref<128x32xf32, #tpu.memory_space<hbm>>
        %dma_wait3A_290 = arith.constant 0 : i32
        %dma_wait3A_291 = tpu.memref_slice %arg4[%multiple_of3A, %dma_wait3A_290] : memref<160000x32xf32, #tpu.memory_space<hbm>> -> memref<128x32xf32, #tpu.memory_space<hbm>>
        tpu.wait_dma2 semaphore(%run_scoped3A : memref<!tpu.dma_semaphore, #tpu.memory_space<semaphore_mem>>) src(%arg6 : memref<128x32xf32, #tpu.memory_space<vmem>>) dst(%dma_wait3A_291 : memref<128x32xf32, #tpu.memory_space<hbm>>)
        tpu.yield
      }) : () -> ()
    } else {
    }
    %add3A_12 = arith.constant 64 : i32
    %add3A_13 = arith.addi %add3A, %add3A_12 : i32
    %lt3A_14 = arith.constant 1250 : i32
    %lt3A_15 = arith.cmpi slt, %add3A_13, %lt3A_14 : i32
    %convert_element_type3A_16 = arith.extui %lt3A_15 : i1 to i32
    %cond3A_17 = arith.constant 0 : i32
    %cond3A_18 = arith.cmpi ne, %convert_element_type3A_16, %cond3A_17 : i32
    scf.if %cond3A_18 {
      %mul3A_278 = arith.constant 128 : i32
      %mul3A_279 = arith.muli %add3A_13, %mul3A_278 : i32
      %multiple_of3A = tpu.assume_multiple %mul3A_279, 128 : i32
      "tpu.region"() ({
        %run_scoped3A = tpu.sem_alloc : memref<!tpu.dma_semaphore, #tpu.memory_space<semaphore_mem>>
        %dma_start3A_284 = tpu.memref_slice %arg3[%multiple_of3A] : memref<160000xi32, #tpu.memory_space<hbm>> -> memref<128xi32, #tpu.memory_space<hbm>>
        %dma_start3A_285 = tpu.memref_slice %arg3[%multiple_of3A] : memref<160000xi32, #tpu.memory_space<hbm>> -> memref<128xi32, #tpu.memory_space<hbm>>
        tpu.enqueue_dma source(%dma_start3A_285 : memref<128xi32, #tpu.memory_space<hbm>>) target(%arg5 : memref<128xi32, #tpu.memory_space<vmem>>) target_semaphore(%run_scoped3A : memref<!tpu.dma_semaphore, #tpu.memory_space<semaphore_mem>>)
        %dma_wait3A_286 = tpu.memref_slice %arg3[%multiple_of3A] : memref<160000xi32, #tpu.memory_space<hbm>> -> memref<128xi32, #tpu.memory_space<hbm>>
        %dma_wait3A_287 = tpu.memref_slice %arg3[%multiple_of3A] : memref<160000xi32, #tpu.memory_space<hbm>> -> memref<128xi32, #tpu.memory_space<hbm>>
        tpu.wait_dma2 semaphore(%run_scoped3A : memref<!tpu.dma_semaphore, #tpu.memory_space<semaphore_mem>>) src(%dma_wait3A_287 : memref<128xi32, #tpu.memory_space<hbm>>) dst(%arg5 : memref<128xi32, #tpu.memory_space<vmem>>)
        tpu.yield
      }) : () -> ()
      %dma_start3A = arith.constant 0 : i32
      %dma_start3A_280 = arith.constant 0 : i32
      %dma_start3A_281 = tpu.memref_slice %arg2[%dma_start3A, %dma_start3A_280] : memref<10240x32xf32, #tpu.memory_space<hbm>> -> memref<10240x32xf32, #tpu.memory_space<hbm>>
      tpu.enqueue_indirect_dma source(%dma_start3A_281 : memref<10240x32xf32, #tpu.memory_space<hbm>>) target(%arg6 : memref<128x32xf32, #tpu.memory_space<vmem>>) offsets(%arg5 : memref<128xi32, #tpu.memory_space<vmem>>) semaphore(%arg7 : memref<!tpu.dma_semaphore, #tpu.memory_space<semaphore_mem>>)
      %dma_wait3A = arith.constant 0 : i32
      %dma_wait3A_282 = arith.constant 0 : i32
      %dma_wait3A_283 = tpu.memref_slice %arg2[%dma_wait3A, %dma_wait3A_282] : memref<10240x32xf32, #tpu.memory_space<hbm>> -> memref<10240x32xf32, #tpu.memory_space<hbm>>
      tpu.wait_indirect_dma semaphore(%arg7 : memref<!tpu.dma_semaphore, #tpu.memory_space<semaphore_mem>>) src(%dma_wait3A_283 : memref<10240x32xf32, #tpu.memory_space<hbm>>) dst(%arg6 : memref<128x32xf32, #tpu.memory_space<vmem>>)
      "tpu.region"() ({
        %run_scoped3A = tpu.sem_alloc : memref<!tpu.dma_semaphore, #tpu.memory_space<semaphore_mem>>
        %dma_start3A_284 = arith.constant 0 : i32
        %dma_start3A_285 = tpu.memref_slice %arg4[%multiple_of3A, %dma_start3A_284] : memref<160000x32xf32, #tpu.memory_space<hbm>> -> memref<128x32xf32, #tpu.memory_space<hbm>>
        %dma_start3A_286 = arith.constant 0 : i32
        %dma_start3A_287 = tpu.memref_slice %arg4[%multiple_of3A, %dma_start3A_286] : memref<160000x32xf32, #tpu.memory_space<hbm>> -> memref<128x32xf32, #tpu.memory_space<hbm>>
        tpu.enqueue_dma source(%arg6 : memref<128x32xf32, #tpu.memory_space<vmem>>) target(%dma_start3A_287 : memref<128x32xf32, #tpu.memory_space<hbm>>) target_semaphore(%run_scoped3A : memref<!tpu.dma_semaphore, #tpu.memory_space<semaphore_mem>>)
        %dma_wait3A_288 = arith.constant 0 : i32
        %dma_wait3A_289 = tpu.memref_slice %arg4[%multiple_of3A, %dma_wait3A_288] : memref<160000x32xf32, #tpu.memory_space<hbm>> -> memref<128x32xf32, #tpu.memory_space<hbm>>
        %dma_wait3A_290 = arith.constant 0 : i32
        %dma_wait3A_291 = tpu.memref_slice %arg4[%multiple_of3A, %dma_wait3A_290] : memref<160000x32xf32, #tpu.memory_space<hbm>> -> memref<128x32xf32, #tpu.memory_space<hbm>>
        tpu.wait_dma2 semaphore(%run_scoped3A : memref<!tpu.dma_semaphore, #tpu.memory_space<semaphore_mem>>) src(%arg6 : memref<128x32xf32, #tpu.memory_space<vmem>>) dst(%dma_wait3A_291 : memref<128x32xf32, #tpu.memory_space<hbm>>)
        tpu.yield
      }) : () -> ()
    } else {
    }
    %add3A_19 = arith.constant 96 : i32
    %add3A_20 = arith.addi %add3A, %add3A_19 : i32
    %lt3A_21 = arith.constant 1250 : i32
    %lt3A_22 = arith.cmpi slt, %add3A_20, %lt3A_21 : i32
    %convert_element_type3A_23 = arith.extui %lt3A_22 : i1 to i32
    %cond3A_24 = arith.constant 0 : i32
    %cond3A_25 = arith.cmpi ne, %convert_element_type3A_23, %cond3A_24 : i32
    scf.if %cond3A_25 {
      %mul3A_278 = arith.constant 128 : i32
      %mul3A_279 = arith.muli %add3A_20, %mul3A_278 : i32
      %multiple_of3A = tpu.assume_multiple %mul3A_279, 128 : i32
      "tpu.region"() ({
        %run_scoped3A = tpu.sem_alloc : memref<!tpu.dma_semaphore, #tpu.memory_space<semaphore_mem>>
        %dma_start3A_284 = tpu.memref_slice %arg3[%multiple_of3A] : memref<160000xi32, #tpu.memory_space<hbm>> -> memref<128xi32, #tpu.memory_space<hbm>>
        %dma_start3A_285 = tpu.memref_slice %arg3[%multiple_of3A] : memref<160000xi32, #tpu.memory_space<hbm>> -> memref<128xi32, #tpu.memory_space<hbm>>
        tpu.enqueue_dma source(%dma_start3A_285 : memref<128xi32, #tpu.memory_space<hbm>>) target(%arg5 : memref<128xi32, #tpu.memory_space<vmem>>) target_semaphore(%run_scoped3A : memref<!tpu.dma_semaphore, #tpu.memory_space<semaphore_mem>>)
        %dma_wait3A_286 = tpu.memref_slice %arg3[%multiple_of3A] : memref<160000xi32, #tpu.memory_space<hbm>> -> memref<128xi32, #tpu.memory_space<hbm>>
        %dma_wait3A_287 = tpu.memref_slice %arg3[%multiple_of3A] : memref<160000xi32, #tpu.memory_space<hbm>> -> memref<128xi32, #tpu.memory_space<hbm>>
        tpu.wait_dma2 semaphore(%run_scoped3A : memref<!tpu.dma_semaphore, #tpu.memory_space<semaphore_mem>>) src(%dma_wait3A_287 : memref<128xi32, #tpu.memory_space<hbm>>) dst(%arg5 : memref<128xi32, #tpu.memory_space<vmem>>)
        tpu.yield
      }) : () -> ()
      %dma_start3A = arith.constant 0 : i32
      %dma_start3A_280 = arith.constant 0 : i32
      %dma_start3A_281 = tpu.memref_slice %arg2[%dma_start3A, %dma_start3A_280] : memref<10240x32xf32, #tpu.memory_space<hbm>> -> memref<10240x32xf32, #tpu.memory_space<hbm>>
      tpu.enqueue_indirect_dma source(%dma_start3A_281 : memref<10240x32xf32, #tpu.memory_space<hbm>>) target(%arg6 : memref<128x32xf32, #tpu.memory_space<vmem>>) offsets(%arg5 : memref<128xi32, #tpu.memory_space<vmem>>) semaphore(%arg7 : memref<!tpu.dma_semaphore, #tpu.memory_space<semaphore_mem>>)
      %dma_wait3A = arith.constant 0 : i32
      %dma_wait3A_282 = arith.constant 0 : i32
      %dma_wait3A_283 = tpu.memref_slice %arg2[%dma_wait3A, %dma_wait3A_282] : memref<10240x32xf32, #tpu.memory_space<hbm>> -> memref<10240x32xf32, #tpu.memory_space<hbm>>
      tpu.wait_indirect_dma semaphore(%arg7 : memref<!tpu.dma_semaphore, #tpu.memory_space<semaphore_mem>>) src(%dma_wait3A_283 : memref<10240x32xf32, #tpu.memory_space<hbm>>) dst(%arg6 : memref<128x32xf32, #tpu.memory_space<vmem>>)
      "tpu.region"() ({
        %run_scoped3A = tpu.sem_alloc : memref<!tpu.dma_semaphore, #tpu.memory_space<semaphore_mem>>
        %dma_start3A_284 = arith.constant 0 : i32
        %dma_start3A_285 = tpu.memref_slice %arg4[%multiple_of3A, %dma_start3A_284] : memref<160000x32xf32, #tpu.memory_space<hbm>> -> memref<128x32xf32, #tpu.memory_space<hbm>>
        %dma_start3A_286 = arith.constant 0 : i32
        %dma_start3A_287 = tpu.memref_slice %arg4[%multiple_of3A, %dma_start3A_286] : memref<160000x32xf32, #tpu.memory_space<hbm>> -> memref<128x32xf32, #tpu.memory_space<hbm>>
        tpu.enqueue_dma source(%arg6 : memref<128x32xf32, #tpu.memory_space<vmem>>) target(%dma_start3A_287 : memref<128x32xf32, #tpu.memory_space<hbm>>) target_semaphore(%run_scoped3A : memref<!tpu.dma_semaphore, #tpu.memory_space<semaphore_mem>>)
        %dma_wait3A_288 = arith.constant 0 : i32
        %dma_wait3A_289 = tpu.memref_slice %arg4[%multiple_of3A, %dma_wait3A_288] : memref<160000x32xf32, #tpu.memory_space<hbm>> -> memref<128x32xf32, #tpu.memory_space<hbm>>
        %dma_wait3A_290 = arith.constant 0 : i32
        %dma_wait3A_291 = tpu.memref_slice %arg4[%multiple_of3A, %dma_wait3A_290] : memref<160000x32xf32, #tpu.memory_space<hbm>> -> memref<128x32xf32, #tpu.memory_space<hbm>>
        tpu.wait_dma2 semaphore(%run_scoped3A : memref<!tpu.dma_semaphore, #tpu.memory_space<semaphore_mem>>) src(%arg6 : memref<128x32xf32, #tpu.memory_space<vmem>>) dst(%dma_wait3A_291 : memref<128x32xf32, #tpu.memory_space<hbm>>)
        tpu.yield
      }) : () -> ()
    } else {
    }
    %add3A_26 = arith.constant 128 : i32
    %add3A_27 = arith.addi %add3A, %add3A_26 : i32
    %lt3A_28 = arith.constant 1250 : i32
    %lt3A_29 = arith.cmpi slt, %add3A_27, %lt3A_28 : i32
    %convert_element_type3A_30 = arith.extui %lt3A_29 : i1 to i32
    %cond3A_31 = arith.constant 0 : i32
    %cond3A_32 = arith.cmpi ne, %convert_element_type3A_30, %cond3A_31 : i32
    scf.if %cond3A_32 {
      %mul3A_278 = arith.constant 128 : i32
      %mul3A_279 = arith.muli %add3A_27, %mul3A_278 : i32
      %multiple_of3A = tpu.assume_multiple %mul3A_279, 128 : i32
      "tpu.region"() ({
        %run_scoped3A = tpu.sem_alloc : memref<!tpu.dma_semaphore, #tpu.memory_space<semaphore_mem>>
        %dma_start3A_284 = tpu.memref_slice %arg3[%multiple_of3A] : memref<160000xi32, #tpu.memory_space<hbm>> -> memref<128xi32, #tpu.memory_space<hbm>>
        %dma_start3A_285 = tpu.memref_slice %arg3[%multiple_of3A] : memref<160000xi32, #tpu.memory_space<hbm>> -> memref<128xi32, #tpu.memory_space<hbm>>
        tpu.enqueue_dma source(%dma_start3A_285 : memref<128xi32, #tpu.memory_space<hbm>>) target(%arg5 : memref<128xi32, #tpu.memory_space<vmem>>) target_semaphore(%run_scoped3A : memref<!tpu.dma_semaphore, #tpu.memory_space<semaphore_mem>>)
        %dma_wait3A_286 = tpu.memref_slice %arg3[%multiple_of3A] : memref<160000xi32, #tpu.memory_space<hbm>> -> memref<128xi32, #tpu.memory_space<hbm>>
        %dma_wait3A_287 = tpu.memref_slice %arg3[%multiple_of3A] : memref<160000xi32, #tpu.memory_space<hbm>> -> memref<128xi32, #tpu.memory_space<hbm>>
        tpu.wait_dma2 semaphore(%run_scoped3A : memref<!tpu.dma_semaphore, #tpu.memory_space<semaphore_mem>>) src(%dma_wait3A_287 : memref<128xi32, #tpu.memory_space<hbm>>) dst(%arg5 : memref<128xi32, #tpu.memory_space<vmem>>)
        tpu.yield
      }) : () -> ()
      %dma_start3A = arith.constant 0 : i32
      %dma_start3A_280 = arith.constant 0 : i32
      %dma_start3A_281 = tpu.memref_slice %arg2[%dma_start3A, %dma_start3A_280] : memref<10240x32xf32, #tpu.memory_space<hbm>> -> memref<10240x32xf32, #tpu.memory_space<hbm>>
      tpu.enqueue_indirect_dma source(%dma_start3A_281 : memref<10240x32xf32, #tpu.memory_space<hbm>>) target(%arg6 : memref<128x32xf32, #tpu.memory_space<vmem>>) offsets(%arg5 : memref<128xi32, #tpu.memory_space<vmem>>) semaphore(%arg7 : memref<!tpu.dma_semaphore, #tpu.memory_space<semaphore_mem>>)
      %dma_wait3A = arith.constant 0 : i32
      %dma_wait3A_282 = arith.constant 0 : i32
      %dma_wait3A_283 = tpu.memref_slice %arg2[%dma_wait3A, %dma_wait3A_282] : memref<10240x32xf32, #tpu.memory_space<hbm>> -> memref<10240x32xf32, #tpu.memory_space<hbm>>
      tpu.wait_indirect_dma semaphore(%arg7 : memref<!tpu.dma_semaphore, #tpu.memory_space<semaphore_mem>>) src(%dma_wait3A_283 : memref<10240x32xf32, #tpu.memory_space<hbm>>) dst(%arg6 : memref<128x32xf32, #tpu.memory_space<vmem>>)
      "tpu.region"() ({
        %run_scoped3A = tpu.sem_alloc : memref<!tpu.dma_semaphore, #tpu.memory_space<semaphore_mem>>
        %dma_start3A_284 = arith.constant 0 : i32
        %dma_start3A_285 = tpu.memref_slice %arg4[%multiple_of3A, %dma_start3A_284] : memref<160000x32xf32, #tpu.memory_space<hbm>> -> memref<128x32xf32, #tpu.memory_space<hbm>>
        %dma_start3A_286 = arith.constant 0 : i32
        %dma_start3A_287 = tpu.memref_slice %arg4[%multiple_of3A, %dma_start3A_286] : memref<160000x32xf32, #tpu.memory_space<hbm>> -> memref<128x32xf32, #tpu.memory_space<hbm>>
        tpu.enqueue_dma source(%arg6 : memref<128x32xf32, #tpu.memory_space<vmem>>) target(%dma_start3A_287 : memref<128x32xf32, #tpu.memory_space<hbm>>) target_semaphore(%run_scoped3A : memref<!tpu.dma_semaphore, #tpu.memory_space<semaphore_mem>>)
        %dma_wait3A_288 = arith.constant 0 : i32
        %dma_wait3A_289 = tpu.memref_slice %arg4[%multiple_of3A, %dma_wait3A_288] : memref<160000x32xf32, #tpu.memory_space<hbm>> -> memref<128x32xf32, #tpu.memory_space<hbm>>
        %dma_wait3A_290 = arith.constant 0 : i32
        %dma_wait3A_291 = tpu.memref_slice %arg4[%multiple_of3A, %dma_wait3A_290] : memref<160000x32xf32, #tpu.memory_space<hbm>> -> memref<128x32xf32, #tpu.memory_space<hbm>>
        tpu.wait_dma2 semaphore(%run_scoped3A : memref<!tpu.dma_semaphore, #tpu.memory_space<semaphore_mem>>) src(%arg6 : memref<128x32xf32, #tpu.memory_space<vmem>>) dst(%dma_wait3A_291 : memref<128x32xf32, #tpu.memory_space<hbm>>)
        tpu.yield
      }) : () -> ()
    } else {
    }
    %add3A_33 = arith.constant 160 : i32
    %add3A_34 = arith.addi %add3A, %add3A_33 : i32
    %lt3A_35 = arith.constant 1250 : i32
    %lt3A_36 = arith.cmpi slt, %add3A_34, %lt3A_35 : i32
    %convert_element_type3A_37 = arith.extui %lt3A_36 : i1 to i32
    %cond3A_38 = arith.constant 0 : i32
    %cond3A_39 = arith.cmpi ne, %convert_element_type3A_37, %cond3A_38 : i32
    scf.if %cond3A_39 {
      %mul3A_278 = arith.constant 128 : i32
      %mul3A_279 = arith.muli %add3A_34, %mul3A_278 : i32
      %multiple_of3A = tpu.assume_multiple %mul3A_279, 128 : i32
      "tpu.region"() ({
        %run_scoped3A = tpu.sem_alloc : memref<!tpu.dma_semaphore, #tpu.memory_space<semaphore_mem>>
        %dma_start3A_284 = tpu.memref_slice %arg3[%multiple_of3A] : memref<160000xi32, #tpu.memory_space<hbm>> -> memref<128xi32, #tpu.memory_space<hbm>>
        %dma_start3A_285 = tpu.memref_slice %arg3[%multiple_of3A] : memref<160000xi32, #tpu.memory_space<hbm>> -> memref<128xi32, #tpu.memory_space<hbm>>
        tpu.enqueue_dma source(%dma_start3A_285 : memref<128xi32, #tpu.memory_space<hbm>>) target(%arg5 : memref<128xi32, #tpu.memory_space<vmem>>) target_semaphore(%run_scoped3A : memref<!tpu.dma_semaphore, #tpu.memory_space<semaphore_mem>>)
        %dma_wait3A_286 = tpu.memref_slice %arg3[%multiple_of3A] : memref<160000xi32, #tpu.memory_space<hbm>> -> memref<128xi32, #tpu.memory_space<hbm>>
        %dma_wait3A_287 = tpu.memref_slice %arg3[%multiple_of3A] : memref<160000xi32, #tpu.memory_space<hbm>> -> memref<128xi32, #tpu.memory_space<hbm>>
        tpu.wait_dma2 semaphore(%run_scoped3A : memref<!tpu.dma_semaphore, #tpu.memory_space<semaphore_mem>>) src(%dma_wait3A_287 : memref<128xi32, #tpu.memory_space<hbm>>) dst(%arg5 : memref<128xi32, #tpu.memory_space<vmem>>)
        tpu.yield
      }) : () -> ()
      %dma_start3A = arith.constant 0 : i32
      %dma_start3A_280 = arith.constant 0 : i32
      %dma_start3A_281 = tpu.memref_slice %arg2[%dma_start3A, %dma_start3A_280] : memref<10240x32xf32, #tpu.memory_space<hbm>> -> memref<10240x32xf32, #tpu.memory_space<hbm>>
      tpu.enqueue_indirect_dma source(%dma_start3A_281 : memref<10240x32xf32, #tpu.memory_space<hbm>>) target(%arg6 : memref<128x32xf32, #tpu.memory_space<vmem>>) offsets(%arg5 : memref<128xi32, #tpu.memory_space<vmem>>) semaphore(%arg7 : memref<!tpu.dma_semaphore, #tpu.memory_space<semaphore_mem>>)
      %dma_wait3A = arith.constant 0 : i32
      %dma_wait3A_282 = arith.constant 0 : i32
      %dma_wait3A_283 = tpu.memref_slice %arg2[%dma_wait3A, %dma_wait3A_282] : memref<10240x32xf32, #tpu.memory_space<hbm>> -> memref<10240x32xf32, #tpu.memory_space<hbm>>
      tpu.wait_indirect_dma semaphore(%arg7 : memref<!tpu.dma_semaphore, #tpu.memory_space<semaphore_mem>>) src(%dma_wait3A_283 : memref<10240x32xf32, #tpu.memory_space<hbm>>) dst(%arg6 : memref<128x32xf32, #tpu.memory_space<vmem>>)
      "tpu.region"() ({
        %run_scoped3A = tpu.sem_alloc : memref<!tpu.dma_semaphore, #tpu.memory_space<semaphore_mem>>
        %dma_start3A_284 = arith.constant 0 : i32
        %dma_start3A_285 = tpu.memref_slice %arg4[%multiple_of3A, %dma_start3A_284] : memref<160000x32xf32, #tpu.memory_space<hbm>> -> memref<128x32xf32, #tpu.memory_space<hbm>>
        %dma_start3A_286 = arith.constant 0 : i32
        %dma_start3A_287 = tpu.memref_slice %arg4[%multiple_of3A, %dma_start3A_286] : memref<160000x32xf32, #tpu.memory_space<hbm>> -> memref<128x32xf32, #tpu.memory_space<hbm>>
        tpu.enqueue_dma source(%arg6 : memref<128x32xf32, #tpu.memory_space<vmem>>) target(%dma_start3A_287 : memref<128x32xf32, #tpu.memory_space<hbm>>) target_semaphore(%run_scoped3A : memref<!tpu.dma_semaphore, #tpu.memory_space<semaphore_mem>>)
        %dma_wait3A_288 = arith.constant 0 : i32
        %dma_wait3A_289 = tpu.memref_slice %arg4[%multiple_of3A, %dma_wait3A_288] : memref<160000x32xf32, #tpu.memory_space<hbm>> -> memref<128x32xf32, #tpu.memory_space<hbm>>
        %dma_wait3A_290 = arith.constant 0 : i32
        %dma_wait3A_291 = tpu.memref_slice %arg4[%multiple_of3A, %dma_wait3A_290] : memref<160000x32xf32, #tpu.memory_space<hbm>> -> memref<128x32xf32, #tpu.memory_space<hbm>>
        tpu.wait_dma2 semaphore(%run_scoped3A : memref<!tpu.dma_semaphore, #tpu.memory_space<semaphore_mem>>) src(%arg6 : memref<128x32xf32, #tpu.memory_space<vmem>>) dst(%dma_wait3A_291 : memref<128x32xf32, #tpu.memory_space<hbm>>)
        tpu.yield
      }) : () -> ()
    } else {
    }
    %add3A_40 = arith.constant 192 : i32
    %add3A_41 = arith.addi %add3A, %add3A_40 : i32
    %lt3A_42 = arith.constant 1250 : i32
    %lt3A_43 = arith.cmpi slt, %add3A_41, %lt3A_42 : i32
    %convert_element_type3A_44 = arith.extui %lt3A_43 : i1 to i32
    %cond3A_45 = arith.constant 0 : i32
    %cond3A_46 = arith.cmpi ne, %convert_element_type3A_44, %cond3A_45 : i32
    scf.if %cond3A_46 {
      %mul3A_278 = arith.constant 128 : i32
      %mul3A_279 = arith.muli %add3A_41, %mul3A_278 : i32
      %multiple_of3A = tpu.assume_multiple %mul3A_279, 128 : i32
      "tpu.region"() ({
        %run_scoped3A = tpu.sem_alloc : memref<!tpu.dma_semaphore, #tpu.memory_space<semaphore_mem>>
        %dma_start3A_284 = tpu.memref_slice %arg3[%multiple_of3A] : memref<160000xi32, #tpu.memory_space<hbm>> -> memref<128xi32, #tpu.memory_space<hbm>>
        %dma_start3A_285 = tpu.memref_slice %arg3[%multiple_of3A] : memref<160000xi32, #tpu.memory_space<hbm>> -> memref<128xi32, #tpu.memory_space<hbm>>
        tpu.enqueue_dma source(%dma_start3A_285 : memref<128xi32, #tpu.memory_space<hbm>>) target(%arg5 : memref<128xi32, #tpu.memory_space<vmem>>) target_semaphore(%run_scoped3A : memref<!tpu.dma_semaphore, #tpu.memory_space<semaphore_mem>>)
        %dma_wait3A_286 = tpu.memref_slice %arg3[%multiple_of3A] : memref<160000xi32, #tpu.memory_space<hbm>> -> memref<128xi32, #tpu.memory_space<hbm>>
        %dma_wait3A_287 = tpu.memref_slice %arg3[%multiple_of3A] : memref<160000xi32, #tpu.memory_space<hbm>> -> memref<128xi32, #tpu.memory_space<hbm>>
        tpu.wait_dma2 semaphore(%run_scoped3A : memref<!tpu.dma_semaphore, #tpu.memory_space<semaphore_mem>>) src(%dma_wait3A_287 : memref<128xi32, #tpu.memory_space<hbm>>) dst(%arg5 : memref<128xi32, #tpu.memory_space<vmem>>)
        tpu.yield
      }) : () -> ()
      %dma_start3A = arith.constant 0 : i32
      %dma_start3A_280 = arith.constant 0 : i32
      %dma_start3A_281 = tpu.memref_slice %arg2[%dma_start3A, %dma_start3A_280] : memref<10240x32xf32, #tpu.memory_space<hbm>> -> memref<10240x32xf32, #tpu.memory_space<hbm>>
      tpu.enqueue_indirect_dma source(%dma_start3A_281 : memref<10240x32xf32, #tpu.memory_space<hbm>>) target(%arg6 : memref<128x32xf32, #tpu.memory_space<vmem>>) offsets(%arg5 : memref<128xi32, #tpu.memory_space<vmem>>) semaphore(%arg7 : memref<!tpu.dma_semaphore, #tpu.memory_space<semaphore_mem>>)
      %dma_wait3A = arith.constant 0 : i32
      %dma_wait3A_282 = arith.constant 0 : i32
      %dma_wait3A_283 = tpu.memref_slice %arg2[%dma_wait3A, %dma_wait3A_282] : memref<10240x32xf32, #tpu.memory_space<hbm>> -> memref<10240x32xf32, #tpu.memory_space<hbm>>
      tpu.wait_indirect_dma semaphore(%arg7 : memref<!tpu.dma_semaphore, #tpu.memory_space<semaphore_mem>>) src(%dma_wait3A_283 : memref<10240x32xf32, #tpu.memory_space<hbm>>) dst(%arg6 : memref<128x32xf32, #tpu.memory_space<vmem>>)
      "tpu.region"() ({
        %run_scoped3A = tpu.sem_alloc : memref<!tpu.dma_semaphore, #tpu.memory_space<semaphore_mem>>
        %dma_start3A_284 = arith.constant 0 : i32
        %dma_start3A_285 = tpu.memref_slice %arg4[%multiple_of3A, %dma_start3A_284] : memref<160000x32xf32, #tpu.memory_space<hbm>> -> memref<128x32xf32, #tpu.memory_space<hbm>>
        %dma_start3A_286 = arith.constant 0 : i32
        %dma_start3A_287 = tpu.memref_slice %arg4[%multiple_of3A, %dma_start3A_286] : memref<160000x32xf32, #tpu.memory_space<hbm>> -> memref<128x32xf32, #tpu.memory_space<hbm>>
        tpu.enqueue_dma source(%arg6 : memref<128x32xf32, #tpu.memory_space<vmem>>) target(%dma_start3A_287 : memref<128x32xf32, #tpu.memory_space<hbm>>) target_semaphore(%run_scoped3A : memref<!tpu.dma_semaphore, #tpu.memory_space<semaphore_mem>>)
        %dma_wait3A_288 = arith.constant 0 : i32
        %dma_wait3A_289 = tpu.memref_slice %arg4[%multiple_of3A, %dma_wait3A_288] : memref<160000x32xf32, #tpu.memory_space<hbm>> -> memref<128x32xf32, #tpu.memory_space<hbm>>
        %dma_wait3A_290 = arith.constant 0 : i32
        %dma_wait3A_291 = tpu.memref_slice %arg4[%multiple_of3A, %dma_wait3A_290] : memref<160000x32xf32, #tpu.memory_space<hbm>> -> memref<128x32xf32, #tpu.memory_space<hbm>>
        tpu.wait_dma2 semaphore(%run_scoped3A : memref<!tpu.dma_semaphore, #tpu.memory_space<semaphore_mem>>) src(%arg6 : memref<128x32xf32, #tpu.memory_space<vmem>>) dst(%dma_wait3A_291 : memref<128x32xf32, #tpu.memory_space<hbm>>)
        tpu.yield
      }) : () -> ()
    } else {
    }
    %add3A_47 = arith.constant 224 : i32
    %add3A_48 = arith.addi %add3A, %add3A_47 : i32
    %lt3A_49 = arith.constant 1250 : i32
    %lt3A_50 = arith.cmpi slt, %add3A_48, %lt3A_49 : i32
    %convert_element_type3A_51 = arith.extui %lt3A_50 : i1 to i32
    %cond3A_52 = arith.constant 0 : i32
    %cond3A_53 = arith.cmpi ne, %convert_element_type3A_51, %cond3A_52 : i32
    scf.if %cond3A_53 {
      %mul3A_278 = arith.constant 128 : i32
      %mul3A_279 = arith.muli %add3A_48, %mul3A_278 : i32
      %multiple_of3A = tpu.assume_multiple %mul3A_279, 128 : i32
      "tpu.region"() ({
        %run_scoped3A = tpu.sem_alloc : memref<!tpu.dma_semaphore, #tpu.memory_space<semaphore_mem>>
        %dma_start3A_284 = tpu.memref_slice %arg3[%multiple_of3A] : memref<160000xi32, #tpu.memory_space<hbm>> -> memref<128xi32, #tpu.memory_space<hbm>>
        %dma_start3A_285 = tpu.memref_slice %arg3[%multiple_of3A] : memref<160000xi32, #tpu.memory_space<hbm>> -> memref<128xi32, #tpu.memory_space<hbm>>
        tpu.enqueue_dma source(%dma_start3A_285 : memref<128xi32, #tpu.memory_space<hbm>>) target(%arg5 : memref<128xi32, #tpu.memory_space<vmem>>) target_semaphore(%run_scoped3A : memref<!tpu.dma_semaphore, #tpu.memory_space<semaphore_mem>>)
        %dma_wait3A_286 = tpu.memref_slice %arg3[%multiple_of3A] : memref<160000xi32, #tpu.memory_space<hbm>> -> memref<128xi32, #tpu.memory_space<hbm>>
        %dma_wait3A_287 = tpu.memref_slice %arg3[%multiple_of3A] : memref<160000xi32, #tpu.memory_space<hbm>> -> memref<128xi32, #tpu.memory_space<hbm>>
        tpu.wait_dma2 semaphore(%run_scoped3A : memref<!tpu.dma_semaphore, #tpu.memory_space<semaphore_mem>>) src(%dma_wait3A_287 : memref<128xi32, #tpu.memory_space<hbm>>) dst(%arg5 : memref<128xi32, #tpu.memory_space<vmem>>)
        tpu.yield
      }) : () -> ()
      %dma_start3A = arith.constant 0 : i32
      %dma_start3A_280 = arith.constant 0 : i32
      %dma_start3A_281 = tpu.memref_slice %arg2[%dma_start3A, %dma_start3A_280] : memref<10240x32xf32, #tpu.memory_space<hbm>> -> memref<10240x32xf32, #tpu.memory_space<hbm>>
      tpu.enqueue_indirect_dma source(%dma_start3A_281 : memref<10240x32xf32, #tpu.memory_space<hbm>>) target(%arg6 : memref<128x32xf32, #tpu.memory_space<vmem>>) offsets(%arg5 : memref<128xi32, #tpu.memory_space<vmem>>) semaphore(%arg7 : memref<!tpu.dma_semaphore, #tpu.memory_space<semaphore_mem>>)
      %dma_wait3A = arith.constant 0 : i32
      %dma_wait3A_282 = arith.constant 0 : i32
      %dma_wait3A_283 = tpu.memref_slice %arg2[%dma_wait3A, %dma_wait3A_282] : memref<10240x32xf32, #tpu.memory_space<hbm>> -> memref<10240x32xf32, #tpu.memory_space<hbm>>
      tpu.wait_indirect_dma semaphore(%arg7 : memref<!tpu.dma_semaphore, #tpu.memory_space<semaphore_mem>>) src(%dma_wait3A_283 : memref<10240x32xf32, #tpu.memory_space<hbm>>) dst(%arg6 : memref<128x32xf32, #tpu.memory_space<vmem>>)
      "tpu.region"() ({
        %run_scoped3A = tpu.sem_alloc : memref<!tpu.dma_semaphore, #tpu.memory_space<semaphore_mem>>
        %dma_start3A_284 = arith.constant 0 : i32
        %dma_start3A_285 = tpu.memref_slice %arg4[%multiple_of3A, %dma_start3A_284] : memref<160000x32xf32, #tpu.memory_space<hbm>> -> memref<128x32xf32, #tpu.memory_space<hbm>>
        %dma_start3A_286 = arith.constant 0 : i32
        %dma_start3A_287 = tpu.memref_slice %arg4[%multiple_of3A, %dma_start3A_286] : memref<160000x32xf32, #tpu.memory_space<hbm>> -> memref<128x32xf32, #tpu.memory_space<hbm>>
        tpu.enqueue_dma source(%arg6 : memref<128x32xf32, #tpu.memory_space<vmem>>) target(%dma_start3A_287 : memref<128x32xf32, #tpu.memory_space<hbm>>) target_semaphore(%run_scoped3A : memref<!tpu.dma_semaphore, #tpu.memory_space<semaphore_mem>>)
        %dma_wait3A_288 = arith.constant 0 : i32
        %dma_wait3A_289 = tpu.memref_slice %arg4[%multiple_of3A, %dma_wait3A_288] : memref<160000x32xf32, #tpu.memory_space<hbm>> -> memref<128x32xf32, #tpu.memory_space<hbm>>
        %dma_wait3A_290 = arith.constant 0 : i32
        %dma_wait3A_291 = tpu.memref_slice %arg4[%multiple_of3A, %dma_wait3A_290] : memref<160000x32xf32, #tpu.memory_space<hbm>> -> memref<128x32xf32, #tpu.memory_space<hbm>>
        tpu.wait_dma2 semaphore(%run_scoped3A : memref<!tpu.dma_semaphore, #tpu.memory_space<semaphore_mem>>) src(%arg6 : memref<128x32xf32, #tpu.memory_space<vmem>>) dst(%dma_wait3A_291 : memref<128x32xf32, #tpu.memory_space<hbm>>)
        tpu.yield
      }) : () -> ()
    } else {
    }
    %add3A_54 = arith.constant 256 : i32
    %add3A_55 = arith.addi %add3A, %add3A_54 : i32
    %lt3A_56 = arith.constant 1250 : i32
    %lt3A_57 = arith.cmpi slt, %add3A_55, %lt3A_56 : i32
    %convert_element_type3A_58 = arith.extui %lt3A_57 : i1 to i32
    %cond3A_59 = arith.constant 0 : i32
    %cond3A_60 = arith.cmpi ne, %convert_element_type3A_58, %cond3A_59 : i32
    scf.if %cond3A_60 {
      %mul3A_278 = arith.constant 128 : i32
      %mul3A_279 = arith.muli %add3A_55, %mul3A_278 : i32
      %multiple_of3A = tpu.assume_multiple %mul3A_279, 128 : i32
      "tpu.region"() ({
        %run_scoped3A = tpu.sem_alloc : memref<!tpu.dma_semaphore, #tpu.memory_space<semaphore_mem>>
        %dma_start3A_284 = tpu.memref_slice %arg3[%multiple_of3A] : memref<160000xi32, #tpu.memory_space<hbm>> -> memref<128xi32, #tpu.memory_space<hbm>>
        %dma_start3A_285 = tpu.memref_slice %arg3[%multiple_of3A] : memref<160000xi32, #tpu.memory_space<hbm>> -> memref<128xi32, #tpu.memory_space<hbm>>
        tpu.enqueue_dma source(%dma_start3A_285 : memref<128xi32, #tpu.memory_space<hbm>>) target(%arg5 : memref<128xi32, #tpu.memory_space<vmem>>) target_semaphore(%run_scoped3A : memref<!tpu.dma_semaphore, #tpu.memory_space<semaphore_mem>>)
        %dma_wait3A_286 = tpu.memref_slice %arg3[%multiple_of3A] : memref<160000xi32, #tpu.memory_space<hbm>> -> memref<128xi32, #tpu.memory_space<hbm>>
        %dma_wait3A_287 = tpu.memref_slice %arg3[%multiple_of3A] : memref<160000xi32, #tpu.memory_space<hbm>> -> memref<128xi32, #tpu.memory_space<hbm>>
        tpu.wait_dma2 semaphore(%run_scoped3A : memref<!tpu.dma_semaphore, #tpu.memory_space<semaphore_mem>>) src(%dma_wait3A_287 : memref<128xi32, #tpu.memory_space<hbm>>) dst(%arg5 : memref<128xi32, #tpu.memory_space<vmem>>)
        tpu.yield
      }) : () -> ()
      %dma_start3A = arith.constant 0 : i32
      %dma_start3A_280 = arith.constant 0 : i32
      %dma_start3A_281 = tpu.memref_slice %arg2[%dma_start3A, %dma_start3A_280] : memref<10240x32xf32, #tpu.memory_space<hbm>> -> memref<10240x32xf32, #tpu.memory_space<hbm>>
      tpu.enqueue_indirect_dma source(%dma_start3A_281 : memref<10240x32xf32, #tpu.memory_space<hbm>>) target(%arg6 : memref<128x32xf32, #tpu.memory_space<vmem>>) offsets(%arg5 : memref<128xi32, #tpu.memory_space<vmem>>) semaphore(%arg7 : memref<!tpu.dma_semaphore, #tpu.memory_space<semaphore_mem>>)
      %dma_wait3A = arith.constant 0 : i32
      %dma_wait3A_282 = arith.constant 0 : i32
      %dma_wait3A_283 = tpu.memref_slice %arg2[%dma_wait3A, %dma_wait3A_282] : memref<10240x32xf32, #tpu.memory_space<hbm>> -> memref<10240x32xf32, #tpu.memory_space<hbm>>
      tpu.wait_indirect_dma semaphore(%arg7 : memref<!tpu.dma_semaphore, #tpu.memory_space<semaphore_mem>>) src(%dma_wait3A_283 : memref<10240x32xf32, #tpu.memory_space<hbm>>) dst(%arg6 : memref<128x32xf32, #tpu.memory_space<vmem>>)
      "tpu.region"() ({
        %run_scoped3A = tpu.sem_alloc : memref<!tpu.dma_semaphore, #tpu.memory_space<semaphore_mem>>
        %dma_start3A_284 = arith.constant 0 : i32
        %dma_start3A_285 = tpu.memref_slice %arg4[%multiple_of3A, %dma_start3A_284] : memref<160000x32xf32, #tpu.memory_space<hbm>> -> memref<128x32xf32, #tpu.memory_space<hbm>>
        %dma_start3A_286 = arith.constant 0 : i32
        %dma_start3A_287 = tpu.memref_slice %arg4[%multiple_of3A, %dma_start3A_286] : memref<160000x32xf32, #tpu.memory_space<hbm>> -> memref<128x32xf32, #tpu.memory_space<hbm>>
        tpu.enqueue_dma source(%arg6 : memref<128x32xf32, #tpu.memory_space<vmem>>) target(%dma_start3A_287 : memref<128x32xf32, #tpu.memory_space<hbm>>) target_semaphore(%run_scoped3A : memref<!tpu.dma_semaphore, #tpu.memory_space<semaphore_mem>>)
        %dma_wait3A_288 = arith.constant 0 : i32
        %dma_wait3A_289 = tpu.memref_slice %arg4[%multiple_of3A, %dma_wait3A_288] : memref<160000x32xf32, #tpu.memory_space<hbm>> -> memref<128x32xf32, #tpu.memory_space<hbm>>
        %dma_wait3A_290 = arith.constant 0 : i32
        %dma_wait3A_291 = tpu.memref_slice %arg4[%multiple_of3A, %dma_wait3A_290] : memref<160000x32xf32, #tpu.memory_space<hbm>> -> memref<128x32xf32, #tpu.memory_space<hbm>>
        tpu.wait_dma2 semaphore(%run_scoped3A : memref<!tpu.dma_semaphore, #tpu.memory_space<semaphore_mem>>) src(%arg6 : memref<128x32xf32, #tpu.memory_space<vmem>>) dst(%dma_wait3A_291 : memref<128x32xf32, #tpu.memory_space<hbm>>)
        tpu.yield
      }) : () -> ()
    } else {
    }
    %add3A_61 = arith.constant 288 : i32
    %add3A_62 = arith.addi %add3A, %add3A_61 : i32
    %lt3A_63 = arith.constant 1250 : i32
    %lt3A_64 = arith.cmpi slt, %add3A_62, %lt3A_63 : i32
    %convert_element_type3A_65 = arith.extui %lt3A_64 : i1 to i32
    %cond3A_66 = arith.constant 0 : i32
    %cond3A_67 = arith.cmpi ne, %convert_element_type3A_65, %cond3A_66 : i32
    scf.if %cond3A_67 {
      %mul3A_278 = arith.constant 128 : i32
      %mul3A_279 = arith.muli %add3A_62, %mul3A_278 : i32
      %multiple_of3A = tpu.assume_multiple %mul3A_279, 128 : i32
      "tpu.region"() ({
        %run_scoped3A = tpu.sem_alloc : memref<!tpu.dma_semaphore, #tpu.memory_space<semaphore_mem>>
        %dma_start3A_284 = tpu.memref_slice %arg3[%multiple_of3A] : memref<160000xi32, #tpu.memory_space<hbm>> -> memref<128xi32, #tpu.memory_space<hbm>>
        %dma_start3A_285 = tpu.memref_slice %arg3[%multiple_of3A] : memref<160000xi32, #tpu.memory_space<hbm>> -> memref<128xi32, #tpu.memory_space<hbm>>
        tpu.enqueue_dma source(%dma_start3A_285 : memref<128xi32, #tpu.memory_space<hbm>>) target(%arg5 : memref<128xi32, #tpu.memory_space<vmem>>) target_semaphore(%run_scoped3A : memref<!tpu.dma_semaphore, #tpu.memory_space<semaphore_mem>>)
        %dma_wait3A_286 = tpu.memref_slice %arg3[%multiple_of3A] : memref<160000xi32, #tpu.memory_space<hbm>> -> memref<128xi32, #tpu.memory_space<hbm>>
        %dma_wait3A_287 = tpu.memref_slice %arg3[%multiple_of3A] : memref<160000xi32, #tpu.memory_space<hbm>> -> memref<128xi32, #tpu.memory_space<hbm>>
        tpu.wait_dma2 semaphore(%run_scoped3A : memref<!tpu.dma_semaphore, #tpu.memory_space<semaphore_mem>>) src(%dma_wait3A_287 : memref<128xi32, #tpu.memory_space<hbm>>) dst(%arg5 : memref<128xi32, #tpu.memory_space<vmem>>)
        tpu.yield
      }) : () -> ()
      %dma_start3A = arith.constant 0 : i32
      %dma_start3A_280 = arith.constant 0 : i32
      %dma_start3A_281 = tpu.memref_slice %arg2[%dma_start3A, %dma_start3A_280] : memref<10240x32xf32, #tpu.memory_space<hbm>> -> memref<10240x32xf32, #tpu.memory_space<hbm>>
      tpu.enqueue_indirect_dma source(%dma_start3A_281 : memref<10240x32xf32, #tpu.memory_space<hbm>>) target(%arg6 : memref<128x32xf32, #tpu.memory_space<vmem>>) offsets(%arg5 : memref<128xi32, #tpu.memory_space<vmem>>) semaphore(%arg7 : memref<!tpu.dma_semaphore, #tpu.memory_space<semaphore_mem>>)
      %dma_wait3A = arith.constant 0 : i32
      %dma_wait3A_282 = arith.constant 0 : i32
      %dma_wait3A_283 = tpu.memref_slice %arg2[%dma_wait3A, %dma_wait3A_282] : memref<10240x32xf32, #tpu.memory_space<hbm>> -> memref<10240x32xf32, #tpu.memory_space<hbm>>
      tpu.wait_indirect_dma semaphore(%arg7 : memref<!tpu.dma_semaphore, #tpu.memory_space<semaphore_mem>>) src(%dma_wait3A_283 : memref<10240x32xf32, #tpu.memory_space<hbm>>) dst(%arg6 : memref<128x32xf32, #tpu.memory_space<vmem>>)
      "tpu.region"() ({
        %run_scoped3A = tpu.sem_alloc : memref<!tpu.dma_semaphore, #tpu.memory_space<semaphore_mem>>
        %dma_start3A_284 = arith.constant 0 : i32
        %dma_start3A_285 = tpu.memref_slice %arg4[%multiple_of3A, %dma_start3A_284] : memref<160000x32xf32, #tpu.memory_space<hbm>> -> memref<128x32xf32, #tpu.memory_space<hbm>>
        %dma_start3A_286 = arith.constant 0 : i32
        %dma_start3A_287 = tpu.memref_slice %arg4[%multiple_of3A, %dma_start3A_286] : memref<160000x32xf32, #tpu.memory_space<hbm>> -> memref<128x32xf32, #tpu.memory_space<hbm>>
        tpu.enqueue_dma source(%arg6 : memref<128x32xf32, #tpu.memory_space<vmem>>) target(%dma_start3A_287 : memref<128x32xf32, #tpu.memory_space<hbm>>) target_semaphore(%run_scoped3A : memref<!tpu.dma_semaphore, #tpu.memory_space<semaphore_mem>>)
        %dma_wait3A_288 = arith.constant 0 : i32
        %dma_wait3A_289 = tpu.memref_slice %arg4[%multiple_of3A, %dma_wait3A_288] : memref<160000x32xf32, #tpu.memory_space<hbm>> -> memref<128x32xf32, #tpu.memory_space<hbm>>
        %dma_wait3A_290 = arith.constant 0 : i32
        %dma_wait3A_291 = tpu.memref_slice %arg4[%multiple_of3A, %dma_wait3A_290] : memref<160000x32xf32, #tpu.memory_space<hbm>> -> memref<128x32xf32, #tpu.memory_space<hbm>>
        tpu.wait_dma2 semaphore(%run_scoped3A : memref<!tpu.dma_semaphore, #tpu.memory_space<semaphore_mem>>) src(%arg6 : memref<128x32xf32, #tpu.memory_space<vmem>>) dst(%dma_wait3A_291 : memref<128x32xf32, #tpu.memory_space<hbm>>)
        tpu.yield
      }) : () -> ()
    } else {
    }
    %add3A_68 = arith.constant 320 : i32
    %add3A_69 = arith.addi %add3A, %add3A_68 : i32
    %lt3A_70 = arith.constant 1250 : i32
    %lt3A_71 = arith.cmpi slt, %add3A_69, %lt3A_70 : i32
    %convert_element_type3A_72 = arith.extui %lt3A_71 : i1 to i32
    %cond3A_73 = arith.constant 0 : i32
    %cond3A_74 = arith.cmpi ne, %convert_element_type3A_72, %cond3A_73 : i32
    scf.if %cond3A_74 {
      %mul3A_278 = arith.constant 128 : i32
      %mul3A_279 = arith.muli %add3A_69, %mul3A_278 : i32
      %multiple_of3A = tpu.assume_multiple %mul3A_279, 128 : i32
      "tpu.region"() ({
        %run_scoped3A = tpu.sem_alloc : memref<!tpu.dma_semaphore, #tpu.memory_space<semaphore_mem>>
        %dma_start3A_284 = tpu.memref_slice %arg3[%multiple_of3A] : memref<160000xi32, #tpu.memory_space<hbm>> -> memref<128xi32, #tpu.memory_space<hbm>>
        %dma_start3A_285 = tpu.memref_slice %arg3[%multiple_of3A] : memref<160000xi32, #tpu.memory_space<hbm>> -> memref<128xi32, #tpu.memory_space<hbm>>
        tpu.enqueue_dma source(%dma_start3A_285 : memref<128xi32, #tpu.memory_space<hbm>>) target(%arg5 : memref<128xi32, #tpu.memory_space<vmem>>) target_semaphore(%run_scoped3A : memref<!tpu.dma_semaphore, #tpu.memory_space<semaphore_mem>>)
        %dma_wait3A_286 = tpu.memref_slice %arg3[%multiple_of3A] : memref<160000xi32, #tpu.memory_space<hbm>> -> memref<128xi32, #tpu.memory_space<hbm>>
        %dma_wait3A_287 = tpu.memref_slice %arg3[%multiple_of3A] : memref<160000xi32, #tpu.memory_space<hbm>> -> memref<128xi32, #tpu.memory_space<hbm>>
        tpu.wait_dma2 semaphore(%run_scoped3A : memref<!tpu.dma_semaphore, #tpu.memory_space<semaphore_mem>>) src(%dma_wait3A_287 : memref<128xi32, #tpu.memory_space<hbm>>) dst(%arg5 : memref<128xi32, #tpu.memory_space<vmem>>)
        tpu.yield
      }) : () -> ()
      %dma_start3A = arith.constant 0 : i32
      %dma_start3A_280 = arith.constant 0 : i32
      %dma_start3A_281 = tpu.memref_slice %arg2[%dma_start3A, %dma_start3A_280] : memref<10240x32xf32, #tpu.memory_space<hbm>> -> memref<10240x32xf32, #tpu.memory_space<hbm>>
      tpu.enqueue_indirect_dma source(%dma_start3A_281 : memref<10240x32xf32, #tpu.memory_space<hbm>>) target(%arg6 : memref<128x32xf32, #tpu.memory_space<vmem>>) offsets(%arg5 : memref<128xi32, #tpu.memory_space<vmem>>) semaphore(%arg7 : memref<!tpu.dma_semaphore, #tpu.memory_space<semaphore_mem>>)
      %dma_wait3A = arith.constant 0 : i32
      %dma_wait3A_282 = arith.constant 0 : i32
      %dma_wait3A_283 = tpu.memref_slice %arg2[%dma_wait3A, %dma_wait3A_282] : memref<10240x32xf32, #tpu.memory_space<hbm>> -> memref<10240x32xf32, #tpu.memory_space<hbm>>
      tpu.wait_indirect_dma semaphore(%arg7 : memref<!tpu.dma_semaphore, #tpu.memory_space<semaphore_mem>>) src(%dma_wait3A_283 : memref<10240x32xf32, #tpu.memory_space<hbm>>) dst(%arg6 : memref<128x32xf32, #tpu.memory_space<vmem>>)
      "tpu.region"() ({
        %run_scoped3A = tpu.sem_alloc : memref<!tpu.dma_semaphore, #tpu.memory_space<semaphore_mem>>
        %dma_start3A_284 = arith.constant 0 : i32
        %dma_start3A_285 = tpu.memref_slice %arg4[%multiple_of3A, %dma_start3A_284] : memref<160000x32xf32, #tpu.memory_space<hbm>> -> memref<128x32xf32, #tpu.memory_space<hbm>>
        %dma_start3A_286 = arith.constant 0 : i32
        %dma_start3A_287 = tpu.memref_slice %arg4[%multiple_of3A, %dma_start3A_286] : memref<160000x32xf32, #tpu.memory_space<hbm>> -> memref<128x32xf32, #tpu.memory_space<hbm>>
        tpu.enqueue_dma source(%arg6 : memref<128x32xf32, #tpu.memory_space<vmem>>) target(%dma_start3A_287 : memref<128x32xf32, #tpu.memory_space<hbm>>) target_semaphore(%run_scoped3A : memref<!tpu.dma_semaphore, #tpu.memory_space<semaphore_mem>>)
        %dma_wait3A_288 = arith.constant 0 : i32
        %dma_wait3A_289 = tpu.memref_slice %arg4[%multiple_of3A, %dma_wait3A_288] : memref<160000x32xf32, #tpu.memory_space<hbm>> -> memref<128x32xf32, #tpu.memory_space<hbm>>
        %dma_wait3A_290 = arith.constant 0 : i32
        %dma_wait3A_291 = tpu.memref_slice %arg4[%multiple_of3A, %dma_wait3A_290] : memref<160000x32xf32, #tpu.memory_space<hbm>> -> memref<128x32xf32, #tpu.memory_space<hbm>>
        tpu.wait_dma2 semaphore(%run_scoped3A : memref<!tpu.dma_semaphore, #tpu.memory_space<semaphore_mem>>) src(%arg6 : memref<128x32xf32, #tpu.memory_space<vmem>>) dst(%dma_wait3A_291 : memref<128x32xf32, #tpu.memory_space<hbm>>)
        tpu.yield
      }) : () -> ()
    } else {
    }
    %add3A_75 = arith.constant 352 : i32
    %add3A_76 = arith.addi %add3A, %add3A_75 : i32
    %lt3A_77 = arith.constant 1250 : i32
    %lt3A_78 = arith.cmpi slt, %add3A_76, %lt3A_77 : i32
    %convert_element_type3A_79 = arith.extui %lt3A_78 : i1 to i32
    %cond3A_80 = arith.constant 0 : i32
    %cond3A_81 = arith.cmpi ne, %convert_element_type3A_79, %cond3A_80 : i32
    scf.if %cond3A_81 {
      %mul3A_278 = arith.constant 128 : i32
      %mul3A_279 = arith.muli %add3A_76, %mul3A_278 : i32
      %multiple_of3A = tpu.assume_multiple %mul3A_279, 128 : i32
      "tpu.region"() ({
        %run_scoped3A = tpu.sem_alloc : memref<!tpu.dma_semaphore, #tpu.memory_space<semaphore_mem>>
        %dma_start3A_284 = tpu.memref_slice %arg3[%multiple_of3A] : memref<160000xi32, #tpu.memory_space<hbm>> -> memref<128xi32, #tpu.memory_space<hbm>>
        %dma_start3A_285 = tpu.memref_slice %arg3[%multiple_of3A] : memref<160000xi32, #tpu.memory_space<hbm>> -> memref<128xi32, #tpu.memory_space<hbm>>
        tpu.enqueue_dma source(%dma_start3A_285 : memref<128xi32, #tpu.memory_space<hbm>>) target(%arg5 : memref<128xi32, #tpu.memory_space<vmem>>) target_semaphore(%run_scoped3A : memref<!tpu.dma_semaphore, #tpu.memory_space<semaphore_mem>>)
        %dma_wait3A_286 = tpu.memref_slice %arg3[%multiple_of3A] : memref<160000xi32, #tpu.memory_space<hbm>> -> memref<128xi32, #tpu.memory_space<hbm>>
        %dma_wait3A_287 = tpu.memref_slice %arg3[%multiple_of3A] : memref<160000xi32, #tpu.memory_space<hbm>> -> memref<128xi32, #tpu.memory_space<hbm>>
        tpu.wait_dma2 semaphore(%run_scoped3A : memref<!tpu.dma_semaphore, #tpu.memory_space<semaphore_mem>>) src(%dma_wait3A_287 : memref<128xi32, #tpu.memory_space<hbm>>) dst(%arg5 : memref<128xi32, #tpu.memory_space<vmem>>)
        tpu.yield
      }) : () -> ()
      %dma_start3A = arith.constant 0 : i32
      %dma_start3A_280 = arith.constant 0 : i32
      %dma_start3A_281 = tpu.memref_slice %arg2[%dma_start3A, %dma_start3A_280] : memref<10240x32xf32, #tpu.memory_space<hbm>> -> memref<10240x32xf32, #tpu.memory_space<hbm>>
      tpu.enqueue_indirect_dma source(%dma_start3A_281 : memref<10240x32xf32, #tpu.memory_space<hbm>>) target(%arg6 : memref<128x32xf32, #tpu.memory_space<vmem>>) offsets(%arg5 : memref<128xi32, #tpu.memory_space<vmem>>) semaphore(%arg7 : memref<!tpu.dma_semaphore, #tpu.memory_space<semaphore_mem>>)
      %dma_wait3A = arith.constant 0 : i32
      %dma_wait3A_282 = arith.constant 0 : i32
      %dma_wait3A_283 = tpu.memref_slice %arg2[%dma_wait3A, %dma_wait3A_282] : memref<10240x32xf32, #tpu.memory_space<hbm>> -> memref<10240x32xf32, #tpu.memory_space<hbm>>
      tpu.wait_indirect_dma semaphore(%arg7 : memref<!tpu.dma_semaphore, #tpu.memory_space<semaphore_mem>>) src(%dma_wait3A_283 : memref<10240x32xf32, #tpu.memory_space<hbm>>) dst(%arg6 : memref<128x32xf32, #tpu.memory_space<vmem>>)
      "tpu.region"() ({
        %run_scoped3A = tpu.sem_alloc : memref<!tpu.dma_semaphore, #tpu.memory_space<semaphore_mem>>
        %dma_start3A_284 = arith.constant 0 : i32
        %dma_start3A_285 = tpu.memref_slice %arg4[%multiple_of3A, %dma_start3A_284] : memref<160000x32xf32, #tpu.memory_space<hbm>> -> memref<128x32xf32, #tpu.memory_space<hbm>>
        %dma_start3A_286 = arith.constant 0 : i32
        %dma_start3A_287 = tpu.memref_slice %arg4[%multiple_of3A, %dma_start3A_286] : memref<160000x32xf32, #tpu.memory_space<hbm>> -> memref<128x32xf32, #tpu.memory_space<hbm>>
        tpu.enqueue_dma source(%arg6 : memref<128x32xf32, #tpu.memory_space<vmem>>) target(%dma_start3A_287 : memref<128x32xf32, #tpu.memory_space<hbm>>) target_semaphore(%run_scoped3A : memref<!tpu.dma_semaphore, #tpu.memory_space<semaphore_mem>>)
        %dma_wait3A_288 = arith.constant 0 : i32
        %dma_wait3A_289 = tpu.memref_slice %arg4[%multiple_of3A, %dma_wait3A_288] : memref<160000x32xf32, #tpu.memory_space<hbm>> -> memref<128x32xf32, #tpu.memory_space<hbm>>
        %dma_wait3A_290 = arith.constant 0 : i32
        %dma_wait3A_291 = tpu.memref_slice %arg4[%multiple_of3A, %dma_wait3A_290] : memref<160000x32xf32, #tpu.memory_space<hbm>> -> memref<128x32xf32, #tpu.memory_space<hbm>>
        tpu.wait_dma2 semaphore(%run_scoped3A : memref<!tpu.dma_semaphore, #tpu.memory_space<semaphore_mem>>) src(%arg6 : memref<128x32xf32, #tpu.memory_space<vmem>>) dst(%dma_wait3A_291 : memref<128x32xf32, #tpu.memory_space<hbm>>)
        tpu.yield
      }) : () -> ()
    } else {
    }
    %add3A_82 = arith.constant 384 : i32
    %add3A_83 = arith.addi %add3A, %add3A_82 : i32
    %lt3A_84 = arith.constant 1250 : i32
    %lt3A_85 = arith.cmpi slt, %add3A_83, %lt3A_84 : i32
    %convert_element_type3A_86 = arith.extui %lt3A_85 : i1 to i32
    %cond3A_87 = arith.constant 0 : i32
    %cond3A_88 = arith.cmpi ne, %convert_element_type3A_86, %cond3A_87 : i32
    scf.if %cond3A_88 {
      %mul3A_278 = arith.constant 128 : i32
      %mul3A_279 = arith.muli %add3A_83, %mul3A_278 : i32
      %multiple_of3A = tpu.assume_multiple %mul3A_279, 128 : i32
      "tpu.region"() ({
        %run_scoped3A = tpu.sem_alloc : memref<!tpu.dma_semaphore, #tpu.memory_space<semaphore_mem>>
        %dma_start3A_284 = tpu.memref_slice %arg3[%multiple_of3A] : memref<160000xi32, #tpu.memory_space<hbm>> -> memref<128xi32, #tpu.memory_space<hbm>>
        %dma_start3A_285 = tpu.memref_slice %arg3[%multiple_of3A] : memref<160000xi32, #tpu.memory_space<hbm>> -> memref<128xi32, #tpu.memory_space<hbm>>
        tpu.enqueue_dma source(%dma_start3A_285 : memref<128xi32, #tpu.memory_space<hbm>>) target(%arg5 : memref<128xi32, #tpu.memory_space<vmem>>) target_semaphore(%run_scoped3A : memref<!tpu.dma_semaphore, #tpu.memory_space<semaphore_mem>>)
        %dma_wait3A_286 = tpu.memref_slice %arg3[%multiple_of3A] : memref<160000xi32, #tpu.memory_space<hbm>> -> memref<128xi32, #tpu.memory_space<hbm>>
        %dma_wait3A_287 = tpu.memref_slice %arg3[%multiple_of3A] : memref<160000xi32, #tpu.memory_space<hbm>> -> memref<128xi32, #tpu.memory_space<hbm>>
        tpu.wait_dma2 semaphore(%run_scoped3A : memref<!tpu.dma_semaphore, #tpu.memory_space<semaphore_mem>>) src(%dma_wait3A_287 : memref<128xi32, #tpu.memory_space<hbm>>) dst(%arg5 : memref<128xi32, #tpu.memory_space<vmem>>)
        tpu.yield
      }) : () -> ()
      %dma_start3A = arith.constant 0 : i32
      %dma_start3A_280 = arith.constant 0 : i32
      %dma_start3A_281 = tpu.memref_slice %arg2[%dma_start3A, %dma_start3A_280] : memref<10240x32xf32, #tpu.memory_space<hbm>> -> memref<10240x32xf32, #tpu.memory_space<hbm>>
      tpu.enqueue_indirect_dma source(%dma_start3A_281 : memref<10240x32xf32, #tpu.memory_space<hbm>>) target(%arg6 : memref<128x32xf32, #tpu.memory_space<vmem>>) offsets(%arg5 : memref<128xi32, #tpu.memory_space<vmem>>) semaphore(%arg7 : memref<!tpu.dma_semaphore, #tpu.memory_space<semaphore_mem>>)
      %dma_wait3A = arith.constant 0 : i32
      %dma_wait3A_282 = arith.constant 0 : i32
      %dma_wait3A_283 = tpu.memref_slice %arg2[%dma_wait3A, %dma_wait3A_282] : memref<10240x32xf32, #tpu.memory_space<hbm>> -> memref<10240x32xf32, #tpu.memory_space<hbm>>
      tpu.wait_indirect_dma semaphore(%arg7 : memref<!tpu.dma_semaphore, #tpu.memory_space<semaphore_mem>>) src(%dma_wait3A_283 : memref<10240x32xf32, #tpu.memory_space<hbm>>) dst(%arg6 : memref<128x32xf32, #tpu.memory_space<vmem>>)
      "tpu.region"() ({
        %run_scoped3A = tpu.sem_alloc : memref<!tpu.dma_semaphore, #tpu.memory_space<semaphore_mem>>
        %dma_start3A_284 = arith.constant 0 : i32
        %dma_start3A_285 = tpu.memref_slice %arg4[%multiple_of3A, %dma_start3A_284] : memref<160000x32xf32, #tpu.memory_space<hbm>> -> memref<128x32xf32, #tpu.memory_space<hbm>>
        %dma_start3A_286 = arith.constant 0 : i32
        %dma_start3A_287 = tpu.memref_slice %arg4[%multiple_of3A, %dma_start3A_286] : memref<160000x32xf32, #tpu.memory_space<hbm>> -> memref<128x32xf32, #tpu.memory_space<hbm>>
        tpu.enqueue_dma source(%arg6 : memref<128x32xf32, #tpu.memory_space<vmem>>) target(%dma_start3A_287 : memref<128x32xf32, #tpu.memory_space<hbm>>) target_semaphore(%run_scoped3A : memref<!tpu.dma_semaphore, #tpu.memory_space<semaphore_mem>>)
        %dma_wait3A_288 = arith.constant 0 : i32
        %dma_wait3A_289 = tpu.memref_slice %arg4[%multiple_of3A, %dma_wait3A_288] : memref<160000x32xf32, #tpu.memory_space<hbm>> -> memref<128x32xf32, #tpu.memory_space<hbm>>
        %dma_wait3A_290 = arith.constant 0 : i32
        %dma_wait3A_291 = tpu.memref_slice %arg4[%multiple_of3A, %dma_wait3A_290] : memref<160000x32xf32, #tpu.memory_space<hbm>> -> memref<128x32xf32, #tpu.memory_space<hbm>>
        tpu.wait_dma2 semaphore(%run_scoped3A : memref<!tpu.dma_semaphore, #tpu.memory_space<semaphore_mem>>) src(%arg6 : memref<128x32xf32, #tpu.memory_space<vmem>>) dst(%dma_wait3A_291 : memref<128x32xf32, #tpu.memory_space<hbm>>)
        tpu.yield
      }) : () -> ()
    } else {
    }
    %add3A_89 = arith.constant 416 : i32
    %add3A_90 = arith.addi %add3A, %add3A_89 : i32
    %lt3A_91 = arith.constant 1250 : i32
    %lt3A_92 = arith.cmpi slt, %add3A_90, %lt3A_91 : i32
    %convert_element_type3A_93 = arith.extui %lt3A_92 : i1 to i32
    %cond3A_94 = arith.constant 0 : i32
    %cond3A_95 = arith.cmpi ne, %convert_element_type3A_93, %cond3A_94 : i32
    scf.if %cond3A_95 {
      %mul3A_278 = arith.constant 128 : i32
      %mul3A_279 = arith.muli %add3A_90, %mul3A_278 : i32
      %multiple_of3A = tpu.assume_multiple %mul3A_279, 128 : i32
      "tpu.region"() ({
        %run_scoped3A = tpu.sem_alloc : memref<!tpu.dma_semaphore, #tpu.memory_space<semaphore_mem>>
        %dma_start3A_284 = tpu.memref_slice %arg3[%multiple_of3A] : memref<160000xi32, #tpu.memory_space<hbm>> -> memref<128xi32, #tpu.memory_space<hbm>>
        %dma_start3A_285 = tpu.memref_slice %arg3[%multiple_of3A] : memref<160000xi32, #tpu.memory_space<hbm>> -> memref<128xi32, #tpu.memory_space<hbm>>
        tpu.enqueue_dma source(%dma_start3A_285 : memref<128xi32, #tpu.memory_space<hbm>>) target(%arg5 : memref<128xi32, #tpu.memory_space<vmem>>) target_semaphore(%run_scoped3A : memref<!tpu.dma_semaphore, #tpu.memory_space<semaphore_mem>>)
        %dma_wait3A_286 = tpu.memref_slice %arg3[%multiple_of3A] : memref<160000xi32, #tpu.memory_space<hbm>> -> memref<128xi32, #tpu.memory_space<hbm>>
        %dma_wait3A_287 = tpu.memref_slice %arg3[%multiple_of3A] : memref<160000xi32, #tpu.memory_space<hbm>> -> memref<128xi32, #tpu.memory_space<hbm>>
        tpu.wait_dma2 semaphore(%run_scoped3A : memref<!tpu.dma_semaphore, #tpu.memory_space<semaphore_mem>>) src(%dma_wait3A_287 : memref<128xi32, #tpu.memory_space<hbm>>) dst(%arg5 : memref<128xi32, #tpu.memory_space<vmem>>)
        tpu.yield
      }) : () -> ()
      %dma_start3A = arith.constant 0 : i32
      %dma_start3A_280 = arith.constant 0 : i32
      %dma_start3A_281 = tpu.memref_slice %arg2[%dma_start3A, %dma_start3A_280] : memref<10240x32xf32, #tpu.memory_space<hbm>> -> memref<10240x32xf32, #tpu.memory_space<hbm>>
      tpu.enqueue_indirect_dma source(%dma_start3A_281 : memref<10240x32xf32, #tpu.memory_space<hbm>>) target(%arg6 : memref<128x32xf32, #tpu.memory_space<vmem>>) offsets(%arg5 : memref<128xi32, #tpu.memory_space<vmem>>) semaphore(%arg7 : memref<!tpu.dma_semaphore, #tpu.memory_space<semaphore_mem>>)
      %dma_wait3A = arith.constant 0 : i32
      %dma_wait3A_282 = arith.constant 0 : i32
      %dma_wait3A_283 = tpu.memref_slice %arg2[%dma_wait3A, %dma_wait3A_282] : memref<10240x32xf32, #tpu.memory_space<hbm>> -> memref<10240x32xf32, #tpu.memory_space<hbm>>
      tpu.wait_indirect_dma semaphore(%arg7 : memref<!tpu.dma_semaphore, #tpu.memory_space<semaphore_mem>>) src(%dma_wait3A_283 : memref<10240x32xf32, #tpu.memory_space<hbm>>) dst(%arg6 : memref<128x32xf32, #tpu.memory_space<vmem>>)
      "tpu.region"() ({
        %run_scoped3A = tpu.sem_alloc : memref<!tpu.dma_semaphore, #tpu.memory_space<semaphore_mem>>
        %dma_start3A_284 = arith.constant 0 : i32
        %dma_start3A_285 = tpu.memref_slice %arg4[%multiple_of3A, %dma_start3A_284] : memref<160000x32xf32, #tpu.memory_space<hbm>> -> memref<128x32xf32, #tpu.memory_space<hbm>>
        %dma_start3A_286 = arith.constant 0 : i32
        %dma_start3A_287 = tpu.memref_slice %arg4[%multiple_of3A, %dma_start3A_286] : memref<160000x32xf32, #tpu.memory_space<hbm>> -> memref<128x32xf32, #tpu.memory_space<hbm>>
        tpu.enqueue_dma source(%arg6 : memref<128x32xf32, #tpu.memory_space<vmem>>) target(%dma_start3A_287 : memref<128x32xf32, #tpu.memory_space<hbm>>) target_semaphore(%run_scoped3A : memref<!tpu.dma_semaphore, #tpu.memory_space<semaphore_mem>>)
        %dma_wait3A_288 = arith.constant 0 : i32
        %dma_wait3A_289 = tpu.memref_slice %arg4[%multiple_of3A, %dma_wait3A_288] : memref<160000x32xf32, #tpu.memory_space<hbm>> -> memref<128x32xf32, #tpu.memory_space<hbm>>
        %dma_wait3A_290 = arith.constant 0 : i32
        %dma_wait3A_291 = tpu.memref_slice %arg4[%multiple_of3A, %dma_wait3A_290] : memref<160000x32xf32, #tpu.memory_space<hbm>> -> memref<128x32xf32, #tpu.memory_space<hbm>>
        tpu.wait_dma2 semaphore(%run_scoped3A : memref<!tpu.dma_semaphore, #tpu.memory_space<semaphore_mem>>) src(%arg6 : memref<128x32xf32, #tpu.memory_space<vmem>>) dst(%dma_wait3A_291 : memref<128x32xf32, #tpu.memory_space<hbm>>)
        tpu.yield
      }) : () -> ()
    } else {
    }
    %add3A_96 = arith.constant 448 : i32
    %add3A_97 = arith.addi %add3A, %add3A_96 : i32
    %lt3A_98 = arith.constant 1250 : i32
    %lt3A_99 = arith.cmpi slt, %add3A_97, %lt3A_98 : i32
    %convert_element_type3A_100 = arith.extui %lt3A_99 : i1 to i32
    %cond3A_101 = arith.constant 0 : i32
    %cond3A_102 = arith.cmpi ne, %convert_element_type3A_100, %cond3A_101 : i32
    scf.if %cond3A_102 {
      %mul3A_278 = arith.constant 128 : i32
      %mul3A_279 = arith.muli %add3A_97, %mul3A_278 : i32
      %multiple_of3A = tpu.assume_multiple %mul3A_279, 128 : i32
      "tpu.region"() ({
        %run_scoped3A = tpu.sem_alloc : memref<!tpu.dma_semaphore, #tpu.memory_space<semaphore_mem>>
        %dma_start3A_284 = tpu.memref_slice %arg3[%multiple_of3A] : memref<160000xi32, #tpu.memory_space<hbm>> -> memref<128xi32, #tpu.memory_space<hbm>>
        %dma_start3A_285 = tpu.memref_slice %arg3[%multiple_of3A] : memref<160000xi32, #tpu.memory_space<hbm>> -> memref<128xi32, #tpu.memory_space<hbm>>
        tpu.enqueue_dma source(%dma_start3A_285 : memref<128xi32, #tpu.memory_space<hbm>>) target(%arg5 : memref<128xi32, #tpu.memory_space<vmem>>) target_semaphore(%run_scoped3A : memref<!tpu.dma_semaphore, #tpu.memory_space<semaphore_mem>>)
        %dma_wait3A_286 = tpu.memref_slice %arg3[%multiple_of3A] : memref<160000xi32, #tpu.memory_space<hbm>> -> memref<128xi32, #tpu.memory_space<hbm>>
        %dma_wait3A_287 = tpu.memref_slice %arg3[%multiple_of3A] : memref<160000xi32, #tpu.memory_space<hbm>> -> memref<128xi32, #tpu.memory_space<hbm>>
        tpu.wait_dma2 semaphore(%run_scoped3A : memref<!tpu.dma_semaphore, #tpu.memory_space<semaphore_mem>>) src(%dma_wait3A_287 : memref<128xi32, #tpu.memory_space<hbm>>) dst(%arg5 : memref<128xi32, #tpu.memory_space<vmem>>)
        tpu.yield
      }) : () -> ()
      %dma_start3A = arith.constant 0 : i32
      %dma_start3A_280 = arith.constant 0 : i32
      %dma_start3A_281 = tpu.memref_slice %arg2[%dma_start3A, %dma_start3A_280] : memref<10240x32xf32, #tpu.memory_space<hbm>> -> memref<10240x32xf32, #tpu.memory_space<hbm>>
      tpu.enqueue_indirect_dma source(%dma_start3A_281 : memref<10240x32xf32, #tpu.memory_space<hbm>>) target(%arg6 : memref<128x32xf32, #tpu.memory_space<vmem>>) offsets(%arg5 : memref<128xi32, #tpu.memory_space<vmem>>) semaphore(%arg7 : memref<!tpu.dma_semaphore, #tpu.memory_space<semaphore_mem>>)
      %dma_wait3A = arith.constant 0 : i32
      %dma_wait3A_282 = arith.constant 0 : i32
      %dma_wait3A_283 = tpu.memref_slice %arg2[%dma_wait3A, %dma_wait3A_282] : memref<10240x32xf32, #tpu.memory_space<hbm>> -> memref<10240x32xf32, #tpu.memory_space<hbm>>
      tpu.wait_indirect_dma semaphore(%arg7 : memref<!tpu.dma_semaphore, #tpu.memory_space<semaphore_mem>>) src(%dma_wait3A_283 : memref<10240x32xf32, #tpu.memory_space<hbm>>) dst(%arg6 : memref<128x32xf32, #tpu.memory_space<vmem>>)
      "tpu.region"() ({
        %run_scoped3A = tpu.sem_alloc : memref<!tpu.dma_semaphore, #tpu.memory_space<semaphore_mem>>
        %dma_start3A_284 = arith.constant 0 : i32
        %dma_start3A_285 = tpu.memref_slice %arg4[%multiple_of3A, %dma_start3A_284] : memref<160000x32xf32, #tpu.memory_space<hbm>> -> memref<128x32xf32, #tpu.memory_space<hbm>>
        %dma_start3A_286 = arith.constant 0 : i32
        %dma_start3A_287 = tpu.memref_slice %arg4[%multiple_of3A, %dma_start3A_286] : memref<160000x32xf32, #tpu.memory_space<hbm>> -> memref<128x32xf32, #tpu.memory_space<hbm>>
        tpu.enqueue_dma source(%arg6 : memref<128x32xf32, #tpu.memory_space<vmem>>) target(%dma_start3A_287 : memref<128x32xf32, #tpu.memory_space<hbm>>) target_semaphore(%run_scoped3A : memref<!tpu.dma_semaphore, #tpu.memory_space<semaphore_mem>>)
        %dma_wait3A_288 = arith.constant 0 : i32
        %dma_wait3A_289 = tpu.memref_slice %arg4[%multiple_of3A, %dma_wait3A_288] : memref<160000x32xf32, #tpu.memory_space<hbm>> -> memref<128x32xf32, #tpu.memory_space<hbm>>
        %dma_wait3A_290 = arith.constant 0 : i32
        %dma_wait3A_291 = tpu.memref_slice %arg4[%multiple_of3A, %dma_wait3A_290] : memref<160000x32xf32, #tpu.memory_space<hbm>> -> memref<128x32xf32, #tpu.memory_space<hbm>>
        tpu.wait_dma2 semaphore(%run_scoped3A : memref<!tpu.dma_semaphore, #tpu.memory_space<semaphore_mem>>) src(%arg6 : memref<128x32xf32, #tpu.memory_space<vmem>>) dst(%dma_wait3A_291 : memref<128x32xf32, #tpu.memory_space<hbm>>)
        tpu.yield
      }) : () -> ()
    } else {
    }
    %add3A_103 = arith.constant 480 : i32
    %add3A_104 = arith.addi %add3A, %add3A_103 : i32
    %lt3A_105 = arith.constant 1250 : i32
    %lt3A_106 = arith.cmpi slt, %add3A_104, %lt3A_105 : i32
    %convert_element_type3A_107 = arith.extui %lt3A_106 : i1 to i32
    %cond3A_108 = arith.constant 0 : i32
    %cond3A_109 = arith.cmpi ne, %convert_element_type3A_107, %cond3A_108 : i32
    scf.if %cond3A_109 {
      %mul3A_278 = arith.constant 128 : i32
      %mul3A_279 = arith.muli %add3A_104, %mul3A_278 : i32
      %multiple_of3A = tpu.assume_multiple %mul3A_279, 128 : i32
      "tpu.region"() ({
        %run_scoped3A = tpu.sem_alloc : memref<!tpu.dma_semaphore, #tpu.memory_space<semaphore_mem>>
        %dma_start3A_284 = tpu.memref_slice %arg3[%multiple_of3A] : memref<160000xi32, #tpu.memory_space<hbm>> -> memref<128xi32, #tpu.memory_space<hbm>>
        %dma_start3A_285 = tpu.memref_slice %arg3[%multiple_of3A] : memref<160000xi32, #tpu.memory_space<hbm>> -> memref<128xi32, #tpu.memory_space<hbm>>
        tpu.enqueue_dma source(%dma_start3A_285 : memref<128xi32, #tpu.memory_space<hbm>>) target(%arg5 : memref<128xi32, #tpu.memory_space<vmem>>) target_semaphore(%run_scoped3A : memref<!tpu.dma_semaphore, #tpu.memory_space<semaphore_mem>>)
        %dma_wait3A_286 = tpu.memref_slice %arg3[%multiple_of3A] : memref<160000xi32, #tpu.memory_space<hbm>> -> memref<128xi32, #tpu.memory_space<hbm>>
        %dma_wait3A_287 = tpu.memref_slice %arg3[%multiple_of3A] : memref<160000xi32, #tpu.memory_space<hbm>> -> memref<128xi32, #tpu.memory_space<hbm>>
        tpu.wait_dma2 semaphore(%run_scoped3A : memref<!tpu.dma_semaphore, #tpu.memory_space<semaphore_mem>>) src(%dma_wait3A_287 : memref<128xi32, #tpu.memory_space<hbm>>) dst(%arg5 : memref<128xi32, #tpu.memory_space<vmem>>)
        tpu.yield
      }) : () -> ()
      %dma_start3A = arith.constant 0 : i32
      %dma_start3A_280 = arith.constant 0 : i32
      %dma_start3A_281 = tpu.memref_slice %arg2[%dma_start3A, %dma_start3A_280] : memref<10240x32xf32, #tpu.memory_space<hbm>> -> memref<10240x32xf32, #tpu.memory_space<hbm>>
      tpu.enqueue_indirect_dma source(%dma_start3A_281 : memref<10240x32xf32, #tpu.memory_space<hbm>>) target(%arg6 : memref<128x32xf32, #tpu.memory_space<vmem>>) offsets(%arg5 : memref<128xi32, #tpu.memory_space<vmem>>) semaphore(%arg7 : memref<!tpu.dma_semaphore, #tpu.memory_space<semaphore_mem>>)
      %dma_wait3A = arith.constant 0 : i32
      %dma_wait3A_282 = arith.constant 0 : i32
      %dma_wait3A_283 = tpu.memref_slice %arg2[%dma_wait3A, %dma_wait3A_282] : memref<10240x32xf32, #tpu.memory_space<hbm>> -> memref<10240x32xf32, #tpu.memory_space<hbm>>
      tpu.wait_indirect_dma semaphore(%arg7 : memref<!tpu.dma_semaphore, #tpu.memory_space<semaphore_mem>>) src(%dma_wait3A_283 : memref<10240x32xf32, #tpu.memory_space<hbm>>) dst(%arg6 : memref<128x32xf32, #tpu.memory_space<vmem>>)
      "tpu.region"() ({
        %run_scoped3A = tpu.sem_alloc : memref<!tpu.dma_semaphore, #tpu.memory_space<semaphore_mem>>
        %dma_start3A_284 = arith.constant 0 : i32
        %dma_start3A_285 = tpu.memref_slice %arg4[%multiple_of3A, %dma_start3A_284] : memref<160000x32xf32, #tpu.memory_space<hbm>> -> memref<128x32xf32, #tpu.memory_space<hbm>>
        %dma_start3A_286 = arith.constant 0 : i32
        %dma_start3A_287 = tpu.memref_slice %arg4[%multiple_of3A, %dma_start3A_286] : memref<160000x32xf32, #tpu.memory_space<hbm>> -> memref<128x32xf32, #tpu.memory_space<hbm>>
        tpu.enqueue_dma source(%arg6 : memref<128x32xf32, #tpu.memory_space<vmem>>) target(%dma_start3A_287 : memref<128x32xf32, #tpu.memory_space<hbm>>) target_semaphore(%run_scoped3A : memref<!tpu.dma_semaphore, #tpu.memory_space<semaphore_mem>>)
        %dma_wait3A_288 = arith.constant 0 : i32
        %dma_wait3A_289 = tpu.memref_slice %arg4[%multiple_of3A, %dma_wait3A_288] : memref<160000x32xf32, #tpu.memory_space<hbm>> -> memref<128x32xf32, #tpu.memory_space<hbm>>
        %dma_wait3A_290 = arith.constant 0 : i32
        %dma_wait3A_291 = tpu.memref_slice %arg4[%multiple_of3A, %dma_wait3A_290] : memref<160000x32xf32, #tpu.memory_space<hbm>> -> memref<128x32xf32, #tpu.memory_space<hbm>>
        tpu.wait_dma2 semaphore(%run_scoped3A : memref<!tpu.dma_semaphore, #tpu.memory_space<semaphore_mem>>) src(%arg6 : memref<128x32xf32, #tpu.memory_space<vmem>>) dst(%dma_wait3A_291 : memref<128x32xf32, #tpu.memory_space<hbm>>)
        tpu.yield
      }) : () -> ()
    } else {
    }
    %add3A_110 = arith.constant 512 : i32
    %add3A_111 = arith.addi %add3A, %add3A_110 : i32
    %lt3A_112 = arith.constant 1250 : i32
    %lt3A_113 = arith.cmpi slt, %add3A_111, %lt3A_112 : i32
    %convert_element_type3A_114 = arith.extui %lt3A_113 : i1 to i32
    %cond3A_115 = arith.constant 0 : i32
    %cond3A_116 = arith.cmpi ne, %convert_element_type3A_114, %cond3A_115 : i32
    scf.if %cond3A_116 {
      %mul3A_278 = arith.constant 128 : i32
      %mul3A_279 = arith.muli %add3A_111, %mul3A_278 : i32
      %multiple_of3A = tpu.assume_multiple %mul3A_279, 128 : i32
      "tpu.region"() ({
        %run_scoped3A = tpu.sem_alloc : memref<!tpu.dma_semaphore, #tpu.memory_space<semaphore_mem>>
        %dma_start3A_284 = tpu.memref_slice %arg3[%multiple_of3A] : memref<160000xi32, #tpu.memory_space<hbm>> -> memref<128xi32, #tpu.memory_space<hbm>>
        %dma_start3A_285 = tpu.memref_slice %arg3[%multiple_of3A] : memref<160000xi32, #tpu.memory_space<hbm>> -> memref<128xi32, #tpu.memory_space<hbm>>
        tpu.enqueue_dma source(%dma_start3A_285 : memref<128xi32, #tpu.memory_space<hbm>>) target(%arg5 : memref<128xi32, #tpu.memory_space<vmem>>) target_semaphore(%run_scoped3A : memref<!tpu.dma_semaphore, #tpu.memory_space<semaphore_mem>>)
        %dma_wait3A_286 = tpu.memref_slice %arg3[%multiple_of3A] : memref<160000xi32, #tpu.memory_space<hbm>> -> memref<128xi32, #tpu.memory_space<hbm>>
        %dma_wait3A_287 = tpu.memref_slice %arg3[%multiple_of3A] : memref<160000xi32, #tpu.memory_space<hbm>> -> memref<128xi32, #tpu.memory_space<hbm>>
        tpu.wait_dma2 semaphore(%run_scoped3A : memref<!tpu.dma_semaphore, #tpu.memory_space<semaphore_mem>>) src(%dma_wait3A_287 : memref<128xi32, #tpu.memory_space<hbm>>) dst(%arg5 : memref<128xi32, #tpu.memory_space<vmem>>)
        tpu.yield
      }) : () -> ()
      %dma_start3A = arith.constant 0 : i32
      %dma_start3A_280 = arith.constant 0 : i32
      %dma_start3A_281 = tpu.memref_slice %arg2[%dma_start3A, %dma_start3A_280] : memref<10240x32xf32, #tpu.memory_space<hbm>> -> memref<10240x32xf32, #tpu.memory_space<hbm>>
      tpu.enqueue_indirect_dma source(%dma_start3A_281 : memref<10240x32xf32, #tpu.memory_space<hbm>>) target(%arg6 : memref<128x32xf32, #tpu.memory_space<vmem>>) offsets(%arg5 : memref<128xi32, #tpu.memory_space<vmem>>) semaphore(%arg7 : memref<!tpu.dma_semaphore, #tpu.memory_space<semaphore_mem>>)
      %dma_wait3A = arith.constant 0 : i32
      %dma_wait3A_282 = arith.constant 0 : i32
      %dma_wait3A_283 = tpu.memref_slice %arg2[%dma_wait3A, %dma_wait3A_282] : memref<10240x32xf32, #tpu.memory_space<hbm>> -> memref<10240x32xf32, #tpu.memory_space<hbm>>
      tpu.wait_indirect_dma semaphore(%arg7 : memref<!tpu.dma_semaphore, #tpu.memory_space<semaphore_mem>>) src(%dma_wait3A_283 : memref<10240x32xf32, #tpu.memory_space<hbm>>) dst(%arg6 : memref<128x32xf32, #tpu.memory_space<vmem>>)
      "tpu.region"() ({
        %run_scoped3A = tpu.sem_alloc : memref<!tpu.dma_semaphore, #tpu.memory_space<semaphore_mem>>
        %dma_start3A_284 = arith.constant 0 : i32
        %dma_start3A_285 = tpu.memref_slice %arg4[%multiple_of3A, %dma_start3A_284] : memref<160000x32xf32, #tpu.memory_space<hbm>> -> memref<128x32xf32, #tpu.memory_space<hbm>>
        %dma_start3A_286 = arith.constant 0 : i32
        %dma_start3A_287 = tpu.memref_slice %arg4[%multiple_of3A, %dma_start3A_286] : memref<160000x32xf32, #tpu.memory_space<hbm>> -> memref<128x32xf32, #tpu.memory_space<hbm>>
        tpu.enqueue_dma source(%arg6 : memref<128x32xf32, #tpu.memory_space<vmem>>) target(%dma_start3A_287 : memref<128x32xf32, #tpu.memory_space<hbm>>) target_semaphore(%run_scoped3A : memref<!tpu.dma_semaphore, #tpu.memory_space<semaphore_mem>>)
        %dma_wait3A_288 = arith.constant 0 : i32
        %dma_wait3A_289 = tpu.memref_slice %arg4[%multiple_of3A, %dma_wait3A_288] : memref<160000x32xf32, #tpu.memory_space<hbm>> -> memref<128x32xf32, #tpu.memory_space<hbm>>
        %dma_wait3A_290 = arith.constant 0 : i32
        %dma_wait3A_291 = tpu.memref_slice %arg4[%multiple_of3A, %dma_wait3A_290] : memref<160000x32xf32, #tpu.memory_space<hbm>> -> memref<128x32xf32, #tpu.memory_space<hbm>>
        tpu.wait_dma2 semaphore(%run_scoped3A : memref<!tpu.dma_semaphore, #tpu.memory_space<semaphore_mem>>) src(%arg6 : memref<128x32xf32, #tpu.memory_space<vmem>>) dst(%dma_wait3A_291 : memref<128x32xf32, #tpu.memory_space<hbm>>)
        tpu.yield
      }) : () -> ()
    } else {
    }
    %add3A_117 = arith.constant 544 : i32
    %add3A_118 = arith.addi %add3A, %add3A_117 : i32
    %lt3A_119 = arith.constant 1250 : i32
    %lt3A_120 = arith.cmpi slt, %add3A_118, %lt3A_119 : i32
    %convert_element_type3A_121 = arith.extui %lt3A_120 : i1 to i32
    %cond3A_122 = arith.constant 0 : i32
    %cond3A_123 = arith.cmpi ne, %convert_element_type3A_121, %cond3A_122 : i32
    scf.if %cond3A_123 {
      %mul3A_278 = arith.constant 128 : i32
      %mul3A_279 = arith.muli %add3A_118, %mul3A_278 : i32
      %multiple_of3A = tpu.assume_multiple %mul3A_279, 128 : i32
      "tpu.region"() ({
        %run_scoped3A = tpu.sem_alloc : memref<!tpu.dma_semaphore, #tpu.memory_space<semaphore_mem>>
        %dma_start3A_284 = tpu.memref_slice %arg3[%multiple_of3A] : memref<160000xi32, #tpu.memory_space<hbm>> -> memref<128xi32, #tpu.memory_space<hbm>>
        %dma_start3A_285 = tpu.memref_slice %arg3[%multiple_of3A] : memref<160000xi32, #tpu.memory_space<hbm>> -> memref<128xi32, #tpu.memory_space<hbm>>
        tpu.enqueue_dma source(%dma_start3A_285 : memref<128xi32, #tpu.memory_space<hbm>>) target(%arg5 : memref<128xi32, #tpu.memory_space<vmem>>) target_semaphore(%run_scoped3A : memref<!tpu.dma_semaphore, #tpu.memory_space<semaphore_mem>>)
        %dma_wait3A_286 = tpu.memref_slice %arg3[%multiple_of3A] : memref<160000xi32, #tpu.memory_space<hbm>> -> memref<128xi32, #tpu.memory_space<hbm>>
        %dma_wait3A_287 = tpu.memref_slice %arg3[%multiple_of3A] : memref<160000xi32, #tpu.memory_space<hbm>> -> memref<128xi32, #tpu.memory_space<hbm>>
        tpu.wait_dma2 semaphore(%run_scoped3A : memref<!tpu.dma_semaphore, #tpu.memory_space<semaphore_mem>>) src(%dma_wait3A_287 : memref<128xi32, #tpu.memory_space<hbm>>) dst(%arg5 : memref<128xi32, #tpu.memory_space<vmem>>)
        tpu.yield
      }) : () -> ()
      %dma_start3A = arith.constant 0 : i32
      %dma_start3A_280 = arith.constant 0 : i32
      %dma_start3A_281 = tpu.memref_slice %arg2[%dma_start3A, %dma_start3A_280] : memref<10240x32xf32, #tpu.memory_space<hbm>> -> memref<10240x32xf32, #tpu.memory_space<hbm>>
      tpu.enqueue_indirect_dma source(%dma_start3A_281 : memref<10240x32xf32, #tpu.memory_space<hbm>>) target(%arg6 : memref<128x32xf32, #tpu.memory_space<vmem>>) offsets(%arg5 : memref<128xi32, #tpu.memory_space<vmem>>) semaphore(%arg7 : memref<!tpu.dma_semaphore, #tpu.memory_space<semaphore_mem>>)
      %dma_wait3A = arith.constant 0 : i32
      %dma_wait3A_282 = arith.constant 0 : i32
      %dma_wait3A_283 = tpu.memref_slice %arg2[%dma_wait3A, %dma_wait3A_282] : memref<10240x32xf32, #tpu.memory_space<hbm>> -> memref<10240x32xf32, #tpu.memory_space<hbm>>
      tpu.wait_indirect_dma semaphore(%arg7 : memref<!tpu.dma_semaphore, #tpu.memory_space<semaphore_mem>>) src(%dma_wait3A_283 : memref<10240x32xf32, #tpu.memory_space<hbm>>) dst(%arg6 : memref<128x32xf32, #tpu.memory_space<vmem>>)
      "tpu.region"() ({
        %run_scoped3A = tpu.sem_alloc : memref<!tpu.dma_semaphore, #tpu.memory_space<semaphore_mem>>
        %dma_start3A_284 = arith.constant 0 : i32
        %dma_start3A_285 = tpu.memref_slice %arg4[%multiple_of3A, %dma_start3A_284] : memref<160000x32xf32, #tpu.memory_space<hbm>> -> memref<128x32xf32, #tpu.memory_space<hbm>>
        %dma_start3A_286 = arith.constant 0 : i32
        %dma_start3A_287 = tpu.memref_slice %arg4[%multiple_of3A, %dma_start3A_286] : memref<160000x32xf32, #tpu.memory_space<hbm>> -> memref<128x32xf32, #tpu.memory_space<hbm>>
        tpu.enqueue_dma source(%arg6 : memref<128x32xf32, #tpu.memory_space<vmem>>) target(%dma_start3A_287 : memref<128x32xf32, #tpu.memory_space<hbm>>) target_semaphore(%run_scoped3A : memref<!tpu.dma_semaphore, #tpu.memory_space<semaphore_mem>>)
        %dma_wait3A_288 = arith.constant 0 : i32
        %dma_wait3A_289 = tpu.memref_slice %arg4[%multiple_of3A, %dma_wait3A_288] : memref<160000x32xf32, #tpu.memory_space<hbm>> -> memref<128x32xf32, #tpu.memory_space<hbm>>
        %dma_wait3A_290 = arith.constant 0 : i32
        %dma_wait3A_291 = tpu.memref_slice %arg4[%multiple_of3A, %dma_wait3A_290] : memref<160000x32xf32, #tpu.memory_space<hbm>> -> memref<128x32xf32, #tpu.memory_space<hbm>>
        tpu.wait_dma2 semaphore(%run_scoped3A : memref<!tpu.dma_semaphore, #tpu.memory_space<semaphore_mem>>) src(%arg6 : memref<128x32xf32, #tpu.memory_space<vmem>>) dst(%dma_wait3A_291 : memref<128x32xf32, #tpu.memory_space<hbm>>)
        tpu.yield
      }) : () -> ()
    } else {
    }
    %add3A_124 = arith.constant 576 : i32
    %add3A_125 = arith.addi %add3A, %add3A_124 : i32
    %lt3A_126 = arith.constant 1250 : i32
    %lt3A_127 = arith.cmpi slt, %add3A_125, %lt3A_126 : i32
    %convert_element_type3A_128 = arith.extui %lt3A_127 : i1 to i32
    %cond3A_129 = arith.constant 0 : i32
    %cond3A_130 = arith.cmpi ne, %convert_element_type3A_128, %cond3A_129 : i32
    scf.if %cond3A_130 {
      %mul3A_278 = arith.constant 128 : i32
      %mul3A_279 = arith.muli %add3A_125, %mul3A_278 : i32
      %multiple_of3A = tpu.assume_multiple %mul3A_279, 128 : i32
      "tpu.region"() ({
        %run_scoped3A = tpu.sem_alloc : memref<!tpu.dma_semaphore, #tpu.memory_space<semaphore_mem>>
        %dma_start3A_284 = tpu.memref_slice %arg3[%multiple_of3A] : memref<160000xi32, #tpu.memory_space<hbm>> -> memref<128xi32, #tpu.memory_space<hbm>>
        %dma_start3A_285 = tpu.memref_slice %arg3[%multiple_of3A] : memref<160000xi32, #tpu.memory_space<hbm>> -> memref<128xi32, #tpu.memory_space<hbm>>
        tpu.enqueue_dma source(%dma_start3A_285 : memref<128xi32, #tpu.memory_space<hbm>>) target(%arg5 : memref<128xi32, #tpu.memory_space<vmem>>) target_semaphore(%run_scoped3A : memref<!tpu.dma_semaphore, #tpu.memory_space<semaphore_mem>>)
        %dma_wait3A_286 = tpu.memref_slice %arg3[%multiple_of3A] : memref<160000xi32, #tpu.memory_space<hbm>> -> memref<128xi32, #tpu.memory_space<hbm>>
        %dma_wait3A_287 = tpu.memref_slice %arg3[%multiple_of3A] : memref<160000xi32, #tpu.memory_space<hbm>> -> memref<128xi32, #tpu.memory_space<hbm>>
        tpu.wait_dma2 semaphore(%run_scoped3A : memref<!tpu.dma_semaphore, #tpu.memory_space<semaphore_mem>>) src(%dma_wait3A_287 : memref<128xi32, #tpu.memory_space<hbm>>) dst(%arg5 : memref<128xi32, #tpu.memory_space<vmem>>)
        tpu.yield
      }) : () -> ()
      %dma_start3A = arith.constant 0 : i32
      %dma_start3A_280 = arith.constant 0 : i32
      %dma_start3A_281 = tpu.memref_slice %arg2[%dma_start3A, %dma_start3A_280] : memref<10240x32xf32, #tpu.memory_space<hbm>> -> memref<10240x32xf32, #tpu.memory_space<hbm>>
      tpu.enqueue_indirect_dma source(%dma_start3A_281 : memref<10240x32xf32, #tpu.memory_space<hbm>>) target(%arg6 : memref<128x32xf32, #tpu.memory_space<vmem>>) offsets(%arg5 : memref<128xi32, #tpu.memory_space<vmem>>) semaphore(%arg7 : memref<!tpu.dma_semaphore, #tpu.memory_space<semaphore_mem>>)
      %dma_wait3A = arith.constant 0 : i32
      %dma_wait3A_282 = arith.constant 0 : i32
      %dma_wait3A_283 = tpu.memref_slice %arg2[%dma_wait3A, %dma_wait3A_282] : memref<10240x32xf32, #tpu.memory_space<hbm>> -> memref<10240x32xf32, #tpu.memory_space<hbm>>
      tpu.wait_indirect_dma semaphore(%arg7 : memref<!tpu.dma_semaphore, #tpu.memory_space<semaphore_mem>>) src(%dma_wait3A_283 : memref<10240x32xf32, #tpu.memory_space<hbm>>) dst(%arg6 : memref<128x32xf32, #tpu.memory_space<vmem>>)
      "tpu.region"() ({
        %run_scoped3A = tpu.sem_alloc : memref<!tpu.dma_semaphore, #tpu.memory_space<semaphore_mem>>
        %dma_start3A_284 = arith.constant 0 : i32
        %dma_start3A_285 = tpu.memref_slice %arg4[%multiple_of3A, %dma_start3A_284] : memref<160000x32xf32, #tpu.memory_space<hbm>> -> memref<128x32xf32, #tpu.memory_space<hbm>>
        %dma_start3A_286 = arith.constant 0 : i32
        %dma_start3A_287 = tpu.memref_slice %arg4[%multiple_of3A, %dma_start3A_286] : memref<160000x32xf32, #tpu.memory_space<hbm>> -> memref<128x32xf32, #tpu.memory_space<hbm>>
        tpu.enqueue_dma source(%arg6 : memref<128x32xf32, #tpu.memory_space<vmem>>) target(%dma_start3A_287 : memref<128x32xf32, #tpu.memory_space<hbm>>) target_semaphore(%run_scoped3A : memref<!tpu.dma_semaphore, #tpu.memory_space<semaphore_mem>>)
        %dma_wait3A_288 = arith.constant 0 : i32
        %dma_wait3A_289 = tpu.memref_slice %arg4[%multiple_of3A, %dma_wait3A_288] : memref<160000x32xf32, #tpu.memory_space<hbm>> -> memref<128x32xf32, #tpu.memory_space<hbm>>
        %dma_wait3A_290 = arith.constant 0 : i32
        %dma_wait3A_291 = tpu.memref_slice %arg4[%multiple_of3A, %dma_wait3A_290] : memref<160000x32xf32, #tpu.memory_space<hbm>> -> memref<128x32xf32, #tpu.memory_space<hbm>>
        tpu.wait_dma2 semaphore(%run_scoped3A : memref<!tpu.dma_semaphore, #tpu.memory_space<semaphore_mem>>) src(%arg6 : memref<128x32xf32, #tpu.memory_space<vmem>>) dst(%dma_wait3A_291 : memref<128x32xf32, #tpu.memory_space<hbm>>)
        tpu.yield
      }) : () -> ()
    } else {
    }
    %add3A_131 = arith.constant 608 : i32
    %add3A_132 = arith.addi %add3A, %add3A_131 : i32
    %lt3A_133 = arith.constant 1250 : i32
    %lt3A_134 = arith.cmpi slt, %add3A_132, %lt3A_133 : i32
    %convert_element_type3A_135 = arith.extui %lt3A_134 : i1 to i32
    %cond3A_136 = arith.constant 0 : i32
    %cond3A_137 = arith.cmpi ne, %convert_element_type3A_135, %cond3A_136 : i32
    scf.if %cond3A_137 {
      %mul3A_278 = arith.constant 128 : i32
      %mul3A_279 = arith.muli %add3A_132, %mul3A_278 : i32
      %multiple_of3A = tpu.assume_multiple %mul3A_279, 128 : i32
      "tpu.region"() ({
        %run_scoped3A = tpu.sem_alloc : memref<!tpu.dma_semaphore, #tpu.memory_space<semaphore_mem>>
        %dma_start3A_284 = tpu.memref_slice %arg3[%multiple_of3A] : memref<160000xi32, #tpu.memory_space<hbm>> -> memref<128xi32, #tpu.memory_space<hbm>>
        %dma_start3A_285 = tpu.memref_slice %arg3[%multiple_of3A] : memref<160000xi32, #tpu.memory_space<hbm>> -> memref<128xi32, #tpu.memory_space<hbm>>
        tpu.enqueue_dma source(%dma_start3A_285 : memref<128xi32, #tpu.memory_space<hbm>>) target(%arg5 : memref<128xi32, #tpu.memory_space<vmem>>) target_semaphore(%run_scoped3A : memref<!tpu.dma_semaphore, #tpu.memory_space<semaphore_mem>>)
        %dma_wait3A_286 = tpu.memref_slice %arg3[%multiple_of3A] : memref<160000xi32, #tpu.memory_space<hbm>> -> memref<128xi32, #tpu.memory_space<hbm>>
        %dma_wait3A_287 = tpu.memref_slice %arg3[%multiple_of3A] : memref<160000xi32, #tpu.memory_space<hbm>> -> memref<128xi32, #tpu.memory_space<hbm>>
        tpu.wait_dma2 semaphore(%run_scoped3A : memref<!tpu.dma_semaphore, #tpu.memory_space<semaphore_mem>>) src(%dma_wait3A_287 : memref<128xi32, #tpu.memory_space<hbm>>) dst(%arg5 : memref<128xi32, #tpu.memory_space<vmem>>)
        tpu.yield
      }) : () -> ()
      %dma_start3A = arith.constant 0 : i32
      %dma_start3A_280 = arith.constant 0 : i32
      %dma_start3A_281 = tpu.memref_slice %arg2[%dma_start3A, %dma_start3A_280] : memref<10240x32xf32, #tpu.memory_space<hbm>> -> memref<10240x32xf32, #tpu.memory_space<hbm>>
      tpu.enqueue_indirect_dma source(%dma_start3A_281 : memref<10240x32xf32, #tpu.memory_space<hbm>>) target(%arg6 : memref<128x32xf32, #tpu.memory_space<vmem>>) offsets(%arg5 : memref<128xi32, #tpu.memory_space<vmem>>) semaphore(%arg7 : memref<!tpu.dma_semaphore, #tpu.memory_space<semaphore_mem>>)
      %dma_wait3A = arith.constant 0 : i32
      %dma_wait3A_282 = arith.constant 0 : i32
      %dma_wait3A_283 = tpu.memref_slice %arg2[%dma_wait3A, %dma_wait3A_282] : memref<10240x32xf32, #tpu.memory_space<hbm>> -> memref<10240x32xf32, #tpu.memory_space<hbm>>
      tpu.wait_indirect_dma semaphore(%arg7 : memref<!tpu.dma_semaphore, #tpu.memory_space<semaphore_mem>>) src(%dma_wait3A_283 : memref<10240x32xf32, #tpu.memory_space<hbm>>) dst(%arg6 : memref<128x32xf32, #tpu.memory_space<vmem>>)
      "tpu.region"() ({
        %run_scoped3A = tpu.sem_alloc : memref<!tpu.dma_semaphore, #tpu.memory_space<semaphore_mem>>
        %dma_start3A_284 = arith.constant 0 : i32
        %dma_start3A_285 = tpu.memref_slice %arg4[%multiple_of3A, %dma_start3A_284] : memref<160000x32xf32, #tpu.memory_space<hbm>> -> memref<128x32xf32, #tpu.memory_space<hbm>>
        %dma_start3A_286 = arith.constant 0 : i32
        %dma_start3A_287 = tpu.memref_slice %arg4[%multiple_of3A, %dma_start3A_286] : memref<160000x32xf32, #tpu.memory_space<hbm>> -> memref<128x32xf32, #tpu.memory_space<hbm>>
        tpu.enqueue_dma source(%arg6 : memref<128x32xf32, #tpu.memory_space<vmem>>) target(%dma_start3A_287 : memref<128x32xf32, #tpu.memory_space<hbm>>) target_semaphore(%run_scoped3A : memref<!tpu.dma_semaphore, #tpu.memory_space<semaphore_mem>>)
        %dma_wait3A_288 = arith.constant 0 : i32
        %dma_wait3A_289 = tpu.memref_slice %arg4[%multiple_of3A, %dma_wait3A_288] : memref<160000x32xf32, #tpu.memory_space<hbm>> -> memref<128x32xf32, #tpu.memory_space<hbm>>
        %dma_wait3A_290 = arith.constant 0 : i32
        %dma_wait3A_291 = tpu.memref_slice %arg4[%multiple_of3A, %dma_wait3A_290] : memref<160000x32xf32, #tpu.memory_space<hbm>> -> memref<128x32xf32, #tpu.memory_space<hbm>>
        tpu.wait_dma2 semaphore(%run_scoped3A : memref<!tpu.dma_semaphore, #tpu.memory_space<semaphore_mem>>) src(%arg6 : memref<128x32xf32, #tpu.memory_space<vmem>>) dst(%dma_wait3A_291 : memref<128x32xf32, #tpu.memory_space<hbm>>)
        tpu.yield
      }) : () -> ()
    } else {
    }
    %add3A_138 = arith.constant 640 : i32
    %add3A_139 = arith.addi %add3A, %add3A_138 : i32
    %lt3A_140 = arith.constant 1250 : i32
    %lt3A_141 = arith.cmpi slt, %add3A_139, %lt3A_140 : i32
    %convert_element_type3A_142 = arith.extui %lt3A_141 : i1 to i32
    %cond3A_143 = arith.constant 0 : i32
    %cond3A_144 = arith.cmpi ne, %convert_element_type3A_142, %cond3A_143 : i32
    scf.if %cond3A_144 {
      %mul3A_278 = arith.constant 128 : i32
      %mul3A_279 = arith.muli %add3A_139, %mul3A_278 : i32
      %multiple_of3A = tpu.assume_multiple %mul3A_279, 128 : i32
      "tpu.region"() ({
        %run_scoped3A = tpu.sem_alloc : memref<!tpu.dma_semaphore, #tpu.memory_space<semaphore_mem>>
        %dma_start3A_284 = tpu.memref_slice %arg3[%multiple_of3A] : memref<160000xi32, #tpu.memory_space<hbm>> -> memref<128xi32, #tpu.memory_space<hbm>>
        %dma_start3A_285 = tpu.memref_slice %arg3[%multiple_of3A] : memref<160000xi32, #tpu.memory_space<hbm>> -> memref<128xi32, #tpu.memory_space<hbm>>
        tpu.enqueue_dma source(%dma_start3A_285 : memref<128xi32, #tpu.memory_space<hbm>>) target(%arg5 : memref<128xi32, #tpu.memory_space<vmem>>) target_semaphore(%run_scoped3A : memref<!tpu.dma_semaphore, #tpu.memory_space<semaphore_mem>>)
        %dma_wait3A_286 = tpu.memref_slice %arg3[%multiple_of3A] : memref<160000xi32, #tpu.memory_space<hbm>> -> memref<128xi32, #tpu.memory_space<hbm>>
        %dma_wait3A_287 = tpu.memref_slice %arg3[%multiple_of3A] : memref<160000xi32, #tpu.memory_space<hbm>> -> memref<128xi32, #tpu.memory_space<hbm>>
        tpu.wait_dma2 semaphore(%run_scoped3A : memref<!tpu.dma_semaphore, #tpu.memory_space<semaphore_mem>>) src(%dma_wait3A_287 : memref<128xi32, #tpu.memory_space<hbm>>) dst(%arg5 : memref<128xi32, #tpu.memory_space<vmem>>)
        tpu.yield
      }) : () -> ()
      %dma_start3A = arith.constant 0 : i32
      %dma_start3A_280 = arith.constant 0 : i32
      %dma_start3A_281 = tpu.memref_slice %arg2[%dma_start3A, %dma_start3A_280] : memref<10240x32xf32, #tpu.memory_space<hbm>> -> memref<10240x32xf32, #tpu.memory_space<hbm>>
      tpu.enqueue_indirect_dma source(%dma_start3A_281 : memref<10240x32xf32, #tpu.memory_space<hbm>>) target(%arg6 : memref<128x32xf32, #tpu.memory_space<vmem>>) offsets(%arg5 : memref<128xi32, #tpu.memory_space<vmem>>) semaphore(%arg7 : memref<!tpu.dma_semaphore, #tpu.memory_space<semaphore_mem>>)
      %dma_wait3A = arith.constant 0 : i32
      %dma_wait3A_282 = arith.constant 0 : i32
      %dma_wait3A_283 = tpu.memref_slice %arg2[%dma_wait3A, %dma_wait3A_282] : memref<10240x32xf32, #tpu.memory_space<hbm>> -> memref<10240x32xf32, #tpu.memory_space<hbm>>
      tpu.wait_indirect_dma semaphore(%arg7 : memref<!tpu.dma_semaphore, #tpu.memory_space<semaphore_mem>>) src(%dma_wait3A_283 : memref<10240x32xf32, #tpu.memory_space<hbm>>) dst(%arg6 : memref<128x32xf32, #tpu.memory_space<vmem>>)
      "tpu.region"() ({
        %run_scoped3A = tpu.sem_alloc : memref<!tpu.dma_semaphore, #tpu.memory_space<semaphore_mem>>
        %dma_start3A_284 = arith.constant 0 : i32
        %dma_start3A_285 = tpu.memref_slice %arg4[%multiple_of3A, %dma_start3A_284] : memref<160000x32xf32, #tpu.memory_space<hbm>> -> memref<128x32xf32, #tpu.memory_space<hbm>>
        %dma_start3A_286 = arith.constant 0 : i32
        %dma_start3A_287 = tpu.memref_slice %arg4[%multiple_of3A, %dma_start3A_286] : memref<160000x32xf32, #tpu.memory_space<hbm>> -> memref<128x32xf32, #tpu.memory_space<hbm>>
        tpu.enqueue_dma source(%arg6 : memref<128x32xf32, #tpu.memory_space<vmem>>) target(%dma_start3A_287 : memref<128x32xf32, #tpu.memory_space<hbm>>) target_semaphore(%run_scoped3A : memref<!tpu.dma_semaphore, #tpu.memory_space<semaphore_mem>>)
        %dma_wait3A_288 = arith.constant 0 : i32
        %dma_wait3A_289 = tpu.memref_slice %arg4[%multiple_of3A, %dma_wait3A_288] : memref<160000x32xf32, #tpu.memory_space<hbm>> -> memref<128x32xf32, #tpu.memory_space<hbm>>
        %dma_wait3A_290 = arith.constant 0 : i32
        %dma_wait3A_291 = tpu.memref_slice %arg4[%multiple_of3A, %dma_wait3A_290] : memref<160000x32xf32, #tpu.memory_space<hbm>> -> memref<128x32xf32, #tpu.memory_space<hbm>>
        tpu.wait_dma2 semaphore(%run_scoped3A : memref<!tpu.dma_semaphore, #tpu.memory_space<semaphore_mem>>) src(%arg6 : memref<128x32xf32, #tpu.memory_space<vmem>>) dst(%dma_wait3A_291 : memref<128x32xf32, #tpu.memory_space<hbm>>)
        tpu.yield
      }) : () -> ()
    } else {
    }
    %add3A_145 = arith.constant 672 : i32
    %add3A_146 = arith.addi %add3A, %add3A_145 : i32
    %lt3A_147 = arith.constant 1250 : i32
    %lt3A_148 = arith.cmpi slt, %add3A_146, %lt3A_147 : i32
    %convert_element_type3A_149 = arith.extui %lt3A_148 : i1 to i32
    %cond3A_150 = arith.constant 0 : i32
    %cond3A_151 = arith.cmpi ne, %convert_element_type3A_149, %cond3A_150 : i32
    scf.if %cond3A_151 {
      %mul3A_278 = arith.constant 128 : i32
      %mul3A_279 = arith.muli %add3A_146, %mul3A_278 : i32
      %multiple_of3A = tpu.assume_multiple %mul3A_279, 128 : i32
      "tpu.region"() ({
        %run_scoped3A = tpu.sem_alloc : memref<!tpu.dma_semaphore, #tpu.memory_space<semaphore_mem>>
        %dma_start3A_284 = tpu.memref_slice %arg3[%multiple_of3A] : memref<160000xi32, #tpu.memory_space<hbm>> -> memref<128xi32, #tpu.memory_space<hbm>>
        %dma_start3A_285 = tpu.memref_slice %arg3[%multiple_of3A] : memref<160000xi32, #tpu.memory_space<hbm>> -> memref<128xi32, #tpu.memory_space<hbm>>
        tpu.enqueue_dma source(%dma_start3A_285 : memref<128xi32, #tpu.memory_space<hbm>>) target(%arg5 : memref<128xi32, #tpu.memory_space<vmem>>) target_semaphore(%run_scoped3A : memref<!tpu.dma_semaphore, #tpu.memory_space<semaphore_mem>>)
        %dma_wait3A_286 = tpu.memref_slice %arg3[%multiple_of3A] : memref<160000xi32, #tpu.memory_space<hbm>> -> memref<128xi32, #tpu.memory_space<hbm>>
        %dma_wait3A_287 = tpu.memref_slice %arg3[%multiple_of3A] : memref<160000xi32, #tpu.memory_space<hbm>> -> memref<128xi32, #tpu.memory_space<hbm>>
        tpu.wait_dma2 semaphore(%run_scoped3A : memref<!tpu.dma_semaphore, #tpu.memory_space<semaphore_mem>>) src(%dma_wait3A_287 : memref<128xi32, #tpu.memory_space<hbm>>) dst(%arg5 : memref<128xi32, #tpu.memory_space<vmem>>)
        tpu.yield
      }) : () -> ()
      %dma_start3A = arith.constant 0 : i32
      %dma_start3A_280 = arith.constant 0 : i32
      %dma_start3A_281 = tpu.memref_slice %arg2[%dma_start3A, %dma_start3A_280] : memref<10240x32xf32, #tpu.memory_space<hbm>> -> memref<10240x32xf32, #tpu.memory_space<hbm>>
      tpu.enqueue_indirect_dma source(%dma_start3A_281 : memref<10240x32xf32, #tpu.memory_space<hbm>>) target(%arg6 : memref<128x32xf32, #tpu.memory_space<vmem>>) offsets(%arg5 : memref<128xi32, #tpu.memory_space<vmem>>) semaphore(%arg7 : memref<!tpu.dma_semaphore, #tpu.memory_space<semaphore_mem>>)
      %dma_wait3A = arith.constant 0 : i32
      %dma_wait3A_282 = arith.constant 0 : i32
      %dma_wait3A_283 = tpu.memref_slice %arg2[%dma_wait3A, %dma_wait3A_282] : memref<10240x32xf32, #tpu.memory_space<hbm>> -> memref<10240x32xf32, #tpu.memory_space<hbm>>
      tpu.wait_indirect_dma semaphore(%arg7 : memref<!tpu.dma_semaphore, #tpu.memory_space<semaphore_mem>>) src(%dma_wait3A_283 : memref<10240x32xf32, #tpu.memory_space<hbm>>) dst(%arg6 : memref<128x32xf32, #tpu.memory_space<vmem>>)
      "tpu.region"() ({
        %run_scoped3A = tpu.sem_alloc : memref<!tpu.dma_semaphore, #tpu.memory_space<semaphore_mem>>
        %dma_start3A_284 = arith.constant 0 : i32
        %dma_start3A_285 = tpu.memref_slice %arg4[%multiple_of3A, %dma_start3A_284] : memref<160000x32xf32, #tpu.memory_space<hbm>> -> memref<128x32xf32, #tpu.memory_space<hbm>>
        %dma_start3A_286 = arith.constant 0 : i32
        %dma_start3A_287 = tpu.memref_slice %arg4[%multiple_of3A, %dma_start3A_286] : memref<160000x32xf32, #tpu.memory_space<hbm>> -> memref<128x32xf32, #tpu.memory_space<hbm>>
        tpu.enqueue_dma source(%arg6 : memref<128x32xf32, #tpu.memory_space<vmem>>) target(%dma_start3A_287 : memref<128x32xf32, #tpu.memory_space<hbm>>) target_semaphore(%run_scoped3A : memref<!tpu.dma_semaphore, #tpu.memory_space<semaphore_mem>>)
        %dma_wait3A_288 = arith.constant 0 : i32
        %dma_wait3A_289 = tpu.memref_slice %arg4[%multiple_of3A, %dma_wait3A_288] : memref<160000x32xf32, #tpu.memory_space<hbm>> -> memref<128x32xf32, #tpu.memory_space<hbm>>
        %dma_wait3A_290 = arith.constant 0 : i32
        %dma_wait3A_291 = tpu.memref_slice %arg4[%multiple_of3A, %dma_wait3A_290] : memref<160000x32xf32, #tpu.memory_space<hbm>> -> memref<128x32xf32, #tpu.memory_space<hbm>>
        tpu.wait_dma2 semaphore(%run_scoped3A : memref<!tpu.dma_semaphore, #tpu.memory_space<semaphore_mem>>) src(%arg6 : memref<128x32xf32, #tpu.memory_space<vmem>>) dst(%dma_wait3A_291 : memref<128x32xf32, #tpu.memory_space<hbm>>)
        tpu.yield
      }) : () -> ()
    } else {
    }
    %add3A_152 = arith.constant 704 : i32
    %add3A_153 = arith.addi %add3A, %add3A_152 : i32
    %lt3A_154 = arith.constant 1250 : i32
    %lt3A_155 = arith.cmpi slt, %add3A_153, %lt3A_154 : i32
    %convert_element_type3A_156 = arith.extui %lt3A_155 : i1 to i32
    %cond3A_157 = arith.constant 0 : i32
    %cond3A_158 = arith.cmpi ne, %convert_element_type3A_156, %cond3A_157 : i32
    scf.if %cond3A_158 {
      %mul3A_278 = arith.constant 128 : i32
      %mul3A_279 = arith.muli %add3A_153, %mul3A_278 : i32
      %multiple_of3A = tpu.assume_multiple %mul3A_279, 128 : i32
      "tpu.region"() ({
        %run_scoped3A = tpu.sem_alloc : memref<!tpu.dma_semaphore, #tpu.memory_space<semaphore_mem>>
        %dma_start3A_284 = tpu.memref_slice %arg3[%multiple_of3A] : memref<160000xi32, #tpu.memory_space<hbm>> -> memref<128xi32, #tpu.memory_space<hbm>>
        %dma_start3A_285 = tpu.memref_slice %arg3[%multiple_of3A] : memref<160000xi32, #tpu.memory_space<hbm>> -> memref<128xi32, #tpu.memory_space<hbm>>
        tpu.enqueue_dma source(%dma_start3A_285 : memref<128xi32, #tpu.memory_space<hbm>>) target(%arg5 : memref<128xi32, #tpu.memory_space<vmem>>) target_semaphore(%run_scoped3A : memref<!tpu.dma_semaphore, #tpu.memory_space<semaphore_mem>>)
        %dma_wait3A_286 = tpu.memref_slice %arg3[%multiple_of3A] : memref<160000xi32, #tpu.memory_space<hbm>> -> memref<128xi32, #tpu.memory_space<hbm>>
        %dma_wait3A_287 = tpu.memref_slice %arg3[%multiple_of3A] : memref<160000xi32, #tpu.memory_space<hbm>> -> memref<128xi32, #tpu.memory_space<hbm>>
        tpu.wait_dma2 semaphore(%run_scoped3A : memref<!tpu.dma_semaphore, #tpu.memory_space<semaphore_mem>>) src(%dma_wait3A_287 : memref<128xi32, #tpu.memory_space<hbm>>) dst(%arg5 : memref<128xi32, #tpu.memory_space<vmem>>)
        tpu.yield
      }) : () -> ()
      %dma_start3A = arith.constant 0 : i32
      %dma_start3A_280 = arith.constant 0 : i32
      %dma_start3A_281 = tpu.memref_slice %arg2[%dma_start3A, %dma_start3A_280] : memref<10240x32xf32, #tpu.memory_space<hbm>> -> memref<10240x32xf32, #tpu.memory_space<hbm>>
      tpu.enqueue_indirect_dma source(%dma_start3A_281 : memref<10240x32xf32, #tpu.memory_space<hbm>>) target(%arg6 : memref<128x32xf32, #tpu.memory_space<vmem>>) offsets(%arg5 : memref<128xi32, #tpu.memory_space<vmem>>) semaphore(%arg7 : memref<!tpu.dma_semaphore, #tpu.memory_space<semaphore_mem>>)
      %dma_wait3A = arith.constant 0 : i32
      %dma_wait3A_282 = arith.constant 0 : i32
      %dma_wait3A_283 = tpu.memref_slice %arg2[%dma_wait3A, %dma_wait3A_282] : memref<10240x32xf32, #tpu.memory_space<hbm>> -> memref<10240x32xf32, #tpu.memory_space<hbm>>
      tpu.wait_indirect_dma semaphore(%arg7 : memref<!tpu.dma_semaphore, #tpu.memory_space<semaphore_mem>>) src(%dma_wait3A_283 : memref<10240x32xf32, #tpu.memory_space<hbm>>) dst(%arg6 : memref<128x32xf32, #tpu.memory_space<vmem>>)
      "tpu.region"() ({
        %run_scoped3A = tpu.sem_alloc : memref<!tpu.dma_semaphore, #tpu.memory_space<semaphore_mem>>
        %dma_start3A_284 = arith.constant 0 : i32
        %dma_start3A_285 = tpu.memref_slice %arg4[%multiple_of3A, %dma_start3A_284] : memref<160000x32xf32, #tpu.memory_space<hbm>> -> memref<128x32xf32, #tpu.memory_space<hbm>>
        %dma_start3A_286 = arith.constant 0 : i32
        %dma_start3A_287 = tpu.memref_slice %arg4[%multiple_of3A, %dma_start3A_286] : memref<160000x32xf32, #tpu.memory_space<hbm>> -> memref<128x32xf32, #tpu.memory_space<hbm>>
        tpu.enqueue_dma source(%arg6 : memref<128x32xf32, #tpu.memory_space<vmem>>) target(%dma_start3A_287 : memref<128x32xf32, #tpu.memory_space<hbm>>) target_semaphore(%run_scoped3A : memref<!tpu.dma_semaphore, #tpu.memory_space<semaphore_mem>>)
        %dma_wait3A_288 = arith.constant 0 : i32
        %dma_wait3A_289 = tpu.memref_slice %arg4[%multiple_of3A, %dma_wait3A_288] : memref<160000x32xf32, #tpu.memory_space<hbm>> -> memref<128x32xf32, #tpu.memory_space<hbm>>
        %dma_wait3A_290 = arith.constant 0 : i32
        %dma_wait3A_291 = tpu.memref_slice %arg4[%multiple_of3A, %dma_wait3A_290] : memref<160000x32xf32, #tpu.memory_space<hbm>> -> memref<128x32xf32, #tpu.memory_space<hbm>>
        tpu.wait_dma2 semaphore(%run_scoped3A : memref<!tpu.dma_semaphore, #tpu.memory_space<semaphore_mem>>) src(%arg6 : memref<128x32xf32, #tpu.memory_space<vmem>>) dst(%dma_wait3A_291 : memref<128x32xf32, #tpu.memory_space<hbm>>)
        tpu.yield
      }) : () -> ()
    } else {
    }
    %add3A_159 = arith.constant 736 : i32
    %add3A_160 = arith.addi %add3A, %add3A_159 : i32
    %lt3A_161 = arith.constant 1250 : i32
    %lt3A_162 = arith.cmpi slt, %add3A_160, %lt3A_161 : i32
    %convert_element_type3A_163 = arith.extui %lt3A_162 : i1 to i32
    %cond3A_164 = arith.constant 0 : i32
    %cond3A_165 = arith.cmpi ne, %convert_element_type3A_163, %cond3A_164 : i32
    scf.if %cond3A_165 {
      %mul3A_278 = arith.constant 128 : i32
      %mul3A_279 = arith.muli %add3A_160, %mul3A_278 : i32
      %multiple_of3A = tpu.assume_multiple %mul3A_279, 128 : i32
      "tpu.region"() ({
        %run_scoped3A = tpu.sem_alloc : memref<!tpu.dma_semaphore, #tpu.memory_space<semaphore_mem>>
        %dma_start3A_284 = tpu.memref_slice %arg3[%multiple_of3A] : memref<160000xi32, #tpu.memory_space<hbm>> -> memref<128xi32, #tpu.memory_space<hbm>>
        %dma_start3A_285 = tpu.memref_slice %arg3[%multiple_of3A] : memref<160000xi32, #tpu.memory_space<hbm>> -> memref<128xi32, #tpu.memory_space<hbm>>
        tpu.enqueue_dma source(%dma_start3A_285 : memref<128xi32, #tpu.memory_space<hbm>>) target(%arg5 : memref<128xi32, #tpu.memory_space<vmem>>) target_semaphore(%run_scoped3A : memref<!tpu.dma_semaphore, #tpu.memory_space<semaphore_mem>>)
        %dma_wait3A_286 = tpu.memref_slice %arg3[%multiple_of3A] : memref<160000xi32, #tpu.memory_space<hbm>> -> memref<128xi32, #tpu.memory_space<hbm>>
        %dma_wait3A_287 = tpu.memref_slice %arg3[%multiple_of3A] : memref<160000xi32, #tpu.memory_space<hbm>> -> memref<128xi32, #tpu.memory_space<hbm>>
        tpu.wait_dma2 semaphore(%run_scoped3A : memref<!tpu.dma_semaphore, #tpu.memory_space<semaphore_mem>>) src(%dma_wait3A_287 : memref<128xi32, #tpu.memory_space<hbm>>) dst(%arg5 : memref<128xi32, #tpu.memory_space<vmem>>)
        tpu.yield
      }) : () -> ()
      %dma_start3A = arith.constant 0 : i32
      %dma_start3A_280 = arith.constant 0 : i32
      %dma_start3A_281 = tpu.memref_slice %arg2[%dma_start3A, %dma_start3A_280] : memref<10240x32xf32, #tpu.memory_space<hbm>> -> memref<10240x32xf32, #tpu.memory_space<hbm>>
      tpu.enqueue_indirect_dma source(%dma_start3A_281 : memref<10240x32xf32, #tpu.memory_space<hbm>>) target(%arg6 : memref<128x32xf32, #tpu.memory_space<vmem>>) offsets(%arg5 : memref<128xi32, #tpu.memory_space<vmem>>) semaphore(%arg7 : memref<!tpu.dma_semaphore, #tpu.memory_space<semaphore_mem>>)
      %dma_wait3A = arith.constant 0 : i32
      %dma_wait3A_282 = arith.constant 0 : i32
      %dma_wait3A_283 = tpu.memref_slice %arg2[%dma_wait3A, %dma_wait3A_282] : memref<10240x32xf32, #tpu.memory_space<hbm>> -> memref<10240x32xf32, #tpu.memory_space<hbm>>
      tpu.wait_indirect_dma semaphore(%arg7 : memref<!tpu.dma_semaphore, #tpu.memory_space<semaphore_mem>>) src(%dma_wait3A_283 : memref<10240x32xf32, #tpu.memory_space<hbm>>) dst(%arg6 : memref<128x32xf32, #tpu.memory_space<vmem>>)
      "tpu.region"() ({
        %run_scoped3A = tpu.sem_alloc : memref<!tpu.dma_semaphore, #tpu.memory_space<semaphore_mem>>
        %dma_start3A_284 = arith.constant 0 : i32
        %dma_start3A_285 = tpu.memref_slice %arg4[%multiple_of3A, %dma_start3A_284] : memref<160000x32xf32, #tpu.memory_space<hbm>> -> memref<128x32xf32, #tpu.memory_space<hbm>>
        %dma_start3A_286 = arith.constant 0 : i32
        %dma_start3A_287 = tpu.memref_slice %arg4[%multiple_of3A, %dma_start3A_286] : memref<160000x32xf32, #tpu.memory_space<hbm>> -> memref<128x32xf32, #tpu.memory_space<hbm>>
        tpu.enqueue_dma source(%arg6 : memref<128x32xf32, #tpu.memory_space<vmem>>) target(%dma_start3A_287 : memref<128x32xf32, #tpu.memory_space<hbm>>) target_semaphore(%run_scoped3A : memref<!tpu.dma_semaphore, #tpu.memory_space<semaphore_mem>>)
        %dma_wait3A_288 = arith.constant 0 : i32
        %dma_wait3A_289 = tpu.memref_slice %arg4[%multiple_of3A, %dma_wait3A_288] : memref<160000x32xf32, #tpu.memory_space<hbm>> -> memref<128x32xf32, #tpu.memory_space<hbm>>
        %dma_wait3A_290 = arith.constant 0 : i32
        %dma_wait3A_291 = tpu.memref_slice %arg4[%multiple_of3A, %dma_wait3A_290] : memref<160000x32xf32, #tpu.memory_space<hbm>> -> memref<128x32xf32, #tpu.memory_space<hbm>>
        tpu.wait_dma2 semaphore(%run_scoped3A : memref<!tpu.dma_semaphore, #tpu.memory_space<semaphore_mem>>) src(%arg6 : memref<128x32xf32, #tpu.memory_space<vmem>>) dst(%dma_wait3A_291 : memref<128x32xf32, #tpu.memory_space<hbm>>)
        tpu.yield
      }) : () -> ()
    } else {
    }
    %add3A_166 = arith.constant 768 : i32
    %add3A_167 = arith.addi %add3A, %add3A_166 : i32
    %lt3A_168 = arith.constant 1250 : i32
    %lt3A_169 = arith.cmpi slt, %add3A_167, %lt3A_168 : i32
    %convert_element_type3A_170 = arith.extui %lt3A_169 : i1 to i32
    %cond3A_171 = arith.constant 0 : i32
    %cond3A_172 = arith.cmpi ne, %convert_element_type3A_170, %cond3A_171 : i32
    scf.if %cond3A_172 {
      %mul3A_278 = arith.constant 128 : i32
      %mul3A_279 = arith.muli %add3A_167, %mul3A_278 : i32
      %multiple_of3A = tpu.assume_multiple %mul3A_279, 128 : i32
      "tpu.region"() ({
        %run_scoped3A = tpu.sem_alloc : memref<!tpu.dma_semaphore, #tpu.memory_space<semaphore_mem>>
        %dma_start3A_284 = tpu.memref_slice %arg3[%multiple_of3A] : memref<160000xi32, #tpu.memory_space<hbm>> -> memref<128xi32, #tpu.memory_space<hbm>>
        %dma_start3A_285 = tpu.memref_slice %arg3[%multiple_of3A] : memref<160000xi32, #tpu.memory_space<hbm>> -> memref<128xi32, #tpu.memory_space<hbm>>
        tpu.enqueue_dma source(%dma_start3A_285 : memref<128xi32, #tpu.memory_space<hbm>>) target(%arg5 : memref<128xi32, #tpu.memory_space<vmem>>) target_semaphore(%run_scoped3A : memref<!tpu.dma_semaphore, #tpu.memory_space<semaphore_mem>>)
        %dma_wait3A_286 = tpu.memref_slice %arg3[%multiple_of3A] : memref<160000xi32, #tpu.memory_space<hbm>> -> memref<128xi32, #tpu.memory_space<hbm>>
        %dma_wait3A_287 = tpu.memref_slice %arg3[%multiple_of3A] : memref<160000xi32, #tpu.memory_space<hbm>> -> memref<128xi32, #tpu.memory_space<hbm>>
        tpu.wait_dma2 semaphore(%run_scoped3A : memref<!tpu.dma_semaphore, #tpu.memory_space<semaphore_mem>>) src(%dma_wait3A_287 : memref<128xi32, #tpu.memory_space<hbm>>) dst(%arg5 : memref<128xi32, #tpu.memory_space<vmem>>)
        tpu.yield
      }) : () -> ()
      %dma_start3A = arith.constant 0 : i32
      %dma_start3A_280 = arith.constant 0 : i32
      %dma_start3A_281 = tpu.memref_slice %arg2[%dma_start3A, %dma_start3A_280] : memref<10240x32xf32, #tpu.memory_space<hbm>> -> memref<10240x32xf32, #tpu.memory_space<hbm>>
      tpu.enqueue_indirect_dma source(%dma_start3A_281 : memref<10240x32xf32, #tpu.memory_space<hbm>>) target(%arg6 : memref<128x32xf32, #tpu.memory_space<vmem>>) offsets(%arg5 : memref<128xi32, #tpu.memory_space<vmem>>) semaphore(%arg7 : memref<!tpu.dma_semaphore, #tpu.memory_space<semaphore_mem>>)
      %dma_wait3A = arith.constant 0 : i32
      %dma_wait3A_282 = arith.constant 0 : i32
      %dma_wait3A_283 = tpu.memref_slice %arg2[%dma_wait3A, %dma_wait3A_282] : memref<10240x32xf32, #tpu.memory_space<hbm>> -> memref<10240x32xf32, #tpu.memory_space<hbm>>
      tpu.wait_indirect_dma semaphore(%arg7 : memref<!tpu.dma_semaphore, #tpu.memory_space<semaphore_mem>>) src(%dma_wait3A_283 : memref<10240x32xf32, #tpu.memory_space<hbm>>) dst(%arg6 : memref<128x32xf32, #tpu.memory_space<vmem>>)
      "tpu.region"() ({
        %run_scoped3A = tpu.sem_alloc : memref<!tpu.dma_semaphore, #tpu.memory_space<semaphore_mem>>
        %dma_start3A_284 = arith.constant 0 : i32
        %dma_start3A_285 = tpu.memref_slice %arg4[%multiple_of3A, %dma_start3A_284] : memref<160000x32xf32, #tpu.memory_space<hbm>> -> memref<128x32xf32, #tpu.memory_space<hbm>>
        %dma_start3A_286 = arith.constant 0 : i32
        %dma_start3A_287 = tpu.memref_slice %arg4[%multiple_of3A, %dma_start3A_286] : memref<160000x32xf32, #tpu.memory_space<hbm>> -> memref<128x32xf32, #tpu.memory_space<hbm>>
        tpu.enqueue_dma source(%arg6 : memref<128x32xf32, #tpu.memory_space<vmem>>) target(%dma_start3A_287 : memref<128x32xf32, #tpu.memory_space<hbm>>) target_semaphore(%run_scoped3A : memref<!tpu.dma_semaphore, #tpu.memory_space<semaphore_mem>>)
        %dma_wait3A_288 = arith.constant 0 : i32
        %dma_wait3A_289 = tpu.memref_slice %arg4[%multiple_of3A, %dma_wait3A_288] : memref<160000x32xf32, #tpu.memory_space<hbm>> -> memref<128x32xf32, #tpu.memory_space<hbm>>
        %dma_wait3A_290 = arith.constant 0 : i32
        %dma_wait3A_291 = tpu.memref_slice %arg4[%multiple_of3A, %dma_wait3A_290] : memref<160000x32xf32, #tpu.memory_space<hbm>> -> memref<128x32xf32, #tpu.memory_space<hbm>>
        tpu.wait_dma2 semaphore(%run_scoped3A : memref<!tpu.dma_semaphore, #tpu.memory_space<semaphore_mem>>) src(%arg6 : memref<128x32xf32, #tpu.memory_space<vmem>>) dst(%dma_wait3A_291 : memref<128x32xf32, #tpu.memory_space<hbm>>)
        tpu.yield
      }) : () -> ()
    } else {
    }
    %add3A_173 = arith.constant 800 : i32
    %add3A_174 = arith.addi %add3A, %add3A_173 : i32
    %lt3A_175 = arith.constant 1250 : i32
    %lt3A_176 = arith.cmpi slt, %add3A_174, %lt3A_175 : i32
    %convert_element_type3A_177 = arith.extui %lt3A_176 : i1 to i32
    %cond3A_178 = arith.constant 0 : i32
    %cond3A_179 = arith.cmpi ne, %convert_element_type3A_177, %cond3A_178 : i32
    scf.if %cond3A_179 {
      %mul3A_278 = arith.constant 128 : i32
      %mul3A_279 = arith.muli %add3A_174, %mul3A_278 : i32
      %multiple_of3A = tpu.assume_multiple %mul3A_279, 128 : i32
      "tpu.region"() ({
        %run_scoped3A = tpu.sem_alloc : memref<!tpu.dma_semaphore, #tpu.memory_space<semaphore_mem>>
        %dma_start3A_284 = tpu.memref_slice %arg3[%multiple_of3A] : memref<160000xi32, #tpu.memory_space<hbm>> -> memref<128xi32, #tpu.memory_space<hbm>>
        %dma_start3A_285 = tpu.memref_slice %arg3[%multiple_of3A] : memref<160000xi32, #tpu.memory_space<hbm>> -> memref<128xi32, #tpu.memory_space<hbm>>
        tpu.enqueue_dma source(%dma_start3A_285 : memref<128xi32, #tpu.memory_space<hbm>>) target(%arg5 : memref<128xi32, #tpu.memory_space<vmem>>) target_semaphore(%run_scoped3A : memref<!tpu.dma_semaphore, #tpu.memory_space<semaphore_mem>>)
        %dma_wait3A_286 = tpu.memref_slice %arg3[%multiple_of3A] : memref<160000xi32, #tpu.memory_space<hbm>> -> memref<128xi32, #tpu.memory_space<hbm>>
        %dma_wait3A_287 = tpu.memref_slice %arg3[%multiple_of3A] : memref<160000xi32, #tpu.memory_space<hbm>> -> memref<128xi32, #tpu.memory_space<hbm>>
        tpu.wait_dma2 semaphore(%run_scoped3A : memref<!tpu.dma_semaphore, #tpu.memory_space<semaphore_mem>>) src(%dma_wait3A_287 : memref<128xi32, #tpu.memory_space<hbm>>) dst(%arg5 : memref<128xi32, #tpu.memory_space<vmem>>)
        tpu.yield
      }) : () -> ()
      %dma_start3A = arith.constant 0 : i32
      %dma_start3A_280 = arith.constant 0 : i32
      %dma_start3A_281 = tpu.memref_slice %arg2[%dma_start3A, %dma_start3A_280] : memref<10240x32xf32, #tpu.memory_space<hbm>> -> memref<10240x32xf32, #tpu.memory_space<hbm>>
      tpu.enqueue_indirect_dma source(%dma_start3A_281 : memref<10240x32xf32, #tpu.memory_space<hbm>>) target(%arg6 : memref<128x32xf32, #tpu.memory_space<vmem>>) offsets(%arg5 : memref<128xi32, #tpu.memory_space<vmem>>) semaphore(%arg7 : memref<!tpu.dma_semaphore, #tpu.memory_space<semaphore_mem>>)
      %dma_wait3A = arith.constant 0 : i32
      %dma_wait3A_282 = arith.constant 0 : i32
      %dma_wait3A_283 = tpu.memref_slice %arg2[%dma_wait3A, %dma_wait3A_282] : memref<10240x32xf32, #tpu.memory_space<hbm>> -> memref<10240x32xf32, #tpu.memory_space<hbm>>
      tpu.wait_indirect_dma semaphore(%arg7 : memref<!tpu.dma_semaphore, #tpu.memory_space<semaphore_mem>>) src(%dma_wait3A_283 : memref<10240x32xf32, #tpu.memory_space<hbm>>) dst(%arg6 : memref<128x32xf32, #tpu.memory_space<vmem>>)
      "tpu.region"() ({
        %run_scoped3A = tpu.sem_alloc : memref<!tpu.dma_semaphore, #tpu.memory_space<semaphore_mem>>
        %dma_start3A_284 = arith.constant 0 : i32
        %dma_start3A_285 = tpu.memref_slice %arg4[%multiple_of3A, %dma_start3A_284] : memref<160000x32xf32, #tpu.memory_space<hbm>> -> memref<128x32xf32, #tpu.memory_space<hbm>>
        %dma_start3A_286 = arith.constant 0 : i32
        %dma_start3A_287 = tpu.memref_slice %arg4[%multiple_of3A, %dma_start3A_286] : memref<160000x32xf32, #tpu.memory_space<hbm>> -> memref<128x32xf32, #tpu.memory_space<hbm>>
        tpu.enqueue_dma source(%arg6 : memref<128x32xf32, #tpu.memory_space<vmem>>) target(%dma_start3A_287 : memref<128x32xf32, #tpu.memory_space<hbm>>) target_semaphore(%run_scoped3A : memref<!tpu.dma_semaphore, #tpu.memory_space<semaphore_mem>>)
        %dma_wait3A_288 = arith.constant 0 : i32
        %dma_wait3A_289 = tpu.memref_slice %arg4[%multiple_of3A, %dma_wait3A_288] : memref<160000x32xf32, #tpu.memory_space<hbm>> -> memref<128x32xf32, #tpu.memory_space<hbm>>
        %dma_wait3A_290 = arith.constant 0 : i32
        %dma_wait3A_291 = tpu.memref_slice %arg4[%multiple_of3A, %dma_wait3A_290] : memref<160000x32xf32, #tpu.memory_space<hbm>> -> memref<128x32xf32, #tpu.memory_space<hbm>>
        tpu.wait_dma2 semaphore(%run_scoped3A : memref<!tpu.dma_semaphore, #tpu.memory_space<semaphore_mem>>) src(%arg6 : memref<128x32xf32, #tpu.memory_space<vmem>>) dst(%dma_wait3A_291 : memref<128x32xf32, #tpu.memory_space<hbm>>)
        tpu.yield
      }) : () -> ()
    } else {
    }
    %add3A_180 = arith.constant 832 : i32
    %add3A_181 = arith.addi %add3A, %add3A_180 : i32
    %lt3A_182 = arith.constant 1250 : i32
    %lt3A_183 = arith.cmpi slt, %add3A_181, %lt3A_182 : i32
    %convert_element_type3A_184 = arith.extui %lt3A_183 : i1 to i32
    %cond3A_185 = arith.constant 0 : i32
    %cond3A_186 = arith.cmpi ne, %convert_element_type3A_184, %cond3A_185 : i32
    scf.if %cond3A_186 {
      %mul3A_278 = arith.constant 128 : i32
      %mul3A_279 = arith.muli %add3A_181, %mul3A_278 : i32
      %multiple_of3A = tpu.assume_multiple %mul3A_279, 128 : i32
      "tpu.region"() ({
        %run_scoped3A = tpu.sem_alloc : memref<!tpu.dma_semaphore, #tpu.memory_space<semaphore_mem>>
        %dma_start3A_284 = tpu.memref_slice %arg3[%multiple_of3A] : memref<160000xi32, #tpu.memory_space<hbm>> -> memref<128xi32, #tpu.memory_space<hbm>>
        %dma_start3A_285 = tpu.memref_slice %arg3[%multiple_of3A] : memref<160000xi32, #tpu.memory_space<hbm>> -> memref<128xi32, #tpu.memory_space<hbm>>
        tpu.enqueue_dma source(%dma_start3A_285 : memref<128xi32, #tpu.memory_space<hbm>>) target(%arg5 : memref<128xi32, #tpu.memory_space<vmem>>) target_semaphore(%run_scoped3A : memref<!tpu.dma_semaphore, #tpu.memory_space<semaphore_mem>>)
        %dma_wait3A_286 = tpu.memref_slice %arg3[%multiple_of3A] : memref<160000xi32, #tpu.memory_space<hbm>> -> memref<128xi32, #tpu.memory_space<hbm>>
        %dma_wait3A_287 = tpu.memref_slice %arg3[%multiple_of3A] : memref<160000xi32, #tpu.memory_space<hbm>> -> memref<128xi32, #tpu.memory_space<hbm>>
        tpu.wait_dma2 semaphore(%run_scoped3A : memref<!tpu.dma_semaphore, #tpu.memory_space<semaphore_mem>>) src(%dma_wait3A_287 : memref<128xi32, #tpu.memory_space<hbm>>) dst(%arg5 : memref<128xi32, #tpu.memory_space<vmem>>)
        tpu.yield
      }) : () -> ()
      %dma_start3A = arith.constant 0 : i32
      %dma_start3A_280 = arith.constant 0 : i32
      %dma_start3A_281 = tpu.memref_slice %arg2[%dma_start3A, %dma_start3A_280] : memref<10240x32xf32, #tpu.memory_space<hbm>> -> memref<10240x32xf32, #tpu.memory_space<hbm>>
      tpu.enqueue_indirect_dma source(%dma_start3A_281 : memref<10240x32xf32, #tpu.memory_space<hbm>>) target(%arg6 : memref<128x32xf32, #tpu.memory_space<vmem>>) offsets(%arg5 : memref<128xi32, #tpu.memory_space<vmem>>) semaphore(%arg7 : memref<!tpu.dma_semaphore, #tpu.memory_space<semaphore_mem>>)
      %dma_wait3A = arith.constant 0 : i32
      %dma_wait3A_282 = arith.constant 0 : i32
      %dma_wait3A_283 = tpu.memref_slice %arg2[%dma_wait3A, %dma_wait3A_282] : memref<10240x32xf32, #tpu.memory_space<hbm>> -> memref<10240x32xf32, #tpu.memory_space<hbm>>
      tpu.wait_indirect_dma semaphore(%arg7 : memref<!tpu.dma_semaphore, #tpu.memory_space<semaphore_mem>>) src(%dma_wait3A_283 : memref<10240x32xf32, #tpu.memory_space<hbm>>) dst(%arg6 : memref<128x32xf32, #tpu.memory_space<vmem>>)
      "tpu.region"() ({
        %run_scoped3A = tpu.sem_alloc : memref<!tpu.dma_semaphore, #tpu.memory_space<semaphore_mem>>
        %dma_start3A_284 = arith.constant 0 : i32
        %dma_start3A_285 = tpu.memref_slice %arg4[%multiple_of3A, %dma_start3A_284] : memref<160000x32xf32, #tpu.memory_space<hbm>> -> memref<128x32xf32, #tpu.memory_space<hbm>>
        %dma_start3A_286 = arith.constant 0 : i32
        %dma_start3A_287 = tpu.memref_slice %arg4[%multiple_of3A, %dma_start3A_286] : memref<160000x32xf32, #tpu.memory_space<hbm>> -> memref<128x32xf32, #tpu.memory_space<hbm>>
        tpu.enqueue_dma source(%arg6 : memref<128x32xf32, #tpu.memory_space<vmem>>) target(%dma_start3A_287 : memref<128x32xf32, #tpu.memory_space<hbm>>) target_semaphore(%run_scoped3A : memref<!tpu.dma_semaphore, #tpu.memory_space<semaphore_mem>>)
        %dma_wait3A_288 = arith.constant 0 : i32
        %dma_wait3A_289 = tpu.memref_slice %arg4[%multiple_of3A, %dma_wait3A_288] : memref<160000x32xf32, #tpu.memory_space<hbm>> -> memref<128x32xf32, #tpu.memory_space<hbm>>
        %dma_wait3A_290 = arith.constant 0 : i32
        %dma_wait3A_291 = tpu.memref_slice %arg4[%multiple_of3A, %dma_wait3A_290] : memref<160000x32xf32, #tpu.memory_space<hbm>> -> memref<128x32xf32, #tpu.memory_space<hbm>>
        tpu.wait_dma2 semaphore(%run_scoped3A : memref<!tpu.dma_semaphore, #tpu.memory_space<semaphore_mem>>) src(%arg6 : memref<128x32xf32, #tpu.memory_space<vmem>>) dst(%dma_wait3A_291 : memref<128x32xf32, #tpu.memory_space<hbm>>)
        tpu.yield
      }) : () -> ()
    } else {
    }
    %add3A_187 = arith.constant 864 : i32
    %add3A_188 = arith.addi %add3A, %add3A_187 : i32
    %lt3A_189 = arith.constant 1250 : i32
    %lt3A_190 = arith.cmpi slt, %add3A_188, %lt3A_189 : i32
    %convert_element_type3A_191 = arith.extui %lt3A_190 : i1 to i32
    %cond3A_192 = arith.constant 0 : i32
    %cond3A_193 = arith.cmpi ne, %convert_element_type3A_191, %cond3A_192 : i32
    scf.if %cond3A_193 {
      %mul3A_278 = arith.constant 128 : i32
      %mul3A_279 = arith.muli %add3A_188, %mul3A_278 : i32
      %multiple_of3A = tpu.assume_multiple %mul3A_279, 128 : i32
      "tpu.region"() ({
        %run_scoped3A = tpu.sem_alloc : memref<!tpu.dma_semaphore, #tpu.memory_space<semaphore_mem>>
        %dma_start3A_284 = tpu.memref_slice %arg3[%multiple_of3A] : memref<160000xi32, #tpu.memory_space<hbm>> -> memref<128xi32, #tpu.memory_space<hbm>>
        %dma_start3A_285 = tpu.memref_slice %arg3[%multiple_of3A] : memref<160000xi32, #tpu.memory_space<hbm>> -> memref<128xi32, #tpu.memory_space<hbm>>
        tpu.enqueue_dma source(%dma_start3A_285 : memref<128xi32, #tpu.memory_space<hbm>>) target(%arg5 : memref<128xi32, #tpu.memory_space<vmem>>) target_semaphore(%run_scoped3A : memref<!tpu.dma_semaphore, #tpu.memory_space<semaphore_mem>>)
        %dma_wait3A_286 = tpu.memref_slice %arg3[%multiple_of3A] : memref<160000xi32, #tpu.memory_space<hbm>> -> memref<128xi32, #tpu.memory_space<hbm>>
        %dma_wait3A_287 = tpu.memref_slice %arg3[%multiple_of3A] : memref<160000xi32, #tpu.memory_space<hbm>> -> memref<128xi32, #tpu.memory_space<hbm>>
        tpu.wait_dma2 semaphore(%run_scoped3A : memref<!tpu.dma_semaphore, #tpu.memory_space<semaphore_mem>>) src(%dma_wait3A_287 : memref<128xi32, #tpu.memory_space<hbm>>) dst(%arg5 : memref<128xi32, #tpu.memory_space<vmem>>)
        tpu.yield
      }) : () -> ()
      %dma_start3A = arith.constant 0 : i32
      %dma_start3A_280 = arith.constant 0 : i32
      %dma_start3A_281 = tpu.memref_slice %arg2[%dma_start3A, %dma_start3A_280] : memref<10240x32xf32, #tpu.memory_space<hbm>> -> memref<10240x32xf32, #tpu.memory_space<hbm>>
      tpu.enqueue_indirect_dma source(%dma_start3A_281 : memref<10240x32xf32, #tpu.memory_space<hbm>>) target(%arg6 : memref<128x32xf32, #tpu.memory_space<vmem>>) offsets(%arg5 : memref<128xi32, #tpu.memory_space<vmem>>) semaphore(%arg7 : memref<!tpu.dma_semaphore, #tpu.memory_space<semaphore_mem>>)
      %dma_wait3A = arith.constant 0 : i32
      %dma_wait3A_282 = arith.constant 0 : i32
      %dma_wait3A_283 = tpu.memref_slice %arg2[%dma_wait3A, %dma_wait3A_282] : memref<10240x32xf32, #tpu.memory_space<hbm>> -> memref<10240x32xf32, #tpu.memory_space<hbm>>
      tpu.wait_indirect_dma semaphore(%arg7 : memref<!tpu.dma_semaphore, #tpu.memory_space<semaphore_mem>>) src(%dma_wait3A_283 : memref<10240x32xf32, #tpu.memory_space<hbm>>) dst(%arg6 : memref<128x32xf32, #tpu.memory_space<vmem>>)
      "tpu.region"() ({
        %run_scoped3A = tpu.sem_alloc : memref<!tpu.dma_semaphore, #tpu.memory_space<semaphore_mem>>
        %dma_start3A_284 = arith.constant 0 : i32
        %dma_start3A_285 = tpu.memref_slice %arg4[%multiple_of3A, %dma_start3A_284] : memref<160000x32xf32, #tpu.memory_space<hbm>> -> memref<128x32xf32, #tpu.memory_space<hbm>>
        %dma_start3A_286 = arith.constant 0 : i32
        %dma_start3A_287 = tpu.memref_slice %arg4[%multiple_of3A, %dma_start3A_286] : memref<160000x32xf32, #tpu.memory_space<hbm>> -> memref<128x32xf32, #tpu.memory_space<hbm>>
        tpu.enqueue_dma source(%arg6 : memref<128x32xf32, #tpu.memory_space<vmem>>) target(%dma_start3A_287 : memref<128x32xf32, #tpu.memory_space<hbm>>) target_semaphore(%run_scoped3A : memref<!tpu.dma_semaphore, #tpu.memory_space<semaphore_mem>>)
        %dma_wait3A_288 = arith.constant 0 : i32
        %dma_wait3A_289 = tpu.memref_slice %arg4[%multiple_of3A, %dma_wait3A_288] : memref<160000x32xf32, #tpu.memory_space<hbm>> -> memref<128x32xf32, #tpu.memory_space<hbm>>
        %dma_wait3A_290 = arith.constant 0 : i32
        %dma_wait3A_291 = tpu.memref_slice %arg4[%multiple_of3A, %dma_wait3A_290] : memref<160000x32xf32, #tpu.memory_space<hbm>> -> memref<128x32xf32, #tpu.memory_space<hbm>>
        tpu.wait_dma2 semaphore(%run_scoped3A : memref<!tpu.dma_semaphore, #tpu.memory_space<semaphore_mem>>) src(%arg6 : memref<128x32xf32, #tpu.memory_space<vmem>>) dst(%dma_wait3A_291 : memref<128x32xf32, #tpu.memory_space<hbm>>)
        tpu.yield
      }) : () -> ()
    } else {
    }
    %add3A_194 = arith.constant 896 : i32
    %add3A_195 = arith.addi %add3A, %add3A_194 : i32
    %lt3A_196 = arith.constant 1250 : i32
    %lt3A_197 = arith.cmpi slt, %add3A_195, %lt3A_196 : i32
    %convert_element_type3A_198 = arith.extui %lt3A_197 : i1 to i32
    %cond3A_199 = arith.constant 0 : i32
    %cond3A_200 = arith.cmpi ne, %convert_element_type3A_198, %cond3A_199 : i32
    scf.if %cond3A_200 {
      %mul3A_278 = arith.constant 128 : i32
      %mul3A_279 = arith.muli %add3A_195, %mul3A_278 : i32
      %multiple_of3A = tpu.assume_multiple %mul3A_279, 128 : i32
      "tpu.region"() ({
        %run_scoped3A = tpu.sem_alloc : memref<!tpu.dma_semaphore, #tpu.memory_space<semaphore_mem>>
        %dma_start3A_284 = tpu.memref_slice %arg3[%multiple_of3A] : memref<160000xi32, #tpu.memory_space<hbm>> -> memref<128xi32, #tpu.memory_space<hbm>>
        %dma_start3A_285 = tpu.memref_slice %arg3[%multiple_of3A] : memref<160000xi32, #tpu.memory_space<hbm>> -> memref<128xi32, #tpu.memory_space<hbm>>
        tpu.enqueue_dma source(%dma_start3A_285 : memref<128xi32, #tpu.memory_space<hbm>>) target(%arg5 : memref<128xi32, #tpu.memory_space<vmem>>) target_semaphore(%run_scoped3A : memref<!tpu.dma_semaphore, #tpu.memory_space<semaphore_mem>>)
        %dma_wait3A_286 = tpu.memref_slice %arg3[%multiple_of3A] : memref<160000xi32, #tpu.memory_space<hbm>> -> memref<128xi32, #tpu.memory_space<hbm>>
        %dma_wait3A_287 = tpu.memref_slice %arg3[%multiple_of3A] : memref<160000xi32, #tpu.memory_space<hbm>> -> memref<128xi32, #tpu.memory_space<hbm>>
        tpu.wait_dma2 semaphore(%run_scoped3A : memref<!tpu.dma_semaphore, #tpu.memory_space<semaphore_mem>>) src(%dma_wait3A_287 : memref<128xi32, #tpu.memory_space<hbm>>) dst(%arg5 : memref<128xi32, #tpu.memory_space<vmem>>)
        tpu.yield
      }) : () -> ()
      %dma_start3A = arith.constant 0 : i32
      %dma_start3A_280 = arith.constant 0 : i32
      %dma_start3A_281 = tpu.memref_slice %arg2[%dma_start3A, %dma_start3A_280] : memref<10240x32xf32, #tpu.memory_space<hbm>> -> memref<10240x32xf32, #tpu.memory_space<hbm>>
      tpu.enqueue_indirect_dma source(%dma_start3A_281 : memref<10240x32xf32, #tpu.memory_space<hbm>>) target(%arg6 : memref<128x32xf32, #tpu.memory_space<vmem>>) offsets(%arg5 : memref<128xi32, #tpu.memory_space<vmem>>) semaphore(%arg7 : memref<!tpu.dma_semaphore, #tpu.memory_space<semaphore_mem>>)
      %dma_wait3A = arith.constant 0 : i32
      %dma_wait3A_282 = arith.constant 0 : i32
      %dma_wait3A_283 = tpu.memref_slice %arg2[%dma_wait3A, %dma_wait3A_282] : memref<10240x32xf32, #tpu.memory_space<hbm>> -> memref<10240x32xf32, #tpu.memory_space<hbm>>
      tpu.wait_indirect_dma semaphore(%arg7 : memref<!tpu.dma_semaphore, #tpu.memory_space<semaphore_mem>>) src(%dma_wait3A_283 : memref<10240x32xf32, #tpu.memory_space<hbm>>) dst(%arg6 : memref<128x32xf32, #tpu.memory_space<vmem>>)
      "tpu.region"() ({
        %run_scoped3A = tpu.sem_alloc : memref<!tpu.dma_semaphore, #tpu.memory_space<semaphore_mem>>
        %dma_start3A_284 = arith.constant 0 : i32
        %dma_start3A_285 = tpu.memref_slice %arg4[%multiple_of3A, %dma_start3A_284] : memref<160000x32xf32, #tpu.memory_space<hbm>> -> memref<128x32xf32, #tpu.memory_space<hbm>>
        %dma_start3A_286 = arith.constant 0 : i32
        %dma_start3A_287 = tpu.memref_slice %arg4[%multiple_of3A, %dma_start3A_286] : memref<160000x32xf32, #tpu.memory_space<hbm>> -> memref<128x32xf32, #tpu.memory_space<hbm>>
        tpu.enqueue_dma source(%arg6 : memref<128x32xf32, #tpu.memory_space<vmem>>) target(%dma_start3A_287 : memref<128x32xf32, #tpu.memory_space<hbm>>) target_semaphore(%run_scoped3A : memref<!tpu.dma_semaphore, #tpu.memory_space<semaphore_mem>>)
        %dma_wait3A_288 = arith.constant 0 : i32
        %dma_wait3A_289 = tpu.memref_slice %arg4[%multiple_of3A, %dma_wait3A_288] : memref<160000x32xf32, #tpu.memory_space<hbm>> -> memref<128x32xf32, #tpu.memory_space<hbm>>
        %dma_wait3A_290 = arith.constant 0 : i32
        %dma_wait3A_291 = tpu.memref_slice %arg4[%multiple_of3A, %dma_wait3A_290] : memref<160000x32xf32, #tpu.memory_space<hbm>> -> memref<128x32xf32, #tpu.memory_space<hbm>>
        tpu.wait_dma2 semaphore(%run_scoped3A : memref<!tpu.dma_semaphore, #tpu.memory_space<semaphore_mem>>) src(%arg6 : memref<128x32xf32, #tpu.memory_space<vmem>>) dst(%dma_wait3A_291 : memref<128x32xf32, #tpu.memory_space<hbm>>)
        tpu.yield
      }) : () -> ()
    } else {
    }
    %add3A_201 = arith.constant 928 : i32
    %add3A_202 = arith.addi %add3A, %add3A_201 : i32
    %lt3A_203 = arith.constant 1250 : i32
    %lt3A_204 = arith.cmpi slt, %add3A_202, %lt3A_203 : i32
    %convert_element_type3A_205 = arith.extui %lt3A_204 : i1 to i32
    %cond3A_206 = arith.constant 0 : i32
    %cond3A_207 = arith.cmpi ne, %convert_element_type3A_205, %cond3A_206 : i32
    scf.if %cond3A_207 {
      %mul3A_278 = arith.constant 128 : i32
      %mul3A_279 = arith.muli %add3A_202, %mul3A_278 : i32
      %multiple_of3A = tpu.assume_multiple %mul3A_279, 128 : i32
      "tpu.region"() ({
        %run_scoped3A = tpu.sem_alloc : memref<!tpu.dma_semaphore, #tpu.memory_space<semaphore_mem>>
        %dma_start3A_284 = tpu.memref_slice %arg3[%multiple_of3A] : memref<160000xi32, #tpu.memory_space<hbm>> -> memref<128xi32, #tpu.memory_space<hbm>>
        %dma_start3A_285 = tpu.memref_slice %arg3[%multiple_of3A] : memref<160000xi32, #tpu.memory_space<hbm>> -> memref<128xi32, #tpu.memory_space<hbm>>
        tpu.enqueue_dma source(%dma_start3A_285 : memref<128xi32, #tpu.memory_space<hbm>>) target(%arg5 : memref<128xi32, #tpu.memory_space<vmem>>) target_semaphore(%run_scoped3A : memref<!tpu.dma_semaphore, #tpu.memory_space<semaphore_mem>>)
        %dma_wait3A_286 = tpu.memref_slice %arg3[%multiple_of3A] : memref<160000xi32, #tpu.memory_space<hbm>> -> memref<128xi32, #tpu.memory_space<hbm>>
        %dma_wait3A_287 = tpu.memref_slice %arg3[%multiple_of3A] : memref<160000xi32, #tpu.memory_space<hbm>> -> memref<128xi32, #tpu.memory_space<hbm>>
        tpu.wait_dma2 semaphore(%run_scoped3A : memref<!tpu.dma_semaphore, #tpu.memory_space<semaphore_mem>>) src(%dma_wait3A_287 : memref<128xi32, #tpu.memory_space<hbm>>) dst(%arg5 : memref<128xi32, #tpu.memory_space<vmem>>)
        tpu.yield
      }) : () -> ()
      %dma_start3A = arith.constant 0 : i32
      %dma_start3A_280 = arith.constant 0 : i32
      %dma_start3A_281 = tpu.memref_slice %arg2[%dma_start3A, %dma_start3A_280] : memref<10240x32xf32, #tpu.memory_space<hbm>> -> memref<10240x32xf32, #tpu.memory_space<hbm>>
      tpu.enqueue_indirect_dma source(%dma_start3A_281 : memref<10240x32xf32, #tpu.memory_space<hbm>>) target(%arg6 : memref<128x32xf32, #tpu.memory_space<vmem>>) offsets(%arg5 : memref<128xi32, #tpu.memory_space<vmem>>) semaphore(%arg7 : memref<!tpu.dma_semaphore, #tpu.memory_space<semaphore_mem>>)
      %dma_wait3A = arith.constant 0 : i32
      %dma_wait3A_282 = arith.constant 0 : i32
      %dma_wait3A_283 = tpu.memref_slice %arg2[%dma_wait3A, %dma_wait3A_282] : memref<10240x32xf32, #tpu.memory_space<hbm>> -> memref<10240x32xf32, #tpu.memory_space<hbm>>
      tpu.wait_indirect_dma semaphore(%arg7 : memref<!tpu.dma_semaphore, #tpu.memory_space<semaphore_mem>>) src(%dma_wait3A_283 : memref<10240x32xf32, #tpu.memory_space<hbm>>) dst(%arg6 : memref<128x32xf32, #tpu.memory_space<vmem>>)
      "tpu.region"() ({
        %run_scoped3A = tpu.sem_alloc : memref<!tpu.dma_semaphore, #tpu.memory_space<semaphore_mem>>
        %dma_start3A_284 = arith.constant 0 : i32
        %dma_start3A_285 = tpu.memref_slice %arg4[%multiple_of3A, %dma_start3A_284] : memref<160000x32xf32, #tpu.memory_space<hbm>> -> memref<128x32xf32, #tpu.memory_space<hbm>>
        %dma_start3A_286 = arith.constant 0 : i32
        %dma_start3A_287 = tpu.memref_slice %arg4[%multiple_of3A, %dma_start3A_286] : memref<160000x32xf32, #tpu.memory_space<hbm>> -> memref<128x32xf32, #tpu.memory_space<hbm>>
        tpu.enqueue_dma source(%arg6 : memref<128x32xf32, #tpu.memory_space<vmem>>) target(%dma_start3A_287 : memref<128x32xf32, #tpu.memory_space<hbm>>) target_semaphore(%run_scoped3A : memref<!tpu.dma_semaphore, #tpu.memory_space<semaphore_mem>>)
        %dma_wait3A_288 = arith.constant 0 : i32
        %dma_wait3A_289 = tpu.memref_slice %arg4[%multiple_of3A, %dma_wait3A_288] : memref<160000x32xf32, #tpu.memory_space<hbm>> -> memref<128x32xf32, #tpu.memory_space<hbm>>
        %dma_wait3A_290 = arith.constant 0 : i32
        %dma_wait3A_291 = tpu.memref_slice %arg4[%multiple_of3A, %dma_wait3A_290] : memref<160000x32xf32, #tpu.memory_space<hbm>> -> memref<128x32xf32, #tpu.memory_space<hbm>>
        tpu.wait_dma2 semaphore(%run_scoped3A : memref<!tpu.dma_semaphore, #tpu.memory_space<semaphore_mem>>) src(%arg6 : memref<128x32xf32, #tpu.memory_space<vmem>>) dst(%dma_wait3A_291 : memref<128x32xf32, #tpu.memory_space<hbm>>)
        tpu.yield
      }) : () -> ()
    } else {
    }
    %add3A_208 = arith.constant 960 : i32
    %add3A_209 = arith.addi %add3A, %add3A_208 : i32
    %lt3A_210 = arith.constant 1250 : i32
    %lt3A_211 = arith.cmpi slt, %add3A_209, %lt3A_210 : i32
    %convert_element_type3A_212 = arith.extui %lt3A_211 : i1 to i32
    %cond3A_213 = arith.constant 0 : i32
    %cond3A_214 = arith.cmpi ne, %convert_element_type3A_212, %cond3A_213 : i32
    scf.if %cond3A_214 {
      %mul3A_278 = arith.constant 128 : i32
      %mul3A_279 = arith.muli %add3A_209, %mul3A_278 : i32
      %multiple_of3A = tpu.assume_multiple %mul3A_279, 128 : i32
      "tpu.region"() ({
        %run_scoped3A = tpu.sem_alloc : memref<!tpu.dma_semaphore, #tpu.memory_space<semaphore_mem>>
        %dma_start3A_284 = tpu.memref_slice %arg3[%multiple_of3A] : memref<160000xi32, #tpu.memory_space<hbm>> -> memref<128xi32, #tpu.memory_space<hbm>>
        %dma_start3A_285 = tpu.memref_slice %arg3[%multiple_of3A] : memref<160000xi32, #tpu.memory_space<hbm>> -> memref<128xi32, #tpu.memory_space<hbm>>
        tpu.enqueue_dma source(%dma_start3A_285 : memref<128xi32, #tpu.memory_space<hbm>>) target(%arg5 : memref<128xi32, #tpu.memory_space<vmem>>) target_semaphore(%run_scoped3A : memref<!tpu.dma_semaphore, #tpu.memory_space<semaphore_mem>>)
        %dma_wait3A_286 = tpu.memref_slice %arg3[%multiple_of3A] : memref<160000xi32, #tpu.memory_space<hbm>> -> memref<128xi32, #tpu.memory_space<hbm>>
        %dma_wait3A_287 = tpu.memref_slice %arg3[%multiple_of3A] : memref<160000xi32, #tpu.memory_space<hbm>> -> memref<128xi32, #tpu.memory_space<hbm>>
        tpu.wait_dma2 semaphore(%run_scoped3A : memref<!tpu.dma_semaphore, #tpu.memory_space<semaphore_mem>>) src(%dma_wait3A_287 : memref<128xi32, #tpu.memory_space<hbm>>) dst(%arg5 : memref<128xi32, #tpu.memory_space<vmem>>)
        tpu.yield
      }) : () -> ()
      %dma_start3A = arith.constant 0 : i32
      %dma_start3A_280 = arith.constant 0 : i32
      %dma_start3A_281 = tpu.memref_slice %arg2[%dma_start3A, %dma_start3A_280] : memref<10240x32xf32, #tpu.memory_space<hbm>> -> memref<10240x32xf32, #tpu.memory_space<hbm>>
      tpu.enqueue_indirect_dma source(%dma_start3A_281 : memref<10240x32xf32, #tpu.memory_space<hbm>>) target(%arg6 : memref<128x32xf32, #tpu.memory_space<vmem>>) offsets(%arg5 : memref<128xi32, #tpu.memory_space<vmem>>) semaphore(%arg7 : memref<!tpu.dma_semaphore, #tpu.memory_space<semaphore_mem>>)
      %dma_wait3A = arith.constant 0 : i32
      %dma_wait3A_282 = arith.constant 0 : i32
      %dma_wait3A_283 = tpu.memref_slice %arg2[%dma_wait3A, %dma_wait3A_282] : memref<10240x32xf32, #tpu.memory_space<hbm>> -> memref<10240x32xf32, #tpu.memory_space<hbm>>
      tpu.wait_indirect_dma semaphore(%arg7 : memref<!tpu.dma_semaphore, #tpu.memory_space<semaphore_mem>>) src(%dma_wait3A_283 : memref<10240x32xf32, #tpu.memory_space<hbm>>) dst(%arg6 : memref<128x32xf32, #tpu.memory_space<vmem>>)
      "tpu.region"() ({
        %run_scoped3A = tpu.sem_alloc : memref<!tpu.dma_semaphore, #tpu.memory_space<semaphore_mem>>
        %dma_start3A_284 = arith.constant 0 : i32
        %dma_start3A_285 = tpu.memref_slice %arg4[%multiple_of3A, %dma_start3A_284] : memref<160000x32xf32, #tpu.memory_space<hbm>> -> memref<128x32xf32, #tpu.memory_space<hbm>>
        %dma_start3A_286 = arith.constant 0 : i32
        %dma_start3A_287 = tpu.memref_slice %arg4[%multiple_of3A, %dma_start3A_286] : memref<160000x32xf32, #tpu.memory_space<hbm>> -> memref<128x32xf32, #tpu.memory_space<hbm>>
        tpu.enqueue_dma source(%arg6 : memref<128x32xf32, #tpu.memory_space<vmem>>) target(%dma_start3A_287 : memref<128x32xf32, #tpu.memory_space<hbm>>) target_semaphore(%run_scoped3A : memref<!tpu.dma_semaphore, #tpu.memory_space<semaphore_mem>>)
        %dma_wait3A_288 = arith.constant 0 : i32
        %dma_wait3A_289 = tpu.memref_slice %arg4[%multiple_of3A, %dma_wait3A_288] : memref<160000x32xf32, #tpu.memory_space<hbm>> -> memref<128x32xf32, #tpu.memory_space<hbm>>
        %dma_wait3A_290 = arith.constant 0 : i32
        %dma_wait3A_291 = tpu.memref_slice %arg4[%multiple_of3A, %dma_wait3A_290] : memref<160000x32xf32, #tpu.memory_space<hbm>> -> memref<128x32xf32, #tpu.memory_space<hbm>>
        tpu.wait_dma2 semaphore(%run_scoped3A : memref<!tpu.dma_semaphore, #tpu.memory_space<semaphore_mem>>) src(%arg6 : memref<128x32xf32, #tpu.memory_space<vmem>>) dst(%dma_wait3A_291 : memref<128x32xf32, #tpu.memory_space<hbm>>)
        tpu.yield
      }) : () -> ()
    } else {
    }
    %add3A_215 = arith.constant 992 : i32
    %add3A_216 = arith.addi %add3A, %add3A_215 : i32
    %lt3A_217 = arith.constant 1250 : i32
    %lt3A_218 = arith.cmpi slt, %add3A_216, %lt3A_217 : i32
    %convert_element_type3A_219 = arith.extui %lt3A_218 : i1 to i32
    %cond3A_220 = arith.constant 0 : i32
    %cond3A_221 = arith.cmpi ne, %convert_element_type3A_219, %cond3A_220 : i32
    scf.if %cond3A_221 {
      %mul3A_278 = arith.constant 128 : i32
      %mul3A_279 = arith.muli %add3A_216, %mul3A_278 : i32
      %multiple_of3A = tpu.assume_multiple %mul3A_279, 128 : i32
      "tpu.region"() ({
        %run_scoped3A = tpu.sem_alloc : memref<!tpu.dma_semaphore, #tpu.memory_space<semaphore_mem>>
        %dma_start3A_284 = tpu.memref_slice %arg3[%multiple_of3A] : memref<160000xi32, #tpu.memory_space<hbm>> -> memref<128xi32, #tpu.memory_space<hbm>>
        %dma_start3A_285 = tpu.memref_slice %arg3[%multiple_of3A] : memref<160000xi32, #tpu.memory_space<hbm>> -> memref<128xi32, #tpu.memory_space<hbm>>
        tpu.enqueue_dma source(%dma_start3A_285 : memref<128xi32, #tpu.memory_space<hbm>>) target(%arg5 : memref<128xi32, #tpu.memory_space<vmem>>) target_semaphore(%run_scoped3A : memref<!tpu.dma_semaphore, #tpu.memory_space<semaphore_mem>>)
        %dma_wait3A_286 = tpu.memref_slice %arg3[%multiple_of3A] : memref<160000xi32, #tpu.memory_space<hbm>> -> memref<128xi32, #tpu.memory_space<hbm>>
        %dma_wait3A_287 = tpu.memref_slice %arg3[%multiple_of3A] : memref<160000xi32, #tpu.memory_space<hbm>> -> memref<128xi32, #tpu.memory_space<hbm>>
        tpu.wait_dma2 semaphore(%run_scoped3A : memref<!tpu.dma_semaphore, #tpu.memory_space<semaphore_mem>>) src(%dma_wait3A_287 : memref<128xi32, #tpu.memory_space<hbm>>) dst(%arg5 : memref<128xi32, #tpu.memory_space<vmem>>)
        tpu.yield
      }) : () -> ()
      %dma_start3A = arith.constant 0 : i32
      %dma_start3A_280 = arith.constant 0 : i32
      %dma_start3A_281 = tpu.memref_slice %arg2[%dma_start3A, %dma_start3A_280] : memref<10240x32xf32, #tpu.memory_space<hbm>> -> memref<10240x32xf32, #tpu.memory_space<hbm>>
      tpu.enqueue_indirect_dma source(%dma_start3A_281 : memref<10240x32xf32, #tpu.memory_space<hbm>>) target(%arg6 : memref<128x32xf32, #tpu.memory_space<vmem>>) offsets(%arg5 : memref<128xi32, #tpu.memory_space<vmem>>) semaphore(%arg7 : memref<!tpu.dma_semaphore, #tpu.memory_space<semaphore_mem>>)
      %dma_wait3A = arith.constant 0 : i32
      %dma_wait3A_282 = arith.constant 0 : i32
      %dma_wait3A_283 = tpu.memref_slice %arg2[%dma_wait3A, %dma_wait3A_282] : memref<10240x32xf32, #tpu.memory_space<hbm>> -> memref<10240x32xf32, #tpu.memory_space<hbm>>
      tpu.wait_indirect_dma semaphore(%arg7 : memref<!tpu.dma_semaphore, #tpu.memory_space<semaphore_mem>>) src(%dma_wait3A_283 : memref<10240x32xf32, #tpu.memory_space<hbm>>) dst(%arg6 : memref<128x32xf32, #tpu.memory_space<vmem>>)
      "tpu.region"() ({
        %run_scoped3A = tpu.sem_alloc : memref<!tpu.dma_semaphore, #tpu.memory_space<semaphore_mem>>
        %dma_start3A_284 = arith.constant 0 : i32
        %dma_start3A_285 = tpu.memref_slice %arg4[%multiple_of3A, %dma_start3A_284] : memref<160000x32xf32, #tpu.memory_space<hbm>> -> memref<128x32xf32, #tpu.memory_space<hbm>>
        %dma_start3A_286 = arith.constant 0 : i32
        %dma_start3A_287 = tpu.memref_slice %arg4[%multiple_of3A, %dma_start3A_286] : memref<160000x32xf32, #tpu.memory_space<hbm>> -> memref<128x32xf32, #tpu.memory_space<hbm>>
        tpu.enqueue_dma source(%arg6 : memref<128x32xf32, #tpu.memory_space<vmem>>) target(%dma_start3A_287 : memref<128x32xf32, #tpu.memory_space<hbm>>) target_semaphore(%run_scoped3A : memref<!tpu.dma_semaphore, #tpu.memory_space<semaphore_mem>>)
        %dma_wait3A_288 = arith.constant 0 : i32
        %dma_wait3A_289 = tpu.memref_slice %arg4[%multiple_of3A, %dma_wait3A_288] : memref<160000x32xf32, #tpu.memory_space<hbm>> -> memref<128x32xf32, #tpu.memory_space<hbm>>
        %dma_wait3A_290 = arith.constant 0 : i32
        %dma_wait3A_291 = tpu.memref_slice %arg4[%multiple_of3A, %dma_wait3A_290] : memref<160000x32xf32, #tpu.memory_space<hbm>> -> memref<128x32xf32, #tpu.memory_space<hbm>>
        tpu.wait_dma2 semaphore(%run_scoped3A : memref<!tpu.dma_semaphore, #tpu.memory_space<semaphore_mem>>) src(%arg6 : memref<128x32xf32, #tpu.memory_space<vmem>>) dst(%dma_wait3A_291 : memref<128x32xf32, #tpu.memory_space<hbm>>)
        tpu.yield
      }) : () -> ()
    } else {
    }
    %add3A_222 = arith.constant 1024 : i32
    %add3A_223 = arith.addi %add3A, %add3A_222 : i32
    %lt3A_224 = arith.constant 1250 : i32
    %lt3A_225 = arith.cmpi slt, %add3A_223, %lt3A_224 : i32
    %convert_element_type3A_226 = arith.extui %lt3A_225 : i1 to i32
    %cond3A_227 = arith.constant 0 : i32
    %cond3A_228 = arith.cmpi ne, %convert_element_type3A_226, %cond3A_227 : i32
    scf.if %cond3A_228 {
      %mul3A_278 = arith.constant 128 : i32
      %mul3A_279 = arith.muli %add3A_223, %mul3A_278 : i32
      %multiple_of3A = tpu.assume_multiple %mul3A_279, 128 : i32
      "tpu.region"() ({
        %run_scoped3A = tpu.sem_alloc : memref<!tpu.dma_semaphore, #tpu.memory_space<semaphore_mem>>
        %dma_start3A_284 = tpu.memref_slice %arg3[%multiple_of3A] : memref<160000xi32, #tpu.memory_space<hbm>> -> memref<128xi32, #tpu.memory_space<hbm>>
        %dma_start3A_285 = tpu.memref_slice %arg3[%multiple_of3A] : memref<160000xi32, #tpu.memory_space<hbm>> -> memref<128xi32, #tpu.memory_space<hbm>>
        tpu.enqueue_dma source(%dma_start3A_285 : memref<128xi32, #tpu.memory_space<hbm>>) target(%arg5 : memref<128xi32, #tpu.memory_space<vmem>>) target_semaphore(%run_scoped3A : memref<!tpu.dma_semaphore, #tpu.memory_space<semaphore_mem>>)
        %dma_wait3A_286 = tpu.memref_slice %arg3[%multiple_of3A] : memref<160000xi32, #tpu.memory_space<hbm>> -> memref<128xi32, #tpu.memory_space<hbm>>
        %dma_wait3A_287 = tpu.memref_slice %arg3[%multiple_of3A] : memref<160000xi32, #tpu.memory_space<hbm>> -> memref<128xi32, #tpu.memory_space<hbm>>
        tpu.wait_dma2 semaphore(%run_scoped3A : memref<!tpu.dma_semaphore, #tpu.memory_space<semaphore_mem>>) src(%dma_wait3A_287 : memref<128xi32, #tpu.memory_space<hbm>>) dst(%arg5 : memref<128xi32, #tpu.memory_space<vmem>>)
        tpu.yield
      }) : () -> ()
      %dma_start3A = arith.constant 0 : i32
      %dma_start3A_280 = arith.constant 0 : i32
      %dma_start3A_281 = tpu.memref_slice %arg2[%dma_start3A, %dma_start3A_280] : memref<10240x32xf32, #tpu.memory_space<hbm>> -> memref<10240x32xf32, #tpu.memory_space<hbm>>
      tpu.enqueue_indirect_dma source(%dma_start3A_281 : memref<10240x32xf32, #tpu.memory_space<hbm>>) target(%arg6 : memref<128x32xf32, #tpu.memory_space<vmem>>) offsets(%arg5 : memref<128xi32, #tpu.memory_space<vmem>>) semaphore(%arg7 : memref<!tpu.dma_semaphore, #tpu.memory_space<semaphore_mem>>)
      %dma_wait3A = arith.constant 0 : i32
      %dma_wait3A_282 = arith.constant 0 : i32
      %dma_wait3A_283 = tpu.memref_slice %arg2[%dma_wait3A, %dma_wait3A_282] : memref<10240x32xf32, #tpu.memory_space<hbm>> -> memref<10240x32xf32, #tpu.memory_space<hbm>>
      tpu.wait_indirect_dma semaphore(%arg7 : memref<!tpu.dma_semaphore, #tpu.memory_space<semaphore_mem>>) src(%dma_wait3A_283 : memref<10240x32xf32, #tpu.memory_space<hbm>>) dst(%arg6 : memref<128x32xf32, #tpu.memory_space<vmem>>)
      "tpu.region"() ({
        %run_scoped3A = tpu.sem_alloc : memref<!tpu.dma_semaphore, #tpu.memory_space<semaphore_mem>>
        %dma_start3A_284 = arith.constant 0 : i32
        %dma_start3A_285 = tpu.memref_slice %arg4[%multiple_of3A, %dma_start3A_284] : memref<160000x32xf32, #tpu.memory_space<hbm>> -> memref<128x32xf32, #tpu.memory_space<hbm>>
        %dma_start3A_286 = arith.constant 0 : i32
        %dma_start3A_287 = tpu.memref_slice %arg4[%multiple_of3A, %dma_start3A_286] : memref<160000x32xf32, #tpu.memory_space<hbm>> -> memref<128x32xf32, #tpu.memory_space<hbm>>
        tpu.enqueue_dma source(%arg6 : memref<128x32xf32, #tpu.memory_space<vmem>>) target(%dma_start3A_287 : memref<128x32xf32, #tpu.memory_space<hbm>>) target_semaphore(%run_scoped3A : memref<!tpu.dma_semaphore, #tpu.memory_space<semaphore_mem>>)
        %dma_wait3A_288 = arith.constant 0 : i32
        %dma_wait3A_289 = tpu.memref_slice %arg4[%multiple_of3A, %dma_wait3A_288] : memref<160000x32xf32, #tpu.memory_space<hbm>> -> memref<128x32xf32, #tpu.memory_space<hbm>>
        %dma_wait3A_290 = arith.constant 0 : i32
        %dma_wait3A_291 = tpu.memref_slice %arg4[%multiple_of3A, %dma_wait3A_290] : memref<160000x32xf32, #tpu.memory_space<hbm>> -> memref<128x32xf32, #tpu.memory_space<hbm>>
        tpu.wait_dma2 semaphore(%run_scoped3A : memref<!tpu.dma_semaphore, #tpu.memory_space<semaphore_mem>>) src(%arg6 : memref<128x32xf32, #tpu.memory_space<vmem>>) dst(%dma_wait3A_291 : memref<128x32xf32, #tpu.memory_space<hbm>>)
        tpu.yield
      }) : () -> ()
    } else {
    }
    %add3A_229 = arith.constant 1056 : i32
    %add3A_230 = arith.addi %add3A, %add3A_229 : i32
    %lt3A_231 = arith.constant 1250 : i32
    %lt3A_232 = arith.cmpi slt, %add3A_230, %lt3A_231 : i32
    %convert_element_type3A_233 = arith.extui %lt3A_232 : i1 to i32
    %cond3A_234 = arith.constant 0 : i32
    %cond3A_235 = arith.cmpi ne, %convert_element_type3A_233, %cond3A_234 : i32
    scf.if %cond3A_235 {
      %mul3A_278 = arith.constant 128 : i32
      %mul3A_279 = arith.muli %add3A_230, %mul3A_278 : i32
      %multiple_of3A = tpu.assume_multiple %mul3A_279, 128 : i32
      "tpu.region"() ({
        %run_scoped3A = tpu.sem_alloc : memref<!tpu.dma_semaphore, #tpu.memory_space<semaphore_mem>>
        %dma_start3A_284 = tpu.memref_slice %arg3[%multiple_of3A] : memref<160000xi32, #tpu.memory_space<hbm>> -> memref<128xi32, #tpu.memory_space<hbm>>
        %dma_start3A_285 = tpu.memref_slice %arg3[%multiple_of3A] : memref<160000xi32, #tpu.memory_space<hbm>> -> memref<128xi32, #tpu.memory_space<hbm>>
        tpu.enqueue_dma source(%dma_start3A_285 : memref<128xi32, #tpu.memory_space<hbm>>) target(%arg5 : memref<128xi32, #tpu.memory_space<vmem>>) target_semaphore(%run_scoped3A : memref<!tpu.dma_semaphore, #tpu.memory_space<semaphore_mem>>)
        %dma_wait3A_286 = tpu.memref_slice %arg3[%multiple_of3A] : memref<160000xi32, #tpu.memory_space<hbm>> -> memref<128xi32, #tpu.memory_space<hbm>>
        %dma_wait3A_287 = tpu.memref_slice %arg3[%multiple_of3A] : memref<160000xi32, #tpu.memory_space<hbm>> -> memref<128xi32, #tpu.memory_space<hbm>>
        tpu.wait_dma2 semaphore(%run_scoped3A : memref<!tpu.dma_semaphore, #tpu.memory_space<semaphore_mem>>) src(%dma_wait3A_287 : memref<128xi32, #tpu.memory_space<hbm>>) dst(%arg5 : memref<128xi32, #tpu.memory_space<vmem>>)
        tpu.yield
      }) : () -> ()
      %dma_start3A = arith.constant 0 : i32
      %dma_start3A_280 = arith.constant 0 : i32
      %dma_start3A_281 = tpu.memref_slice %arg2[%dma_start3A, %dma_start3A_280] : memref<10240x32xf32, #tpu.memory_space<hbm>> -> memref<10240x32xf32, #tpu.memory_space<hbm>>
      tpu.enqueue_indirect_dma source(%dma_start3A_281 : memref<10240x32xf32, #tpu.memory_space<hbm>>) target(%arg6 : memref<128x32xf32, #tpu.memory_space<vmem>>) offsets(%arg5 : memref<128xi32, #tpu.memory_space<vmem>>) semaphore(%arg7 : memref<!tpu.dma_semaphore, #tpu.memory_space<semaphore_mem>>)
      %dma_wait3A = arith.constant 0 : i32
      %dma_wait3A_282 = arith.constant 0 : i32
      %dma_wait3A_283 = tpu.memref_slice %arg2[%dma_wait3A, %dma_wait3A_282] : memref<10240x32xf32, #tpu.memory_space<hbm>> -> memref<10240x32xf32, #tpu.memory_space<hbm>>
      tpu.wait_indirect_dma semaphore(%arg7 : memref<!tpu.dma_semaphore, #tpu.memory_space<semaphore_mem>>) src(%dma_wait3A_283 : memref<10240x32xf32, #tpu.memory_space<hbm>>) dst(%arg6 : memref<128x32xf32, #tpu.memory_space<vmem>>)
      "tpu.region"() ({
        %run_scoped3A = tpu.sem_alloc : memref<!tpu.dma_semaphore, #tpu.memory_space<semaphore_mem>>
        %dma_start3A_284 = arith.constant 0 : i32
        %dma_start3A_285 = tpu.memref_slice %arg4[%multiple_of3A, %dma_start3A_284] : memref<160000x32xf32, #tpu.memory_space<hbm>> -> memref<128x32xf32, #tpu.memory_space<hbm>>
        %dma_start3A_286 = arith.constant 0 : i32
        %dma_start3A_287 = tpu.memref_slice %arg4[%multiple_of3A, %dma_start3A_286] : memref<160000x32xf32, #tpu.memory_space<hbm>> -> memref<128x32xf32, #tpu.memory_space<hbm>>
        tpu.enqueue_dma source(%arg6 : memref<128x32xf32, #tpu.memory_space<vmem>>) target(%dma_start3A_287 : memref<128x32xf32, #tpu.memory_space<hbm>>) target_semaphore(%run_scoped3A : memref<!tpu.dma_semaphore, #tpu.memory_space<semaphore_mem>>)
        %dma_wait3A_288 = arith.constant 0 : i32
        %dma_wait3A_289 = tpu.memref_slice %arg4[%multiple_of3A, %dma_wait3A_288] : memref<160000x32xf32, #tpu.memory_space<hbm>> -> memref<128x32xf32, #tpu.memory_space<hbm>>
        %dma_wait3A_290 = arith.constant 0 : i32
        %dma_wait3A_291 = tpu.memref_slice %arg4[%multiple_of3A, %dma_wait3A_290] : memref<160000x32xf32, #tpu.memory_space<hbm>> -> memref<128x32xf32, #tpu.memory_space<hbm>>
        tpu.wait_dma2 semaphore(%run_scoped3A : memref<!tpu.dma_semaphore, #tpu.memory_space<semaphore_mem>>) src(%arg6 : memref<128x32xf32, #tpu.memory_space<vmem>>) dst(%dma_wait3A_291 : memref<128x32xf32, #tpu.memory_space<hbm>>)
        tpu.yield
      }) : () -> ()
    } else {
    }
    %add3A_236 = arith.constant 1088 : i32
    %add3A_237 = arith.addi %add3A, %add3A_236 : i32
    %lt3A_238 = arith.constant 1250 : i32
    %lt3A_239 = arith.cmpi slt, %add3A_237, %lt3A_238 : i32
    %convert_element_type3A_240 = arith.extui %lt3A_239 : i1 to i32
    %cond3A_241 = arith.constant 0 : i32
    %cond3A_242 = arith.cmpi ne, %convert_element_type3A_240, %cond3A_241 : i32
    scf.if %cond3A_242 {
      %mul3A_278 = arith.constant 128 : i32
      %mul3A_279 = arith.muli %add3A_237, %mul3A_278 : i32
      %multiple_of3A = tpu.assume_multiple %mul3A_279, 128 : i32
      "tpu.region"() ({
        %run_scoped3A = tpu.sem_alloc : memref<!tpu.dma_semaphore, #tpu.memory_space<semaphore_mem>>
        %dma_start3A_284 = tpu.memref_slice %arg3[%multiple_of3A] : memref<160000xi32, #tpu.memory_space<hbm>> -> memref<128xi32, #tpu.memory_space<hbm>>
        %dma_start3A_285 = tpu.memref_slice %arg3[%multiple_of3A] : memref<160000xi32, #tpu.memory_space<hbm>> -> memref<128xi32, #tpu.memory_space<hbm>>
        tpu.enqueue_dma source(%dma_start3A_285 : memref<128xi32, #tpu.memory_space<hbm>>) target(%arg5 : memref<128xi32, #tpu.memory_space<vmem>>) target_semaphore(%run_scoped3A : memref<!tpu.dma_semaphore, #tpu.memory_space<semaphore_mem>>)
        %dma_wait3A_286 = tpu.memref_slice %arg3[%multiple_of3A] : memref<160000xi32, #tpu.memory_space<hbm>> -> memref<128xi32, #tpu.memory_space<hbm>>
        %dma_wait3A_287 = tpu.memref_slice %arg3[%multiple_of3A] : memref<160000xi32, #tpu.memory_space<hbm>> -> memref<128xi32, #tpu.memory_space<hbm>>
        tpu.wait_dma2 semaphore(%run_scoped3A : memref<!tpu.dma_semaphore, #tpu.memory_space<semaphore_mem>>) src(%dma_wait3A_287 : memref<128xi32, #tpu.memory_space<hbm>>) dst(%arg5 : memref<128xi32, #tpu.memory_space<vmem>>)
        tpu.yield
      }) : () -> ()
      %dma_start3A = arith.constant 0 : i32
      %dma_start3A_280 = arith.constant 0 : i32
      %dma_start3A_281 = tpu.memref_slice %arg2[%dma_start3A, %dma_start3A_280] : memref<10240x32xf32, #tpu.memory_space<hbm>> -> memref<10240x32xf32, #tpu.memory_space<hbm>>
      tpu.enqueue_indirect_dma source(%dma_start3A_281 : memref<10240x32xf32, #tpu.memory_space<hbm>>) target(%arg6 : memref<128x32xf32, #tpu.memory_space<vmem>>) offsets(%arg5 : memref<128xi32, #tpu.memory_space<vmem>>) semaphore(%arg7 : memref<!tpu.dma_semaphore, #tpu.memory_space<semaphore_mem>>)
      %dma_wait3A = arith.constant 0 : i32
      %dma_wait3A_282 = arith.constant 0 : i32
      %dma_wait3A_283 = tpu.memref_slice %arg2[%dma_wait3A, %dma_wait3A_282] : memref<10240x32xf32, #tpu.memory_space<hbm>> -> memref<10240x32xf32, #tpu.memory_space<hbm>>
      tpu.wait_indirect_dma semaphore(%arg7 : memref<!tpu.dma_semaphore, #tpu.memory_space<semaphore_mem>>) src(%dma_wait3A_283 : memref<10240x32xf32, #tpu.memory_space<hbm>>) dst(%arg6 : memref<128x32xf32, #tpu.memory_space<vmem>>)
      "tpu.region"() ({
        %run_scoped3A = tpu.sem_alloc : memref<!tpu.dma_semaphore, #tpu.memory_space<semaphore_mem>>
        %dma_start3A_284 = arith.constant 0 : i32
        %dma_start3A_285 = tpu.memref_slice %arg4[%multiple_of3A, %dma_start3A_284] : memref<160000x32xf32, #tpu.memory_space<hbm>> -> memref<128x32xf32, #tpu.memory_space<hbm>>
        %dma_start3A_286 = arith.constant 0 : i32
        %dma_start3A_287 = tpu.memref_slice %arg4[%multiple_of3A, %dma_start3A_286] : memref<160000x32xf32, #tpu.memory_space<hbm>> -> memref<128x32xf32, #tpu.memory_space<hbm>>
        tpu.enqueue_dma source(%arg6 : memref<128x32xf32, #tpu.memory_space<vmem>>) target(%dma_start3A_287 : memref<128x32xf32, #tpu.memory_space<hbm>>) target_semaphore(%run_scoped3A : memref<!tpu.dma_semaphore, #tpu.memory_space<semaphore_mem>>)
        %dma_wait3A_288 = arith.constant 0 : i32
        %dma_wait3A_289 = tpu.memref_slice %arg4[%multiple_of3A, %dma_wait3A_288] : memref<160000x32xf32, #tpu.memory_space<hbm>> -> memref<128x32xf32, #tpu.memory_space<hbm>>
        %dma_wait3A_290 = arith.constant 0 : i32
        %dma_wait3A_291 = tpu.memref_slice %arg4[%multiple_of3A, %dma_wait3A_290] : memref<160000x32xf32, #tpu.memory_space<hbm>> -> memref<128x32xf32, #tpu.memory_space<hbm>>
        tpu.wait_dma2 semaphore(%run_scoped3A : memref<!tpu.dma_semaphore, #tpu.memory_space<semaphore_mem>>) src(%arg6 : memref<128x32xf32, #tpu.memory_space<vmem>>) dst(%dma_wait3A_291 : memref<128x32xf32, #tpu.memory_space<hbm>>)
        tpu.yield
      }) : () -> ()
    } else {
    }
    %add3A_243 = arith.constant 1120 : i32
    %add3A_244 = arith.addi %add3A, %add3A_243 : i32
    %lt3A_245 = arith.constant 1250 : i32
    %lt3A_246 = arith.cmpi slt, %add3A_244, %lt3A_245 : i32
    %convert_element_type3A_247 = arith.extui %lt3A_246 : i1 to i32
    %cond3A_248 = arith.constant 0 : i32
    %cond3A_249 = arith.cmpi ne, %convert_element_type3A_247, %cond3A_248 : i32
    scf.if %cond3A_249 {
      %mul3A_278 = arith.constant 128 : i32
      %mul3A_279 = arith.muli %add3A_244, %mul3A_278 : i32
      %multiple_of3A = tpu.assume_multiple %mul3A_279, 128 : i32
      "tpu.region"() ({
        %run_scoped3A = tpu.sem_alloc : memref<!tpu.dma_semaphore, #tpu.memory_space<semaphore_mem>>
        %dma_start3A_284 = tpu.memref_slice %arg3[%multiple_of3A] : memref<160000xi32, #tpu.memory_space<hbm>> -> memref<128xi32, #tpu.memory_space<hbm>>
        %dma_start3A_285 = tpu.memref_slice %arg3[%multiple_of3A] : memref<160000xi32, #tpu.memory_space<hbm>> -> memref<128xi32, #tpu.memory_space<hbm>>
        tpu.enqueue_dma source(%dma_start3A_285 : memref<128xi32, #tpu.memory_space<hbm>>) target(%arg5 : memref<128xi32, #tpu.memory_space<vmem>>) target_semaphore(%run_scoped3A : memref<!tpu.dma_semaphore, #tpu.memory_space<semaphore_mem>>)
        %dma_wait3A_286 = tpu.memref_slice %arg3[%multiple_of3A] : memref<160000xi32, #tpu.memory_space<hbm>> -> memref<128xi32, #tpu.memory_space<hbm>>
        %dma_wait3A_287 = tpu.memref_slice %arg3[%multiple_of3A] : memref<160000xi32, #tpu.memory_space<hbm>> -> memref<128xi32, #tpu.memory_space<hbm>>
        tpu.wait_dma2 semaphore(%run_scoped3A : memref<!tpu.dma_semaphore, #tpu.memory_space<semaphore_mem>>) src(%dma_wait3A_287 : memref<128xi32, #tpu.memory_space<hbm>>) dst(%arg5 : memref<128xi32, #tpu.memory_space<vmem>>)
        tpu.yield
      }) : () -> ()
      %dma_start3A = arith.constant 0 : i32
      %dma_start3A_280 = arith.constant 0 : i32
      %dma_start3A_281 = tpu.memref_slice %arg2[%dma_start3A, %dma_start3A_280] : memref<10240x32xf32, #tpu.memory_space<hbm>> -> memref<10240x32xf32, #tpu.memory_space<hbm>>
      tpu.enqueue_indirect_dma source(%dma_start3A_281 : memref<10240x32xf32, #tpu.memory_space<hbm>>) target(%arg6 : memref<128x32xf32, #tpu.memory_space<vmem>>) offsets(%arg5 : memref<128xi32, #tpu.memory_space<vmem>>) semaphore(%arg7 : memref<!tpu.dma_semaphore, #tpu.memory_space<semaphore_mem>>)
      %dma_wait3A = arith.constant 0 : i32
      %dma_wait3A_282 = arith.constant 0 : i32
      %dma_wait3A_283 = tpu.memref_slice %arg2[%dma_wait3A, %dma_wait3A_282] : memref<10240x32xf32, #tpu.memory_space<hbm>> -> memref<10240x32xf32, #tpu.memory_space<hbm>>
      tpu.wait_indirect_dma semaphore(%arg7 : memref<!tpu.dma_semaphore, #tpu.memory_space<semaphore_mem>>) src(%dma_wait3A_283 : memref<10240x32xf32, #tpu.memory_space<hbm>>) dst(%arg6 : memref<128x32xf32, #tpu.memory_space<vmem>>)
      "tpu.region"() ({
        %run_scoped3A = tpu.sem_alloc : memref<!tpu.dma_semaphore, #tpu.memory_space<semaphore_mem>>
        %dma_start3A_284 = arith.constant 0 : i32
        %dma_start3A_285 = tpu.memref_slice %arg4[%multiple_of3A, %dma_start3A_284] : memref<160000x32xf32, #tpu.memory_space<hbm>> -> memref<128x32xf32, #tpu.memory_space<hbm>>
        %dma_start3A_286 = arith.constant 0 : i32
        %dma_start3A_287 = tpu.memref_slice %arg4[%multiple_of3A, %dma_start3A_286] : memref<160000x32xf32, #tpu.memory_space<hbm>> -> memref<128x32xf32, #tpu.memory_space<hbm>>
        tpu.enqueue_dma source(%arg6 : memref<128x32xf32, #tpu.memory_space<vmem>>) target(%dma_start3A_287 : memref<128x32xf32, #tpu.memory_space<hbm>>) target_semaphore(%run_scoped3A : memref<!tpu.dma_semaphore, #tpu.memory_space<semaphore_mem>>)
        %dma_wait3A_288 = arith.constant 0 : i32
        %dma_wait3A_289 = tpu.memref_slice %arg4[%multiple_of3A, %dma_wait3A_288] : memref<160000x32xf32, #tpu.memory_space<hbm>> -> memref<128x32xf32, #tpu.memory_space<hbm>>
        %dma_wait3A_290 = arith.constant 0 : i32
        %dma_wait3A_291 = tpu.memref_slice %arg4[%multiple_of3A, %dma_wait3A_290] : memref<160000x32xf32, #tpu.memory_space<hbm>> -> memref<128x32xf32, #tpu.memory_space<hbm>>
        tpu.wait_dma2 semaphore(%run_scoped3A : memref<!tpu.dma_semaphore, #tpu.memory_space<semaphore_mem>>) src(%arg6 : memref<128x32xf32, #tpu.memory_space<vmem>>) dst(%dma_wait3A_291 : memref<128x32xf32, #tpu.memory_space<hbm>>)
        tpu.yield
      }) : () -> ()
    } else {
    }
    %add3A_250 = arith.constant 1152 : i32
    %add3A_251 = arith.addi %add3A, %add3A_250 : i32
    %lt3A_252 = arith.constant 1250 : i32
    %lt3A_253 = arith.cmpi slt, %add3A_251, %lt3A_252 : i32
    %convert_element_type3A_254 = arith.extui %lt3A_253 : i1 to i32
    %cond3A_255 = arith.constant 0 : i32
    %cond3A_256 = arith.cmpi ne, %convert_element_type3A_254, %cond3A_255 : i32
    scf.if %cond3A_256 {
      %mul3A_278 = arith.constant 128 : i32
      %mul3A_279 = arith.muli %add3A_251, %mul3A_278 : i32
      %multiple_of3A = tpu.assume_multiple %mul3A_279, 128 : i32
      "tpu.region"() ({
        %run_scoped3A = tpu.sem_alloc : memref<!tpu.dma_semaphore, #tpu.memory_space<semaphore_mem>>
        %dma_start3A_284 = tpu.memref_slice %arg3[%multiple_of3A] : memref<160000xi32, #tpu.memory_space<hbm>> -> memref<128xi32, #tpu.memory_space<hbm>>
        %dma_start3A_285 = tpu.memref_slice %arg3[%multiple_of3A] : memref<160000xi32, #tpu.memory_space<hbm>> -> memref<128xi32, #tpu.memory_space<hbm>>
        tpu.enqueue_dma source(%dma_start3A_285 : memref<128xi32, #tpu.memory_space<hbm>>) target(%arg5 : memref<128xi32, #tpu.memory_space<vmem>>) target_semaphore(%run_scoped3A : memref<!tpu.dma_semaphore, #tpu.memory_space<semaphore_mem>>)
        %dma_wait3A_286 = tpu.memref_slice %arg3[%multiple_of3A] : memref<160000xi32, #tpu.memory_space<hbm>> -> memref<128xi32, #tpu.memory_space<hbm>>
        %dma_wait3A_287 = tpu.memref_slice %arg3[%multiple_of3A] : memref<160000xi32, #tpu.memory_space<hbm>> -> memref<128xi32, #tpu.memory_space<hbm>>
        tpu.wait_dma2 semaphore(%run_scoped3A : memref<!tpu.dma_semaphore, #tpu.memory_space<semaphore_mem>>) src(%dma_wait3A_287 : memref<128xi32, #tpu.memory_space<hbm>>) dst(%arg5 : memref<128xi32, #tpu.memory_space<vmem>>)
        tpu.yield
      }) : () -> ()
      %dma_start3A = arith.constant 0 : i32
      %dma_start3A_280 = arith.constant 0 : i32
      %dma_start3A_281 = tpu.memref_slice %arg2[%dma_start3A, %dma_start3A_280] : memref<10240x32xf32, #tpu.memory_space<hbm>> -> memref<10240x32xf32, #tpu.memory_space<hbm>>
      tpu.enqueue_indirect_dma source(%dma_start3A_281 : memref<10240x32xf32, #tpu.memory_space<hbm>>) target(%arg6 : memref<128x32xf32, #tpu.memory_space<vmem>>) offsets(%arg5 : memref<128xi32, #tpu.memory_space<vmem>>) semaphore(%arg7 : memref<!tpu.dma_semaphore, #tpu.memory_space<semaphore_mem>>)
      %dma_wait3A = arith.constant 0 : i32
      %dma_wait3A_282 = arith.constant 0 : i32
      %dma_wait3A_283 = tpu.memref_slice %arg2[%dma_wait3A, %dma_wait3A_282] : memref<10240x32xf32, #tpu.memory_space<hbm>> -> memref<10240x32xf32, #tpu.memory_space<hbm>>
      tpu.wait_indirect_dma semaphore(%arg7 : memref<!tpu.dma_semaphore, #tpu.memory_space<semaphore_mem>>) src(%dma_wait3A_283 : memref<10240x32xf32, #tpu.memory_space<hbm>>) dst(%arg6 : memref<128x32xf32, #tpu.memory_space<vmem>>)
      "tpu.region"() ({
        %run_scoped3A = tpu.sem_alloc : memref<!tpu.dma_semaphore, #tpu.memory_space<semaphore_mem>>
        %dma_start3A_284 = arith.constant 0 : i32
        %dma_start3A_285 = tpu.memref_slice %arg4[%multiple_of3A, %dma_start3A_284] : memref<160000x32xf32, #tpu.memory_space<hbm>> -> memref<128x32xf32, #tpu.memory_space<hbm>>
        %dma_start3A_286 = arith.constant 0 : i32
        %dma_start3A_287 = tpu.memref_slice %arg4[%multiple_of3A, %dma_start3A_286] : memref<160000x32xf32, #tpu.memory_space<hbm>> -> memref<128x32xf32, #tpu.memory_space<hbm>>
        tpu.enqueue_dma source(%arg6 : memref<128x32xf32, #tpu.memory_space<vmem>>) target(%dma_start3A_287 : memref<128x32xf32, #tpu.memory_space<hbm>>) target_semaphore(%run_scoped3A : memref<!tpu.dma_semaphore, #tpu.memory_space<semaphore_mem>>)
        %dma_wait3A_288 = arith.constant 0 : i32
        %dma_wait3A_289 = tpu.memref_slice %arg4[%multiple_of3A, %dma_wait3A_288] : memref<160000x32xf32, #tpu.memory_space<hbm>> -> memref<128x32xf32, #tpu.memory_space<hbm>>
        %dma_wait3A_290 = arith.constant 0 : i32
        %dma_wait3A_291 = tpu.memref_slice %arg4[%multiple_of3A, %dma_wait3A_290] : memref<160000x32xf32, #tpu.memory_space<hbm>> -> memref<128x32xf32, #tpu.memory_space<hbm>>
        tpu.wait_dma2 semaphore(%run_scoped3A : memref<!tpu.dma_semaphore, #tpu.memory_space<semaphore_mem>>) src(%arg6 : memref<128x32xf32, #tpu.memory_space<vmem>>) dst(%dma_wait3A_291 : memref<128x32xf32, #tpu.memory_space<hbm>>)
        tpu.yield
      }) : () -> ()
    } else {
    }
    %add3A_257 = arith.constant 1184 : i32
    %add3A_258 = arith.addi %add3A, %add3A_257 : i32
    %lt3A_259 = arith.constant 1250 : i32
    %lt3A_260 = arith.cmpi slt, %add3A_258, %lt3A_259 : i32
    %convert_element_type3A_261 = arith.extui %lt3A_260 : i1 to i32
    %cond3A_262 = arith.constant 0 : i32
    %cond3A_263 = arith.cmpi ne, %convert_element_type3A_261, %cond3A_262 : i32
    scf.if %cond3A_263 {
      %mul3A_278 = arith.constant 128 : i32
      %mul3A_279 = arith.muli %add3A_258, %mul3A_278 : i32
      %multiple_of3A = tpu.assume_multiple %mul3A_279, 128 : i32
      "tpu.region"() ({
        %run_scoped3A = tpu.sem_alloc : memref<!tpu.dma_semaphore, #tpu.memory_space<semaphore_mem>>
        %dma_start3A_284 = tpu.memref_slice %arg3[%multiple_of3A] : memref<160000xi32, #tpu.memory_space<hbm>> -> memref<128xi32, #tpu.memory_space<hbm>>
        %dma_start3A_285 = tpu.memref_slice %arg3[%multiple_of3A] : memref<160000xi32, #tpu.memory_space<hbm>> -> memref<128xi32, #tpu.memory_space<hbm>>
        tpu.enqueue_dma source(%dma_start3A_285 : memref<128xi32, #tpu.memory_space<hbm>>) target(%arg5 : memref<128xi32, #tpu.memory_space<vmem>>) target_semaphore(%run_scoped3A : memref<!tpu.dma_semaphore, #tpu.memory_space<semaphore_mem>>)
        %dma_wait3A_286 = tpu.memref_slice %arg3[%multiple_of3A] : memref<160000xi32, #tpu.memory_space<hbm>> -> memref<128xi32, #tpu.memory_space<hbm>>
        %dma_wait3A_287 = tpu.memref_slice %arg3[%multiple_of3A] : memref<160000xi32, #tpu.memory_space<hbm>> -> memref<128xi32, #tpu.memory_space<hbm>>
        tpu.wait_dma2 semaphore(%run_scoped3A : memref<!tpu.dma_semaphore, #tpu.memory_space<semaphore_mem>>) src(%dma_wait3A_287 : memref<128xi32, #tpu.memory_space<hbm>>) dst(%arg5 : memref<128xi32, #tpu.memory_space<vmem>>)
        tpu.yield
      }) : () -> ()
      %dma_start3A = arith.constant 0 : i32
      %dma_start3A_280 = arith.constant 0 : i32
      %dma_start3A_281 = tpu.memref_slice %arg2[%dma_start3A, %dma_start3A_280] : memref<10240x32xf32, #tpu.memory_space<hbm>> -> memref<10240x32xf32, #tpu.memory_space<hbm>>
      tpu.enqueue_indirect_dma source(%dma_start3A_281 : memref<10240x32xf32, #tpu.memory_space<hbm>>) target(%arg6 : memref<128x32xf32, #tpu.memory_space<vmem>>) offsets(%arg5 : memref<128xi32, #tpu.memory_space<vmem>>) semaphore(%arg7 : memref<!tpu.dma_semaphore, #tpu.memory_space<semaphore_mem>>)
      %dma_wait3A = arith.constant 0 : i32
      %dma_wait3A_282 = arith.constant 0 : i32
      %dma_wait3A_283 = tpu.memref_slice %arg2[%dma_wait3A, %dma_wait3A_282] : memref<10240x32xf32, #tpu.memory_space<hbm>> -> memref<10240x32xf32, #tpu.memory_space<hbm>>
      tpu.wait_indirect_dma semaphore(%arg7 : memref<!tpu.dma_semaphore, #tpu.memory_space<semaphore_mem>>) src(%dma_wait3A_283 : memref<10240x32xf32, #tpu.memory_space<hbm>>) dst(%arg6 : memref<128x32xf32, #tpu.memory_space<vmem>>)
      "tpu.region"() ({
        %run_scoped3A = tpu.sem_alloc : memref<!tpu.dma_semaphore, #tpu.memory_space<semaphore_mem>>
        %dma_start3A_284 = arith.constant 0 : i32
        %dma_start3A_285 = tpu.memref_slice %arg4[%multiple_of3A, %dma_start3A_284] : memref<160000x32xf32, #tpu.memory_space<hbm>> -> memref<128x32xf32, #tpu.memory_space<hbm>>
        %dma_start3A_286 = arith.constant 0 : i32
        %dma_start3A_287 = tpu.memref_slice %arg4[%multiple_of3A, %dma_start3A_286] : memref<160000x32xf32, #tpu.memory_space<hbm>> -> memref<128x32xf32, #tpu.memory_space<hbm>>
        tpu.enqueue_dma source(%arg6 : memref<128x32xf32, #tpu.memory_space<vmem>>) target(%dma_start3A_287 : memref<128x32xf32, #tpu.memory_space<hbm>>) target_semaphore(%run_scoped3A : memref<!tpu.dma_semaphore, #tpu.memory_space<semaphore_mem>>)
        %dma_wait3A_288 = arith.constant 0 : i32
        %dma_wait3A_289 = tpu.memref_slice %arg4[%multiple_of3A, %dma_wait3A_288] : memref<160000x32xf32, #tpu.memory_space<hbm>> -> memref<128x32xf32, #tpu.memory_space<hbm>>
        %dma_wait3A_290 = arith.constant 0 : i32
        %dma_wait3A_291 = tpu.memref_slice %arg4[%multiple_of3A, %dma_wait3A_290] : memref<160000x32xf32, #tpu.memory_space<hbm>> -> memref<128x32xf32, #tpu.memory_space<hbm>>
        tpu.wait_dma2 semaphore(%run_scoped3A : memref<!tpu.dma_semaphore, #tpu.memory_space<semaphore_mem>>) src(%arg6 : memref<128x32xf32, #tpu.memory_space<vmem>>) dst(%dma_wait3A_291 : memref<128x32xf32, #tpu.memory_space<hbm>>)
        tpu.yield
      }) : () -> ()
    } else {
    }
    %add3A_264 = arith.constant 1216 : i32
    %add3A_265 = arith.addi %add3A, %add3A_264 : i32
    %lt3A_266 = arith.constant 1250 : i32
    %lt3A_267 = arith.cmpi slt, %add3A_265, %lt3A_266 : i32
    %convert_element_type3A_268 = arith.extui %lt3A_267 : i1 to i32
    %cond3A_269 = arith.constant 0 : i32
    %cond3A_270 = arith.cmpi ne, %convert_element_type3A_268, %cond3A_269 : i32
    scf.if %cond3A_270 {
      %mul3A_278 = arith.constant 128 : i32
      %mul3A_279 = arith.muli %add3A_265, %mul3A_278 : i32
      %multiple_of3A = tpu.assume_multiple %mul3A_279, 128 : i32
      "tpu.region"() ({
        %run_scoped3A = tpu.sem_alloc : memref<!tpu.dma_semaphore, #tpu.memory_space<semaphore_mem>>
        %dma_start3A_284 = tpu.memref_slice %arg3[%multiple_of3A] : memref<160000xi32, #tpu.memory_space<hbm>> -> memref<128xi32, #tpu.memory_space<hbm>>
        %dma_start3A_285 = tpu.memref_slice %arg3[%multiple_of3A] : memref<160000xi32, #tpu.memory_space<hbm>> -> memref<128xi32, #tpu.memory_space<hbm>>
        tpu.enqueue_dma source(%dma_start3A_285 : memref<128xi32, #tpu.memory_space<hbm>>) target(%arg5 : memref<128xi32, #tpu.memory_space<vmem>>) target_semaphore(%run_scoped3A : memref<!tpu.dma_semaphore, #tpu.memory_space<semaphore_mem>>)
        %dma_wait3A_286 = tpu.memref_slice %arg3[%multiple_of3A] : memref<160000xi32, #tpu.memory_space<hbm>> -> memref<128xi32, #tpu.memory_space<hbm>>
        %dma_wait3A_287 = tpu.memref_slice %arg3[%multiple_of3A] : memref<160000xi32, #tpu.memory_space<hbm>> -> memref<128xi32, #tpu.memory_space<hbm>>
        tpu.wait_dma2 semaphore(%run_scoped3A : memref<!tpu.dma_semaphore, #tpu.memory_space<semaphore_mem>>) src(%dma_wait3A_287 : memref<128xi32, #tpu.memory_space<hbm>>) dst(%arg5 : memref<128xi32, #tpu.memory_space<vmem>>)
        tpu.yield
      }) : () -> ()
      %dma_start3A = arith.constant 0 : i32
      %dma_start3A_280 = arith.constant 0 : i32
      %dma_start3A_281 = tpu.memref_slice %arg2[%dma_start3A, %dma_start3A_280] : memref<10240x32xf32, #tpu.memory_space<hbm>> -> memref<10240x32xf32, #tpu.memory_space<hbm>>
      tpu.enqueue_indirect_dma source(%dma_start3A_281 : memref<10240x32xf32, #tpu.memory_space<hbm>>) target(%arg6 : memref<128x32xf32, #tpu.memory_space<vmem>>) offsets(%arg5 : memref<128xi32, #tpu.memory_space<vmem>>) semaphore(%arg7 : memref<!tpu.dma_semaphore, #tpu.memory_space<semaphore_mem>>)
      %dma_wait3A = arith.constant 0 : i32
      %dma_wait3A_282 = arith.constant 0 : i32
      %dma_wait3A_283 = tpu.memref_slice %arg2[%dma_wait3A, %dma_wait3A_282] : memref<10240x32xf32, #tpu.memory_space<hbm>> -> memref<10240x32xf32, #tpu.memory_space<hbm>>
      tpu.wait_indirect_dma semaphore(%arg7 : memref<!tpu.dma_semaphore, #tpu.memory_space<semaphore_mem>>) src(%dma_wait3A_283 : memref<10240x32xf32, #tpu.memory_space<hbm>>) dst(%arg6 : memref<128x32xf32, #tpu.memory_space<vmem>>)
      "tpu.region"() ({
        %run_scoped3A = tpu.sem_alloc : memref<!tpu.dma_semaphore, #tpu.memory_space<semaphore_mem>>
        %dma_start3A_284 = arith.constant 0 : i32
        %dma_start3A_285 = tpu.memref_slice %arg4[%multiple_of3A, %dma_start3A_284] : memref<160000x32xf32, #tpu.memory_space<hbm>> -> memref<128x32xf32, #tpu.memory_space<hbm>>
        %dma_start3A_286 = arith.constant 0 : i32
        %dma_start3A_287 = tpu.memref_slice %arg4[%multiple_of3A, %dma_start3A_286] : memref<160000x32xf32, #tpu.memory_space<hbm>> -> memref<128x32xf32, #tpu.memory_space<hbm>>
        tpu.enqueue_dma source(%arg6 : memref<128x32xf32, #tpu.memory_space<vmem>>) target(%dma_start3A_287 : memref<128x32xf32, #tpu.memory_space<hbm>>) target_semaphore(%run_scoped3A : memref<!tpu.dma_semaphore, #tpu.memory_space<semaphore_mem>>)
        %dma_wait3A_288 = arith.constant 0 : i32
        %dma_wait3A_289 = tpu.memref_slice %arg4[%multiple_of3A, %dma_wait3A_288] : memref<160000x32xf32, #tpu.memory_space<hbm>> -> memref<128x32xf32, #tpu.memory_space<hbm>>
        %dma_wait3A_290 = arith.constant 0 : i32
        %dma_wait3A_291 = tpu.memref_slice %arg4[%multiple_of3A, %dma_wait3A_290] : memref<160000x32xf32, #tpu.memory_space<hbm>> -> memref<128x32xf32, #tpu.memory_space<hbm>>
        tpu.wait_dma2 semaphore(%run_scoped3A : memref<!tpu.dma_semaphore, #tpu.memory_space<semaphore_mem>>) src(%arg6 : memref<128x32xf32, #tpu.memory_space<vmem>>) dst(%dma_wait3A_291 : memref<128x32xf32, #tpu.memory_space<hbm>>)
        tpu.yield
      }) : () -> ()
    } else {
    }
    %add3A_271 = arith.constant 1248 : i32
    %add3A_272 = arith.addi %add3A, %add3A_271 : i32
    %lt3A_273 = arith.constant 1250 : i32
    %lt3A_274 = arith.cmpi slt, %add3A_272, %lt3A_273 : i32
    %convert_element_type3A_275 = arith.extui %lt3A_274 : i1 to i32
    %cond3A_276 = arith.constant 0 : i32
    %cond3A_277 = arith.cmpi ne, %convert_element_type3A_275, %cond3A_276 : i32
    scf.if %cond3A_277 {
      %mul3A_278 = arith.constant 128 : i32
      %mul3A_279 = arith.muli %add3A_272, %mul3A_278 : i32
      %multiple_of3A = tpu.assume_multiple %mul3A_279, 128 : i32
      "tpu.region"() ({
        %run_scoped3A = tpu.sem_alloc : memref<!tpu.dma_semaphore, #tpu.memory_space<semaphore_mem>>
        %dma_start3A_284 = tpu.memref_slice %arg3[%multiple_of3A] : memref<160000xi32, #tpu.memory_space<hbm>> -> memref<128xi32, #tpu.memory_space<hbm>>
        %dma_start3A_285 = tpu.memref_slice %arg3[%multiple_of3A] : memref<160000xi32, #tpu.memory_space<hbm>> -> memref<128xi32, #tpu.memory_space<hbm>>
        tpu.enqueue_dma source(%dma_start3A_285 : memref<128xi32, #tpu.memory_space<hbm>>) target(%arg5 : memref<128xi32, #tpu.memory_space<vmem>>) target_semaphore(%run_scoped3A : memref<!tpu.dma_semaphore, #tpu.memory_space<semaphore_mem>>)
        %dma_wait3A_286 = tpu.memref_slice %arg3[%multiple_of3A] : memref<160000xi32, #tpu.memory_space<hbm>> -> memref<128xi32, #tpu.memory_space<hbm>>
        %dma_wait3A_287 = tpu.memref_slice %arg3[%multiple_of3A] : memref<160000xi32, #tpu.memory_space<hbm>> -> memref<128xi32, #tpu.memory_space<hbm>>
        tpu.wait_dma2 semaphore(%run_scoped3A : memref<!tpu.dma_semaphore, #tpu.memory_space<semaphore_mem>>) src(%dma_wait3A_287 : memref<128xi32, #tpu.memory_space<hbm>>) dst(%arg5 : memref<128xi32, #tpu.memory_space<vmem>>)
        tpu.yield
      }) : () -> ()
      %dma_start3A = arith.constant 0 : i32
      %dma_start3A_280 = arith.constant 0 : i32
      %dma_start3A_281 = tpu.memref_slice %arg2[%dma_start3A, %dma_start3A_280] : memref<10240x32xf32, #tpu.memory_space<hbm>> -> memref<10240x32xf32, #tpu.memory_space<hbm>>
      tpu.enqueue_indirect_dma source(%dma_start3A_281 : memref<10240x32xf32, #tpu.memory_space<hbm>>) target(%arg6 : memref<128x32xf32, #tpu.memory_space<vmem>>) offsets(%arg5 : memref<128xi32, #tpu.memory_space<vmem>>) semaphore(%arg7 : memref<!tpu.dma_semaphore, #tpu.memory_space<semaphore_mem>>)
      %dma_wait3A = arith.constant 0 : i32
      %dma_wait3A_282 = arith.constant 0 : i32
      %dma_wait3A_283 = tpu.memref_slice %arg2[%dma_wait3A, %dma_wait3A_282] : memref<10240x32xf32, #tpu.memory_space<hbm>> -> memref<10240x32xf32, #tpu.memory_space<hbm>>
      tpu.wait_indirect_dma semaphore(%arg7 : memref<!tpu.dma_semaphore, #tpu.memory_space<semaphore_mem>>) src(%dma_wait3A_283 : memref<10240x32xf32, #tpu.memory_space<hbm>>) dst(%arg6 : memref<128x32xf32, #tpu.memory_space<vmem>>)
      "tpu.region"() ({
        %run_scoped3A = tpu.sem_alloc : memref<!tpu.dma_semaphore, #tpu.memory_space<semaphore_mem>>
        %dma_start3A_284 = arith.constant 0 : i32
        %dma_start3A_285 = tpu.memref_slice %arg4[%multiple_of3A, %dma_start3A_284] : memref<160000x32xf32, #tpu.memory_space<hbm>> -> memref<128x32xf32, #tpu.memory_space<hbm>>
        %dma_start3A_286 = arith.constant 0 : i32
        %dma_start3A_287 = tpu.memref_slice %arg4[%multiple_of3A, %dma_start3A_286] : memref<160000x32xf32, #tpu.memory_space<hbm>> -> memref<128x32xf32, #tpu.memory_space<hbm>>
        tpu.enqueue_dma source(%arg6 : memref<128x32xf32, #tpu.memory_space<vmem>>) target(%dma_start3A_287 : memref<128x32xf32, #tpu.memory_space<hbm>>) target_semaphore(%run_scoped3A : memref<!tpu.dma_semaphore, #tpu.memory_space<semaphore_mem>>)
        %dma_wait3A_288 = arith.constant 0 : i32
        %dma_wait3A_289 = tpu.memref_slice %arg4[%multiple_of3A, %dma_wait3A_288] : memref<160000x32xf32, #tpu.memory_space<hbm>> -> memref<128x32xf32, #tpu.memory_space<hbm>>
        %dma_wait3A_290 = arith.constant 0 : i32
        %dma_wait3A_291 = tpu.memref_slice %arg4[%multiple_of3A, %dma_wait3A_290] : memref<160000x32xf32, #tpu.memory_space<hbm>> -> memref<128x32xf32, #tpu.memory_space<hbm>>
        tpu.wait_dma2 semaphore(%run_scoped3A : memref<!tpu.dma_semaphore, #tpu.memory_space<semaphore_mem>>) src(%arg6 : memref<128x32xf32, #tpu.memory_space<vmem>>) dst(%dma_wait3A_291 : memref<128x32xf32, #tpu.memory_space<hbm>>)
        tpu.yield
      }) : () -> ()
    } else {
    }
    return
  }
}

module attributes {stable_mosaic.version = 14 : i64} {
  func.func @_proj_body(%arg0: i32, %arg1: memref<1024x128xf32, #tpu.memory_space<vmem>>, %arg2: memref<128x1024xf32, #tpu.memory_space<vmem>>, %arg3: memref<4x128xf32, #tpu.memory_space<vmem>>, %arg4: memref<4x1xf32, #tpu.memory_space<vmem>>, %arg5: memref<128x32xf32, #tpu.memory_space<vmem>>, %arg6: memref<1x32xf32, #tpu.memory_space<vmem>>, %arg7: memref<1x4x1024xf32, #tpu.memory_space<vmem>>, %arg8: memref<1x1x1024xf32, #tpu.memory_space<vmem>>, %arg9: memref<1024x32xf32, #tpu.memory_space<vmem>>) attributes {dimension_semantics = [#tpu.dimension_semantics<arbitrary>], iteration_bounds = array<i64: 10>, scalar_prefetch = 0 : i64, scratch_operands = 0 : i64, tpu.core_type = #tpu.core_type<tc>, window_params = [{transform_indices = @transform_0, window_bounds = array<i64: 1024, 128>}, {transform_indices = @transform_1, window_bounds = array<i64: 128, 1024>}, {pipeline_mode = #tpu.pipeline_mode<synchronous>, transform_indices = @transform_2, window_bounds = array<i64: 4, 128>}, {pipeline_mode = #tpu.pipeline_mode<synchronous>, transform_indices = @transform_3, window_bounds = array<i64: 4, 1>}, {pipeline_mode = #tpu.pipeline_mode<synchronous>, transform_indices = @transform_4, window_bounds = array<i64: 128, 32>}, {pipeline_mode = #tpu.pipeline_mode<synchronous>, transform_indices = @transform_5, window_bounds = array<i64: 1, 32>}, {transform_indices = @transform_6, window_bounds = array<i64: 1, 4, 1024>}, {transform_indices = @transform_7, window_bounds = array<i64: 1, 1, 1024>}, {transform_indices = @transform_8, window_bounds = array<i64: 1024, 32>}]} {
    %get3A = arith.constant 0 : index
    %get3A_0 = arith.constant 0 : index
    %get3A_1 = vector.load %arg3[%get3A, %get3A_0] : memref<4x128xf32, #tpu.memory_space<vmem>>, vector<4x128xf32>
    %get3A_2 = arith.constant 0 : index
    %get3A_3 = arith.constant 0 : index
    %get3A_4 = vector.load %arg2[%get3A_2, %get3A_3] : memref<128x1024xf32, #tpu.memory_space<vmem>>, vector<128x1024xf32>
    %dot_general3A = arith.constant dense<0.000000e+00> : vector<4x1024xf32>
    %dot_general3A_5 = tpu.matmul %get3A_1, %get3A_4, %dot_general3A {dimension_numbers = #tpu.dot_dimension_numbers<[1], [0], [0], [1], [0, 0, 1, 1], [], []>, transpose_lhs_hint = false} : vector<4x128xf32>, vector<128x1024xf32>, vector<4x1024xf32> -> vector<4x1024xf32>
    %get3A_6 = arith.constant 0 : index
    %get3A_7 = arith.constant 0 : index
    %get3A_8 = vector.load %arg4[%get3A_6, %get3A_7] : memref<4x1xf32, #tpu.memory_space<vmem>>, vector<4x1xf32>
    %add3A = vector.broadcast %get3A_8 : vector<4x1xf32> to vector<4x1024xf32>
    %add3A_9 = arith.addf %dot_general3A_5, %add3A : vector<4x1024xf32>
    %mul3A = arith.constant -2.000000e+00 : f32
    %mul3A_10 = vector.broadcast %mul3A : f32 to vector<4x1024xf32>
    %mul3A_11 = arith.mulf %mul3A_10, %add3A_9 : vector<4x1024xf32>
    %broadcast_in_dim3A = vector.shape_cast %mul3A_11 : vector<4x1024xf32> to vector<1x4x1024xf32>
    %swap3A = arith.constant 0 : index
    %swap3A_12 = arith.constant 0 : index
    %swap3A_13 = arith.constant 0 : index
    %swap3A_14 = vector.load %arg7[%swap3A, %swap3A_12, %swap3A_13] : memref<1x4x1024xf32, #tpu.memory_space<vmem>>, vector<1x4x1024xf32>
    tpu.vector_store %arg7[%swap3A, %swap3A_12, %swap3A_13], %broadcast_in_dim3A {strides = array<i32>} : memref<1x4x1024xf32, #tpu.memory_space<vmem>>, vector<1x4x1024xf32>,
    %mul3A_15 = arith.mulf %add3A_9, %add3A_9 : vector<4x1024xf32>
    %reduce_sum3A = arith.constant dense<0.000000e+00> : vector<1024xf32>
    %reduce_sum3A_16 = vector.multi_reduction <add>, %mul3A_15, %reduce_sum3A [0] : vector<4x1024xf32> to vector<1024xf32>
    %broadcast_in_dim3A_17 = vector.shape_cast %reduce_sum3A_16 : vector<1024xf32> to vector<1x1024xf32>
    %broadcast_in_dim3A_18 = vector.shape_cast %broadcast_in_dim3A_17 : vector<1x1024xf32> to vector<1x1x1024xf32>
    %swap3A_19 = arith.constant 0 : index
    %swap3A_20 = arith.constant 0 : index
    %swap3A_21 = arith.constant 0 : index
    %swap3A_22 = vector.load %arg8[%swap3A_19, %swap3A_20, %swap3A_21] : memref<1x1x1024xf32, #tpu.memory_space<vmem>>, vector<1x1x1024xf32>
    tpu.vector_store %arg8[%swap3A_19, %swap3A_20, %swap3A_21], %broadcast_in_dim3A_18 {strides = array<i32>} : memref<1x1x1024xf32, #tpu.memory_space<vmem>>, vector<1x1x1024xf32>,
    %get3A_23 = arith.constant 0 : index
    %get3A_24 = arith.constant 0 : index
    %get3A_25 = vector.load %arg1[%get3A_23, %get3A_24] : memref<1024x128xf32, #tpu.memory_space<vmem>>, vector<1024x128xf32>
    %get3A_26 = arith.constant 0 : index
    %get3A_27 = arith.constant 0 : index
    %get3A_28 = vector.load %arg5[%get3A_26, %get3A_27] : memref<128x32xf32, #tpu.memory_space<vmem>>, vector<128x32xf32>
    %dot_general3A_29 = arith.constant dense<0.000000e+00> : vector<1024x32xf32>
    %dot_general3A_30 = tpu.matmul %get3A_25, %get3A_28, %dot_general3A_29 {dimension_numbers = #tpu.dot_dimension_numbers<[1], [0], [0], [1], [0, 0, 1, 1], [], []>, transpose_lhs_hint = false} : vector<1024x128xf32>, vector<128x32xf32>, vector<1024x32xf32> -> vector<1024x32xf32>
    %get3A_31 = arith.constant 0 : index
    %get3A_32 = arith.constant 0 : index
    %get3A_33 = vector.load %arg6[%get3A_31, %get3A_32] : memref<1x32xf32, #tpu.memory_space<vmem>>, vector<1x32xf32>
    %add3A_34 = vector.broadcast %get3A_33 : vector<1x32xf32> to vector<1024x32xf32>
    %add3A_35 = arith.addf %dot_general3A_30, %add3A_34 : vector<1024x32xf32>
    %swap3A_36 = arith.constant 0 : index
    %swap3A_37 = arith.constant 0 : index
    %swap3A_38 = vector.load %arg9[%swap3A_36, %swap3A_37] : memref<1024x32xf32, #tpu.memory_space<vmem>>, vector<1024x32xf32>
    tpu.vector_store %arg9[%swap3A_36, %swap3A_37], %add3A_35 {strides = array<i32>} : memref<1024x32xf32, #tpu.memory_space<vmem>>, vector<1024x32xf32>,
    return
  }
  func.func @transform_0(%arg0: i32) -> (i32, i32) {
    %c0_i32 = arith.constant 0 : i32
    %c0_i32_0 = arith.constant 0 : i32
    return %arg0, %c0_i32 : i32, i32
  }
  func.func @transform_1(%arg0: i32) -> (i32, i32) {
    %c0_i32 = arith.constant 0 : i32
    %c0_i32_0 = arith.constant 0 : i32
    return %c0_i32, %arg0 : i32, i32
  }
  func.func @transform_2(%arg0: i32) -> (i32, i32) {
    %c0_i32 = arith.constant 0 : i32
    %c0_i32_0 = arith.constant 0 : i32
    %c0_i32_1 = arith.constant 0 : i32
    return %c0_i32, %c0_i32_0 : i32, i32
  }
  func.func @transform_3(%arg0: i32) -> (i32, i32) {
    %c0_i32 = arith.constant 0 : i32
    %c0_i32_0 = arith.constant 0 : i32
    %c0_i32_1 = arith.constant 0 : i32
    return %c0_i32, %c0_i32_0 : i32, i32
  }
  func.func @transform_4(%arg0: i32) -> (i32, i32) {
    %c0_i32 = arith.constant 0 : i32
    %c0_i32_0 = arith.constant 0 : i32
    %c0_i32_1 = arith.constant 0 : i32
    return %c0_i32, %c0_i32_0 : i32, i32
  }
  func.func @transform_5(%arg0: i32) -> (i32, i32) {
    %c0_i32 = arith.constant 0 : i32
    %c0_i32_0 = arith.constant 0 : i32
    %c0_i32_1 = arith.constant 0 : i32
    return %c0_i32, %c0_i32_0 : i32, i32
  }
  func.func @transform_6(%arg0: i32) -> (i32, i32, i32) {
    %c0_i32 = arith.constant 0 : i32
    %c0_i32_0 = arith.constant 0 : i32
    %c0_i32_1 = arith.constant 0 : i32
    return %arg0, %c0_i32, %c0_i32_0 : i32, i32, i32
  }
  func.func @transform_7(%arg0: i32) -> (i32, i32, i32) {
    %c0_i32 = arith.constant 0 : i32
    %c0_i32_0 = arith.constant 0 : i32
    %c0_i32_1 = arith.constant 0 : i32
    return %arg0, %c0_i32, %c0_i32_0 : i32, i32, i32
  }
  func.func @transform_8(%arg0: i32) -> (i32, i32) {
    %c0_i32 = arith.constant 0 : i32
    %c0_i32_0 = arith.constant 0 : i32
    return %arg0, %c0_i32 : i32, i32
  }
}

module attributes {stable_mosaic.version = 14 : i64} {
  func.func @_knn_body(%arg0: i32, %arg1: memref<400x128xf32, #tpu.memory_space<vmem>>, %arg2: memref<10x4x1024xf32, #tpu.memory_space<vmem>>, %arg3: memref<10x1x1024xf32, #tpu.memory_space<vmem>>, %arg4: memref<128x4xf32, #tpu.memory_space<vmem>>, %arg5: memref<1x4xf32, #tpu.memory_space<vmem>>, %arg6: memref<400x16xi32, #tpu.memory_space<vmem>>, %arg7: memref<400x16xf32, #tpu.memory_space<vmem>>, %arg8: memref<10x400x1024xf32, #tpu.memory_space<vmem>>, %arg9: memref<400x384xf32, #tpu.memory_space<vmem>>, %arg10: memref<400x384xf32, #tpu.memory_space<vmem>>) attributes {dimension_semantics = [#tpu.dimension_semantics<arbitrary>], iteration_bounds = array<i64: 25>, scalar_prefetch = 0 : i64, scratch_operands = 3 : i64, tpu.core_type = #tpu.core_type<tc>, window_params = [{transform_indices = @transform_0, window_bounds = array<i64: 400, 128>}, {pipeline_mode = #tpu.pipeline_mode<synchronous>, transform_indices = @transform_1, window_bounds = array<i64: 10, 4, 1024>}, {pipeline_mode = #tpu.pipeline_mode<synchronous>, transform_indices = @transform_2, window_bounds = array<i64: 10, 1, 1024>}, {pipeline_mode = #tpu.pipeline_mode<synchronous>, transform_indices = @transform_3, window_bounds = array<i64: 128, 4>}, {pipeline_mode = #tpu.pipeline_mode<synchronous>, transform_indices = @transform_4, window_bounds = array<i64: 1, 4>}, {transform_indices = @transform_5, window_bounds = array<i64: 400, 16>}, {transform_indices = @transform_6, window_bounds = array<i64: 400, 16>}]} {
    %get3A = arith.constant 0 : index
    %get3A_0 = arith.constant 0 : index
    %get3A_1 = vector.load %arg1[%get3A, %get3A_0] : memref<400x128xf32, #tpu.memory_space<vmem>>, vector<400x128xf32>
    %get3A_2 = arith.constant 0 : index
    %get3A_3 = arith.constant 0 : index
    %get3A_4 = vector.load %arg4[%get3A_2, %get3A_3] : memref<128x4xf32, #tpu.memory_space<vmem>>, vector<128x4xf32>
    %dot_general3A = arith.constant dense<0.000000e+00> : vector<400x4xf32>
    %dot_general3A_5 = tpu.matmul %get3A_1, %get3A_4, %dot_general3A {dimension_numbers = #tpu.dot_dimension_numbers<[1], [0], [0], [1], [0, 0, 1, 1], [], []>, transpose_lhs_hint = false} : vector<400x128xf32>, vector<128x4xf32>, vector<400x4xf32> -> vector<400x4xf32>
    %get3A_6 = arith.constant 0 : index
    %get3A_7 = arith.constant 0 : index
    %get3A_8 = vector.load %arg5[%get3A_6, %get3A_7] : memref<1x4xf32, #tpu.memory_space<vmem>>, vector<1x4xf32>
    %add3A = vector.broadcast %get3A_8 : vector<1x4xf32> to vector<400x4xf32>
    %add3A_9 = arith.addf %dot_general3A_5, %add3A : vector<400x4xf32>
    %iota3A = tpu.iota {dimensions = array<i32: 1>} : vector<1x1024xi32>
    %convert_element_type3A = arith.sitofp %iota3A : vector<1x1024xi32> to vector<1x1024xf32>
    %iota3A_10 = tpu.iota {dimensions = array<i32: 1>} : vector<1x128xi32>
    %convert_element_type3A_11 = arith.sitofp %iota3A_10 : vector<1x128xi32> to vector<1x128xf32>
    %mul3A = arith.mulf %add3A_9, %add3A_9 : vector<400x4xf32>
    %reduce_sum3A = arith.constant dense<0.000000e+00> : vector<400xf32>
    %reduce_sum3A_12 = vector.multi_reduction <add>, %mul3A, %reduce_sum3A [1] : vector<400x4xf32> to vector<400xf32>
    %broadcast_in_dim3A = vector.shape_cast %reduce_sum3A_12 : vector<400xf32> to vector<400x1xf32>
    %broadcast_in_dim3A_13 = arith.constant 1.000000e+30 : f32
    %broadcast_in_dim3A_14 = vector.broadcast %broadcast_in_dim3A_13 : f32 to vector<400x128xf32>
    %broadcast_in_dim3A_15 = arith.constant -2.000000e+00 : f32
    %broadcast_in_dim3A_16 = vector.broadcast %broadcast_in_dim3A_15 : f32 to vector<400x128xf32>
    %scan3A = arith.constant 0 : i32
    %scan3A_17 = arith.constant 10 : i32
    %scan3A_18 = arith.addi %scan3A, %scan3A_17 : i32
    %scan3A_19 = arith.constant 1 : i32
    %scan3A_20:2 = scf.for %scan3A_592 = %scan3A to %scan3A_18 step %scan3A_19 iter_args(%scan3A_593 = %broadcast_in_dim3A_14, %scan3A_594 = %broadcast_in_dim3A_16) -> (vector<400x128xf32>, vector<400x128xf32>)  : i32 {
      %get3A_595 = arith.index_cast %scan3A_592 : i32 to index
      %get3A_596 = arith.constant 0 : index
      %get3A_597 = arith.constant 0 : index
      %get3A_598 = vector.load %arg2[%get3A_595, %get3A_596, %get3A_597] : memref<10x4x1024xf32, #tpu.memory_space<vmem>>, vector<1x4x1024xf32>
      %get3A_599 = vector.shape_cast %get3A_598 : vector<1x4x1024xf32> to vector<4x1024xf32>
      %get3A_600 = arith.index_cast %scan3A_592 : i32 to index
      %get3A_601 = arith.constant 0 : index
      %get3A_602 = arith.constant 0 : index
      %get3A_603 = vector.load %arg3[%get3A_600, %get3A_601, %get3A_602] : memref<10x1x1024xf32, #tpu.memory_space<vmem>>, vector<1x1x1024xf32>
      %get3A_604 = vector.shape_cast %get3A_603 : vector<1x1x1024xf32> to vector<1x1024xf32>
      %slice3A = vector.extract_strided_slice %add3A_9 {offsets = [0, 0], sizes = [400, 1], strides = [1, 1]} : vector<400x4xf32> to vector<400x1xf32>
      %slice3A_605 = vector.extract_strided_slice %get3A_599 {offsets = [0, 0], sizes = [1, 1024], strides = [1, 1]} : vector<4x1024xf32> to vector<1x1024xf32>
      %mul3A_606 = vector.broadcast %slice3A : vector<400x1xf32> to vector<400x1024xf32>
      %mul3A_607 = vector.broadcast %slice3A_605 : vector<1x1024xf32> to vector<400x1024xf32>
      %mul3A_608 = arith.mulf %mul3A_606, %mul3A_607 : vector<400x1024xf32>
      %add3A_609 = vector.broadcast %get3A_604 : vector<1x1024xf32> to vector<400x1024xf32>
      %add3A_610 = arith.addf %add3A_609, %mul3A_608 : vector<400x1024xf32>
      %slice3A_611 = vector.extract_strided_slice %add3A_9 {offsets = [0, 1], sizes = [400, 1], strides = [1, 1]} : vector<400x4xf32> to vector<400x1xf32>
      %slice3A_612 = vector.extract_strided_slice %get3A_599 {offsets = [1, 0], sizes = [1, 1024], strides = [1, 1]} : vector<4x1024xf32> to vector<1x1024xf32>
      %mul3A_613 = vector.broadcast %slice3A_611 : vector<400x1xf32> to vector<400x1024xf32>
      %mul3A_614 = vector.broadcast %slice3A_612 : vector<1x1024xf32> to vector<400x1024xf32>
      %mul3A_615 = arith.mulf %mul3A_613, %mul3A_614 : vector<400x1024xf32>
      %add3A_616 = arith.addf %add3A_610, %mul3A_615 : vector<400x1024xf32>
      %slice3A_617 = vector.extract_strided_slice %add3A_9 {offsets = [0, 2], sizes = [400, 1], strides = [1, 1]} : vector<400x4xf32> to vector<400x1xf32>
      %slice3A_618 = vector.extract_strided_slice %get3A_599 {offsets = [2, 0], sizes = [1, 1024], strides = [1, 1]} : vector<4x1024xf32> to vector<1x1024xf32>
      %mul3A_619 = vector.broadcast %slice3A_617 : vector<400x1xf32> to vector<400x1024xf32>
      %mul3A_620 = vector.broadcast %slice3A_618 : vector<1x1024xf32> to vector<400x1024xf32>
      %mul3A_621 = arith.mulf %mul3A_619, %mul3A_620 : vector<400x1024xf32>
      %add3A_622 = arith.addf %add3A_616, %mul3A_621 : vector<400x1024xf32>
      %slice3A_623 = vector.extract_strided_slice %add3A_9 {offsets = [0, 3], sizes = [400, 1], strides = [1, 1]} : vector<400x4xf32> to vector<400x1xf32>
      %slice3A_624 = vector.extract_strided_slice %get3A_599 {offsets = [3, 0], sizes = [1, 1024], strides = [1, 1]} : vector<4x1024xf32> to vector<1x1024xf32>
      %mul3A_625 = vector.broadcast %slice3A_623 : vector<400x1xf32> to vector<400x1024xf32>
      %mul3A_626 = vector.broadcast %slice3A_624 : vector<1x1024xf32> to vector<400x1024xf32>
      %mul3A_627 = arith.mulf %mul3A_625, %mul3A_626 : vector<400x1024xf32>
      %add3A_628 = arith.addf %add3A_622, %mul3A_627 : vector<400x1024xf32>
      %convert_element_type3A_629 = arith.sitofp %scan3A_592 : i32 to f32
      %mul3A_630 = arith.constant 1.024000e+03 : f32
      %mul3A_631 = arith.mulf %convert_element_type3A_629, %mul3A_630 : f32
      %add3A_632 = vector.broadcast %mul3A_631 : f32 to vector<1x1024xf32>
      %add3A_633 = arith.addf %convert_element_type3A, %add3A_632 : vector<1x1024xf32>
      %lt3A = arith.constant 1.000000e+04 : f32
      %lt3A_634 = vector.broadcast %lt3A : f32 to vector<1x1024xf32>
      %lt3A_635 = arith.cmpf olt, %add3A_633, %lt3A_634 : vector<1x1024xf32>
      %jit3A_636 = arith.constant 1.000000e+30 : f32
      %broadcast_in_dim3A_637 = vector.shape_cast %lt3A_635 : vector<1x1024xi1> to vector<1x1024xi1>
      %broadcast_in_dim3A_638 = vector.broadcast %broadcast_in_dim3A_637 : vector<1x1024xi1> to vector<400x1024xi1>
      %broadcast_in_dim3A_639 = vector.broadcast %jit3A_636 : f32 to vector<400x1024xf32>
      %select_n3A_640 = arith.select %broadcast_in_dim3A_638, %add3A_628, %broadcast_in_dim3A_639 : vector<400x1024xi1>, vector<400x1024xf32>
      %swap3A_641 = arith.index_cast %scan3A_592 : i32 to index
      %swap3A_642 = arith.constant 0 : index
      %swap3A_643 = arith.constant 0 : index
      %swap3A_644 = vector.load %arg8[%swap3A_641, %swap3A_642, %swap3A_643] : memref<10x400x1024xf32, #tpu.memory_space<vmem>>, vector<1x400x1024xf32>
      %swap3A_645 = vector.shape_cast %swap3A_644 : vector<1x400x1024xf32> to vector<400x1024xf32>
      %swap3A_646 = vector.shape_cast %select_n3A_640 : vector<400x1024xf32> to vector<1x400x1024xf32>
      tpu.vector_store %arg8[%swap3A_641, %swap3A_642, %swap3A_643], %swap3A_646 {strides = array<i32>} : memref<10x400x1024xf32, #tpu.memory_space<vmem>>, vector<1x400x1024xf32>,
      %convert_element_type3A_647 = arith.sitofp %scan3A_592 : i32 to f32
      %slice3A_648 = vector.extract_strided_slice %select_n3A_640 {offsets = [0, 0], sizes = [400, 128], strides = [1, 1]} : vector<400x1024xf32> to vector<400x128xf32>
      %mul3A_649 = arith.constant 8.000000e+00 : f32
      %mul3A_650 = arith.mulf %convert_element_type3A_647, %mul3A_649 : f32
      %add3A_651 = arith.constant 0.000000e+00 : f32
      %add3A_652 = arith.addf %mul3A_650, %add3A_651 : f32
      %lt3A_653 = arith.cmpf olt, %slice3A_648, %scan3A_593 : vector<400x128xf32>
      %select_n3A_654 = arith.select %lt3A_653, %slice3A_648, %scan3A_593 : vector<400x128xi1>, vector<400x128xf32>
      %broadcast_in_dim3A_655 = vector.broadcast %add3A_652 : f32 to vector<400x128xf32>
      %select_n3A_656 = arith.select %lt3A_653, %broadcast_in_dim3A_655, %scan3A_594 : vector<400x128xi1>, vector<400x128xf32>
      %slice3A_657 = vector.extract_strided_slice %select_n3A_640 {offsets = [0, 128], sizes = [400, 128], strides = [1, 1]} : vector<400x1024xf32> to vector<400x128xf32>
      %mul3A_658 = arith.constant 8.000000e+00 : f32
      %mul3A_659 = arith.mulf %convert_element_type3A_647, %mul3A_658 : f32
      %add3A_660 = arith.constant 1.000000e+00 : f32
      %add3A_661 = arith.addf %mul3A_659, %add3A_660 : f32
      %lt3A_662 = arith.cmpf olt, %slice3A_657, %select_n3A_654 : vector<400x128xf32>
      %select_n3A_663 = arith.select %lt3A_662, %slice3A_657, %select_n3A_654 : vector<400x128xi1>, vector<400x128xf32>
      %broadcast_in_dim3A_664 = vector.broadcast %add3A_661 : f32 to vector<400x128xf32>
      %select_n3A_665 = arith.select %lt3A_662, %broadcast_in_dim3A_664, %select_n3A_656 : vector<400x128xi1>, vector<400x128xf32>
      %slice3A_666 = vector.extract_strided_slice %select_n3A_640 {offsets = [0, 256], sizes = [400, 128], strides = [1, 1]} : vector<400x1024xf32> to vector<400x128xf32>
      %mul3A_667 = arith.constant 8.000000e+00 : f32
      %mul3A_668 = arith.mulf %convert_element_type3A_647, %mul3A_667 : f32
      %add3A_669 = arith.constant 2.000000e+00 : f32
      %add3A_670 = arith.addf %mul3A_668, %add3A_669 : f32
      %lt3A_671 = arith.cmpf olt, %slice3A_666, %select_n3A_663 : vector<400x128xf32>
      %select_n3A_672 = arith.select %lt3A_671, %slice3A_666, %select_n3A_663 : vector<400x128xi1>, vector<400x128xf32>
      %broadcast_in_dim3A_673 = vector.broadcast %add3A_670 : f32 to vector<400x128xf32>
      %select_n3A_674 = arith.select %lt3A_671, %broadcast_in_dim3A_673, %select_n3A_665 : vector<400x128xi1>, vector<400x128xf32>
      %slice3A_675 = vector.extract_strided_slice %select_n3A_640 {offsets = [0, 384], sizes = [400, 128], strides = [1, 1]} : vector<400x1024xf32> to vector<400x128xf32>
      %mul3A_676 = arith.constant 8.000000e+00 : f32
      %mul3A_677 = arith.mulf %convert_element_type3A_647, %mul3A_676 : f32
      %add3A_678 = arith.constant 3.000000e+00 : f32
      %add3A_679 = arith.addf %mul3A_677, %add3A_678 : f32
      %lt3A_680 = arith.cmpf olt, %slice3A_675, %select_n3A_672 : vector<400x128xf32>
      %select_n3A_681 = arith.select %lt3A_680, %slice3A_675, %select_n3A_672 : vector<400x128xi1>, vector<400x128xf32>
      %broadcast_in_dim3A_682 = vector.broadcast %add3A_679 : f32 to vector<400x128xf32>
      %select_n3A_683 = arith.select %lt3A_680, %broadcast_in_dim3A_682, %select_n3A_674 : vector<400x128xi1>, vector<400x128xf32>
      %slice3A_684 = vector.extract_strided_slice %select_n3A_640 {offsets = [0, 512], sizes = [400, 128], strides = [1, 1]} : vector<400x1024xf32> to vector<400x128xf32>
      %mul3A_685 = arith.constant 8.000000e+00 : f32
      %mul3A_686 = arith.mulf %convert_element_type3A_647, %mul3A_685 : f32
      %add3A_687 = arith.constant 4.000000e+00 : f32
      %add3A_688 = arith.addf %mul3A_686, %add3A_687 : f32
      %lt3A_689 = arith.cmpf olt, %slice3A_684, %select_n3A_681 : vector<400x128xf32>
      %select_n3A_690 = arith.select %lt3A_689, %slice3A_684, %select_n3A_681 : vector<400x128xi1>, vector<400x128xf32>
      %broadcast_in_dim3A_691 = vector.broadcast %add3A_688 : f32 to vector<400x128xf32>
      %select_n3A_692 = arith.select %lt3A_689, %broadcast_in_dim3A_691, %select_n3A_683 : vector<400x128xi1>, vector<400x128xf32>
      %slice3A_693 = vector.extract_strided_slice %select_n3A_640 {offsets = [0, 640], sizes = [400, 128], strides = [1, 1]} : vector<400x1024xf32> to vector<400x128xf32>
      %mul3A_694 = arith.constant 8.000000e+00 : f32
      %mul3A_695 = arith.mulf %convert_element_type3A_647, %mul3A_694 : f32
      %add3A_696 = arith.constant 5.000000e+00 : f32
      %add3A_697 = arith.addf %mul3A_695, %add3A_696 : f32
      %lt3A_698 = arith.cmpf olt, %slice3A_693, %select_n3A_690 : vector<400x128xf32>
      %select_n3A_699 = arith.select %lt3A_698, %slice3A_693, %select_n3A_690 : vector<400x128xi1>, vector<400x128xf32>
      %broadcast_in_dim3A_700 = vector.broadcast %add3A_697 : f32 to vector<400x128xf32>
      %select_n3A_701 = arith.select %lt3A_698, %broadcast_in_dim3A_700, %select_n3A_692 : vector<400x128xi1>, vector<400x128xf32>
      %slice3A_702 = vector.extract_strided_slice %select_n3A_640 {offsets = [0, 768], sizes = [400, 128], strides = [1, 1]} : vector<400x1024xf32> to vector<400x128xf32>
      %mul3A_703 = arith.constant 8.000000e+00 : f32
      %mul3A_704 = arith.mulf %convert_element_type3A_647, %mul3A_703 : f32
      %add3A_705 = arith.constant 6.000000e+00 : f32
      %add3A_706 = arith.addf %mul3A_704, %add3A_705 : f32
      %lt3A_707 = arith.cmpf olt, %slice3A_702, %select_n3A_699 : vector<400x128xf32>
      %select_n3A_708 = arith.select %lt3A_707, %slice3A_702, %select_n3A_699 : vector<400x128xi1>, vector<400x128xf32>
      %broadcast_in_dim3A_709 = vector.broadcast %add3A_706 : f32 to vector<400x128xf32>
      %select_n3A_710 = arith.select %lt3A_707, %broadcast_in_dim3A_709, %select_n3A_701 : vector<400x128xi1>, vector<400x128xf32>
      %slice3A_711 = vector.extract_strided_slice %select_n3A_640 {offsets = [0, 896], sizes = [400, 128], strides = [1, 1]} : vector<400x1024xf32> to vector<400x128xf32>
      %mul3A_712 = arith.constant 8.000000e+00 : f32
      %mul3A_713 = arith.mulf %convert_element_type3A_647, %mul3A_712 : f32
      %add3A_714 = arith.constant 7.000000e+00 : f32
      %add3A_715 = arith.addf %mul3A_713, %add3A_714 : f32
      %lt3A_716 = arith.cmpf olt, %slice3A_711, %select_n3A_708 : vector<400x128xf32>
      %select_n3A_717 = arith.select %lt3A_716, %slice3A_711, %select_n3A_708 : vector<400x128xi1>, vector<400x128xf32>
      %broadcast_in_dim3A_718 = vector.broadcast %add3A_715 : f32 to vector<400x128xf32>
      %select_n3A_719 = arith.select %lt3A_716, %broadcast_in_dim3A_718, %select_n3A_710 : vector<400x128xi1>, vector<400x128xf32>
      scf.yield %select_n3A_717, %select_n3A_719 : vector<400x128xf32>, vector<400x128xf32>
    }
    %scan3A_21 = arith.constant 10 : i32
    %swap3A = arith.constant 0 : index
    %swap3A_22 = arith.constant 0 : index
    %swap3A_23 = vector.load %arg9[%swap3A, %swap3A_22] : memref<400x384xf32, #tpu.memory_space<vmem>>, vector<400x128xf32>
    tpu.vector_store %arg9[%swap3A, %swap3A_22], %scan3A_20#0 {strides = array<i32>} : memref<400x384xf32, #tpu.memory_space<vmem>>, vector<400x128xf32>,
    %mul3A_24 = arith.constant 1.280000e+02 : f32
    %mul3A_25 = vector.broadcast %mul3A_24 : f32 to vector<400x128xf32>
    %mul3A_26 = arith.mulf %scan3A_20#1, %mul3A_25 : vector<400x128xf32>
    %add3A_27 = vector.broadcast %convert_element_type3A_11 : vector<1x128xf32> to vector<400x128xf32>
    %add3A_28 = arith.addf %mul3A_26, %add3A_27 : vector<400x128xf32>
    %swap3A_29 = arith.constant 0 : index
    %swap3A_30 = arith.constant 0 : index
    %swap3A_31 = vector.load %arg10[%swap3A_29, %swap3A_30] : memref<400x384xf32, #tpu.memory_space<vmem>>, vector<400x128xf32>
    tpu.vector_store %arg10[%swap3A_29, %swap3A_30], %add3A_28 {strides = array<i32>} : memref<400x384xf32, #tpu.memory_space<vmem>>, vector<400x128xf32>,
    %scan3A_32 = arith.constant 0 : i32
    %scan3A_33 = arith.constant 10 : i32
    %scan3A_34 = arith.addi %scan3A_32, %scan3A_33 : i32
    %scan3A_35 = arith.constant 1 : i32
    %scan3A_36:2 = scf.for %scan3A_592 = %scan3A_32 to %scan3A_34 step %scan3A_35 iter_args(%scan3A_593 = %broadcast_in_dim3A_14, %scan3A_594 = %broadcast_in_dim3A_16) -> (vector<400x128xf32>, vector<400x128xf32>)  : i32 {
      %get3A_595 = arith.index_cast %scan3A_592 : i32 to index
      %get3A_596 = arith.constant 0 : index
      %get3A_597 = arith.constant 0 : index
      %get3A_598 = vector.load %arg8[%get3A_595, %get3A_596, %get3A_597] : memref<10x400x1024xf32, #tpu.memory_space<vmem>>, vector<1x400x1024xf32>
      %get3A_599 = vector.shape_cast %get3A_598 : vector<1x400x1024xf32> to vector<400x1024xf32>
      %convert_element_type3A_600 = arith.sitofp %scan3A_592 : i32 to f32
      %slice3A = vector.extract_strided_slice %get3A_599 {offsets = [0, 0], sizes = [400, 128], strides = [1, 1]} : vector<400x1024xf32> to vector<400x128xf32>
      %mul3A_601 = arith.constant 8.000000e+00 : f32
      %mul3A_602 = arith.mulf %convert_element_type3A_600, %mul3A_601 : f32
      %add3A_603 = arith.constant 0.000000e+00 : f32
      %add3A_604 = arith.addf %mul3A_602, %add3A_603 : f32
      %eq3A_605 = vector.broadcast %add3A_604 : f32 to vector<400x128xf32>
      %eq3A_606 = arith.cmpf oeq, %scan3A_20#1, %eq3A_605 : vector<400x128xf32>
      %jit3A_607 = arith.constant 1.000000e+30 : f32
      %broadcast_in_dim3A_608 = vector.broadcast %jit3A_607 : f32 to vector<400x128xf32>
      %select_n3A_609 = arith.select %eq3A_606, %broadcast_in_dim3A_608, %slice3A : vector<400x128xi1>, vector<400x128xf32>
      %swap3A_610 = arith.index_cast %scan3A_592 : i32 to index
      %swap3A_611 = arith.constant 0 : index
      %swap3A_612 = arith.constant 0 : index
      %swap3A_613 = vector.load %arg8[%swap3A_610, %swap3A_611, %swap3A_612] : memref<10x400x1024xf32, #tpu.memory_space<vmem>>, vector<1x400x128xf32>
      %swap3A_614 = vector.shape_cast %swap3A_613 : vector<1x400x128xf32> to vector<400x128xf32>
      %swap3A_615 = vector.shape_cast %select_n3A_609 : vector<400x128xf32> to vector<1x400x128xf32>
      tpu.vector_store %arg8[%swap3A_610, %swap3A_611, %swap3A_612], %swap3A_615 {strides = array<i32>} : memref<10x400x1024xf32, #tpu.memory_space<vmem>>, vector<1x400x128xf32>,
      %lt3A = arith.cmpf olt, %select_n3A_609, %scan3A_593 : vector<400x128xf32>
      %select_n3A_616 = arith.select %lt3A, %select_n3A_609, %scan3A_593 : vector<400x128xi1>, vector<400x128xf32>
      %broadcast_in_dim3A_617 = vector.broadcast %add3A_604 : f32 to vector<400x128xf32>
      %select_n3A_618 = arith.select %lt3A, %broadcast_in_dim3A_617, %scan3A_594 : vector<400x128xi1>, vector<400x128xf32>
      %slice3A_619 = vector.extract_strided_slice %get3A_599 {offsets = [0, 128], sizes = [400, 128], strides = [1, 1]} : vector<400x1024xf32> to vector<400x128xf32>
      %mul3A_620 = arith.constant 8.000000e+00 : f32
      %mul3A_621 = arith.mulf %convert_element_type3A_600, %mul3A_620 : f32
      %add3A_622 = arith.constant 1.000000e+00 : f32
      %add3A_623 = arith.addf %mul3A_621, %add3A_622 : f32
      %eq3A_624 = vector.broadcast %add3A_623 : f32 to vector<400x128xf32>
      %eq3A_625 = arith.cmpf oeq, %scan3A_20#1, %eq3A_624 : vector<400x128xf32>
      %jit3A_626 = arith.constant 1.000000e+30 : f32
      %broadcast_in_dim3A_627 = vector.broadcast %jit3A_626 : f32 to vector<400x128xf32>
      %select_n3A_628 = arith.select %eq3A_625, %broadcast_in_dim3A_627, %slice3A_619 : vector<400x128xi1>, vector<400x128xf32>
      %swap3A_629 = arith.index_cast %scan3A_592 : i32 to index
      %swap3A_630 = arith.constant 0 : index
      %swap3A_631 = arith.constant 128 : index
      %swap3A_632 = vector.load %arg8[%swap3A_629, %swap3A_630, %swap3A_631] : memref<10x400x1024xf32, #tpu.memory_space<vmem>>, vector<1x400x128xf32>
      %swap3A_633 = vector.shape_cast %swap3A_632 : vector<1x400x128xf32> to vector<400x128xf32>
      %swap3A_634 = vector.shape_cast %select_n3A_628 : vector<400x128xf32> to vector<1x400x128xf32>
      tpu.vector_store %arg8[%swap3A_629, %swap3A_630, %swap3A_631], %swap3A_634 {strides = array<i32>} : memref<10x400x1024xf32, #tpu.memory_space<vmem>>, vector<1x400x128xf32>,
      %lt3A_635 = arith.cmpf olt, %select_n3A_628, %select_n3A_616 : vector<400x128xf32>
      %select_n3A_636 = arith.select %lt3A_635, %select_n3A_628, %select_n3A_616 : vector<400x128xi1>, vector<400x128xf32>
      %broadcast_in_dim3A_637 = vector.broadcast %add3A_623 : f32 to vector<400x128xf32>
      %select_n3A_638 = arith.select %lt3A_635, %broadcast_in_dim3A_637, %select_n3A_618 : vector<400x128xi1>, vector<400x128xf32>
      %slice3A_639 = vector.extract_strided_slice %get3A_599 {offsets = [0, 256], sizes = [400, 128], strides = [1, 1]} : vector<400x1024xf32> to vector<400x128xf32>
      %mul3A_640 = arith.constant 8.000000e+00 : f32
      %mul3A_641 = arith.mulf %convert_element_type3A_600, %mul3A_640 : f32
      %add3A_642 = arith.constant 2.000000e+00 : f32
      %add3A_643 = arith.addf %mul3A_641, %add3A_642 : f32
      %eq3A_644 = vector.broadcast %add3A_643 : f32 to vector<400x128xf32>
      %eq3A_645 = arith.cmpf oeq, %scan3A_20#1, %eq3A_644 : vector<400x128xf32>
      %jit3A_646 = arith.constant 1.000000e+30 : f32
      %broadcast_in_dim3A_647 = vector.broadcast %jit3A_646 : f32 to vector<400x128xf32>
      %select_n3A_648 = arith.select %eq3A_645, %broadcast_in_dim3A_647, %slice3A_639 : vector<400x128xi1>, vector<400x128xf32>
      %swap3A_649 = arith.index_cast %scan3A_592 : i32 to index
      %swap3A_650 = arith.constant 0 : index
      %swap3A_651 = arith.constant 256 : index
      %swap3A_652 = vector.load %arg8[%swap3A_649, %swap3A_650, %swap3A_651] : memref<10x400x1024xf32, #tpu.memory_space<vmem>>, vector<1x400x128xf32>
      %swap3A_653 = vector.shape_cast %swap3A_652 : vector<1x400x128xf32> to vector<400x128xf32>
      %swap3A_654 = vector.shape_cast %select_n3A_648 : vector<400x128xf32> to vector<1x400x128xf32>
      tpu.vector_store %arg8[%swap3A_649, %swap3A_650, %swap3A_651], %swap3A_654 {strides = array<i32>} : memref<10x400x1024xf32, #tpu.memory_space<vmem>>, vector<1x400x128xf32>,
      %lt3A_655 = arith.cmpf olt, %select_n3A_648, %select_n3A_636 : vector<400x128xf32>
      %select_n3A_656 = arith.select %lt3A_655, %select_n3A_648, %select_n3A_636 : vector<400x128xi1>, vector<400x128xf32>
      %broadcast_in_dim3A_657 = vector.broadcast %add3A_643 : f32 to vector<400x128xf32>
      %select_n3A_658 = arith.select %lt3A_655, %broadcast_in_dim3A_657, %select_n3A_638 : vector<400x128xi1>, vector<400x128xf32>
      %slice3A_659 = vector.extract_strided_slice %get3A_599 {offsets = [0, 384], sizes = [400, 128], strides = [1, 1]} : vector<400x1024xf32> to vector<400x128xf32>
      %mul3A_660 = arith.constant 8.000000e+00 : f32
      %mul3A_661 = arith.mulf %convert_element_type3A_600, %mul3A_660 : f32
      %add3A_662 = arith.constant 3.000000e+00 : f32
      %add3A_663 = arith.addf %mul3A_661, %add3A_662 : f32
      %eq3A_664 = vector.broadcast %add3A_663 : f32 to vector<400x128xf32>
      %eq3A_665 = arith.cmpf oeq, %scan3A_20#1, %eq3A_664 : vector<400x128xf32>
      %jit3A_666 = arith.constant 1.000000e+30 : f32
      %broadcast_in_dim3A_667 = vector.broadcast %jit3A_666 : f32 to vector<400x128xf32>
      %select_n3A_668 = arith.select %eq3A_665, %broadcast_in_dim3A_667, %slice3A_659 : vector<400x128xi1>, vector<400x128xf32>
      %swap3A_669 = arith.index_cast %scan3A_592 : i32 to index
      %swap3A_670 = arith.constant 0 : index
      %swap3A_671 = arith.constant 384 : index
      %swap3A_672 = vector.load %arg8[%swap3A_669, %swap3A_670, %swap3A_671] : memref<10x400x1024xf32, #tpu.memory_space<vmem>>, vector<1x400x128xf32>
      %swap3A_673 = vector.shape_cast %swap3A_672 : vector<1x400x128xf32> to vector<400x128xf32>
      %swap3A_674 = vector.shape_cast %select_n3A_668 : vector<400x128xf32> to vector<1x400x128xf32>
      tpu.vector_store %arg8[%swap3A_669, %swap3A_670, %swap3A_671], %swap3A_674 {strides = array<i32>} : memref<10x400x1024xf32, #tpu.memory_space<vmem>>, vector<1x400x128xf32>,
      %lt3A_675 = arith.cmpf olt, %select_n3A_668, %select_n3A_656 : vector<400x128xf32>
      %select_n3A_676 = arith.select %lt3A_675, %select_n3A_668, %select_n3A_656 : vector<400x128xi1>, vector<400x128xf32>
      %broadcast_in_dim3A_677 = vector.broadcast %add3A_663 : f32 to vector<400x128xf32>
      %select_n3A_678 = arith.select %lt3A_675, %broadcast_in_dim3A_677, %select_n3A_658 : vector<400x128xi1>, vector<400x128xf32>
      %slice3A_679 = vector.extract_strided_slice %get3A_599 {offsets = [0, 512], sizes = [400, 128], strides = [1, 1]} : vector<400x1024xf32> to vector<400x128xf32>
      %mul3A_680 = arith.constant 8.000000e+00 : f32
      %mul3A_681 = arith.mulf %convert_element_type3A_600, %mul3A_680 : f32
      %add3A_682 = arith.constant 4.000000e+00 : f32
      %add3A_683 = arith.addf %mul3A_681, %add3A_682 : f32
      %eq3A_684 = vector.broadcast %add3A_683 : f32 to vector<400x128xf32>
      %eq3A_685 = arith.cmpf oeq, %scan3A_20#1, %eq3A_684 : vector<400x128xf32>
      %jit3A_686 = arith.constant 1.000000e+30 : f32
      %broadcast_in_dim3A_687 = vector.broadcast %jit3A_686 : f32 to vector<400x128xf32>
      %select_n3A_688 = arith.select %eq3A_685, %broadcast_in_dim3A_687, %slice3A_679 : vector<400x128xi1>, vector<400x128xf32>
      %swap3A_689 = arith.index_cast %scan3A_592 : i32 to index
      %swap3A_690 = arith.constant 0 : index
      %swap3A_691 = arith.constant 512 : index
      %swap3A_692 = vector.load %arg8[%swap3A_689, %swap3A_690, %swap3A_691] : memref<10x400x1024xf32, #tpu.memory_space<vmem>>, vector<1x400x128xf32>
      %swap3A_693 = vector.shape_cast %swap3A_692 : vector<1x400x128xf32> to vector<400x128xf32>
      %swap3A_694 = vector.shape_cast %select_n3A_688 : vector<400x128xf32> to vector<1x400x128xf32>
      tpu.vector_store %arg8[%swap3A_689, %swap3A_690, %swap3A_691], %swap3A_694 {strides = array<i32>} : memref<10x400x1024xf32, #tpu.memory_space<vmem>>, vector<1x400x128xf32>,
      %lt3A_695 = arith.cmpf olt, %select_n3A_688, %select_n3A_676 : vector<400x128xf32>
      %select_n3A_696 = arith.select %lt3A_695, %select_n3A_688, %select_n3A_676 : vector<400x128xi1>, vector<400x128xf32>
      %broadcast_in_dim3A_697 = vector.broadcast %add3A_683 : f32 to vector<400x128xf32>
      %select_n3A_698 = arith.select %lt3A_695, %broadcast_in_dim3A_697, %select_n3A_678 : vector<400x128xi1>, vector<400x128xf32>
      %slice3A_699 = vector.extract_strided_slice %get3A_599 {offsets = [0, 640], sizes = [400, 128], strides = [1, 1]} : vector<400x1024xf32> to vector<400x128xf32>
      %mul3A_700 = arith.constant 8.000000e+00 : f32
      %mul3A_701 = arith.mulf %convert_element_type3A_600, %mul3A_700 : f32
      %add3A_702 = arith.constant 5.000000e+00 : f32
      %add3A_703 = arith.addf %mul3A_701, %add3A_702 : f32
      %eq3A_704 = vector.broadcast %add3A_703 : f32 to vector<400x128xf32>
      %eq3A_705 = arith.cmpf oeq, %scan3A_20#1, %eq3A_704 : vector<400x128xf32>
      %jit3A_706 = arith.constant 1.000000e+30 : f32
      %broadcast_in_dim3A_707 = vector.broadcast %jit3A_706 : f32 to vector<400x128xf32>
      %select_n3A_708 = arith.select %eq3A_705, %broadcast_in_dim3A_707, %slice3A_699 : vector<400x128xi1>, vector<400x128xf32>
      %swap3A_709 = arith.index_cast %scan3A_592 : i32 to index
      %swap3A_710 = arith.constant 0 : index
      %swap3A_711 = arith.constant 640 : index
      %swap3A_712 = vector.load %arg8[%swap3A_709, %swap3A_710, %swap3A_711] : memref<10x400x1024xf32, #tpu.memory_space<vmem>>, vector<1x400x128xf32>
      %swap3A_713 = vector.shape_cast %swap3A_712 : vector<1x400x128xf32> to vector<400x128xf32>
      %swap3A_714 = vector.shape_cast %select_n3A_708 : vector<400x128xf32> to vector<1x400x128xf32>
      tpu.vector_store %arg8[%swap3A_709, %swap3A_710, %swap3A_711], %swap3A_714 {strides = array<i32>} : memref<10x400x1024xf32, #tpu.memory_space<vmem>>, vector<1x400x128xf32>,
      %lt3A_715 = arith.cmpf olt, %select_n3A_708, %select_n3A_696 : vector<400x128xf32>
      %select_n3A_716 = arith.select %lt3A_715, %select_n3A_708, %select_n3A_696 : vector<400x128xi1>, vector<400x128xf32>
      %broadcast_in_dim3A_717 = vector.broadcast %add3A_703 : f32 to vector<400x128xf32>
      %select_n3A_718 = arith.select %lt3A_715, %broadcast_in_dim3A_717, %select_n3A_698 : vector<400x128xi1>, vector<400x128xf32>
      %slice3A_719 = vector.extract_strided_slice %get3A_599 {offsets = [0, 768], sizes = [400, 128], strides = [1, 1]} : vector<400x1024xf32> to vector<400x128xf32>
      %mul3A_720 = arith.constant 8.000000e+00 : f32
      %mul3A_721 = arith.mulf %convert_element_type3A_600, %mul3A_720 : f32
      %add3A_722 = arith.constant 6.000000e+00 : f32
      %add3A_723 = arith.addf %mul3A_721, %add3A_722 : f32
      %eq3A_724 = vector.broadcast %add3A_723 : f32 to vector<400x128xf32>
      %eq3A_725 = arith.cmpf oeq, %scan3A_20#1, %eq3A_724 : vector<400x128xf32>
      %jit3A_726 = arith.constant 1.000000e+30 : f32
      %broadcast_in_dim3A_727 = vector.broadcast %jit3A_726 : f32 to vector<400x128xf32>
      %select_n3A_728 = arith.select %eq3A_725, %broadcast_in_dim3A_727, %slice3A_719 : vector<400x128xi1>, vector<400x128xf32>
      %swap3A_729 = arith.index_cast %scan3A_592 : i32 to index
      %swap3A_730 = arith.constant 0 : index
      %swap3A_731 = arith.constant 768 : index
      %swap3A_732 = vector.load %arg8[%swap3A_729, %swap3A_730, %swap3A_731] : memref<10x400x1024xf32, #tpu.memory_space<vmem>>, vector<1x400x128xf32>
      %swap3A_733 = vector.shape_cast %swap3A_732 : vector<1x400x128xf32> to vector<400x128xf32>
      %swap3A_734 = vector.shape_cast %select_n3A_728 : vector<400x128xf32> to vector<1x400x128xf32>
      tpu.vector_store %arg8[%swap3A_729, %swap3A_730, %swap3A_731], %swap3A_734 {strides = array<i32>} : memref<10x400x1024xf32, #tpu.memory_space<vmem>>, vector<1x400x128xf32>,
      %lt3A_735 = arith.cmpf olt, %select_n3A_728, %select_n3A_716 : vector<400x128xf32>
      %select_n3A_736 = arith.select %lt3A_735, %select_n3A_728, %select_n3A_716 : vector<400x128xi1>, vector<400x128xf32>
      %broadcast_in_dim3A_737 = vector.broadcast %add3A_723 : f32 to vector<400x128xf32>
      %select_n3A_738 = arith.select %lt3A_735, %broadcast_in_dim3A_737, %select_n3A_718 : vector<400x128xi1>, vector<400x128xf32>
      %slice3A_739 = vector.extract_strided_slice %get3A_599 {offsets = [0, 896], sizes = [400, 128], strides = [1, 1]} : vector<400x1024xf32> to vector<400x128xf32>
      %mul3A_740 = arith.constant 8.000000e+00 : f32
      %mul3A_741 = arith.mulf %convert_element_type3A_600, %mul3A_740 : f32
      %add3A_742 = arith.constant 7.000000e+00 : f32
      %add3A_743 = arith.addf %mul3A_741, %add3A_742 : f32
      %eq3A_744 = vector.broadcast %add3A_743 : f32 to vector<400x128xf32>
      %eq3A_745 = arith.cmpf oeq, %scan3A_20#1, %eq3A_744 : vector<400x128xf32>
      %jit3A_746 = arith.constant 1.000000e+30 : f32
      %broadcast_in_dim3A_747 = vector.broadcast %jit3A_746 : f32 to vector<400x128xf32>
      %select_n3A_748 = arith.select %eq3A_745, %broadcast_in_dim3A_747, %slice3A_739 : vector<400x128xi1>, vector<400x128xf32>
      %swap3A_749 = arith.index_cast %scan3A_592 : i32 to index
      %swap3A_750 = arith.constant 0 : index
      %swap3A_751 = arith.constant 896 : index
      %swap3A_752 = vector.load %arg8[%swap3A_749, %swap3A_750, %swap3A_751] : memref<10x400x1024xf32, #tpu.memory_space<vmem>>, vector<1x400x128xf32>
      %swap3A_753 = vector.shape_cast %swap3A_752 : vector<1x400x128xf32> to vector<400x128xf32>
      %swap3A_754 = vector.shape_cast %select_n3A_748 : vector<400x128xf32> to vector<1x400x128xf32>
      tpu.vector_store %arg8[%swap3A_749, %swap3A_750, %swap3A_751], %swap3A_754 {strides = array<i32>} : memref<10x400x1024xf32, #tpu.memory_space<vmem>>, vector<1x400x128xf32>,
      %lt3A_755 = arith.cmpf olt, %select_n3A_748, %select_n3A_736 : vector<400x128xf32>
      %select_n3A_756 = arith.select %lt3A_755, %select_n3A_748, %select_n3A_736 : vector<400x128xi1>, vector<400x128xf32>
      %broadcast_in_dim3A_757 = vector.broadcast %add3A_743 : f32 to vector<400x128xf32>
      %select_n3A_758 = arith.select %lt3A_755, %broadcast_in_dim3A_757, %select_n3A_738 : vector<400x128xi1>, vector<400x128xf32>
      scf.yield %select_n3A_756, %select_n3A_758 : vector<400x128xf32>, vector<400x128xf32>
    }
    %scan3A_37 = arith.constant 10 : i32
    %swap3A_38 = arith.constant 0 : index
    %swap3A_39 = arith.constant 128 : index
    %swap3A_40 = vector.load %arg9[%swap3A_38, %swap3A_39] : memref<400x384xf32, #tpu.memory_space<vmem>>, vector<400x128xf32>
    tpu.vector_store %arg9[%swap3A_38, %swap3A_39], %scan3A_36#0 {strides = array<i32>} : memref<400x384xf32, #tpu.memory_space<vmem>>, vector<400x128xf32>,
    %mul3A_41 = arith.constant 1.280000e+02 : f32
    %mul3A_42 = vector.broadcast %mul3A_41 : f32 to vector<400x128xf32>
    %mul3A_43 = arith.mulf %scan3A_36#1, %mul3A_42 : vector<400x128xf32>
    %add3A_44 = vector.broadcast %convert_element_type3A_11 : vector<1x128xf32> to vector<400x128xf32>
    %add3A_45 = arith.addf %mul3A_43, %add3A_44 : vector<400x128xf32>
    %swap3A_46 = arith.constant 0 : index
    %swap3A_47 = arith.constant 128 : index
    %swap3A_48 = vector.load %arg10[%swap3A_46, %swap3A_47] : memref<400x384xf32, #tpu.memory_space<vmem>>, vector<400x128xf32>
    tpu.vector_store %arg10[%swap3A_46, %swap3A_47], %add3A_45 {strides = array<i32>} : memref<400x384xf32, #tpu.memory_space<vmem>>, vector<400x128xf32>,
    %scan3A_49 = arith.constant 0 : i32
    %scan3A_50 = arith.constant 10 : i32
    %scan3A_51 = arith.addi %scan3A_49, %scan3A_50 : i32
    %scan3A_52 = arith.constant 1 : i32
    %scan3A_53:2 = scf.for %scan3A_592 = %scan3A_49 to %scan3A_51 step %scan3A_52 iter_args(%scan3A_593 = %broadcast_in_dim3A_14, %scan3A_594 = %broadcast_in_dim3A_16) -> (vector<400x128xf32>, vector<400x128xf32>)  : i32 {
      %get3A_595 = arith.index_cast %scan3A_592 : i32 to index
      %get3A_596 = arith.constant 0 : index
      %get3A_597 = arith.constant 0 : index
      %get3A_598 = vector.load %arg8[%get3A_595, %get3A_596, %get3A_597] : memref<10x400x1024xf32, #tpu.memory_space<vmem>>, vector<1x400x1024xf32>
      %get3A_599 = vector.shape_cast %get3A_598 : vector<1x400x1024xf32> to vector<400x1024xf32>
      %convert_element_type3A_600 = arith.sitofp %scan3A_592 : i32 to f32
      %slice3A = vector.extract_strided_slice %get3A_599 {offsets = [0, 0], sizes = [400, 128], strides = [1, 1]} : vector<400x1024xf32> to vector<400x128xf32>
      %mul3A_601 = arith.constant 8.000000e+00 : f32
      %mul3A_602 = arith.mulf %convert_element_type3A_600, %mul3A_601 : f32
      %add3A_603 = arith.constant 0.000000e+00 : f32
      %add3A_604 = arith.addf %mul3A_602, %add3A_603 : f32
      %eq3A_605 = vector.broadcast %add3A_604 : f32 to vector<400x128xf32>
      %eq3A_606 = arith.cmpf oeq, %scan3A_36#1, %eq3A_605 : vector<400x128xf32>
      %jit3A_607 = arith.constant 1.000000e+30 : f32
      %broadcast_in_dim3A_608 = vector.broadcast %jit3A_607 : f32 to vector<400x128xf32>
      %select_n3A_609 = arith.select %eq3A_606, %broadcast_in_dim3A_608, %slice3A : vector<400x128xi1>, vector<400x128xf32>
      %swap3A_610 = arith.index_cast %scan3A_592 : i32 to index
      %swap3A_611 = arith.constant 0 : index
      %swap3A_612 = arith.constant 0 : index
      %swap3A_613 = vector.load %arg8[%swap3A_610, %swap3A_611, %swap3A_612] : memref<10x400x1024xf32, #tpu.memory_space<vmem>>, vector<1x400x128xf32>
      %swap3A_614 = vector.shape_cast %swap3A_613 : vector<1x400x128xf32> to vector<400x128xf32>
      %swap3A_615 = vector.shape_cast %select_n3A_609 : vector<400x128xf32> to vector<1x400x128xf32>
      tpu.vector_store %arg8[%swap3A_610, %swap3A_611, %swap3A_612], %swap3A_615 {strides = array<i32>} : memref<10x400x1024xf32, #tpu.memory_space<vmem>>, vector<1x400x128xf32>,
      %lt3A = arith.cmpf olt, %select_n3A_609, %scan3A_593 : vector<400x128xf32>
      %select_n3A_616 = arith.select %lt3A, %select_n3A_609, %scan3A_593 : vector<400x128xi1>, vector<400x128xf32>
      %broadcast_in_dim3A_617 = vector.broadcast %add3A_604 : f32 to vector<400x128xf32>
      %select_n3A_618 = arith.select %lt3A, %broadcast_in_dim3A_617, %scan3A_594 : vector<400x128xi1>, vector<400x128xf32>
      %slice3A_619 = vector.extract_strided_slice %get3A_599 {offsets = [0, 128], sizes = [400, 128], strides = [1, 1]} : vector<400x1024xf32> to vector<400x128xf32>
      %mul3A_620 = arith.constant 8.000000e+00 : f32
      %mul3A_621 = arith.mulf %convert_element_type3A_600, %mul3A_620 : f32
      %add3A_622 = arith.constant 1.000000e+00 : f32
      %add3A_623 = arith.addf %mul3A_621, %add3A_622 : f32
      %eq3A_624 = vector.broadcast %add3A_623 : f32 to vector<400x128xf32>
      %eq3A_625 = arith.cmpf oeq, %scan3A_36#1, %eq3A_624 : vector<400x128xf32>
      %jit3A_626 = arith.constant 1.000000e+30 : f32
      %broadcast_in_dim3A_627 = vector.broadcast %jit3A_626 : f32 to vector<400x128xf32>
      %select_n3A_628 = arith.select %eq3A_625, %broadcast_in_dim3A_627, %slice3A_619 : vector<400x128xi1>, vector<400x128xf32>
      %swap3A_629 = arith.index_cast %scan3A_592 : i32 to index
      %swap3A_630 = arith.constant 0 : index
      %swap3A_631 = arith.constant 128 : index
      %swap3A_632 = vector.load %arg8[%swap3A_629, %swap3A_630, %swap3A_631] : memref<10x400x1024xf32, #tpu.memory_space<vmem>>, vector<1x400x128xf32>
      %swap3A_633 = vector.shape_cast %swap3A_632 : vector<1x400x128xf32> to vector<400x128xf32>
      %swap3A_634 = vector.shape_cast %select_n3A_628 : vector<400x128xf32> to vector<1x400x128xf32>
      tpu.vector_store %arg8[%swap3A_629, %swap3A_630, %swap3A_631], %swap3A_634 {strides = array<i32>} : memref<10x400x1024xf32, #tpu.memory_space<vmem>>, vector<1x400x128xf32>,
      %lt3A_635 = arith.cmpf olt, %select_n3A_628, %select_n3A_616 : vector<400x128xf32>
      %select_n3A_636 = arith.select %lt3A_635, %select_n3A_628, %select_n3A_616 : vector<400x128xi1>, vector<400x128xf32>
      %broadcast_in_dim3A_637 = vector.broadcast %add3A_623 : f32 to vector<400x128xf32>
      %select_n3A_638 = arith.select %lt3A_635, %broadcast_in_dim3A_637, %select_n3A_618 : vector<400x128xi1>, vector<400x128xf32>
      %slice3A_639 = vector.extract_strided_slice %get3A_599 {offsets = [0, 256], sizes = [400, 128], strides = [1, 1]} : vector<400x1024xf32> to vector<400x128xf32>
      %mul3A_640 = arith.constant 8.000000e+00 : f32
      %mul3A_641 = arith.mulf %convert_element_type3A_600, %mul3A_640 : f32
      %add3A_642 = arith.constant 2.000000e+00 : f32
      %add3A_643 = arith.addf %mul3A_641, %add3A_642 : f32
      %eq3A_644 = vector.broadcast %add3A_643 : f32 to vector<400x128xf32>
      %eq3A_645 = arith.cmpf oeq, %scan3A_36#1, %eq3A_644 : vector<400x128xf32>
      %jit3A_646 = arith.constant 1.000000e+30 : f32
      %broadcast_in_dim3A_647 = vector.broadcast %jit3A_646 : f32 to vector<400x128xf32>
      %select_n3A_648 = arith.select %eq3A_645, %broadcast_in_dim3A_647, %slice3A_639 : vector<400x128xi1>, vector<400x128xf32>
      %swap3A_649 = arith.index_cast %scan3A_592 : i32 to index
      %swap3A_650 = arith.constant 0 : index
      %swap3A_651 = arith.constant 256 : index
      %swap3A_652 = vector.load %arg8[%swap3A_649, %swap3A_650, %swap3A_651] : memref<10x400x1024xf32, #tpu.memory_space<vmem>>, vector<1x400x128xf32>
      %swap3A_653 = vector.shape_cast %swap3A_652 : vector<1x400x128xf32> to vector<400x128xf32>
      %swap3A_654 = vector.shape_cast %select_n3A_648 : vector<400x128xf32> to vector<1x400x128xf32>
      tpu.vector_store %arg8[%swap3A_649, %swap3A_650, %swap3A_651], %swap3A_654 {strides = array<i32>} : memref<10x400x1024xf32, #tpu.memory_space<vmem>>, vector<1x400x128xf32>,
      %lt3A_655 = arith.cmpf olt, %select_n3A_648, %select_n3A_636 : vector<400x128xf32>
      %select_n3A_656 = arith.select %lt3A_655, %select_n3A_648, %select_n3A_636 : vector<400x128xi1>, vector<400x128xf32>
      %broadcast_in_dim3A_657 = vector.broadcast %add3A_643 : f32 to vector<400x128xf32>
      %select_n3A_658 = arith.select %lt3A_655, %broadcast_in_dim3A_657, %select_n3A_638 : vector<400x128xi1>, vector<400x128xf32>
      %slice3A_659 = vector.extract_strided_slice %get3A_599 {offsets = [0, 384], sizes = [400, 128], strides = [1, 1]} : vector<400x1024xf32> to vector<400x128xf32>
      %mul3A_660 = arith.constant 8.000000e+00 : f32
      %mul3A_661 = arith.mulf %convert_element_type3A_600, %mul3A_660 : f32
      %add3A_662 = arith.constant 3.000000e+00 : f32
      %add3A_663 = arith.addf %mul3A_661, %add3A_662 : f32
      %eq3A_664 = vector.broadcast %add3A_663 : f32 to vector<400x128xf32>
      %eq3A_665 = arith.cmpf oeq, %scan3A_36#1, %eq3A_664 : vector<400x128xf32>
      %jit3A_666 = arith.constant 1.000000e+30 : f32
      %broadcast_in_dim3A_667 = vector.broadcast %jit3A_666 : f32 to vector<400x128xf32>
      %select_n3A_668 = arith.select %eq3A_665, %broadcast_in_dim3A_667, %slice3A_659 : vector<400x128xi1>, vector<400x128xf32>
      %swap3A_669 = arith.index_cast %scan3A_592 : i32 to index
      %swap3A_670 = arith.constant 0 : index
      %swap3A_671 = arith.constant 384 : index
      %swap3A_672 = vector.load %arg8[%swap3A_669, %swap3A_670, %swap3A_671] : memref<10x400x1024xf32, #tpu.memory_space<vmem>>, vector<1x400x128xf32>
      %swap3A_673 = vector.shape_cast %swap3A_672 : vector<1x400x128xf32> to vector<400x128xf32>
      %swap3A_674 = vector.shape_cast %select_n3A_668 : vector<400x128xf32> to vector<1x400x128xf32>
      tpu.vector_store %arg8[%swap3A_669, %swap3A_670, %swap3A_671], %swap3A_674 {strides = array<i32>} : memref<10x400x1024xf32, #tpu.memory_space<vmem>>, vector<1x400x128xf32>,
      %lt3A_675 = arith.cmpf olt, %select_n3A_668, %select_n3A_656 : vector<400x128xf32>
      %select_n3A_676 = arith.select %lt3A_675, %select_n3A_668, %select_n3A_656 : vector<400x128xi1>, vector<400x128xf32>
      %broadcast_in_dim3A_677 = vector.broadcast %add3A_663 : f32 to vector<400x128xf32>
      %select_n3A_678 = arith.select %lt3A_675, %broadcast_in_dim3A_677, %select_n3A_658 : vector<400x128xi1>, vector<400x128xf32>
      %slice3A_679 = vector.extract_strided_slice %get3A_599 {offsets = [0, 512], sizes = [400, 128], strides = [1, 1]} : vector<400x1024xf32> to vector<400x128xf32>
      %mul3A_680 = arith.constant 8.000000e+00 : f32
      %mul3A_681 = arith.mulf %convert_element_type3A_600, %mul3A_680 : f32
      %add3A_682 = arith.constant 4.000000e+00 : f32
      %add3A_683 = arith.addf %mul3A_681, %add3A_682 : f32
      %eq3A_684 = vector.broadcast %add3A_683 : f32 to vector<400x128xf32>
      %eq3A_685 = arith.cmpf oeq, %scan3A_36#1, %eq3A_684 : vector<400x128xf32>
      %jit3A_686 = arith.constant 1.000000e+30 : f32
      %broadcast_in_dim3A_687 = vector.broadcast %jit3A_686 : f32 to vector<400x128xf32>
      %select_n3A_688 = arith.select %eq3A_685, %broadcast_in_dim3A_687, %slice3A_679 : vector<400x128xi1>, vector<400x128xf32>
      %swap3A_689 = arith.index_cast %scan3A_592 : i32 to index
      %swap3A_690 = arith.constant 0 : index
      %swap3A_691 = arith.constant 512 : index
      %swap3A_692 = vector.load %arg8[%swap3A_689, %swap3A_690, %swap3A_691] : memref<10x400x1024xf32, #tpu.memory_space<vmem>>, vector<1x400x128xf32>
      %swap3A_693 = vector.shape_cast %swap3A_692 : vector<1x400x128xf32> to vector<400x128xf32>
      %swap3A_694 = vector.shape_cast %select_n3A_688 : vector<400x128xf32> to vector<1x400x128xf32>
      tpu.vector_store %arg8[%swap3A_689, %swap3A_690, %swap3A_691], %swap3A_694 {strides = array<i32>} : memref<10x400x1024xf32, #tpu.memory_space<vmem>>, vector<1x400x128xf32>,
      %lt3A_695 = arith.cmpf olt, %select_n3A_688, %select_n3A_676 : vector<400x128xf32>
      %select_n3A_696 = arith.select %lt3A_695, %select_n3A_688, %select_n3A_676 : vector<400x128xi1>, vector<400x128xf32>
      %broadcast_in_dim3A_697 = vector.broadcast %add3A_683 : f32 to vector<400x128xf32>
      %select_n3A_698 = arith.select %lt3A_695, %broadcast_in_dim3A_697, %select_n3A_678 : vector<400x128xi1>, vector<400x128xf32>
      %slice3A_699 = vector.extract_strided_slice %get3A_599 {offsets = [0, 640], sizes = [400, 128], strides = [1, 1]} : vector<400x1024xf32> to vector<400x128xf32>
      %mul3A_700 = arith.constant 8.000000e+00 : f32
      %mul3A_701 = arith.mulf %convert_element_type3A_600, %mul3A_700 : f32
      %add3A_702 = arith.constant 5.000000e+00 : f32
      %add3A_703 = arith.addf %mul3A_701, %add3A_702 : f32
      %eq3A_704 = vector.broadcast %add3A_703 : f32 to vector<400x128xf32>
      %eq3A_705 = arith.cmpf oeq, %scan3A_36#1, %eq3A_704 : vector<400x128xf32>
      %jit3A_706 = arith.constant 1.000000e+30 : f32
      %broadcast_in_dim3A_707 = vector.broadcast %jit3A_706 : f32 to vector<400x128xf32>
      %select_n3A_708 = arith.select %eq3A_705, %broadcast_in_dim3A_707, %slice3A_699 : vector<400x128xi1>, vector<400x128xf32>
      %swap3A_709 = arith.index_cast %scan3A_592 : i32 to index
      %swap3A_710 = arith.constant 0 : index
      %swap3A_711 = arith.constant 640 : index
      %swap3A_712 = vector.load %arg8[%swap3A_709, %swap3A_710, %swap3A_711] : memref<10x400x1024xf32, #tpu.memory_space<vmem>>, vector<1x400x128xf32>
      %swap3A_713 = vector.shape_cast %swap3A_712 : vector<1x400x128xf32> to vector<400x128xf32>
      %swap3A_714 = vector.shape_cast %select_n3A_708 : vector<400x128xf32> to vector<1x400x128xf32>
      tpu.vector_store %arg8[%swap3A_709, %swap3A_710, %swap3A_711], %swap3A_714 {strides = array<i32>} : memref<10x400x1024xf32, #tpu.memory_space<vmem>>, vector<1x400x128xf32>,
      %lt3A_715 = arith.cmpf olt, %select_n3A_708, %select_n3A_696 : vector<400x128xf32>
      %select_n3A_716 = arith.select %lt3A_715, %select_n3A_708, %select_n3A_696 : vector<400x128xi1>, vector<400x128xf32>
      %broadcast_in_dim3A_717 = vector.broadcast %add3A_703 : f32 to vector<400x128xf32>
      %select_n3A_718 = arith.select %lt3A_715, %broadcast_in_dim3A_717, %select_n3A_698 : vector<400x128xi1>, vector<400x128xf32>
      %slice3A_719 = vector.extract_strided_slice %get3A_599 {offsets = [0, 768], sizes = [400, 128], strides = [1, 1]} : vector<400x1024xf32> to vector<400x128xf32>
      %mul3A_720 = arith.constant 8.000000e+00 : f32
      %mul3A_721 = arith.mulf %convert_element_type3A_600, %mul3A_720 : f32
      %add3A_722 = arith.constant 6.000000e+00 : f32
      %add3A_723 = arith.addf %mul3A_721, %add3A_722 : f32
      %eq3A_724 = vector.broadcast %add3A_723 : f32 to vector<400x128xf32>
      %eq3A_725 = arith.cmpf oeq, %scan3A_36#1, %eq3A_724 : vector<400x128xf32>
      %jit3A_726 = arith.constant 1.000000e+30 : f32
      %broadcast_in_dim3A_727 = vector.broadcast %jit3A_726 : f32 to vector<400x128xf32>
      %select_n3A_728 = arith.select %eq3A_725, %broadcast_in_dim3A_727, %slice3A_719 : vector<400x128xi1>, vector<400x128xf32>
      %swap3A_729 = arith.index_cast %scan3A_592 : i32 to index
      %swap3A_730 = arith.constant 0 : index
      %swap3A_731 = arith.constant 768 : index
      %swap3A_732 = vector.load %arg8[%swap3A_729, %swap3A_730, %swap3A_731] : memref<10x400x1024xf32, #tpu.memory_space<vmem>>, vector<1x400x128xf32>
      %swap3A_733 = vector.shape_cast %swap3A_732 : vector<1x400x128xf32> to vector<400x128xf32>
      %swap3A_734 = vector.shape_cast %select_n3A_728 : vector<400x128xf32> to vector<1x400x128xf32>
      tpu.vector_store %arg8[%swap3A_729, %swap3A_730, %swap3A_731], %swap3A_734 {strides = array<i32>} : memref<10x400x1024xf32, #tpu.memory_space<vmem>>, vector<1x400x128xf32>,
      %lt3A_735 = arith.cmpf olt, %select_n3A_728, %select_n3A_716 : vector<400x128xf32>
      %select_n3A_736 = arith.select %lt3A_735, %select_n3A_728, %select_n3A_716 : vector<400x128xi1>, vector<400x128xf32>
      %broadcast_in_dim3A_737 = vector.broadcast %add3A_723 : f32 to vector<400x128xf32>
      %select_n3A_738 = arith.select %lt3A_735, %broadcast_in_dim3A_737, %select_n3A_718 : vector<400x128xi1>, vector<400x128xf32>
      %slice3A_739 = vector.extract_strided_slice %get3A_599 {offsets = [0, 896], sizes = [400, 128], strides = [1, 1]} : vector<400x1024xf32> to vector<400x128xf32>
      %mul3A_740 = arith.constant 8.000000e+00 : f32
      %mul3A_741 = arith.mulf %convert_element_type3A_600, %mul3A_740 : f32
      %add3A_742 = arith.constant 7.000000e+00 : f32
      %add3A_743 = arith.addf %mul3A_741, %add3A_742 : f32
      %eq3A_744 = vector.broadcast %add3A_743 : f32 to vector<400x128xf32>
      %eq3A_745 = arith.cmpf oeq, %scan3A_36#1, %eq3A_744 : vector<400x128xf32>
      %jit3A_746 = arith.constant 1.000000e+30 : f32
      %broadcast_in_dim3A_747 = vector.broadcast %jit3A_746 : f32 to vector<400x128xf32>
      %select_n3A_748 = arith.select %eq3A_745, %broadcast_in_dim3A_747, %slice3A_739 : vector<400x128xi1>, vector<400x128xf32>
      %swap3A_749 = arith.index_cast %scan3A_592 : i32 to index
      %swap3A_750 = arith.constant 0 : index
      %swap3A_751 = arith.constant 896 : index
      %swap3A_752 = vector.load %arg8[%swap3A_749, %swap3A_750, %swap3A_751] : memref<10x400x1024xf32, #tpu.memory_space<vmem>>, vector<1x400x128xf32>
      %swap3A_753 = vector.shape_cast %swap3A_752 : vector<1x400x128xf32> to vector<400x128xf32>
      %swap3A_754 = vector.shape_cast %select_n3A_748 : vector<400x128xf32> to vector<1x400x128xf32>
      tpu.vector_store %arg8[%swap3A_749, %swap3A_750, %swap3A_751], %swap3A_754 {strides = array<i32>} : memref<10x400x1024xf32, #tpu.memory_space<vmem>>, vector<1x400x128xf32>,
      %lt3A_755 = arith.cmpf olt, %select_n3A_748, %select_n3A_736 : vector<400x128xf32>
      %select_n3A_756 = arith.select %lt3A_755, %select_n3A_748, %select_n3A_736 : vector<400x128xi1>, vector<400x128xf32>
      %broadcast_in_dim3A_757 = vector.broadcast %add3A_743 : f32 to vector<400x128xf32>
      %select_n3A_758 = arith.select %lt3A_755, %broadcast_in_dim3A_757, %select_n3A_738 : vector<400x128xi1>, vector<400x128xf32>
      scf.yield %select_n3A_756, %select_n3A_758 : vector<400x128xf32>, vector<400x128xf32>
    }
    %scan3A_54 = arith.constant 10 : i32
    %swap3A_55 = arith.constant 0 : index
    %swap3A_56 = arith.constant 256 : index
    %swap3A_57 = vector.load %arg9[%swap3A_55, %swap3A_56] : memref<400x384xf32, #tpu.memory_space<vmem>>, vector<400x128xf32>
    tpu.vector_store %arg9[%swap3A_55, %swap3A_56], %scan3A_53#0 {strides = array<i32>} : memref<400x384xf32, #tpu.memory_space<vmem>>, vector<400x128xf32>,
    %mul3A_58 = arith.constant 1.280000e+02 : f32
    %mul3A_59 = vector.broadcast %mul3A_58 : f32 to vector<400x128xf32>
    %mul3A_60 = arith.mulf %scan3A_53#1, %mul3A_59 : vector<400x128xf32>
    %add3A_61 = vector.broadcast %convert_element_type3A_11 : vector<1x128xf32> to vector<400x128xf32>
    %add3A_62 = arith.addf %mul3A_60, %add3A_61 : vector<400x128xf32>
    %swap3A_63 = arith.constant 0 : index
    %swap3A_64 = arith.constant 256 : index
    %swap3A_65 = vector.load %arg10[%swap3A_63, %swap3A_64] : memref<400x384xf32, #tpu.memory_space<vmem>>, vector<400x128xf32>
    tpu.vector_store %arg10[%swap3A_63, %swap3A_64], %add3A_62 {strides = array<i32>} : memref<400x384xf32, #tpu.memory_space<vmem>>, vector<400x128xf32>,
    %broadcast_in_dim3A_66 = arith.constant -1.000000e+00 : f32
    %broadcast_in_dim3A_67 = vector.broadcast %broadcast_in_dim3A_66 : f32 to vector<400x1xf32>
    %get3A_68 = arith.constant 0 : index
    %get3A_69 = arith.constant 0 : index
    %get3A_70 = vector.load %arg10[%get3A_68, %get3A_69] : memref<400x384xf32, #tpu.memory_space<vmem>>, vector<400x384xf32>
    %get3A_71 = arith.constant 0 : index
    %get3A_72 = arith.constant 0 : index
    %get3A_73 = vector.load %arg9[%get3A_71, %get3A_72] : memref<400x384xf32, #tpu.memory_space<vmem>>, vector<400x384xf32>
    %eq3A = vector.broadcast %broadcast_in_dim3A_67 : vector<400x1xf32> to vector<400x384xf32>
    %eq3A_74 = arith.cmpf oeq, %get3A_70, %eq3A : vector<400x384xf32>
    %jit3A = arith.constant 1.000000e+30 : f32
    %broadcast_in_dim3A_75 = vector.broadcast %jit3A : f32 to vector<400x384xf32>
    %select_n3A = arith.select %eq3A_74, %broadcast_in_dim3A_75, %get3A_73 : vector<400x384xi1>, vector<400x384xf32>
    %swap3A_76 = arith.constant 0 : index
    %swap3A_77 = arith.constant 0 : index
    %swap3A_78 = vector.load %arg9[%swap3A_76, %swap3A_77] : memref<400x384xf32, #tpu.memory_space<vmem>>, vector<400x384xf32>
    tpu.vector_store %arg9[%swap3A_76, %swap3A_77], %select_n3A {strides = array<i32>} : memref<400x384xf32, #tpu.memory_space<vmem>>, vector<400x384xf32>,
    %reduce_min3A = arith.constant dense<0x7F800000> : vector<400xf32>
    %reduce_min3A_79 = vector.multi_reduction <minimumf>, %select_n3A, %reduce_min3A [1] : vector<400x384xf32> to vector<400xf32>
    %broadcast_in_dim3A_80 = vector.shape_cast %reduce_min3A_79 : vector<400xf32> to vector<400x1xf32>
    %eq3A_81 = vector.broadcast %broadcast_in_dim3A_80 : vector<400x1xf32> to vector<400x384xf32>
    %eq3A_82 = arith.cmpf oeq, %select_n3A, %eq3A_81 : vector<400x384xf32>
    %jit3A_83 = arith.constant 1.000000e+30 : f32
    %broadcast_in_dim3A_84 = vector.broadcast %jit3A_83 : f32 to vector<400x384xf32>
    %select_n3A_85 = arith.select %eq3A_82, %get3A_70, %broadcast_in_dim3A_84 : vector<400x384xi1>, vector<400x384xf32>
    %reduce_min3A_86 = arith.constant dense<0x7F800000> : vector<400xf32>
    %reduce_min3A_87 = vector.multi_reduction <minimumf>, %select_n3A_85, %reduce_min3A_86 [1] : vector<400x384xf32> to vector<400xf32>
    %broadcast_in_dim3A_88 = vector.shape_cast %reduce_min3A_87 : vector<400xf32> to vector<400x1xf32>
    %convert_element_type3A_89 = arith.fptosi %broadcast_in_dim3A_88 : vector<400x1xf32> to vector<400x1xi32>
    %swap3A_90 = arith.constant 0 : index
    %swap3A_91 = arith.constant 0 : index
    %swap3A_92 = vector.load %arg6[%swap3A_90, %swap3A_91] : memref<400x16xi32, #tpu.memory_space<vmem>>, vector<400x1xi32>
    tpu.vector_store %arg6[%swap3A_90, %swap3A_91], %convert_element_type3A_89 {strides = array<i32>} : memref<400x16xi32, #tpu.memory_space<vmem>>, vector<400x1xi32>,
    %add3A_93 = arith.addf %broadcast_in_dim3A_80, %broadcast_in_dim3A : vector<400x1xf32>
    %swap3A_94 = arith.constant 0 : index
    %swap3A_95 = arith.constant 0 : index
    %swap3A_96 = vector.load %arg7[%swap3A_94, %swap3A_95] : memref<400x16xf32, #tpu.memory_space<vmem>>, vector<400x1xf32>
    tpu.vector_store %arg7[%swap3A_94, %swap3A_95], %add3A_93 {strides = array<i32>} : memref<400x16xf32, #tpu.memory_space<vmem>>, vector<400x1xf32>,
    %get3A_97 = arith.constant 0 : index
    %get3A_98 = arith.constant 0 : index
    %get3A_99 = vector.load %arg10[%get3A_97, %get3A_98] : memref<400x384xf32, #tpu.memory_space<vmem>>, vector<400x384xf32>
    %get3A_100 = arith.constant 0 : index
    %get3A_101 = arith.constant 0 : index
    %get3A_102 = vector.load %arg9[%get3A_100, %get3A_101] : memref<400x384xf32, #tpu.memory_space<vmem>>, vector<400x384xf32>
    %eq3A_103 = vector.broadcast %broadcast_in_dim3A_88 : vector<400x1xf32> to vector<400x384xf32>
    %eq3A_104 = arith.cmpf oeq, %get3A_99, %eq3A_103 : vector<400x384xf32>
    %jit3A_105 = arith.constant 1.000000e+30 : f32
    %broadcast_in_dim3A_106 = vector.broadcast %jit3A_105 : f32 to vector<400x384xf32>
    %select_n3A_107 = arith.select %eq3A_104, %broadcast_in_dim3A_106, %get3A_102 : vector<400x384xi1>, vector<400x384xf32>
    %swap3A_108 = arith.constant 0 : index
    %swap3A_109 = arith.constant 0 : index
    %swap3A_110 = vector.load %arg9[%swap3A_108, %swap3A_109] : memref<400x384xf32, #tpu.memory_space<vmem>>, vector<400x384xf32>
    tpu.vector_store %arg9[%swap3A_108, %swap3A_109], %select_n3A_107 {strides = array<i32>} : memref<400x384xf32, #tpu.memory_space<vmem>>, vector<400x384xf32>,
    %reduce_min3A_111 = arith.constant dense<0x7F800000> : vector<400xf32>
    %reduce_min3A_112 = vector.multi_reduction <minimumf>, %select_n3A_107, %reduce_min3A_111 [1] : vector<400x384xf32> to vector<400xf32>
    %broadcast_in_dim3A_113 = vector.shape_cast %reduce_min3A_112 : vector<400xf32> to vector<400x1xf32>
    %eq3A_114 = vector.broadcast %broadcast_in_dim3A_113 : vector<400x1xf32> to vector<400x384xf32>
    %eq3A_115 = arith.cmpf oeq, %select_n3A_107, %eq3A_114 : vector<400x384xf32>
    %jit3A_116 = arith.constant 1.000000e+30 : f32
    %broadcast_in_dim3A_117 = vector.broadcast %jit3A_116 : f32 to vector<400x384xf32>
    %select_n3A_118 = arith.select %eq3A_115, %get3A_99, %broadcast_in_dim3A_117 : vector<400x384xi1>, vector<400x384xf32>
    %reduce_min3A_119 = arith.constant dense<0x7F800000> : vector<400xf32>
    %reduce_min3A_120 = vector.multi_reduction <minimumf>, %select_n3A_118, %reduce_min3A_119 [1] : vector<400x384xf32> to vector<400xf32>
    %broadcast_in_dim3A_121 = vector.shape_cast %reduce_min3A_120 : vector<400xf32> to vector<400x1xf32>
    %convert_element_type3A_122 = arith.fptosi %broadcast_in_dim3A_121 : vector<400x1xf32> to vector<400x1xi32>
    %swap3A_123 = arith.constant 0 : index
    %swap3A_124 = arith.constant 1 : index
    %swap3A_125 = vector.load %arg6[%swap3A_123, %swap3A_124] : memref<400x16xi32, #tpu.memory_space<vmem>>, vector<400x1xi32>
    tpu.vector_store %arg6[%swap3A_123, %swap3A_124], %convert_element_type3A_122 {strides = array<i32>} : memref<400x16xi32, #tpu.memory_space<vmem>>, vector<400x1xi32>,
    %add3A_126 = arith.addf %broadcast_in_dim3A_113, %broadcast_in_dim3A : vector<400x1xf32>
    %swap3A_127 = arith.constant 0 : index
    %swap3A_128 = arith.constant 1 : index
    %swap3A_129 = vector.load %arg7[%swap3A_127, %swap3A_128] : memref<400x16xf32, #tpu.memory_space<vmem>>, vector<400x1xf32>
    tpu.vector_store %arg7[%swap3A_127, %swap3A_128], %add3A_126 {strides = array<i32>} : memref<400x16xf32, #tpu.memory_space<vmem>>, vector<400x1xf32>,
    %get3A_130 = arith.constant 0 : index
    %get3A_131 = arith.constant 0 : index
    %get3A_132 = vector.load %arg10[%get3A_130, %get3A_131] : memref<400x384xf32, #tpu.memory_space<vmem>>, vector<400x384xf32>
    %get3A_133 = arith.constant 0 : index
    %get3A_134 = arith.constant 0 : index
    %get3A_135 = vector.load %arg9[%get3A_133, %get3A_134] : memref<400x384xf32, #tpu.memory_space<vmem>>, vector<400x384xf32>
    %eq3A_136 = vector.broadcast %broadcast_in_dim3A_121 : vector<400x1xf32> to vector<400x384xf32>
    %eq3A_137 = arith.cmpf oeq, %get3A_132, %eq3A_136 : vector<400x384xf32>
    %jit3A_138 = arith.constant 1.000000e+30 : f32
    %broadcast_in_dim3A_139 = vector.broadcast %jit3A_138 : f32 to vector<400x384xf32>
    %select_n3A_140 = arith.select %eq3A_137, %broadcast_in_dim3A_139, %get3A_135 : vector<400x384xi1>, vector<400x384xf32>
    %swap3A_141 = arith.constant 0 : index
    %swap3A_142 = arith.constant 0 : index
    %swap3A_143 = vector.load %arg9[%swap3A_141, %swap3A_142] : memref<400x384xf32, #tpu.memory_space<vmem>>, vector<400x384xf32>
    tpu.vector_store %arg9[%swap3A_141, %swap3A_142], %select_n3A_140 {strides = array<i32>} : memref<400x384xf32, #tpu.memory_space<vmem>>, vector<400x384xf32>,
    %reduce_min3A_144 = arith.constant dense<0x7F800000> : vector<400xf32>
    %reduce_min3A_145 = vector.multi_reduction <minimumf>, %select_n3A_140, %reduce_min3A_144 [1] : vector<400x384xf32> to vector<400xf32>
    %broadcast_in_dim3A_146 = vector.shape_cast %reduce_min3A_145 : vector<400xf32> to vector<400x1xf32>
    %eq3A_147 = vector.broadcast %broadcast_in_dim3A_146 : vector<400x1xf32> to vector<400x384xf32>
    %eq3A_148 = arith.cmpf oeq, %select_n3A_140, %eq3A_147 : vector<400x384xf32>
    %jit3A_149 = arith.constant 1.000000e+30 : f32
    %broadcast_in_dim3A_150 = vector.broadcast %jit3A_149 : f32 to vector<400x384xf32>
    %select_n3A_151 = arith.select %eq3A_148, %get3A_132, %broadcast_in_dim3A_150 : vector<400x384xi1>, vector<400x384xf32>
    %reduce_min3A_152 = arith.constant dense<0x7F800000> : vector<400xf32>
    %reduce_min3A_153 = vector.multi_reduction <minimumf>, %select_n3A_151, %reduce_min3A_152 [1] : vector<400x384xf32> to vector<400xf32>
    %broadcast_in_dim3A_154 = vector.shape_cast %reduce_min3A_153 : vector<400xf32> to vector<400x1xf32>
    %convert_element_type3A_155 = arith.fptosi %broadcast_in_dim3A_154 : vector<400x1xf32> to vector<400x1xi32>
    %swap3A_156 = arith.constant 0 : index
    %swap3A_157 = arith.constant 2 : index
    %swap3A_158 = vector.load %arg6[%swap3A_156, %swap3A_157] : memref<400x16xi32, #tpu.memory_space<vmem>>, vector<400x1xi32>
    tpu.vector_store %arg6[%swap3A_156, %swap3A_157], %convert_element_type3A_155 {strides = array<i32>} : memref<400x16xi32, #tpu.memory_space<vmem>>, vector<400x1xi32>,
    %add3A_159 = arith.addf %broadcast_in_dim3A_146, %broadcast_in_dim3A : vector<400x1xf32>
    %swap3A_160 = arith.constant 0 : index
    %swap3A_161 = arith.constant 2 : index
    %swap3A_162 = vector.load %arg7[%swap3A_160, %swap3A_161] : memref<400x16xf32, #tpu.memory_space<vmem>>, vector<400x1xf32>
    tpu.vector_store %arg7[%swap3A_160, %swap3A_161], %add3A_159 {strides = array<i32>} : memref<400x16xf32, #tpu.memory_space<vmem>>, vector<400x1xf32>,
    %get3A_163 = arith.constant 0 : index
    %get3A_164 = arith.constant 0 : index
    %get3A_165 = vector.load %arg10[%get3A_163, %get3A_164] : memref<400x384xf32, #tpu.memory_space<vmem>>, vector<400x384xf32>
    %get3A_166 = arith.constant 0 : index
    %get3A_167 = arith.constant 0 : index
    %get3A_168 = vector.load %arg9[%get3A_166, %get3A_167] : memref<400x384xf32, #tpu.memory_space<vmem>>, vector<400x384xf32>
    %eq3A_169 = vector.broadcast %broadcast_in_dim3A_154 : vector<400x1xf32> to vector<400x384xf32>
    %eq3A_170 = arith.cmpf oeq, %get3A_165, %eq3A_169 : vector<400x384xf32>
    %jit3A_171 = arith.constant 1.000000e+30 : f32
    %broadcast_in_dim3A_172 = vector.broadcast %jit3A_171 : f32 to vector<400x384xf32>
    %select_n3A_173 = arith.select %eq3A_170, %broadcast_in_dim3A_172, %get3A_168 : vector<400x384xi1>, vector<400x384xf32>
    %swap3A_174 = arith.constant 0 : index
    %swap3A_175 = arith.constant 0 : index
    %swap3A_176 = vector.load %arg9[%swap3A_174, %swap3A_175] : memref<400x384xf32, #tpu.memory_space<vmem>>, vector<400x384xf32>
    tpu.vector_store %arg9[%swap3A_174, %swap3A_175], %select_n3A_173 {strides = array<i32>} : memref<400x384xf32, #tpu.memory_space<vmem>>, vector<400x384xf32>,
    %reduce_min3A_177 = arith.constant dense<0x7F800000> : vector<400xf32>
    %reduce_min3A_178 = vector.multi_reduction <minimumf>, %select_n3A_173, %reduce_min3A_177 [1] : vector<400x384xf32> to vector<400xf32>
    %broadcast_in_dim3A_179 = vector.shape_cast %reduce_min3A_178 : vector<400xf32> to vector<400x1xf32>
    %eq3A_180 = vector.broadcast %broadcast_in_dim3A_179 : vector<400x1xf32> to vector<400x384xf32>
    %eq3A_181 = arith.cmpf oeq, %select_n3A_173, %eq3A_180 : vector<400x384xf32>
    %jit3A_182 = arith.constant 1.000000e+30 : f32
    %broadcast_in_dim3A_183 = vector.broadcast %jit3A_182 : f32 to vector<400x384xf32>
    %select_n3A_184 = arith.select %eq3A_181, %get3A_165, %broadcast_in_dim3A_183 : vector<400x384xi1>, vector<400x384xf32>
    %reduce_min3A_185 = arith.constant dense<0x7F800000> : vector<400xf32>
    %reduce_min3A_186 = vector.multi_reduction <minimumf>, %select_n3A_184, %reduce_min3A_185 [1] : vector<400x384xf32> to vector<400xf32>
    %broadcast_in_dim3A_187 = vector.shape_cast %reduce_min3A_186 : vector<400xf32> to vector<400x1xf32>
    %convert_element_type3A_188 = arith.fptosi %broadcast_in_dim3A_187 : vector<400x1xf32> to vector<400x1xi32>
    %swap3A_189 = arith.constant 0 : index
    %swap3A_190 = arith.constant 3 : index
    %swap3A_191 = vector.load %arg6[%swap3A_189, %swap3A_190] : memref<400x16xi32, #tpu.memory_space<vmem>>, vector<400x1xi32>
    tpu.vector_store %arg6[%swap3A_189, %swap3A_190], %convert_element_type3A_188 {strides = array<i32>} : memref<400x16xi32, #tpu.memory_space<vmem>>, vector<400x1xi32>,
    %add3A_192 = arith.addf %broadcast_in_dim3A_179, %broadcast_in_dim3A : vector<400x1xf32>
    %swap3A_193 = arith.constant 0 : index
    %swap3A_194 = arith.constant 3 : index
    %swap3A_195 = vector.load %arg7[%swap3A_193, %swap3A_194] : memref<400x16xf32, #tpu.memory_space<vmem>>, vector<400x1xf32>
    tpu.vector_store %arg7[%swap3A_193, %swap3A_194], %add3A_192 {strides = array<i32>} : memref<400x16xf32, #tpu.memory_space<vmem>>, vector<400x1xf32>,
    %get3A_196 = arith.constant 0 : index
    %get3A_197 = arith.constant 0 : index
    %get3A_198 = vector.load %arg10[%get3A_196, %get3A_197] : memref<400x384xf32, #tpu.memory_space<vmem>>, vector<400x384xf32>
    %get3A_199 = arith.constant 0 : index
    %get3A_200 = arith.constant 0 : index
    %get3A_201 = vector.load %arg9[%get3A_199, %get3A_200] : memref<400x384xf32, #tpu.memory_space<vmem>>, vector<400x384xf32>
    %eq3A_202 = vector.broadcast %broadcast_in_dim3A_187 : vector<400x1xf32> to vector<400x384xf32>
    %eq3A_203 = arith.cmpf oeq, %get3A_198, %eq3A_202 : vector<400x384xf32>
    %jit3A_204 = arith.constant 1.000000e+30 : f32
    %broadcast_in_dim3A_205 = vector.broadcast %jit3A_204 : f32 to vector<400x384xf32>
    %select_n3A_206 = arith.select %eq3A_203, %broadcast_in_dim3A_205, %get3A_201 : vector<400x384xi1>, vector<400x384xf32>
    %swap3A_207 = arith.constant 0 : index
    %swap3A_208 = arith.constant 0 : index
    %swap3A_209 = vector.load %arg9[%swap3A_207, %swap3A_208] : memref<400x384xf32, #tpu.memory_space<vmem>>, vector<400x384xf32>
    tpu.vector_store %arg9[%swap3A_207, %swap3A_208], %select_n3A_206 {strides = array<i32>} : memref<400x384xf32, #tpu.memory_space<vmem>>, vector<400x384xf32>,
    %reduce_min3A_210 = arith.constant dense<0x7F800000> : vector<400xf32>
    %reduce_min3A_211 = vector.multi_reduction <minimumf>, %select_n3A_206, %reduce_min3A_210 [1] : vector<400x384xf32> to vector<400xf32>
    %broadcast_in_dim3A_212 = vector.shape_cast %reduce_min3A_211 : vector<400xf32> to vector<400x1xf32>
    %eq3A_213 = vector.broadcast %broadcast_in_dim3A_212 : vector<400x1xf32> to vector<400x384xf32>
    %eq3A_214 = arith.cmpf oeq, %select_n3A_206, %eq3A_213 : vector<400x384xf32>
    %jit3A_215 = arith.constant 1.000000e+30 : f32
    %broadcast_in_dim3A_216 = vector.broadcast %jit3A_215 : f32 to vector<400x384xf32>
    %select_n3A_217 = arith.select %eq3A_214, %get3A_198, %broadcast_in_dim3A_216 : vector<400x384xi1>, vector<400x384xf32>
    %reduce_min3A_218 = arith.constant dense<0x7F800000> : vector<400xf32>
    %reduce_min3A_219 = vector.multi_reduction <minimumf>, %select_n3A_217, %reduce_min3A_218 [1] : vector<400x384xf32> to vector<400xf32>
    %broadcast_in_dim3A_220 = vector.shape_cast %reduce_min3A_219 : vector<400xf32> to vector<400x1xf32>
    %convert_element_type3A_221 = arith.fptosi %broadcast_in_dim3A_220 : vector<400x1xf32> to vector<400x1xi32>
    %swap3A_222 = arith.constant 0 : index
    %swap3A_223 = arith.constant 4 : index
    %swap3A_224 = vector.load %arg6[%swap3A_222, %swap3A_223] : memref<400x16xi32, #tpu.memory_space<vmem>>, vector<400x1xi32>
    tpu.vector_store %arg6[%swap3A_222, %swap3A_223], %convert_element_type3A_221 {strides = array<i32>} : memref<400x16xi32, #tpu.memory_space<vmem>>, vector<400x1xi32>,
    %add3A_225 = arith.addf %broadcast_in_dim3A_212, %broadcast_in_dim3A : vector<400x1xf32>
    %swap3A_226 = arith.constant 0 : index
    %swap3A_227 = arith.constant 4 : index
    %swap3A_228 = vector.load %arg7[%swap3A_226, %swap3A_227] : memref<400x16xf32, #tpu.memory_space<vmem>>, vector<400x1xf32>
    tpu.vector_store %arg7[%swap3A_226, %swap3A_227], %add3A_225 {strides = array<i32>} : memref<400x16xf32, #tpu.memory_space<vmem>>, vector<400x1xf32>,
    %get3A_229 = arith.constant 0 : index
    %get3A_230 = arith.constant 0 : index
    %get3A_231 = vector.load %arg10[%get3A_229, %get3A_230] : memref<400x384xf32, #tpu.memory_space<vmem>>, vector<400x384xf32>
    %get3A_232 = arith.constant 0 : index
    %get3A_233 = arith.constant 0 : index
    %get3A_234 = vector.load %arg9[%get3A_232, %get3A_233] : memref<400x384xf32, #tpu.memory_space<vmem>>, vector<400x384xf32>
    %eq3A_235 = vector.broadcast %broadcast_in_dim3A_220 : vector<400x1xf32> to vector<400x384xf32>
    %eq3A_236 = arith.cmpf oeq, %get3A_231, %eq3A_235 : vector<400x384xf32>
    %jit3A_237 = arith.constant 1.000000e+30 : f32
    %broadcast_in_dim3A_238 = vector.broadcast %jit3A_237 : f32 to vector<400x384xf32>
    %select_n3A_239 = arith.select %eq3A_236, %broadcast_in_dim3A_238, %get3A_234 : vector<400x384xi1>, vector<400x384xf32>
    %swap3A_240 = arith.constant 0 : index
    %swap3A_241 = arith.constant 0 : index
    %swap3A_242 = vector.load %arg9[%swap3A_240, %swap3A_241] : memref<400x384xf32, #tpu.memory_space<vmem>>, vector<400x384xf32>
    tpu.vector_store %arg9[%swap3A_240, %swap3A_241], %select_n3A_239 {strides = array<i32>} : memref<400x384xf32, #tpu.memory_space<vmem>>, vector<400x384xf32>,
    %reduce_min3A_243 = arith.constant dense<0x7F800000> : vector<400xf32>
    %reduce_min3A_244 = vector.multi_reduction <minimumf>, %select_n3A_239, %reduce_min3A_243 [1] : vector<400x384xf32> to vector<400xf32>
    %broadcast_in_dim3A_245 = vector.shape_cast %reduce_min3A_244 : vector<400xf32> to vector<400x1xf32>
    %eq3A_246 = vector.broadcast %broadcast_in_dim3A_245 : vector<400x1xf32> to vector<400x384xf32>
    %eq3A_247 = arith.cmpf oeq, %select_n3A_239, %eq3A_246 : vector<400x384xf32>
    %jit3A_248 = arith.constant 1.000000e+30 : f32
    %broadcast_in_dim3A_249 = vector.broadcast %jit3A_248 : f32 to vector<400x384xf32>
    %select_n3A_250 = arith.select %eq3A_247, %get3A_231, %broadcast_in_dim3A_249 : vector<400x384xi1>, vector<400x384xf32>
    %reduce_min3A_251 = arith.constant dense<0x7F800000> : vector<400xf32>
    %reduce_min3A_252 = vector.multi_reduction <minimumf>, %select_n3A_250, %reduce_min3A_251 [1] : vector<400x384xf32> to vector<400xf32>
    %broadcast_in_dim3A_253 = vector.shape_cast %reduce_min3A_252 : vector<400xf32> to vector<400x1xf32>
    %convert_element_type3A_254 = arith.fptosi %broadcast_in_dim3A_253 : vector<400x1xf32> to vector<400x1xi32>
    %swap3A_255 = arith.constant 0 : index
    %swap3A_256 = arith.constant 5 : index
    %swap3A_257 = vector.load %arg6[%swap3A_255, %swap3A_256] : memref<400x16xi32, #tpu.memory_space<vmem>>, vector<400x1xi32>
    tpu.vector_store %arg6[%swap3A_255, %swap3A_256], %convert_element_type3A_254 {strides = array<i32>} : memref<400x16xi32, #tpu.memory_space<vmem>>, vector<400x1xi32>,
    %add3A_258 = arith.addf %broadcast_in_dim3A_245, %broadcast_in_dim3A : vector<400x1xf32>
    %swap3A_259 = arith.constant 0 : index
    %swap3A_260 = arith.constant 5 : index
    %swap3A_261 = vector.load %arg7[%swap3A_259, %swap3A_260] : memref<400x16xf32, #tpu.memory_space<vmem>>, vector<400x1xf32>
    tpu.vector_store %arg7[%swap3A_259, %swap3A_260], %add3A_258 {strides = array<i32>} : memref<400x16xf32, #tpu.memory_space<vmem>>, vector<400x1xf32>,
    %get3A_262 = arith.constant 0 : index
    %get3A_263 = arith.constant 0 : index
    %get3A_264 = vector.load %arg10[%get3A_262, %get3A_263] : memref<400x384xf32, #tpu.memory_space<vmem>>, vector<400x384xf32>
    %get3A_265 = arith.constant 0 : index
    %get3A_266 = arith.constant 0 : index
    %get3A_267 = vector.load %arg9[%get3A_265, %get3A_266] : memref<400x384xf32, #tpu.memory_space<vmem>>, vector<400x384xf32>
    %eq3A_268 = vector.broadcast %broadcast_in_dim3A_253 : vector<400x1xf32> to vector<400x384xf32>
    %eq3A_269 = arith.cmpf oeq, %get3A_264, %eq3A_268 : vector<400x384xf32>
    %jit3A_270 = arith.constant 1.000000e+30 : f32
    %broadcast_in_dim3A_271 = vector.broadcast %jit3A_270 : f32 to vector<400x384xf32>
    %select_n3A_272 = arith.select %eq3A_269, %broadcast_in_dim3A_271, %get3A_267 : vector<400x384xi1>, vector<400x384xf32>
    %swap3A_273 = arith.constant 0 : index
    %swap3A_274 = arith.constant 0 : index
    %swap3A_275 = vector.load %arg9[%swap3A_273, %swap3A_274] : memref<400x384xf32, #tpu.memory_space<vmem>>, vector<400x384xf32>
    tpu.vector_store %arg9[%swap3A_273, %swap3A_274], %select_n3A_272 {strides = array<i32>} : memref<400x384xf32, #tpu.memory_space<vmem>>, vector<400x384xf32>,
    %reduce_min3A_276 = arith.constant dense<0x7F800000> : vector<400xf32>
    %reduce_min3A_277 = vector.multi_reduction <minimumf>, %select_n3A_272, %reduce_min3A_276 [1] : vector<400x384xf32> to vector<400xf32>
    %broadcast_in_dim3A_278 = vector.shape_cast %reduce_min3A_277 : vector<400xf32> to vector<400x1xf32>
    %eq3A_279 = vector.broadcast %broadcast_in_dim3A_278 : vector<400x1xf32> to vector<400x384xf32>
    %eq3A_280 = arith.cmpf oeq, %select_n3A_272, %eq3A_279 : vector<400x384xf32>
    %jit3A_281 = arith.constant 1.000000e+30 : f32
    %broadcast_in_dim3A_282 = vector.broadcast %jit3A_281 : f32 to vector<400x384xf32>
    %select_n3A_283 = arith.select %eq3A_280, %get3A_264, %broadcast_in_dim3A_282 : vector<400x384xi1>, vector<400x384xf32>
    %reduce_min3A_284 = arith.constant dense<0x7F800000> : vector<400xf32>
    %reduce_min3A_285 = vector.multi_reduction <minimumf>, %select_n3A_283, %reduce_min3A_284 [1] : vector<400x384xf32> to vector<400xf32>
    %broadcast_in_dim3A_286 = vector.shape_cast %reduce_min3A_285 : vector<400xf32> to vector<400x1xf32>
    %convert_element_type3A_287 = arith.fptosi %broadcast_in_dim3A_286 : vector<400x1xf32> to vector<400x1xi32>
    %swap3A_288 = arith.constant 0 : index
    %swap3A_289 = arith.constant 6 : index
    %swap3A_290 = vector.load %arg6[%swap3A_288, %swap3A_289] : memref<400x16xi32, #tpu.memory_space<vmem>>, vector<400x1xi32>
    tpu.vector_store %arg6[%swap3A_288, %swap3A_289], %convert_element_type3A_287 {strides = array<i32>} : memref<400x16xi32, #tpu.memory_space<vmem>>, vector<400x1xi32>,
    %add3A_291 = arith.addf %broadcast_in_dim3A_278, %broadcast_in_dim3A : vector<400x1xf32>
    %swap3A_292 = arith.constant 0 : index
    %swap3A_293 = arith.constant 6 : index
    %swap3A_294 = vector.load %arg7[%swap3A_292, %swap3A_293] : memref<400x16xf32, #tpu.memory_space<vmem>>, vector<400x1xf32>
    tpu.vector_store %arg7[%swap3A_292, %swap3A_293], %add3A_291 {strides = array<i32>} : memref<400x16xf32, #tpu.memory_space<vmem>>, vector<400x1xf32>,
    %get3A_295 = arith.constant 0 : index
    %get3A_296 = arith.constant 0 : index
    %get3A_297 = vector.load %arg10[%get3A_295, %get3A_296] : memref<400x384xf32, #tpu.memory_space<vmem>>, vector<400x384xf32>
    %get3A_298 = arith.constant 0 : index
    %get3A_299 = arith.constant 0 : index
    %get3A_300 = vector.load %arg9[%get3A_298, %get3A_299] : memref<400x384xf32, #tpu.memory_space<vmem>>, vector<400x384xf32>
    %eq3A_301 = vector.broadcast %broadcast_in_dim3A_286 : vector<400x1xf32> to vector<400x384xf32>
    %eq3A_302 = arith.cmpf oeq, %get3A_297, %eq3A_301 : vector<400x384xf32>
    %jit3A_303 = arith.constant 1.000000e+30 : f32
    %broadcast_in_dim3A_304 = vector.broadcast %jit3A_303 : f32 to vector<400x384xf32>
    %select_n3A_305 = arith.select %eq3A_302, %broadcast_in_dim3A_304, %get3A_300 : vector<400x384xi1>, vector<400x384xf32>
    %swap3A_306 = arith.constant 0 : index
    %swap3A_307 = arith.constant 0 : index
    %swap3A_308 = vector.load %arg9[%swap3A_306, %swap3A_307] : memref<400x384xf32, #tpu.memory_space<vmem>>, vector<400x384xf32>
    tpu.vector_store %arg9[%swap3A_306, %swap3A_307], %select_n3A_305 {strides = array<i32>} : memref<400x384xf32, #tpu.memory_space<vmem>>, vector<400x384xf32>,
    %reduce_min3A_309 = arith.constant dense<0x7F800000> : vector<400xf32>
    %reduce_min3A_310 = vector.multi_reduction <minimumf>, %select_n3A_305, %reduce_min3A_309 [1] : vector<400x384xf32> to vector<400xf32>
    %broadcast_in_dim3A_311 = vector.shape_cast %reduce_min3A_310 : vector<400xf32> to vector<400x1xf32>
    %eq3A_312 = vector.broadcast %broadcast_in_dim3A_311 : vector<400x1xf32> to vector<400x384xf32>
    %eq3A_313 = arith.cmpf oeq, %select_n3A_305, %eq3A_312 : vector<400x384xf32>
    %jit3A_314 = arith.constant 1.000000e+30 : f32
    %broadcast_in_dim3A_315 = vector.broadcast %jit3A_314 : f32 to vector<400x384xf32>
    %select_n3A_316 = arith.select %eq3A_313, %get3A_297, %broadcast_in_dim3A_315 : vector<400x384xi1>, vector<400x384xf32>
    %reduce_min3A_317 = arith.constant dense<0x7F800000> : vector<400xf32>
    %reduce_min3A_318 = vector.multi_reduction <minimumf>, %select_n3A_316, %reduce_min3A_317 [1] : vector<400x384xf32> to vector<400xf32>
    %broadcast_in_dim3A_319 = vector.shape_cast %reduce_min3A_318 : vector<400xf32> to vector<400x1xf32>
    %convert_element_type3A_320 = arith.fptosi %broadcast_in_dim3A_319 : vector<400x1xf32> to vector<400x1xi32>
    %swap3A_321 = arith.constant 0 : index
    %swap3A_322 = arith.constant 7 : index
    %swap3A_323 = vector.load %arg6[%swap3A_321, %swap3A_322] : memref<400x16xi32, #tpu.memory_space<vmem>>, vector<400x1xi32>
    tpu.vector_store %arg6[%swap3A_321, %swap3A_322], %convert_element_type3A_320 {strides = array<i32>} : memref<400x16xi32, #tpu.memory_space<vmem>>, vector<400x1xi32>,
    %add3A_324 = arith.addf %broadcast_in_dim3A_311, %broadcast_in_dim3A : vector<400x1xf32>
    %swap3A_325 = arith.constant 0 : index
    %swap3A_326 = arith.constant 7 : index
    %swap3A_327 = vector.load %arg7[%swap3A_325, %swap3A_326] : memref<400x16xf32, #tpu.memory_space<vmem>>, vector<400x1xf32>
    tpu.vector_store %arg7[%swap3A_325, %swap3A_326], %add3A_324 {strides = array<i32>} : memref<400x16xf32, #tpu.memory_space<vmem>>, vector<400x1xf32>,
    %get3A_328 = arith.constant 0 : index
    %get3A_329 = arith.constant 0 : index
    %get3A_330 = vector.load %arg10[%get3A_328, %get3A_329] : memref<400x384xf32, #tpu.memory_space<vmem>>, vector<400x384xf32>
    %get3A_331 = arith.constant 0 : index
    %get3A_332 = arith.constant 0 : index
    %get3A_333 = vector.load %arg9[%get3A_331, %get3A_332] : memref<400x384xf32, #tpu.memory_space<vmem>>, vector<400x384xf32>
    %eq3A_334 = vector.broadcast %broadcast_in_dim3A_319 : vector<400x1xf32> to vector<400x384xf32>
    %eq3A_335 = arith.cmpf oeq, %get3A_330, %eq3A_334 : vector<400x384xf32>
    %jit3A_336 = arith.constant 1.000000e+30 : f32
    %broadcast_in_dim3A_337 = vector.broadcast %jit3A_336 : f32 to vector<400x384xf32>
    %select_n3A_338 = arith.select %eq3A_335, %broadcast_in_dim3A_337, %get3A_333 : vector<400x384xi1>, vector<400x384xf32>
    %swap3A_339 = arith.constant 0 : index
    %swap3A_340 = arith.constant 0 : index
    %swap3A_341 = vector.load %arg9[%swap3A_339, %swap3A_340] : memref<400x384xf32, #tpu.memory_space<vmem>>, vector<400x384xf32>
    tpu.vector_store %arg9[%swap3A_339, %swap3A_340], %select_n3A_338 {strides = array<i32>} : memref<400x384xf32, #tpu.memory_space<vmem>>, vector<400x384xf32>,
    %reduce_min3A_342 = arith.constant dense<0x7F800000> : vector<400xf32>
    %reduce_min3A_343 = vector.multi_reduction <minimumf>, %select_n3A_338, %reduce_min3A_342 [1] : vector<400x384xf32> to vector<400xf32>
    %broadcast_in_dim3A_344 = vector.shape_cast %reduce_min3A_343 : vector<400xf32> to vector<400x1xf32>
    %eq3A_345 = vector.broadcast %broadcast_in_dim3A_344 : vector<400x1xf32> to vector<400x384xf32>
    %eq3A_346 = arith.cmpf oeq, %select_n3A_338, %eq3A_345 : vector<400x384xf32>
    %jit3A_347 = arith.constant 1.000000e+30 : f32
    %broadcast_in_dim3A_348 = vector.broadcast %jit3A_347 : f32 to vector<400x384xf32>
    %select_n3A_349 = arith.select %eq3A_346, %get3A_330, %broadcast_in_dim3A_348 : vector<400x384xi1>, vector<400x384xf32>
    %reduce_min3A_350 = arith.constant dense<0x7F800000> : vector<400xf32>
    %reduce_min3A_351 = vector.multi_reduction <minimumf>, %select_n3A_349, %reduce_min3A_350 [1] : vector<400x384xf32> to vector<400xf32>
    %broadcast_in_dim3A_352 = vector.shape_cast %reduce_min3A_351 : vector<400xf32> to vector<400x1xf32>
    %convert_element_type3A_353 = arith.fptosi %broadcast_in_dim3A_352 : vector<400x1xf32> to vector<400x1xi32>
    %swap3A_354 = arith.constant 0 : index
    %swap3A_355 = arith.constant 8 : index
    %swap3A_356 = vector.load %arg6[%swap3A_354, %swap3A_355] : memref<400x16xi32, #tpu.memory_space<vmem>>, vector<400x1xi32>
    tpu.vector_store %arg6[%swap3A_354, %swap3A_355], %convert_element_type3A_353 {strides = array<i32>} : memref<400x16xi32, #tpu.memory_space<vmem>>, vector<400x1xi32>,
    %add3A_357 = arith.addf %broadcast_in_dim3A_344, %broadcast_in_dim3A : vector<400x1xf32>
    %swap3A_358 = arith.constant 0 : index
    %swap3A_359 = arith.constant 8 : index
    %swap3A_360 = vector.load %arg7[%swap3A_358, %swap3A_359] : memref<400x16xf32, #tpu.memory_space<vmem>>, vector<400x1xf32>
    tpu.vector_store %arg7[%swap3A_358, %swap3A_359], %add3A_357 {strides = array<i32>} : memref<400x16xf32, #tpu.memory_space<vmem>>, vector<400x1xf32>,
    %get3A_361 = arith.constant 0 : index
    %get3A_362 = arith.constant 0 : index
    %get3A_363 = vector.load %arg10[%get3A_361, %get3A_362] : memref<400x384xf32, #tpu.memory_space<vmem>>, vector<400x384xf32>
    %get3A_364 = arith.constant 0 : index
    %get3A_365 = arith.constant 0 : index
    %get3A_366 = vector.load %arg9[%get3A_364, %get3A_365] : memref<400x384xf32, #tpu.memory_space<vmem>>, vector<400x384xf32>
    %eq3A_367 = vector.broadcast %broadcast_in_dim3A_352 : vector<400x1xf32> to vector<400x384xf32>
    %eq3A_368 = arith.cmpf oeq, %get3A_363, %eq3A_367 : vector<400x384xf32>
    %jit3A_369 = arith.constant 1.000000e+30 : f32
    %broadcast_in_dim3A_370 = vector.broadcast %jit3A_369 : f32 to vector<400x384xf32>
    %select_n3A_371 = arith.select %eq3A_368, %broadcast_in_dim3A_370, %get3A_366 : vector<400x384xi1>, vector<400x384xf32>
    %swap3A_372 = arith.constant 0 : index
    %swap3A_373 = arith.constant 0 : index
    %swap3A_374 = vector.load %arg9[%swap3A_372, %swap3A_373] : memref<400x384xf32, #tpu.memory_space<vmem>>, vector<400x384xf32>
    tpu.vector_store %arg9[%swap3A_372, %swap3A_373], %select_n3A_371 {strides = array<i32>} : memref<400x384xf32, #tpu.memory_space<vmem>>, vector<400x384xf32>,
    %reduce_min3A_375 = arith.constant dense<0x7F800000> : vector<400xf32>
    %reduce_min3A_376 = vector.multi_reduction <minimumf>, %select_n3A_371, %reduce_min3A_375 [1] : vector<400x384xf32> to vector<400xf32>
    %broadcast_in_dim3A_377 = vector.shape_cast %reduce_min3A_376 : vector<400xf32> to vector<400x1xf32>
    %eq3A_378 = vector.broadcast %broadcast_in_dim3A_377 : vector<400x1xf32> to vector<400x384xf32>
    %eq3A_379 = arith.cmpf oeq, %select_n3A_371, %eq3A_378 : vector<400x384xf32>
    %jit3A_380 = arith.constant 1.000000e+30 : f32
    %broadcast_in_dim3A_381 = vector.broadcast %jit3A_380 : f32 to vector<400x384xf32>
    %select_n3A_382 = arith.select %eq3A_379, %get3A_363, %broadcast_in_dim3A_381 : vector<400x384xi1>, vector<400x384xf32>
    %reduce_min3A_383 = arith.constant dense<0x7F800000> : vector<400xf32>
    %reduce_min3A_384 = vector.multi_reduction <minimumf>, %select_n3A_382, %reduce_min3A_383 [1] : vector<400x384xf32> to vector<400xf32>
    %broadcast_in_dim3A_385 = vector.shape_cast %reduce_min3A_384 : vector<400xf32> to vector<400x1xf32>
    %convert_element_type3A_386 = arith.fptosi %broadcast_in_dim3A_385 : vector<400x1xf32> to vector<400x1xi32>
    %swap3A_387 = arith.constant 0 : index
    %swap3A_388 = arith.constant 9 : index
    %swap3A_389 = vector.load %arg6[%swap3A_387, %swap3A_388] : memref<400x16xi32, #tpu.memory_space<vmem>>, vector<400x1xi32>
    tpu.vector_store %arg6[%swap3A_387, %swap3A_388], %convert_element_type3A_386 {strides = array<i32>} : memref<400x16xi32, #tpu.memory_space<vmem>>, vector<400x1xi32>,
    %add3A_390 = arith.addf %broadcast_in_dim3A_377, %broadcast_in_dim3A : vector<400x1xf32>
    %swap3A_391 = arith.constant 0 : index
    %swap3A_392 = arith.constant 9 : index
    %swap3A_393 = vector.load %arg7[%swap3A_391, %swap3A_392] : memref<400x16xf32, #tpu.memory_space<vmem>>, vector<400x1xf32>
    tpu.vector_store %arg7[%swap3A_391, %swap3A_392], %add3A_390 {strides = array<i32>} : memref<400x16xf32, #tpu.memory_space<vmem>>, vector<400x1xf32>,
    %get3A_394 = arith.constant 0 : index
    %get3A_395 = arith.constant 0 : index
    %get3A_396 = vector.load %arg10[%get3A_394, %get3A_395] : memref<400x384xf32, #tpu.memory_space<vmem>>, vector<400x384xf32>
    %get3A_397 = arith.constant 0 : index
    %get3A_398 = arith.constant 0 : index
    %get3A_399 = vector.load %arg9[%get3A_397, %get3A_398] : memref<400x384xf32, #tpu.memory_space<vmem>>, vector<400x384xf32>
    %eq3A_400 = vector.broadcast %broadcast_in_dim3A_385 : vector<400x1xf32> to vector<400x384xf32>
    %eq3A_401 = arith.cmpf oeq, %get3A_396, %eq3A_400 : vector<400x384xf32>
    %jit3A_402 = arith.constant 1.000000e+30 : f32
    %broadcast_in_dim3A_403 = vector.broadcast %jit3A_402 : f32 to vector<400x384xf32>
    %select_n3A_404 = arith.select %eq3A_401, %broadcast_in_dim3A_403, %get3A_399 : vector<400x384xi1>, vector<400x384xf32>
    %swap3A_405 = arith.constant 0 : index
    %swap3A_406 = arith.constant 0 : index
    %swap3A_407 = vector.load %arg9[%swap3A_405, %swap3A_406] : memref<400x384xf32, #tpu.memory_space<vmem>>, vector<400x384xf32>
    tpu.vector_store %arg9[%swap3A_405, %swap3A_406], %select_n3A_404 {strides = array<i32>} : memref<400x384xf32, #tpu.memory_space<vmem>>, vector<400x384xf32>,
    %reduce_min3A_408 = arith.constant dense<0x7F800000> : vector<400xf32>
    %reduce_min3A_409 = vector.multi_reduction <minimumf>, %select_n3A_404, %reduce_min3A_408 [1] : vector<400x384xf32> to vector<400xf32>
    %broadcast_in_dim3A_410 = vector.shape_cast %reduce_min3A_409 : vector<400xf32> to vector<400x1xf32>
    %eq3A_411 = vector.broadcast %broadcast_in_dim3A_410 : vector<400x1xf32> to vector<400x384xf32>
    %eq3A_412 = arith.cmpf oeq, %select_n3A_404, %eq3A_411 : vector<400x384xf32>
    %jit3A_413 = arith.constant 1.000000e+30 : f32
    %broadcast_in_dim3A_414 = vector.broadcast %jit3A_413 : f32 to vector<400x384xf32>
    %select_n3A_415 = arith.select %eq3A_412, %get3A_396, %broadcast_in_dim3A_414 : vector<400x384xi1>, vector<400x384xf32>
    %reduce_min3A_416 = arith.constant dense<0x7F800000> : vector<400xf32>
    %reduce_min3A_417 = vector.multi_reduction <minimumf>, %select_n3A_415, %reduce_min3A_416 [1] : vector<400x384xf32> to vector<400xf32>
    %broadcast_in_dim3A_418 = vector.shape_cast %reduce_min3A_417 : vector<400xf32> to vector<400x1xf32>
    %convert_element_type3A_419 = arith.fptosi %broadcast_in_dim3A_418 : vector<400x1xf32> to vector<400x1xi32>
    %swap3A_420 = arith.constant 0 : index
    %swap3A_421 = arith.constant 10 : index
    %swap3A_422 = vector.load %arg6[%swap3A_420, %swap3A_421] : memref<400x16xi32, #tpu.memory_space<vmem>>, vector<400x1xi32>
    tpu.vector_store %arg6[%swap3A_420, %swap3A_421], %convert_element_type3A_419 {strides = array<i32>} : memref<400x16xi32, #tpu.memory_space<vmem>>, vector<400x1xi32>,
    %add3A_423 = arith.addf %broadcast_in_dim3A_410, %broadcast_in_dim3A : vector<400x1xf32>
    %swap3A_424 = arith.constant 0 : index
    %swap3A_425 = arith.constant 10 : index
    %swap3A_426 = vector.load %arg7[%swap3A_424, %swap3A_425] : memref<400x16xf32, #tpu.memory_space<vmem>>, vector<400x1xf32>
    tpu.vector_store %arg7[%swap3A_424, %swap3A_425], %add3A_423 {strides = array<i32>} : memref<400x16xf32, #tpu.memory_space<vmem>>, vector<400x1xf32>,
    %get3A_427 = arith.constant 0 : index
    %get3A_428 = arith.constant 0 : index
    %get3A_429 = vector.load %arg10[%get3A_427, %get3A_428] : memref<400x384xf32, #tpu.memory_space<vmem>>, vector<400x384xf32>
    %get3A_430 = arith.constant 0 : index
    %get3A_431 = arith.constant 0 : index
    %get3A_432 = vector.load %arg9[%get3A_430, %get3A_431] : memref<400x384xf32, #tpu.memory_space<vmem>>, vector<400x384xf32>
    %eq3A_433 = vector.broadcast %broadcast_in_dim3A_418 : vector<400x1xf32> to vector<400x384xf32>
    %eq3A_434 = arith.cmpf oeq, %get3A_429, %eq3A_433 : vector<400x384xf32>
    %jit3A_435 = arith.constant 1.000000e+30 : f32
    %broadcast_in_dim3A_436 = vector.broadcast %jit3A_435 : f32 to vector<400x384xf32>
    %select_n3A_437 = arith.select %eq3A_434, %broadcast_in_dim3A_436, %get3A_432 : vector<400x384xi1>, vector<400x384xf32>
    %swap3A_438 = arith.constant 0 : index
    %swap3A_439 = arith.constant 0 : index
    %swap3A_440 = vector.load %arg9[%swap3A_438, %swap3A_439] : memref<400x384xf32, #tpu.memory_space<vmem>>, vector<400x384xf32>
    tpu.vector_store %arg9[%swap3A_438, %swap3A_439], %select_n3A_437 {strides = array<i32>} : memref<400x384xf32, #tpu.memory_space<vmem>>, vector<400x384xf32>,
    %reduce_min3A_441 = arith.constant dense<0x7F800000> : vector<400xf32>
    %reduce_min3A_442 = vector.multi_reduction <minimumf>, %select_n3A_437, %reduce_min3A_441 [1] : vector<400x384xf32> to vector<400xf32>
    %broadcast_in_dim3A_443 = vector.shape_cast %reduce_min3A_442 : vector<400xf32> to vector<400x1xf32>
    %eq3A_444 = vector.broadcast %broadcast_in_dim3A_443 : vector<400x1xf32> to vector<400x384xf32>
    %eq3A_445 = arith.cmpf oeq, %select_n3A_437, %eq3A_444 : vector<400x384xf32>
    %jit3A_446 = arith.constant 1.000000e+30 : f32
    %broadcast_in_dim3A_447 = vector.broadcast %jit3A_446 : f32 to vector<400x384xf32>
    %select_n3A_448 = arith.select %eq3A_445, %get3A_429, %broadcast_in_dim3A_447 : vector<400x384xi1>, vector<400x384xf32>
    %reduce_min3A_449 = arith.constant dense<0x7F800000> : vector<400xf32>
    %reduce_min3A_450 = vector.multi_reduction <minimumf>, %select_n3A_448, %reduce_min3A_449 [1] : vector<400x384xf32> to vector<400xf32>
    %broadcast_in_dim3A_451 = vector.shape_cast %reduce_min3A_450 : vector<400xf32> to vector<400x1xf32>
    %convert_element_type3A_452 = arith.fptosi %broadcast_in_dim3A_451 : vector<400x1xf32> to vector<400x1xi32>
    %swap3A_453 = arith.constant 0 : index
    %swap3A_454 = arith.constant 11 : index
    %swap3A_455 = vector.load %arg6[%swap3A_453, %swap3A_454] : memref<400x16xi32, #tpu.memory_space<vmem>>, vector<400x1xi32>
    tpu.vector_store %arg6[%swap3A_453, %swap3A_454], %convert_element_type3A_452 {strides = array<i32>} : memref<400x16xi32, #tpu.memory_space<vmem>>, vector<400x1xi32>,
    %add3A_456 = arith.addf %broadcast_in_dim3A_443, %broadcast_in_dim3A : vector<400x1xf32>
    %swap3A_457 = arith.constant 0 : index
    %swap3A_458 = arith.constant 11 : index
    %swap3A_459 = vector.load %arg7[%swap3A_457, %swap3A_458] : memref<400x16xf32, #tpu.memory_space<vmem>>, vector<400x1xf32>
    tpu.vector_store %arg7[%swap3A_457, %swap3A_458], %add3A_456 {strides = array<i32>} : memref<400x16xf32, #tpu.memory_space<vmem>>, vector<400x1xf32>,
    %get3A_460 = arith.constant 0 : index
    %get3A_461 = arith.constant 0 : index
    %get3A_462 = vector.load %arg10[%get3A_460, %get3A_461] : memref<400x384xf32, #tpu.memory_space<vmem>>, vector<400x384xf32>
    %get3A_463 = arith.constant 0 : index
    %get3A_464 = arith.constant 0 : index
    %get3A_465 = vector.load %arg9[%get3A_463, %get3A_464] : memref<400x384xf32, #tpu.memory_space<vmem>>, vector<400x384xf32>
    %eq3A_466 = vector.broadcast %broadcast_in_dim3A_451 : vector<400x1xf32> to vector<400x384xf32>
    %eq3A_467 = arith.cmpf oeq, %get3A_462, %eq3A_466 : vector<400x384xf32>
    %jit3A_468 = arith.constant 1.000000e+30 : f32
    %broadcast_in_dim3A_469 = vector.broadcast %jit3A_468 : f32 to vector<400x384xf32>
    %select_n3A_470 = arith.select %eq3A_467, %broadcast_in_dim3A_469, %get3A_465 : vector<400x384xi1>, vector<400x384xf32>
    %swap3A_471 = arith.constant 0 : index
    %swap3A_472 = arith.constant 0 : index
    %swap3A_473 = vector.load %arg9[%swap3A_471, %swap3A_472] : memref<400x384xf32, #tpu.memory_space<vmem>>, vector<400x384xf32>
    tpu.vector_store %arg9[%swap3A_471, %swap3A_472], %select_n3A_470 {strides = array<i32>} : memref<400x384xf32, #tpu.memory_space<vmem>>, vector<400x384xf32>,
    %reduce_min3A_474 = arith.constant dense<0x7F800000> : vector<400xf32>
    %reduce_min3A_475 = vector.multi_reduction <minimumf>, %select_n3A_470, %reduce_min3A_474 [1] : vector<400x384xf32> to vector<400xf32>
    %broadcast_in_dim3A_476 = vector.shape_cast %reduce_min3A_475 : vector<400xf32> to vector<400x1xf32>
    %eq3A_477 = vector.broadcast %broadcast_in_dim3A_476 : vector<400x1xf32> to vector<400x384xf32>
    %eq3A_478 = arith.cmpf oeq, %select_n3A_470, %eq3A_477 : vector<400x384xf32>
    %jit3A_479 = arith.constant 1.000000e+30 : f32
    %broadcast_in_dim3A_480 = vector.broadcast %jit3A_479 : f32 to vector<400x384xf32>
    %select_n3A_481 = arith.select %eq3A_478, %get3A_462, %broadcast_in_dim3A_480 : vector<400x384xi1>, vector<400x384xf32>
    %reduce_min3A_482 = arith.constant dense<0x7F800000> : vector<400xf32>
    %reduce_min3A_483 = vector.multi_reduction <minimumf>, %select_n3A_481, %reduce_min3A_482 [1] : vector<400x384xf32> to vector<400xf32>
    %broadcast_in_dim3A_484 = vector.shape_cast %reduce_min3A_483 : vector<400xf32> to vector<400x1xf32>
    %convert_element_type3A_485 = arith.fptosi %broadcast_in_dim3A_484 : vector<400x1xf32> to vector<400x1xi32>
    %swap3A_486 = arith.constant 0 : index
    %swap3A_487 = arith.constant 12 : index
    %swap3A_488 = vector.load %arg6[%swap3A_486, %swap3A_487] : memref<400x16xi32, #tpu.memory_space<vmem>>, vector<400x1xi32>
    tpu.vector_store %arg6[%swap3A_486, %swap3A_487], %convert_element_type3A_485 {strides = array<i32>} : memref<400x16xi32, #tpu.memory_space<vmem>>, vector<400x1xi32>,
    %add3A_489 = arith.addf %broadcast_in_dim3A_476, %broadcast_in_dim3A : vector<400x1xf32>
    %swap3A_490 = arith.constant 0 : index
    %swap3A_491 = arith.constant 12 : index
    %swap3A_492 = vector.load %arg7[%swap3A_490, %swap3A_491] : memref<400x16xf32, #tpu.memory_space<vmem>>, vector<400x1xf32>
    tpu.vector_store %arg7[%swap3A_490, %swap3A_491], %add3A_489 {strides = array<i32>} : memref<400x16xf32, #tpu.memory_space<vmem>>, vector<400x1xf32>,
    %get3A_493 = arith.constant 0 : index
    %get3A_494 = arith.constant 0 : index
    %get3A_495 = vector.load %arg10[%get3A_493, %get3A_494] : memref<400x384xf32, #tpu.memory_space<vmem>>, vector<400x384xf32>
    %get3A_496 = arith.constant 0 : index
    %get3A_497 = arith.constant 0 : index
    %get3A_498 = vector.load %arg9[%get3A_496, %get3A_497] : memref<400x384xf32, #tpu.memory_space<vmem>>, vector<400x384xf32>
    %eq3A_499 = vector.broadcast %broadcast_in_dim3A_484 : vector<400x1xf32> to vector<400x384xf32>
    %eq3A_500 = arith.cmpf oeq, %get3A_495, %eq3A_499 : vector<400x384xf32>
    %jit3A_501 = arith.constant 1.000000e+30 : f32
    %broadcast_in_dim3A_502 = vector.broadcast %jit3A_501 : f32 to vector<400x384xf32>
    %select_n3A_503 = arith.select %eq3A_500, %broadcast_in_dim3A_502, %get3A_498 : vector<400x384xi1>, vector<400x384xf32>
    %swap3A_504 = arith.constant 0 : index
    %swap3A_505 = arith.constant 0 : index
    %swap3A_506 = vector.load %arg9[%swap3A_504, %swap3A_505] : memref<400x384xf32, #tpu.memory_space<vmem>>, vector<400x384xf32>
    tpu.vector_store %arg9[%swap3A_504, %swap3A_505], %select_n3A_503 {strides = array<i32>} : memref<400x384xf32, #tpu.memory_space<vmem>>, vector<400x384xf32>,
    %reduce_min3A_507 = arith.constant dense<0x7F800000> : vector<400xf32>
    %reduce_min3A_508 = vector.multi_reduction <minimumf>, %select_n3A_503, %reduce_min3A_507 [1] : vector<400x384xf32> to vector<400xf32>
    %broadcast_in_dim3A_509 = vector.shape_cast %reduce_min3A_508 : vector<400xf32> to vector<400x1xf32>
    %eq3A_510 = vector.broadcast %broadcast_in_dim3A_509 : vector<400x1xf32> to vector<400x384xf32>
    %eq3A_511 = arith.cmpf oeq, %select_n3A_503, %eq3A_510 : vector<400x384xf32>
    %jit3A_512 = arith.constant 1.000000e+30 : f32
    %broadcast_in_dim3A_513 = vector.broadcast %jit3A_512 : f32 to vector<400x384xf32>
    %select_n3A_514 = arith.select %eq3A_511, %get3A_495, %broadcast_in_dim3A_513 : vector<400x384xi1>, vector<400x384xf32>
    %reduce_min3A_515 = arith.constant dense<0x7F800000> : vector<400xf32>
    %reduce_min3A_516 = vector.multi_reduction <minimumf>, %select_n3A_514, %reduce_min3A_515 [1] : vector<400x384xf32> to vector<400xf32>
    %broadcast_in_dim3A_517 = vector.shape_cast %reduce_min3A_516 : vector<400xf32> to vector<400x1xf32>
    %convert_element_type3A_518 = arith.fptosi %broadcast_in_dim3A_517 : vector<400x1xf32> to vector<400x1xi32>
    %swap3A_519 = arith.constant 0 : index
    %swap3A_520 = arith.constant 13 : index
    %swap3A_521 = vector.load %arg6[%swap3A_519, %swap3A_520] : memref<400x16xi32, #tpu.memory_space<vmem>>, vector<400x1xi32>
    tpu.vector_store %arg6[%swap3A_519, %swap3A_520], %convert_element_type3A_518 {strides = array<i32>} : memref<400x16xi32, #tpu.memory_space<vmem>>, vector<400x1xi32>,
    %add3A_522 = arith.addf %broadcast_in_dim3A_509, %broadcast_in_dim3A : vector<400x1xf32>
    %swap3A_523 = arith.constant 0 : index
    %swap3A_524 = arith.constant 13 : index
    %swap3A_525 = vector.load %arg7[%swap3A_523, %swap3A_524] : memref<400x16xf32, #tpu.memory_space<vmem>>, vector<400x1xf32>
    tpu.vector_store %arg7[%swap3A_523, %swap3A_524], %add3A_522 {strides = array<i32>} : memref<400x16xf32, #tpu.memory_space<vmem>>, vector<400x1xf32>,
    %get3A_526 = arith.constant 0 : index
    %get3A_527 = arith.constant 0 : index
    %get3A_528 = vector.load %arg10[%get3A_526, %get3A_527] : memref<400x384xf32, #tpu.memory_space<vmem>>, vector<400x384xf32>
    %get3A_529 = arith.constant 0 : index
    %get3A_530 = arith.constant 0 : index
    %get3A_531 = vector.load %arg9[%get3A_529, %get3A_530] : memref<400x384xf32, #tpu.memory_space<vmem>>, vector<400x384xf32>
    %eq3A_532 = vector.broadcast %broadcast_in_dim3A_517 : vector<400x1xf32> to vector<400x384xf32>
    %eq3A_533 = arith.cmpf oeq, %get3A_528, %eq3A_532 : vector<400x384xf32>
    %jit3A_534 = arith.constant 1.000000e+30 : f32
    %broadcast_in_dim3A_535 = vector.broadcast %jit3A_534 : f32 to vector<400x384xf32>
    %select_n3A_536 = arith.select %eq3A_533, %broadcast_in_dim3A_535, %get3A_531 : vector<400x384xi1>, vector<400x384xf32>
    %swap3A_537 = arith.constant 0 : index
    %swap3A_538 = arith.constant 0 : index
    %swap3A_539 = vector.load %arg9[%swap3A_537, %swap3A_538] : memref<400x384xf32, #tpu.memory_space<vmem>>, vector<400x384xf32>
    tpu.vector_store %arg9[%swap3A_537, %swap3A_538], %select_n3A_536 {strides = array<i32>} : memref<400x384xf32, #tpu.memory_space<vmem>>, vector<400x384xf32>,
    %reduce_min3A_540 = arith.constant dense<0x7F800000> : vector<400xf32>
    %reduce_min3A_541 = vector.multi_reduction <minimumf>, %select_n3A_536, %reduce_min3A_540 [1] : vector<400x384xf32> to vector<400xf32>
    %broadcast_in_dim3A_542 = vector.shape_cast %reduce_min3A_541 : vector<400xf32> to vector<400x1xf32>
    %eq3A_543 = vector.broadcast %broadcast_in_dim3A_542 : vector<400x1xf32> to vector<400x384xf32>
    %eq3A_544 = arith.cmpf oeq, %select_n3A_536, %eq3A_543 : vector<400x384xf32>
    %jit3A_545 = arith.constant 1.000000e+30 : f32
    %broadcast_in_dim3A_546 = vector.broadcast %jit3A_545 : f32 to vector<400x384xf32>
    %select_n3A_547 = arith.select %eq3A_544, %get3A_528, %broadcast_in_dim3A_546 : vector<400x384xi1>, vector<400x384xf32>
    %reduce_min3A_548 = arith.constant dense<0x7F800000> : vector<400xf32>
    %reduce_min3A_549 = vector.multi_reduction <minimumf>, %select_n3A_547, %reduce_min3A_548 [1] : vector<400x384xf32> to vector<400xf32>
    %broadcast_in_dim3A_550 = vector.shape_cast %reduce_min3A_549 : vector<400xf32> to vector<400x1xf32>
    %convert_element_type3A_551 = arith.fptosi %broadcast_in_dim3A_550 : vector<400x1xf32> to vector<400x1xi32>
    %swap3A_552 = arith.constant 0 : index
    %swap3A_553 = arith.constant 14 : index
    %swap3A_554 = vector.load %arg6[%swap3A_552, %swap3A_553] : memref<400x16xi32, #tpu.memory_space<vmem>>, vector<400x1xi32>
    tpu.vector_store %arg6[%swap3A_552, %swap3A_553], %convert_element_type3A_551 {strides = array<i32>} : memref<400x16xi32, #tpu.memory_space<vmem>>, vector<400x1xi32>,
    %add3A_555 = arith.addf %broadcast_in_dim3A_542, %broadcast_in_dim3A : vector<400x1xf32>
    %swap3A_556 = arith.constant 0 : index
    %swap3A_557 = arith.constant 14 : index
    %swap3A_558 = vector.load %arg7[%swap3A_556, %swap3A_557] : memref<400x16xf32, #tpu.memory_space<vmem>>, vector<400x1xf32>
    tpu.vector_store %arg7[%swap3A_556, %swap3A_557], %add3A_555 {strides = array<i32>} : memref<400x16xf32, #tpu.memory_space<vmem>>, vector<400x1xf32>,
    %get3A_559 = arith.constant 0 : index
    %get3A_560 = arith.constant 0 : index
    %get3A_561 = vector.load %arg10[%get3A_559, %get3A_560] : memref<400x384xf32, #tpu.memory_space<vmem>>, vector<400x384xf32>
    %get3A_562 = arith.constant 0 : index
    %get3A_563 = arith.constant 0 : index
    %get3A_564 = vector.load %arg9[%get3A_562, %get3A_563] : memref<400x384xf32, #tpu.memory_space<vmem>>, vector<400x384xf32>
    %eq3A_565 = vector.broadcast %broadcast_in_dim3A_550 : vector<400x1xf32> to vector<400x384xf32>
    %eq3A_566 = arith.cmpf oeq, %get3A_561, %eq3A_565 : vector<400x384xf32>
    %jit3A_567 = arith.constant 1.000000e+30 : f32
    %broadcast_in_dim3A_568 = vector.broadcast %jit3A_567 : f32 to vector<400x384xf32>
    %select_n3A_569 = arith.select %eq3A_566, %broadcast_in_dim3A_568, %get3A_564 : vector<400x384xi1>, vector<400x384xf32>
    %swap3A_570 = arith.constant 0 : index
    %swap3A_571 = arith.constant 0 : index
    %swap3A_572 = vector.load %arg9[%swap3A_570, %swap3A_571] : memref<400x384xf32, #tpu.memory_space<vmem>>, vector<400x384xf32>
    tpu.vector_store %arg9[%swap3A_570, %swap3A_571], %select_n3A_569 {strides = array<i32>} : memref<400x384xf32, #tpu.memory_space<vmem>>, vector<400x384xf32>,
    %reduce_min3A_573 = arith.constant dense<0x7F800000> : vector<400xf32>
    %reduce_min3A_574 = vector.multi_reduction <minimumf>, %select_n3A_569, %reduce_min3A_573 [1] : vector<400x384xf32> to vector<400xf32>
    %broadcast_in_dim3A_575 = vector.shape_cast %reduce_min3A_574 : vector<400xf32> to vector<400x1xf32>
    %eq3A_576 = vector.broadcast %broadcast_in_dim3A_575 : vector<400x1xf32> to vector<400x384xf32>
    %eq3A_577 = arith.cmpf oeq, %select_n3A_569, %eq3A_576 : vector<400x384xf32>
    %jit3A_578 = arith.constant 1.000000e+30 : f32
    %broadcast_in_dim3A_579 = vector.broadcast %jit3A_578 : f32 to vector<400x384xf32>
    %select_n3A_580 = arith.select %eq3A_577, %get3A_561, %broadcast_in_dim3A_579 : vector<400x384xi1>, vector<400x384xf32>
    %reduce_min3A_581 = arith.constant dense<0x7F800000> : vector<400xf32>
    %reduce_min3A_582 = vector.multi_reduction <minimumf>, %select_n3A_580, %reduce_min3A_581 [1] : vector<400x384xf32> to vector<400xf32>
    %broadcast_in_dim3A_583 = vector.shape_cast %reduce_min3A_582 : vector<400xf32> to vector<400x1xf32>
    %convert_element_type3A_584 = arith.fptosi %broadcast_in_dim3A_583 : vector<400x1xf32> to vector<400x1xi32>
    %swap3A_585 = arith.constant 0 : index
    %swap3A_586 = arith.constant 15 : index
    %swap3A_587 = vector.load %arg6[%swap3A_585, %swap3A_586] : memref<400x16xi32, #tpu.memory_space<vmem>>, vector<400x1xi32>
    tpu.vector_store %arg6[%swap3A_585, %swap3A_586], %convert_element_type3A_584 {strides = array<i32>} : memref<400x16xi32, #tpu.memory_space<vmem>>, vector<400x1xi32>,
    %add3A_588 = arith.addf %broadcast_in_dim3A_575, %broadcast_in_dim3A : vector<400x1xf32>
    %swap3A_589 = arith.constant 0 : index
    %swap3A_590 = arith.constant 15 : index
    %swap3A_591 = vector.load %arg7[%swap3A_589, %swap3A_590] : memref<400x16xf32, #tpu.memory_space<vmem>>, vector<400x1xf32>
    tpu.vector_store %arg7[%swap3A_589, %swap3A_590], %add3A_588 {strides = array<i32>} : memref<400x16xf32, #tpu.memory_space<vmem>>, vector<400x1xf32>,
    return
  }
  func.func @transform_0(%arg0: i32) -> (i32, i32) {
    %c0_i32 = arith.constant 0 : i32
    %c0_i32_0 = arith.constant 0 : i32
    return %arg0, %c0_i32 : i32, i32
  }
  func.func @transform_1(%arg0: i32) -> (i32, i32, i32) {
    %c0_i32 = arith.constant 0 : i32
    %c0_i32_0 = arith.constant 0 : i32
    %c0_i32_1 = arith.constant 0 : i32
    %c0_i32_2 = arith.constant 0 : i32
    return %c0_i32, %c0_i32_0, %c0_i32_1 : i32, i32, i32
  }
  func.func @transform_2(%arg0: i32) -> (i32, i32, i32) {
    %c0_i32 = arith.constant 0 : i32
    %c0_i32_0 = arith.constant 0 : i32
    %c0_i32_1 = arith.constant 0 : i32
    %c0_i32_2 = arith.constant 0 : i32
    return %c0_i32, %c0_i32_0, %c0_i32_1 : i32, i32, i32
  }
  func.func @transform_3(%arg0: i32) -> (i32, i32) {
    %c0_i32 = arith.constant 0 : i32
    %c0_i32_0 = arith.constant 0 : i32
    %c0_i32_1 = arith.constant 0 : i32
    return %c0_i32, %c0_i32_0 : i32, i32
  }
  func.func @transform_4(%arg0: i32) -> (i32, i32) {
    %c0_i32 = arith.constant 0 : i32
    %c0_i32_0 = arith.constant 0 : i32
    %c0_i32_1 = arith.constant 0 : i32
    return %c0_i32, %c0_i32_0 : i32, i32
  }
  func.func @transform_5(%arg0: i32) -> (i32, i32) {
    %c0_i32 = arith.constant 0 : i32
    %c0_i32_0 = arith.constant 0 : i32
    return %arg0, %c0_i32 : i32, i32
  }
  func.func @transform_6(%arg0: i32) -> (i32, i32) {
    %c0_i32 = arith.constant 0 : i32
    %c0_i32_0 = arith.constant 0 : i32
    return %arg0, %c0_i32 : i32, i32
  }
}

module attributes {stable_mosaic.version = 14 : i64} {
  func.func @_final_body(%arg0: i32, %arg1: memref<1000x128xf32, #tpu.memory_space<vmem>>, %arg2: memref<1000x16x32xf32, #tpu.memory_space<vmem>>, %arg3: memref<1000x16xf32, #tpu.memory_space<vmem>>, %arg4: memref<128x128xf32, #tpu.memory_space<vmem>>, %arg5: memref<64x128xf32, #tpu.memory_space<vmem>>, %arg6: memref<1x128xf32, #tpu.memory_space<vmem>>, %arg7: memref<128x128xf32, #tpu.memory_space<vmem>>, %arg8: memref<1x128xf32, #tpu.memory_space<vmem>>, %arg9: memref<1x128xf32, #tpu.memory_space<vmem>>, %arg10: memref<1x128xf32, #tpu.memory_space<vmem>>, %arg11: memref<1000x128xf32, #tpu.memory_space<vmem>>) attributes {dimension_semantics = [#tpu.dimension_semantics<arbitrary>], iteration_bounds = array<i64: 10>, scalar_prefetch = 0 : i64, scratch_operands = 0 : i64, tpu.core_type = #tpu.core_type<tc>, window_params = [{transform_indices = @transform_0, window_bounds = array<i64: 1000, 128>}, {transform_indices = @transform_1, window_bounds = array<i64: 1000, 16, 32>}, {transform_indices = @transform_2, window_bounds = array<i64: 1000, 16>}, {pipeline_mode = #tpu.pipeline_mode<synchronous>, transform_indices = @transform_3, window_bounds = array<i64: 128, 128>}, {pipeline_mode = #tpu.pipeline_mode<synchronous>, transform_indices = @transform_4, window_bounds = array<i64: 64, 128>}, {pipeline_mode = #tpu.pipeline_mode<synchronous>, transform_indices = @transform_5, window_bounds = array<i64: 1, 128>}, {pipeline_mode = #tpu.pipeline_mode<synchronous>, transform_indices = @transform_6, window_bounds = array<i64: 128, 128>}, {pipeline_mode = #tpu.pipeline_mode<synchronous>, transform_indices = @transform_7, window_bounds = array<i64: 1, 128>}, {pipeline_mode = #tpu.pipeline_mode<synchronous>, transform_indices = @transform_8, window_bounds = array<i64: 1, 128>}, {pipeline_mode = #tpu.pipeline_mode<synchronous>, transform_indices = @transform_9, window_bounds = array<i64: 1, 128>}, {transform_indices = @transform_10, window_bounds = array<i64: 1000, 128>}]} {
    %get3A = arith.constant 0 : index
    %get3A_0 = arith.constant 0 : index
    %get3A_1 = vector.load %arg3[%get3A, %get3A_0] : memref<1000x16xf32, #tpu.memory_space<vmem>>, vector<1000x16xf32>
    %mul3A = arith.constant -1.000000e+01 : f32
    %mul3A_2 = vector.broadcast %mul3A : f32 to vector<1000x16xf32>
    %mul3A_3 = arith.mulf %mul3A_2, %get3A_1 : vector<1000x16xf32>
    %exp3A = math.exp %mul3A_3 : vector<1000x16xf32>
    %get3A_4 = arith.constant 0 : index
    %get3A_5 = arith.constant 0 : index
    %get3A_6 = arith.constant 0 : index
    %get3A_7 = vector.load %arg2[%get3A_4, %get3A_5, %get3A_6] : memref<1000x16x32xf32, #tpu.memory_space<vmem>>, vector<1000x16x32xf32>
    %broadcast_in_dim3A = vector.shape_cast %exp3A : vector<1000x16xf32> to vector<1000x16x1xf32>
    %mul3A_8 = vector.broadcast %broadcast_in_dim3A : vector<1000x16x1xf32> to vector<1000x16x32xf32>
    %mul3A_9 = arith.mulf %get3A_7, %mul3A_8 : vector<1000x16x32xf32>
    %reduce_sum3A = arith.constant dense<0.000000e+00> : vector<1000x32xf32>
    %reduce_sum3A_10 = vector.multi_reduction <add>, %mul3A_9, %reduce_sum3A [1] : vector<1000x16x32xf32> to vector<1000x32xf32>
    %mul3A_11 = arith.constant 6.250000e-02 : f32
    %mul3A_12 = vector.broadcast %mul3A_11 : f32 to vector<1000x32xf32>
    %mul3A_13 = arith.mulf %reduce_sum3A_10, %mul3A_12 : vector<1000x32xf32>
    %reduce_max3A = arith.constant dense<0xFF800000> : vector<1000x32xf32>
    %reduce_max3A_14 = vector.multi_reduction <maximumf>, %mul3A_9, %reduce_max3A [1] : vector<1000x16x32xf32> to vector<1000x32xf32>
    %concatenate3A = tpu.concatenate %mul3A_13, %reduce_max3A_14 in 1 : vector<1000x32xf32>, vector<1000x32xf32> -> vector<1000x64xf32>
    %get3A_15 = arith.constant 0 : index
    %get3A_16 = arith.constant 0 : index
    %get3A_17 = vector.load %arg1[%get3A_15, %get3A_16] : memref<1000x128xf32, #tpu.memory_space<vmem>>, vector<1000x128xf32>
    %get3A_18 = arith.constant 0 : index
    %get3A_19 = arith.constant 0 : index
    %get3A_20 = vector.load %arg4[%get3A_18, %get3A_19] : memref<128x128xf32, #tpu.memory_space<vmem>>, vector<128x128xf32>
    %dot_general3A = arith.constant dense<0.000000e+00> : vector<1000x128xf32>
    %dot_general3A_21 = tpu.matmul %get3A_17, %get3A_20, %dot_general3A {dimension_numbers = #tpu.dot_dimension_numbers<[1], [0], [0], [1], [0, 0, 1, 1], [], []>, transpose_lhs_hint = false} : vector<1000x128xf32>, vector<128x128xf32>, vector<1000x128xf32> -> vector<1000x128xf32>
    %get3A_22 = arith.constant 0 : index
    %get3A_23 = arith.constant 0 : index
    %get3A_24 = vector.load %arg5[%get3A_22, %get3A_23] : memref<64x128xf32, #tpu.memory_space<vmem>>, vector<64x128xf32>
    %dot_general3A_25 = arith.constant dense<0.000000e+00> : vector<1000x128xf32>
    %dot_general3A_26 = tpu.matmul %concatenate3A, %get3A_24, %dot_general3A_25 {dimension_numbers = #tpu.dot_dimension_numbers<[1], [0], [0], [1], [0, 0, 1, 1], [], []>, transpose_lhs_hint = false} : vector<1000x64xf32>, vector<64x128xf32>, vector<1000x128xf32> -> vector<1000x128xf32>
    %add3A = arith.addf %dot_general3A_21, %dot_general3A_26 : vector<1000x128xf32>
    %get3A_27 = arith.constant 0 : index
    %get3A_28 = arith.constant 0 : index
    %get3A_29 = vector.load %arg6[%get3A_27, %get3A_28] : memref<1x128xf32, #tpu.memory_space<vmem>>, vector<1x128xf32>
    %add3A_30 = vector.broadcast %get3A_29 : vector<1x128xf32> to vector<1000x128xf32>
    %add3A_31 = arith.addf %add3A, %add3A_30 : vector<1000x128xf32>
    %get3A_32 = arith.constant 0 : index
    %get3A_33 = arith.constant 0 : index
    %get3A_34 = vector.load %arg7[%get3A_32, %get3A_33] : memref<128x128xf32, #tpu.memory_space<vmem>>, vector<128x128xf32>
    %dot_general3A_35 = arith.constant dense<0.000000e+00> : vector<1000x128xf32>
    %dot_general3A_36 = tpu.matmul %add3A_31, %get3A_34, %dot_general3A_35 {dimension_numbers = #tpu.dot_dimension_numbers<[1], [0], [0], [1], [0, 0, 1, 1], [], []>, transpose_lhs_hint = false} : vector<1000x128xf32>, vector<128x128xf32>, vector<1000x128xf32> -> vector<1000x128xf32>
    %get3A_37 = arith.constant 0 : index
    %get3A_38 = arith.constant 0 : index
    %get3A_39 = vector.load %arg8[%get3A_37, %get3A_38] : memref<1x128xf32, #tpu.memory_space<vmem>>, vector<1x128xf32>
    %add3A_40 = vector.broadcast %get3A_39 : vector<1x128xf32> to vector<1000x128xf32>
    %add3A_41 = arith.addf %dot_general3A_36, %add3A_40 : vector<1000x128xf32>
    %reduce_sum3A_42 = arith.constant dense<0.000000e+00> : vector<1000xf32>
    %reduce_sum3A_43 = vector.multi_reduction <add>, %add3A_41, %reduce_sum3A_42 [1] : vector<1000x128xf32> to vector<1000xf32>
    %broadcast_in_dim3A_44 = vector.shape_cast %reduce_sum3A_43 : vector<1000xf32> to vector<1000x1xf32>
    %div3A = arith.constant 1.280000e+02 : f32
    %div3A_45 = vector.broadcast %div3A : f32 to vector<1000x1xf32>
    %div3A_46 = arith.divf %broadcast_in_dim3A_44, %div3A_45 : vector<1000x1xf32>
    %sub3A = vector.broadcast %div3A_46 : vector<1000x1xf32> to vector<1000x128xf32>
    %sub3A_47 = arith.subf %add3A_41, %sub3A : vector<1000x128xf32>
    %mul3A_48 = arith.mulf %sub3A_47, %sub3A_47 : vector<1000x128xf32>
    %reduce_sum3A_49 = arith.constant dense<0.000000e+00> : vector<1000xf32>
    %reduce_sum3A_50 = vector.multi_reduction <add>, %mul3A_48, %reduce_sum3A_49 [1] : vector<1000x128xf32> to vector<1000xf32>
    %broadcast_in_dim3A_51 = vector.shape_cast %reduce_sum3A_50 : vector<1000xf32> to vector<1000x1xf32>
    %div3A_52 = arith.constant 1.280000e+02 : f32
    %div3A_53 = vector.broadcast %div3A_52 : f32 to vector<1000x1xf32>
    %div3A_54 = arith.divf %broadcast_in_dim3A_51, %div3A_53 : vector<1000x1xf32>
    %add3A_55 = arith.constant 9.99999974E-6 : f32
    %add3A_56 = vector.broadcast %add3A_55 : f32 to vector<1000x1xf32>
    %add3A_57 = arith.addf %div3A_54, %add3A_56 : vector<1000x1xf32>
    %sqrt3A = math.sqrt %add3A_57 : vector<1000x1xf32>
    %div3A_58 = vector.broadcast %sqrt3A : vector<1000x1xf32> to vector<1000x128xf32>
    %div3A_59 = arith.divf %sub3A_47, %div3A_58 : vector<1000x128xf32>
    %get3A_60 = arith.constant 0 : index
    %get3A_61 = arith.constant 0 : index
    %get3A_62 = vector.load %arg9[%get3A_60, %get3A_61] : memref<1x128xf32, #tpu.memory_space<vmem>>, vector<1x128xf32>
    %mul3A_63 = vector.broadcast %get3A_62 : vector<1x128xf32> to vector<1000x128xf32>
    %mul3A_64 = arith.mulf %div3A_59, %mul3A_63 : vector<1000x128xf32>
    %get3A_65 = arith.constant 0 : index
    %get3A_66 = arith.constant 0 : index
    %get3A_67 = vector.load %arg10[%get3A_65, %get3A_66] : memref<1x128xf32, #tpu.memory_space<vmem>>, vector<1x128xf32>
    %add3A_68 = vector.broadcast %get3A_67 : vector<1x128xf32> to vector<1000x128xf32>
    %add3A_69 = arith.addf %mul3A_64, %add3A_68 : vector<1000x128xf32>
    %max3A = arith.constant 0.000000e+00 : f32
    %max3A_70 = vector.broadcast %max3A : f32 to vector<1000x128xf32>
    %max3A_71 = arith.maximumf %add3A_69, %max3A_70 : vector<1000x128xf32>
    %get3A_72 = arith.constant 0 : index
    %get3A_73 = arith.constant 0 : index
    %get3A_74 = vector.load %arg1[%get3A_72, %get3A_73] : memref<1000x128xf32, #tpu.memory_space<vmem>>, vector<1000x128xf32>
    %add3A_75 = arith.addf %max3A_71, %get3A_74 : vector<1000x128xf32>
    %swap3A = arith.constant 0 : index
    %swap3A_76 = arith.constant 0 : index
    %swap3A_77 = vector.load %arg11[%swap3A, %swap3A_76] : memref<1000x128xf32, #tpu.memory_space<vmem>>, vector<1000x128xf32>
    tpu.vector_store %arg11[%swap3A, %swap3A_76], %add3A_75 {strides = array<i32>} : memref<1000x128xf32, #tpu.memory_space<vmem>>, vector<1000x128xf32>,
    return
  }
  func.func @transform_0(%arg0: i32) -> (i32, i32) {
    %c0_i32 = arith.constant 0 : i32
    %c0_i32_0 = arith.constant 0 : i32
    return %arg0, %c0_i32 : i32, i32
  }
  func.func @transform_1(%arg0: i32) -> (i32, i32, i32) {
    %c0_i32 = arith.constant 0 : i32
    %c0_i32_0 = arith.constant 0 : i32
    %c0_i32_1 = arith.constant 0 : i32
    return %arg0, %c0_i32, %c0_i32_0 : i32, i32, i32
  }
  func.func @transform_2(%arg0: i32) -> (i32, i32) {
    %c0_i32 = arith.constant 0 : i32
    %c0_i32_0 = arith.constant 0 : i32
    return %arg0, %c0_i32 : i32, i32
  }
  func.func @transform_3(%arg0: i32) -> (i32, i32) {
    %c0_i32 = arith.constant 0 : i32
    %c0_i32_0 = arith.constant 0 : i32
    %c0_i32_1 = arith.constant 0 : i32
    return %c0_i32, %c0_i32_0 : i32, i32
  }
  func.func @transform_4(%arg0: i32) -> (i32, i32) {
    %c0_i32 = arith.constant 0 : i32
    %c0_i32_0 = arith.constant 0 : i32
    %c0_i32_1 = arith.constant 0 : i32
    return %c0_i32, %c0_i32_0 : i32, i32
  }
  func.func @transform_5(%arg0: i32) -> (i32, i32) {
    %c0_i32 = arith.constant 0 : i32
    %c0_i32_0 = arith.constant 0 : i32
    %c0_i32_1 = arith.constant 0 : i32
    return %c0_i32, %c0_i32_0 : i32, i32
  }
  func.func @transform_6(%arg0: i32) -> (i32, i32) {
    %c0_i32 = arith.constant 0 : i32
    %c0_i32_0 = arith.constant 0 : i32
    %c0_i32_1 = arith.constant 0 : i32
    return %c0_i32, %c0_i32_0 : i32, i32
  }
  func.func @transform_7(%arg0: i32) -> (i32, i32) {
    %c0_i32 = arith.constant 0 : i32
    %c0_i32_0 = arith.constant 0 : i32
    %c0_i32_1 = arith.constant 0 : i32
    return %c0_i32, %c0_i32_0 : i32, i32
  }
  func.func @transform_8(%arg0: i32) -> (i32, i32) {
    %c0_i32 = arith.constant 0 : i32
    %c0_i32_0 = arith.constant 0 : i32
    %c0_i32_1 = arith.constant 0 : i32
    return %c0_i32, %c0_i32_0 : i32, i32
  }
  func.func @transform_9(%arg0: i32) -> (i32, i32) {
    %c0_i32 = arith.constant 0 : i32
    %c0_i32_0 = arith.constant 0 : i32
    %c0_i32_1 = arith.constant 0 : i32
    return %c0_i32, %c0_i32_0 : i32, i32
  }
  func.func @transform_10(%arg0: i32) -> (i32, i32) {
    %c0_i32 = arith.constant 0 : i32
    %c0_i32_0 = arith.constant 0 : i32
    return %arg0, %c0_i32 : i32, i32
  }
}

</mosaic_0001>

<sc_bundles>
// kernel: kernel.6.cloned.1.call-start
scs
__scs_entry_jumppad:
0x0: {  	(pc) =	sbr.rel $0x88, $3  }
0x1: {  	(tag) =	ssettag $0x0;
	lr =	simm.s32 $0x1  }
0x2: {  	[smem:$0x3F95] =	sst lr;
	_ =	strace $0xD0000000  }
0x3: {  	_ = 	snop  }
0x4: {  	_ = 	snop  }
0x5: {  	_ = 	snop  }
0x6: {  	_ = 	snop  }
0x7: {  	_ = 	snop  }
__scs_overlays_trampoline_lowered:
0x8: {  	[smem:$0x3FA4] =	sst s0  }
0x9: {  	[smem:$0x3FA5] =	sst s1  }
0xa: {  	[smem:$0x3FA6] =	sst s2  }
0xb: {  	[smem:$0x3FA7] =	sst s3  }
0xc: {  	[smem:$0x3FA8] =	sst s4  }
0xd: {  	[smem:$0x3FA9] =	sst s5  }
0xe: {  	[smem:$0x3FAA] =	sst s6  }
0xf: {  	[smem:$0x3FAB] =	sst s7  }
0x10: {  	[smem:$0x3FAC] =	sst s8  }
0x11: {  	[smem:$0x3FAD] =	sst s9;
	s0 =	simm.s32 @!p0 $0x0  }
0x12: {  	s1 =	sld [smem:$0x3F93];
	s0 =	simm.s32 @p0 $0x1  }
0x13: {  	[smem:$0x3FAE] =	sst s0;
	s0 =	simm.s32 @!p1 $0x0  }
0x14: {  	s2 =	sld [smem:$0x3F92];
	s0 =	simm.s32 @p1 $0x1  }
0x15: {  	[smem:$0x3FAF] =	sst s0;
	s0 =	simm.s32 @!p2 $0x0  }
0x16: {  	s3 =	sld [smem:$0x3FDB];
	s0 =	simm.s32 @p2 $0x1  }
0x17: {  	s4 =	simm.s32 $0x1BF5;
	[smem:$0x3FB1] =	sst s0  }
0x18: {  	s0 =	sld [smem:$0x3F94];
	_ =	swait.ge [sflag:s4], $0x0  }
0x19: {  	s7 =	sld [smem:$0x3F95]  }
0x1a: {  	s8 =	sadd.s32 $0xFFFFE003, lr  }
0x1b: {  	s9 =	sadd.s32 $0xFFFFFEF7, lr;
	s5 =	simm.s32 $0xFFFFFFFF;
	p2 =	slt.u32 s8, $0xFFFFF086  }
0x1c: {  	p1 =	slt.u32 s9, $0xF7A;
	s5 =	simm.s32 @!p2 $0x0  }
0x1d: {  	s5 =	simm.s32 @p1 $0x1;
	p0 =	seq.s32 s7, s2  }
0x1e: {  	s7 =	smul.u32 @!p0 $0xF7A, s2;
	p2 =	seq.s32 @!p0 s5, $0x0  }
0x1f: {  	s9 =	smul.u32 $0xF7A, s1;
	s8 =	simm.s32 @!p0 $0x1BF5;
	p2 =	por !p2, p0  }
0x20: {  	[sflag:s8] =	ssyncset.s32 @!p0 $0xFFFFF086;
	s6 =	sadd.s32 @!p0 s3, s7;
	s7 =	simm.s32 @!p0 $0x108  }
0x21: {  	s3 =	sadd.s32 s3, s9;
	s6 =	sadd.s32 @!p0 $0x88, s6;
	s7 =	simm.s32 @p2 $0x1082  }
0x22: {  	[simem:s7], [sflag:s8] =	dma.local @!p0 [hbm:s6], $0xF7A  }
0x23: {  	s9 =	sor.u32 $0xD0000000, s2;
	s6 =	simm.s32 $0x108;
	_ =	swait.ge @!p0 [sflag:s8], $0x0  }
0x24: {  	s3 =	sadd.s32 $0x88, s3;
	s6 =	simm.s32 @!p1 $0x1082;
	[sflag:s4] =	ssyncset.s32 $0xFFFFF086  }
0x25: {  	[simem:s6], [sflag:s4] =	dma.local [hbm:s3], $0xF7A  }
0x26: {  	[smem:$0x3F95] =	sst s1;
	(tag) =	ssettag s2;
	_ =	strace s9  }
0x27: {  	s1 =	sld [smem:$0x3FA5]  }
0x28: {  	s2 =	sld [smem:$0x3FA6]  }
0x29: {  	s4 =	sld [smem:$0x3FA8]  }
0x2a: {  	p0 =	seq.s32 s5, $0x0;
	s5 =	sld [smem:$0x3FA9]  }
0x2b: {  	s6 =	sld [smem:$0x3FAA]  }
0x2c: {  	s7 =	sld [smem:$0x3FAB]  }
0x2d: {  	s3 =	simm.s32 $0x108;
	s8 =	sld [smem:$0x3FAC]  }
0x2e: {  	s3 =	simm.s32 @!p0 $0x1082;
	s9 =	sld [smem:$0x3FAD]  }
0x2f: {  	lr =	sadd.s32 s0, s3;
	s0 =	sld [smem:$0x3FA4]  }
0x30: {  	s3 =	sld [smem:$0x3FA7]  }
0x31: {  	[smem:$0x3FB0] =	sst s10  }
0x32: {  	s10 =	sld [smem:$0x3FAE];
	_ =	sdelay $0x3  }
0x33: {  	p0 =	seq.s32 s10, $0x1;
	s10 =	sld [smem:$0x3FB0];
	_ =	sdelay $0x3  }
0x34: {  	[smem:$0x3FB0] =	sst s10  }
0x35: {  	s10 =	sld [smem:$0x3FAF];
	_ =	sdelay $0x3  }
0x36: {  	p1 =	seq.s32 s10, $0x1;
	s10 =	sld [smem:$0x3FB0];
	_ =	sdelay $0x3  }
0x37: {  	[smem:$0x3FB0] =	sst s10  }
0x38: {  	s10 =	sld [smem:$0x3FB1]  }
0x39: {  	_ = 	snop;
	(pc) =	sbr.ind lr, $3  }
0x3a: {  	_ = 	snop  }
0x3b: {  	_ = 	snop  }
0x3c: {  	p2 =	seq.s32 s10, $0x1;
	s10 =	sld [smem:$0x3FB0]  }
0x3d: {  	_ =	shalt  }
0x3e: {  	_ =	shalt  }
0x3f: {  	_ =	shalt  }
0x40: {  	_ =	shalt  }
0x41: {  	_ =	shalt  }
0x42: {  	_ =	shalt  }
0x43: {  	_ =	shalt  }
0x44: {  	_ =	shalt  }
0x45: {  	_ =	shalt  }
0x46: {  	_ =	shalt  }
0x47: {  	_ =	shalt  }
0x48: {  	_ =	shalt  }
0x49: {  	_ =	shalt  }
0x4a: {  	_ =	shalt  }
0x4b: {  	_ =	shalt  }
0x4c: {  	_ =	shalt  }
0x4d: {  	_ =	shalt  }
0x4e: {  	_ =	shalt  }
0x4f: {  	_ =	shalt  }
0x50: {  	_ =	shalt  }
0x51: {  	_ =	shalt  }
0x52: {  	_ =	shalt  }
0x53: {  	_ =	shalt  }
0x54: {  	_ =	shalt  }
0x55: {  	_ =	shalt  }
0x56: {  	_ =	shalt  }
0x57: {  	_ =	shalt  }
0x58: {  	_ =	shalt  }
0x59: {  	_ =	shalt  }
0x5a: {  	_ =	shalt  }
0x5b: {  	_ =	shalt  }
0x5c: {  	_ =	shalt  }
0x5d: {  	_ =	shalt  }
0x5e: {  	_ =	shalt  }
0x5f: {  	_ =	shalt  }
0x60: {  	_ =	shalt  }
0x61: {  	_ =	shalt  }
0x62: {  	_ =	shalt  }
0x63: {  	_ =	shalt  }
0x64: {  	_ =	shalt  }
0x65: {  	_ =	shalt  }
0x66: {  	_ =	shalt  }
0x67: {  	_ =	shalt  }
0x68: {  	_ =	shalt  }
0x69: {  	_ =	shalt  }
0x6a: {  	_ =	shalt  }
0x6b: {  	_ =	shalt  }
0x6c: {  	_ =	shalt  }
0x6d: {  	_ =	shalt  }
0x6e: {  	_ =	shalt  }
0x6f: {  	_ =	shalt  }
0x70: {  	_ =	shalt  }
0x71: {  	_ =	shalt  }
0x72: {  	_ =	shalt  }
0x73: {  	_ =	shalt  }
0x74: {  	_ =	shalt  }
0x75: {  	_ =	shalt  }
0x76: {  	_ =	shalt  }
0x77: {  	_ =	shalt  }
0x78: {  	_ =	shalt  }
0x79: {  	_ =	shalt  }
0x7a: {  	_ =	shalt  }
0x7b: {  	_ =	shalt  }
0x7c: {  	_ =	shalt  }
0x7d: {  	_ =	shalt  }
0x7e: {  	_ =	shalt  }
0x7f: {  	_ =	shalt  }
0x80: {  	_ =	shalt  }
0x81: {  	_ =	shalt  }
0x82: {  	_ =	shalt  }
0x83: {  	_ =	shalt  }
0x84: {  	_ =	shalt  }
0x85: {  	_ =	shalt  }
0x86: {  	_ =	shalt  }
0x87: {  	_ =	shalt  }
.Lfunc_end0:
.L_simem_size_0:
called_computation_lowered:
.L_overlay_start_0:
0x88: {  	s2 =	sld [smem:$0x3FD9]  }
0x89: {  	s3 =	sld [smem:$0x3FFE];
	_ =	sdelay $0x1  }
0x8a: {  	s1 =	srdreg.scid  }
0x8b: {  	s0 =	sand.u32 $0x1, s1  }
0x8c: {  	s17 =	sshll.u32 s0, $0xA;
	s2 =	sadd.s32 s3, s2  }
0x8d: {  	s2 =	sadd.s32 s2, s17  }
0x8e: {  	[smem:$0x3FBC] =	sst s2  }
0x8f: {  	_ = 	snop  }
0x90: {  	s2 =	sld [smem:$0x3FD0];
	(tm) =	ssettm $0x1  }
0x91: {  	s18 =	sld [smem:$0x3FFB];
	_ =	sdelay $0x3  }
0x92: {  	_ =	strace s18  }
0x93: {  	s3 =	sld [smem:$0x3FFC];
	_ =	sdelay $0x3  }
0x94: {  	_ =	strace s3  }
0x95: {  	s3 =	sld [smem:$0x3FFD];
	_ =	sdelay $0x3  }
0x96: {  	_ =	strace s3  }
0x97: {  	_ =	strace $0x8FFFFFFF  }
0x98: {  	s19 =	sld [smem:$0x3FDB];
	_ =	sdelay $0x1  }
0x99: {  	s4 =	simm.s32 $_scs_section_size  }
0x9a: {  	s5 =	simm.s32 $_size__tile_overlayer_lowered;
	s6 =	simm.s32 $_tile_overlayer_lowered  }
0x9b: {  	s22 =	simm.s32 $0x1BFF;
	s21 =	sshll.u32 s6, $0x1;
	s3 =	sadd.s32 s4, s19  }
0x9c: {  	s7 =	simm.s32 $0x0;
	s20 =	sshll.u32 s5, $0x1;
	s5 =	sadd.s32 s21, s3  }
0x9d: {  	[timem:s7], [sflag:s22] =	dma.local [hbm:s5], s20  }
0x9e: {  	_ =	swait.ge [sflag:s22], s20  }
0x9f: {  	s4 =	ssub.s32 $0x0, s20;
	[sflag:s22] =	ssyncset.done $0x0  }
0xa0: {  	[sflag:s22] =	ssyncadd.s32 s4;
	_ =	sdelay $0x1  }
0xa1: {  	s23 =	simm.s32 $0x1B8B  }
0xa2: {  	_ =	swait.ge [sflag:s23], $0x1  }
0xa3: {  	[sflag:s23] =	ssyncset.done $0x0  }
0xa4: {  	s25 =	simm.s32 $0x1B8E;
	s24 =	sld [smem:$0x3FFE];
	[sflag:s23] =	ssyncadd.s32 $0xFFFFFFFF  }
0xa5: {  	s26 =	simm.s32 $execute0_lowered;
	[smem:$0x3FD2] =	sst s25  }
0xa6: {  	s5 =	sshll.u32 s26, $0x1;
	_ =	strace $0x80000046;
	[dreg:$0x1] =	wrdreg $0xFFFFFFFF  }
0xa7: {  	s28 =	simm.s32 $_size_execute0_lowered;
	s3 =	sadd.s32 s3, s5;
	[dreg:$0x0] =	wrdreg $0x0  }
0xa8: {  	s5 =	sshll.u32 s28, $0x1;
	[dreg:$0x2] =	wrdreg s3  }
0xa9: {  	[dreg:$0x3] =	wrdreg s5  }
0xaa: {  	[dreg:$0x4] =	wrdreg $0xC0  }
0xab: {  	_ =	task [dreg:s7], $0x5FFFF  }
0xac: {  	[dreg:$0x1] =	wrdreg $0xFFFFFFFF  }
0xad: {  	[dreg:$0x0] =	wrdreg $0x60  }
0xae: {  	[dreg:$0x2] =	wrdreg s2  }
0xaf: {  	[dreg:$0x3] =	wrdreg s24  }
0xb0: {  	[dreg:$0x4] =	wrdreg $0x9  }
0xb1: {  	_ =	task.clear_ibuf [dreg:s7], $0x5FFFF;
	_ =	strace $0x90000046  }
0xb2: {  	s29 =	simm.s32 $0x9;
	_ =	strace $0x80000048  }
0xb3: {  	_ =	swait.ge [sflag:s29], $0x1  }
0xb4: {  	[sflag:s29] =	ssyncadd.s32 $0xFFFFFFFF  }
0xb5: {  	_ =	strace $0x90000048  }
0xb6: {  	_ =	sfence  }
0xb7: {  	s30 =	sld [smem:$0x0];
	_ =	sdelay $0x2  }
0xb8: {  	s31 =	sshll.u32 s1, $0xD;
	s1 =	sshrl.u32 s1, $0x2  }
0xb9: {  	s3 =	sand.u32 $0x4000, s31;
	s1 =	sadd.s32 s1, s30  }
0xba: {  	s0 =	sor.u32 s3, s0;
	s1 =	sshll.u32 s1, $0x11  }
0xbb: {  	s0 =	sor.u32 s1, s0  }
0xbc: {  	s0 =	sadd.s32 $0x8F2B, s0  }
0xbd: {  	[sflag:s0] =	ssyncadd.remote.s32 $0x1  }
0xbe: {  	_ =	sfence.sel $0xFFFF  }
0xbf: {  	[dreg:$0x0] =	wrdreg $0xFFFFFFFF;
	(pc) =	sbr.abs _section_cstart, $3  }
0xc0: {  	[dreg:$0x1] =	wrdreg $0xFFFFFFFF  }
0xc1: {  	_ =	task.clear_ibuf [dreg:s7], $0x2FFFF;
	_ =	strace $0x9FFFFFFF  }
0xc2: {  	(tm) =	ssettm $0x7FFFFFFF  }
0xc3: {  	_ =	shalt  }
tec
execute0_lowered:
.L_overlay_start_1:
0x0: {  	(tag) =	ssettag $0x1  }
0x1: {  	s1 =	rddreg [dreg:$0x0]  }
0x2: {  	s0 =	rddreg [dreg:$0x1]  }
0x3: {  	s2 =	simm.s32 $0x0;
	s3 =	srdreg.scid;
	s8 =	stileid.u32  }
0x4: {  	p1 =	por $0x0, $0x0;
	[smem:$0x7FF] =	sst s2;
	s6 =	sand.u32 $0x1, s3  }
0x5: {  	s20 =	sshll.u32 s8, $0x1;
	s3 =	sadd.s32 $0x2600, s0;
	s4 =	sadd.s32 $0x7600, s0  }
0x6: {  	p0 =	sne.s32 s8, $0x0;
	s8 =	simm.s32 $0x2;
	s5 =	sor.u32 s6, s20  }
0x7: {  	_ =	strace $0x80000047;
	s6 =	ssub.s32 $0x2, s6;
	s21 =	sshll.u32 s5, $0x4  }
0x8: {  	s7 =	sshll.u32 s5, $0x9;
	s9 =	sor.u32 $0x20, s5;
	s28 =	sor.u32 $0x40, s5  }
0x9: {  	s30 =	sor.u32 $0x60, s5;
	s15 =	sor.u32 $0x80, s5;
	s17 =	sor.u32 $0xA0, s5  }
0xa: {  	s0 =	sadd.s32 s3, s21;
	s22 =	sadd.s32 s4, s7;
	s23 =	sshll.u32 s9, $0x4  }
0xb: {  	s25 =	sshll.u32 s9, $0x9;
	s29 =	sshll.u32 s28, $0x4;
	s7 =	sshll.u32 s28, $0x9  }
0xc: {  	s11 =	sshll.u32 s30, $0x4;
	s13 =	sshll.u32 s30, $0x9;
	s16 =	sshll.u32 s15, $0x4  }
0xd: {  	s19 =	sshll.u32 s17, $0x4;
	s21 =	sshll.u32 s17, $0x9;
	[dreg:$0x3] =	wrdreg s0  }
0xe: {  	s9 =	sor.u32 $0x100, s5;
	[dreg:$0x4] =	wrdreg s22;
	s24 =	sadd.s32 s3, s23  }
0xf: {  	s17 =	sor.u32 $0x140, s5;
	s26 =	sadd.s32 s4, s25;
	[dreg:$0x5] =	wrdreg s24  }
0x10: {  	s0 =	sadd.s32 s3, s29;
	s10 =	sadd.s32 s4, s7;
	[dreg:$0x6] =	wrdreg s26  }
0x11: {  	s12 =	sadd.s32 s3, s11;
	s14 =	sadd.s32 s4, s13;
	[dreg:$0x7] =	wrdreg s0  }
0x12: {  	s7 =	sshll.u32 s15, $0x9;
	s20 =	sadd.s32 s3, s19;
	[dreg:$0x8] =	wrdreg s10  }
0x13: {  	s22 =	sadd.s32 s4, s21;
	s23 =	sor.u32 $0xC0, s5;
	[dreg:$0x9] =	wrdreg s12  }
0x14: {  	s25 =	sor.u32 $0xE0, s5;
	s11 =	sor.u32 $0x120, s5;
	[dreg:$0xa] =	wrdreg s14  }
0x15: {  	s19 =	sor.u32 $0x160, s5;
	s0 =	sadd.s32 s3, s16;
	[dreg:$0xd] =	wrdreg s20  }
0x16: {  	s18 =	sadd.s32 s4, s7;
	[dreg:$0xe] =	wrdreg s22;
	s24 =	sshll.u32 s23, $0x4  }
0x17: {  	s7 =	sshll.u32 s23, $0x9;
	s28 =	sshll.u32 s25, $0x4;
	s30 =	sshll.u32 s25, $0x9  }
0x18: {  	s10 =	sshll.u32 s9, $0x4;
	s13 =	sshll.u32 s11, $0x4;
	s15 =	sshll.u32 s11, $0x9  }
0x19: {  	s21 =	sshll.u32 s19, $0x4;
	s23 =	sshll.u32 s19, $0x9;
	[dreg:$0xb] =	wrdreg s0  }
0x1a: {  	s25 =	sor.u32 $0x180, s5;
	[dreg:$0xc] =	wrdreg s18;
	s0 =	sadd.s32 s3, s24  }
0x1b: {  	s11 =	sor.u32 $0x1C0, s5;
	s26 =	sadd.s32 s4, s7;
	[dreg:$0xf] =	wrdreg s0  }
0x1c: {  	s19 =	sor.u32 $0x200, s5;
	s29 =	sadd.s32 s3, s28;
	[dreg:$0x10] =	wrdreg s26  }
0x1d: {  	s7 =	sadd.s32 s4, s30;
	s14 =	sadd.s32 s3, s13;
	[dreg:$0x11] =	wrdreg s29  }
0x1e: {  	s16 =	sadd.s32 s4, s15;
	s18 =	sshll.u32 s17, $0x4;
	[dreg:$0x12] =	wrdreg s7  }
0x1f: {  	s22 =	sadd.s32 s3, s21;
	s24 =	sadd.s32 s4, s23;
	[dreg:$0x15] =	wrdreg s14  }
0x20: {  	s28 =	sor.u32 $0x1A0, s5;
	s13 =	sor.u32 $0x1E0, s5;
	[dreg:$0x16] =	wrdreg s16  }
0x21: {  	s21 =	sor.u32 $0x220, s5;
	s0 =	sadd.s32 s3, s10;
	[dreg:$0x19] =	wrdreg s22  }
0x22: {  	s7 =	sshll.u32 s9, $0x9;
	[dreg:$0x1a] =	wrdreg s24;
	s26 =	sshll.u32 s25, $0x4  }
0x23: {  	s30 =	sshll.u32 s28, $0x4;
	s9 =	sshll.u32 s28, $0x9;
	s15 =	sshll.u32 s13, $0x4  }
0x24: {  	s23 =	sshll.u32 s21, $0x4;
	s28 =	sor.u32 $0x240, s5;
	[dreg:$0x13] =	wrdreg s0  }
0x25: {  	s12 =	sadd.s32 s4, s7;
	s0 =	sadd.s32 s3, s18;
	s7 =	sshll.u32 s17, $0x9  }
0x26: {  	s10 =	sadd.s32 s4, s9;
	s16 =	sadd.s32 s3, s15;
	s17 =	sshll.u32 s13, $0x9  }
0x27: {  	s24 =	sadd.s32 s3, s23;
	s15 =	sor.u32 $0x280, s5;
	[dreg:$0x14] =	wrdreg s12  }
0x28: {  	s23 =	sor.u32 $0x2C0, s5;
	s9 =	sor.u32 $0x300, s5;
	[dreg:$0x17] =	wrdreg s0  }
0x29: {  	s20 =	sadd.s32 s4, s7;
	s0 =	sadd.s32 s3, s26;
	[dreg:$0x1e] =	wrdreg s10  }
0x2a: {  	s7 =	sshll.u32 s25, $0x9;
	s12 =	sshll.u32 s11, $0x4;
	[smem:$0x7E0] =	sst s16  }
0x2b: {  	s18 =	sadd.s32 s4, s17;
	s25 =	sshll.u32 s21, $0x9;
	[smem:$0x7E4] =	sst s24  }
0x2c: {  	s16 =	sshll.u32 s15, $0x4;
	s17 =	sor.u32 $0x2A0, s5;
	[dreg:$0x18] =	wrdreg s20  }
0x2d: {  	s24 =	sshll.u32 s23, $0x4;
	[dreg:$0x1b] =	wrdreg s0;
	s29 =	sadd.s32 s4, s7  }
0x2e: {  	s7 =	sadd.s32 s3, s30;
	s0 =	sadd.s32 s3, s12;
	[smem:$0x7E1] =	sst s18  }
0x2f: {  	s20 =	sshll.u32 s19, $0x4;
	s26 =	sadd.s32 s4, s25;
	[dreg:$0x1c] =	wrdreg s29  }
0x30: {  	s30 =	sor.u32 $0x260, s5;
	s21 =	sshll.u32 s17, $0x9;
	[dreg:$0x1d] =	wrdreg s7  }
0x31: {  	s25 =	sor.u32 $0x2E0, s5;
	s7 =	sshll.u32 s11, $0x9;
	[dreg:$0x1f] =	wrdreg s0  }
0x32: {  	s0 =	sadd.s32 s3, s20;
	[smem:$0x7E5] =	sst s26;
	s29 =	sshll.u32 s28, $0x4  }
0x33: {  	s11 =	sshll.u32 s30, $0x4;
	s13 =	sshll.u32 s30, $0x9;
	s30 =	sshll.u32 s25, $0x9  }
0x34: {  	s14 =	sadd.s32 s4, s7;
	s7 =	sshll.u32 s19, $0x9;
	[smem:$0x7E2] =	sst s0  }
0x35: {  	s0 =	sadd.s32 s3, s29;
	s12 =	sadd.s32 s3, s11;
	[smem:$0x7DF] =	sst s14  }
0x36: {  	s19 =	sshll.u32 s17, $0x4;
	s11 =	sor.u32 $0x320, s5;
	[smem:$0x7E6] =	sst s0  }
0x37: {  	s17 =	sor.u32 $0x340, s5;
	s22 =	sadd.s32 s4, s7;
	[smem:$0x7E8] =	sst s12  }
0x38: {  	s7 =	sshll.u32 s28, $0x9;
	s14 =	sadd.s32 s4, s13;
	[smem:$0x7E3] =	sst s22  }
0x39: {  	s0 =	sadd.s32 s3, s16;
	s20 =	sadd.s32 s3, s19;
	[smem:$0x7E9] =	sst s14  }
0x3a: {  	s28 =	sshll.u32 s25, $0x4;
	s13 =	sshll.u32 s11, $0x4;
	[smem:$0x7EA] =	sst s0  }
0x3b: {  	s19 =	sor.u32 $0x360, s5;
	s10 =	sadd.s32 s4, s7;
	[smem:$0x7EC] =	sst s20  }
0x3c: {  	s25 =	sor.u32 $0x380, s5;
	s22 =	sadd.s32 s4, s21;
	[smem:$0x7E7] =	sst s10  }
0x3d: {  	s7 =	sshll.u32 s15, $0x9;
	s0 =	sadd.s32 s3, s24;
	[smem:$0x7ED] =	sst s22  }
0x3e: {  	s29 =	sadd.s32 s3, s28;
	s14 =	sadd.s32 s3, s13;
	[smem:$0x7EE] =	sst s0  }
0x3f: {  	s15 =	sshll.u32 s11, $0x9;
	s21 =	sshll.u32 s19, $0x4;
	[smem:$0x7F0] =	sst s29  }
0x40: {  	s28 =	sshll.u32 s25, $0x4;
	s18 =	sadd.s32 s4, s7;
	[smem:$0x7F4] =	sst s14  }
0x41: {  	s7 =	sshll.u32 s23, $0x9;
	s16 =	sadd.s32 s4, s15;
	[smem:$0x7EB] =	sst s18  }
0x42: {  	s10 =	sshll.u32 s9, $0x4;
	s22 =	sadd.s32 s3, s21;
	[smem:$0x7F5] =	sst s16  }
0x43: {  	s23 =	sshll.u32 s19, $0x9;
	s26 =	sadd.s32 s4, s7;
	[smem:$0x7F8] =	sst s22  }
0x44: {  	s7 =	sadd.s32 s4, s30;
	s0 =	sadd.s32 s3, s10;
	[smem:$0x7EF] =	sst s26  }
0x45: {  	s18 =	sshll.u32 s17, $0x4;
	s24 =	sadd.s32 s4, s23;
	[smem:$0x7F1] =	sst s7  }
0x46: {  	s10 =	sor.u32 $0x3A0, s5;
	s7 =	sshll.u32 s9, $0x9;
	[smem:$0x7F2] =	sst s0  }
0x47: {  	s0 =	sadd.s32 s3, s18;
	s26 =	sshrl.u32 s6, $0x1;
	[smem:$0x7F9] =	sst s24  }
0x48: {  	s30 =	sshll.u32 s10, $0x4;
	s12 =	sadd.s32 s4, s7;
	s7 =	sshll.u32 s17, $0x9  }
0x49: {  	[smem:$0x7F6] =	sst s0;
	s0 =	sadd.s32 s3, s28;
	s11 =	sadd.s32 s3, s30  }
0x4a: {  	s28 =	sor.u32 $0x4A0, s5;
	s30 =	sor.u32 $0x4E0, s5;
	[smem:$0x7F3] =	sst s12  }
0x4b: {  	s20 =	sadd.s32 s4, s7;
	s7 =	sshll.u32 s25, $0x9;
	[smem:$0x7FA] =	sst s0  }
0x4c: {  	s12 =	sshll.u32 s10, $0x9;
	[smem:$0x7FC] =	sst s11;
	s10 =	ssub.s32 s6, s26  }
0x4d: {  	s0 =	sor.u32 $0x3E0, s5;
	s11 =	sor.u32 $0x400, s5;
	s26 =	sor.u32 $0x480, s5  }
0x4e: {  	s24 =	sshll.u32 s28, $0x4;
	s25 =	sshll.u32 s30, $0x4;
	s28 =	sshll.u32 s28, $0x9  }
0x4f: {  	s30 =	sshll.u32 s30, $0x9;
	[smem:$0x7F7] =	sst s20;
	s29 =	sadd.s32 s4, s7  }
0x50: {  	s13 =	sadd.s32 s4, s12;
	s7 =	sor.u32 $0x3C0, s5;
	s15 =	sshll.u32 s0, $0x4  }
0x51: {  	s16 =	sshll.u32 s11, $0x4;
	s12 =	sor.u32 $0x420, s5;
	s23 =	sshll.u32 s26, $0x4  }
0x52: {  	s6 =	sadd.s32 s3, s24;
	s0 =	sshll.u32 s0, $0x9;
	s11 =	sshll.u32 s11, $0x9  }
0x53: {  	s26 =	sshll.u32 s26, $0x9;
	s10 =	smax.u32 s10, $0x1;
	[smem:$0x7FB] =	sst s29  }
0x54: {  	[smem:$0x7FD] =	sst s13;
	s14 =	sshll.u32 s7, $0x4;
	s21 =	sadd.s32 s3, s15  }
0x55: {  	s19 =	sadd.s32 s3, s16;
	s17 =	sshll.u32 s12, $0x4;
	s16 =	sor.u32 $0x460, s5  }
0x56: {  	s9 =	sadd.s32 s3, s23;
	s29 =	sor.u32 $0x4C0, s5;
	s7 =	sshll.u32 s7, $0x9  }
0x57: {  	s24 =	sadd.s32 s4, s0;
	s23 =	sadd.s32 s4, s11;
	s12 =	sshll.u32 s12, $0x9  }
0x58: {  	s11 =	sadd.s32 s4, s28;
	s31 =	sadd.s32 $0xFFFFFFFF, s10;
	s10 =	simm.s32 $0x80  }
0x59: {  	s0 =	rddreg [dreg:$0x3];
	s22 =	sadd.s32 s3, s14;
	s17 =	sadd.s32 s3, s17  }
0x5a: {  	s14 =	sor.u32 $0x440, s5;
	s20 =	sshll.u32 s16, $0x4;
	s16 =	sshll.u32 s16, $0x9  }
0x5b: {  	p2 =	sne.s32 s31, $0x0;
	s18 =	sshll.u32 s14, $0x4;
	s13 =	sadd.s32 s3, s20  }
.Ltmp0:
0x5c: {  	s14 =	sshll.u32 s14, $0x9;
	s20 =	sadd.s32 s4, s12;
	(pc) =	sbr.rel @!p2 .LBB2_1-.Ltmp0, $4  }
0x5d: {  	s16 =	sadd.s32 s4, s16;
	s15 =	sadd.s32 s3, s18;
	s18 =	sshll.u32 s29, $0x4  }
0x5e: {  	s12 =	simm.s32 $0x1;
	s29 =	sshll.u32 s29, $0x9;
	s5 =	sadd.s32 s3, s18  }
0x5f: {  	s3 =	sadd.s32 s3, s25;
	s25 =	sadd.s32 s4, s7;
	s18 =	sadd.s32 s4, s14  }
0x60: {  	s14 =	sadd.s32 s4, s26;
	s7 =	sadd.s32 s4, s29;
	s4 =	sadd.s32 s4, s30  }
0x61: {  	[tilespmem:s2], [sflag:$0x2] =	stream.linear.gather [hbm4b:s0+s2], $0x80, $0x38;
	[tilespmem:$0x1080] =	vst v63  }
0x62: {  	_ =	swait.ge [sflag:s8], $0x80  }
0x63: {  	[sflag:s8] =	ssyncset.done $0x0  }
0x64: {  	[sflag:s8] =	ssyncadd.s32 $0xFFFFFF80  }
0x65: {  	[tilespmem:s10], [sflag:$0x1] =	stream.indirect.gather [hbm4b:s1+s10], $0x20, s2, s10, $0xb8;
	[tilespmem:$0x1080] =	vst v63  }
0x66: {  	_ =	swait.ge [sflag:s12], $0x1000  }
0x67: {  	[sflag:s12] =	ssyncset.done $0x0  }
0x68: {  	s26 =	rddreg [dreg:$0x4];
	[sflag:s12] =	ssyncadd.s32 $0xFFFFF000  }
0x69: {  	[hbm4b:s26+s2] =	stream.linear.scatter [tilespmem:s10], [sflag:$0x2], $0x1000, $0x38;
	[tilespmem:$0x1080] =	vst v63  }
0x6a: {  	_ =	swait.ge [sflag:s8], $0x1000  }
0x6b: {  	[sflag:s8] =	ssyncset.done $0x0  }
0x6c: {  	s26 =	rddreg [dreg:$0x5];
	[sflag:s8] =	ssyncadd.s32 $0xFFFFF000  }
0x6d: {  	[tilespmem:s2], [sflag:$0x2] =	stream.linear.gather [hbm4b:s26+s2], $0x80, $0x38;
	[tilespmem:$0x1080] =	vst v63  }
0x6e: {  	_ =	swait.ge [sflag:s8], $0x80  }
0x6f: {  	[sflag:s8] =	ssyncset.done $0x0  }
0x70: {  	[sflag:s8] =	ssyncadd.s32 $0xFFFFFF80  }
0x71: {  	[tilespmem:s10], [sflag:$0x1] =	stream.indirect.gather [hbm4b:s1+s10], $0x20, s2, s10, $0xb8;
	[tilespmem:$0x1080] =	vst v63  }
0x72: {  	_ =	swait.ge [sflag:s12], $0x1000  }
0x73: {  	[sflag:s12] =	ssyncset.done $0x0  }
0x74: {  	s26 =	rddreg [dreg:$0x6];
	[sflag:s12] =	ssyncadd.s32 $0xFFFFF000  }
0x75: {  	[hbm4b:s26+s2] =	stream.linear.scatter [tilespmem:s10], [sflag:$0x2], $0x1000, $0x38;
	[tilespmem:$0x1080] =	vst v63  }
0x76: {  	_ =	swait.ge [sflag:s8], $0x1000  }
0x77: {  	[sflag:s8] =	ssyncset.done $0x0  }
0x78: {  	s26 =	rddreg [dreg:$0x7];
	[sflag:s8] =	ssyncadd.s32 $0xFFFFF000  }
0x79: {  	[tilespmem:s2], [sflag:$0x2] =	stream.linear.gather [hbm4b:s26+s2], $0x80, $0x38;
	[tilespmem:$0x1080] =	vst v63  }
0x7a: {  	_ =	swait.ge [sflag:s8], $0x80  }
0x7b: {  	[sflag:s8] =	ssyncset.done $0x0  }
0x7c: {  	[sflag:s8] =	ssyncadd.s32 $0xFFFFFF80  }
0x7d: {  	[tilespmem:s10], [sflag:$0x1] =	stream.indirect.gather [hbm4b:s1+s10], $0x20, s2, s10, $0xb8;
	[tilespmem:$0x1080] =	vst v63  }
0x7e: {  	_ =	swait.ge [sflag:s12], $0x1000  }
0x7f: {  	[sflag:s12] =	ssyncset.done $0x0  }
0x80: {  	s26 =	rddreg [dreg:$0x8];
	[sflag:s12] =	ssyncadd.s32 $0xFFFFF000  }
0x81: {  	[hbm4b:s26+s2] =	stream.linear.scatter [tilespmem:s10], [sflag:$0x2], $0x1000, $0x38;
	[tilespmem:$0x1080] =	vst v63  }
0x82: {  	_ =	swait.ge [sflag:s8], $0x1000  }
0x83: {  	[sflag:s8] =	ssyncset.done $0x0  }
0x84: {  	s26 =	rddreg [dreg:$0x9];
	[sflag:s8] =	ssyncadd.s32 $0xFFFFF000  }
0x85: {  	[tilespmem:s2], [sflag:$0x2] =	stream.linear.gather [hbm4b:s26+s2], $0x80, $0x38;
	[tilespmem:$0x1080] =	vst v63  }
0x86: {  	_ =	swait.ge [sflag:s8], $0x80  }
0x87: {  	[sflag:s8] =	ssyncset.done $0x0  }
0x88: {  	[sflag:s8] =	ssyncadd.s32 $0xFFFFFF80  }
0x89: {  	[tilespmem:s10], [sflag:$0x1] =	stream.indirect.gather [hbm4b:s1+s10], $0x20, s2, s10, $0xb8;
	[tilespmem:$0x1080] =	vst v63  }
0x8a: {  	_ =	swait.ge [sflag:s12], $0x1000  }
0x8b: {  	[sflag:s12] =	ssyncset.done $0x0  }
0x8c: {  	s26 =	rddreg [dreg:$0xa];
	[sflag:s12] =	ssyncadd.s32 $0xFFFFF000  }
0x8d: {  	[hbm4b:s26+s2] =	stream.linear.scatter [tilespmem:s10], [sflag:$0x2], $0x1000, $0x38;
	[tilespmem:$0x1080] =	vst v63  }
0x8e: {  	_ =	swait.ge [sflag:s8], $0x1000  }
0x8f: {  	[sflag:s8] =	ssyncset.done $0x0  }
0x90: {  	s26 =	rddreg [dreg:$0xb];
	[sflag:s8] =	ssyncadd.s32 $0xFFFFF000  }
0x91: {  	[tilespmem:s2], [sflag:$0x2] =	stream.linear.gather [hbm4b:s26+s2], $0x80, $0x38;
	[tilespmem:$0x1080] =	vst v63  }
0x92: {  	_ =	swait.ge [sflag:s8], $0x80  }
0x93: {  	[sflag:s8] =	ssyncset.done $0x0  }
0x94: {  	[sflag:s8] =	ssyncadd.s32 $0xFFFFFF80  }
0x95: {  	[tilespmem:s10], [sflag:$0x1] =	stream.indirect.gather [hbm4b:s1+s10], $0x20, s2, s10, $0xb8;
	[tilespmem:$0x1080] =	vst v63  }
0x96: {  	_ =	swait.ge [sflag:s12], $0x1000  }
0x97: {  	[sflag:s12] =	ssyncset.done $0x0  }
0x98: {  	s26 =	rddreg [dreg:$0xc];
	[sflag:s12] =	ssyncadd.s32 $0xFFFFF000  }
0x99: {  	[hbm4b:s26+s2] =	stream.linear.scatter [tilespmem:s10], [sflag:$0x2], $0x1000, $0x38;
	[tilespmem:$0x1080] =	vst v63  }
0x9a: {  	_ =	swait.ge [sflag:s8], $0x1000  }
0x9b: {  	[sflag:s8] =	ssyncset.done $0x0  }
0x9c: {  	s26 =	rddreg [dreg:$0xd];
	[sflag:s8] =	ssyncadd.s32 $0xFFFFF000  }
0x9d: {  	[tilespmem:s2], [sflag:$0x2] =	stream.linear.gather [hbm4b:s26+s2], $0x80, $0x38;
	[tilespmem:$0x1080] =	vst v63  }
0x9e: {  	_ =	swait.ge [sflag:s8], $0x80  }
0x9f: {  	[sflag:s8] =	ssyncset.done $0x0  }
0xa0: {  	[sflag:s8] =	ssyncadd.s32 $0xFFFFFF80  }
0xa1: {  	[tilespmem:s10], [sflag:$0x1] =	stream.indirect.gather [hbm4b:s1+s10], $0x20, s2, s10, $0xb8;
	[tilespmem:$0x1080] =	vst v63  }
0xa2: {  	_ =	swait.ge [sflag:s12], $0x1000  }
0xa3: {  	[sflag:s12] =	ssyncset.done $0x0  }
0xa4: {  	s26 =	rddreg [dreg:$0xe];
	[sflag:s12] =	ssyncadd.s32 $0xFFFFF000  }
0xa5: {  	[hbm4b:s26+s2] =	stream.linear.scatter [tilespmem:s10], [sflag:$0x2], $0x1000, $0x38;
	[tilespmem:$0x1080] =	vst v63  }
0xa6: {  	_ =	swait.ge [sflag:s8], $0x1000  }
0xa7: {  	[sflag:s8] =	ssyncset.done $0x0  }
0xa8: {  	s26 =	rddreg [dreg:$0xf];
	[sflag:s8] =	ssyncadd.s32 $0xFFFFF000  }
0xa9: {  	[tilespmem:s2], [sflag:$0x2] =	stream.linear.gather [hbm4b:s26+s2], $0x80, $0x38;
	[tilespmem:$0x1080] =	vst v63  }
0xaa: {  	_ =	swait.ge [sflag:s8], $0x80  }
0xab: {  	[sflag:s8] =	ssyncset.done $0x0  }
0xac: {  	[sflag:s8] =	ssyncadd.s32 $0xFFFFFF80  }
0xad: {  	[tilespmem:s10], [sflag:$0x1] =	stream.indirect.gather [hbm4b:s1+s10], $0x20, s2, s10, $0xb8;
	[tilespmem:$0x1080] =	vst v63  }
0xae: {  	_ =	swait.ge [sflag:s12], $0x1000  }
0xaf: {  	[sflag:s12] =	ssyncset.done $0x0  }
0xb0: {  	s26 =	rddreg [dreg:$0x10];
	[sflag:s12] =	ssyncadd.s32 $0xFFFFF000  }
0xb1: {  	[hbm4b:s26+s2] =	stream.linear.scatter [tilespmem:s10], [sflag:$0x2], $0x1000, $0x38;
	[tilespmem:$0x1080] =	vst v63  }
0xb2: {  	_ =	swait.ge [sflag:s8], $0x1000  }
0xb3: {  	[sflag:s8] =	ssyncset.done $0x0  }
0xb4: {  	s26 =	rddreg [dreg:$0x11];
	[sflag:s8] =	ssyncadd.s32 $0xFFFFF000  }
0xb5: {  	[tilespmem:s2], [sflag:$0x2] =	stream.linear.gather [hbm4b:s26+s2], $0x80, $0x38;
	[tilespmem:$0x1080] =	vst v63  }
0xb6: {  	_ =	swait.ge [sflag:s8], $0x80  }
0xb7: {  	[sflag:s8] =	ssyncset.done $0x0  }
0xb8: {  	[sflag:s8] =	ssyncadd.s32 $0xFFFFFF80  }
0xb9: {  	[tilespmem:s10], [sflag:$0x1] =	stream.indirect.gather [hbm4b:s1+s10], $0x20, s2, s10, $0xb8;
	[tilespmem:$0x1080] =	vst v63  }
0xba: {  	_ =	swait.ge [sflag:s12], $0x1000  }
0xbb: {  	[sflag:s12] =	ssyncset.done $0x0  }
0xbc: {  	s26 =	rddreg [dreg:$0x12];
	[sflag:s12] =	ssyncadd.s32 $0xFFFFF000  }
0xbd: {  	[hbm4b:s26+s2] =	stream.linear.scatter [tilespmem:s10], [sflag:$0x2], $0x1000, $0x38;
	[tilespmem:$0x1080] =	vst v63  }
0xbe: {  	_ =	swait.ge [sflag:s8], $0x1000  }
0xbf: {  	[sflag:s8] =	ssyncset.done $0x0  }
0xc0: {  	s26 =	rddreg [dreg:$0x13];
	[sflag:s8] =	ssyncadd.s32 $0xFFFFF000  }
0xc1: {  	[tilespmem:s2], [sflag:$0x2] =	stream.linear.gather [hbm4b:s26+s2], $0x80, $0x38;
	[tilespmem:$0x1080] =	vst v63  }
0xc2: {  	_ =	swait.ge [sflag:s8], $0x80  }
0xc3: {  	[sflag:s8] =	ssyncset.done $0x0  }
0xc4: {  	[sflag:s8] =	ssyncadd.s32 $0xFFFFFF80  }
0xc5: {  	[tilespmem:s10], [sflag:$0x1] =	stream.indirect.gather [hbm4b:s1+s10], $0x20, s2, s10, $0xb8;
	[tilespmem:$0x1080] =	vst v63  }
0xc6: {  	_ =	swait.ge [sflag:s12], $0x1000  }
0xc7: {  	[sflag:s12] =	ssyncset.done $0x0  }
0xc8: {  	s26 =	rddreg [dreg:$0x14];
	[sflag:s12] =	ssyncadd.s32 $0xFFFFF000  }
0xc9: {  	[hbm4b:s26+s2] =	stream.linear.scatter [tilespmem:s10], [sflag:$0x2], $0x1000, $0x38;
	[tilespmem:$0x1080] =	vst v63  }
0xca: {  	_ =	swait.ge [sflag:s8], $0x1000  }
0xcb: {  	[sflag:s8] =	ssyncset.done $0x0  }
0xcc: {  	s26 =	rddreg [dreg:$0x15];
	[sflag:s8] =	ssyncadd.s32 $0xFFFFF000  }
0xcd: {  	[tilespmem:s2], [sflag:$0x2] =	stream.linear.gather [hbm4b:s26+s2], $0x80, $0x38;
	[tilespmem:$0x1080] =	vst v63  }
0xce: {  	_ =	swait.ge [sflag:s8], $0x80  }
0xcf: {  	[sflag:s8] =	ssyncset.done $0x0  }
0xd0: {  	[sflag:s8] =	ssyncadd.s32 $0xFFFFFF80  }
0xd1: {  	[tilespmem:s10], [sflag:$0x1] =	stream.indirect.gather [hbm4b:s1+s10], $0x20, s2, s10, $0xb8;
	[tilespmem:$0x1080] =	vst v63  }
0xd2: {  	_ =	swait.ge [sflag:s12], $0x1000  }
0xd3: {  	[sflag:s12] =	ssyncset.done $0x0  }
0xd4: {  	s26 =	rddreg [dreg:$0x16];
	[sflag:s12] =	ssyncadd.s32 $0xFFFFF000  }
0xd5: {  	[hbm4b:s26+s2] =	stream.linear.scatter [tilespmem:s10], [sflag:$0x2], $0x1000, $0x38;
	[tilespmem:$0x1080] =	vst v63  }
0xd6: {  	_ =	swait.ge [sflag:s8], $0x1000  }
0xd7: {  	[sflag:s8] =	ssyncset.done $0x0  }
0xd8: {  	s26 =	rddreg [dreg:$0x17];
	[sflag:s8] =	ssyncadd.s32 $0xFFFFF000  }
0xd9: {  	[tilespmem:s2], [sflag:$0x2] =	stream.linear.gather [hbm4b:s26+s2], $0x80, $0x38;
	[tilespmem:$0x1080] =	vst v63  }
0xda: {  	_ =	swait.ge [sflag:s8], $0x80  }
0xdb: {  	[sflag:s8] =	ssyncset.done $0x0  }
0xdc: {  	[sflag:s8] =	ssyncadd.s32 $0xFFFFFF80  }
0xdd: {  	[tilespmem:s10], [sflag:$0x1] =	stream.indirect.gather [hbm4b:s1+s10], $0x20, s2, s10, $0xb8;
	[tilespmem:$0x1080] =	vst v63  }
0xde: {  	_ =	swait.ge [sflag:s12], $0x1000  }
0xdf: {  	[sflag:s12] =	ssyncset.done $0x0  }
0xe0: {  	s26 =	rddreg [dreg:$0x18];
	[sflag:s12] =	ssyncadd.s32 $0xFFFFF000  }
0xe1: {  	[hbm4b:s26+s2] =	stream.linear.scatter [tilespmem:s10], [sflag:$0x2], $0x1000, $0x38;
	[tilespmem:$0x1080] =	vst v63  }
0xe2: {  	_ =	swait.ge [sflag:s8], $0x1000  }
0xe3: {  	[sflag:s8] =	ssyncset.done $0x0  }
0xe4: {  	s26 =	rddreg [dreg:$0x19];
	[sflag:s8] =	ssyncadd.s32 $0xFFFFF000  }
0xe5: {  	[tilespmem:s2], [sflag:$0x2] =	stream.linear.gather [hbm4b:s26+s2], $0x80, $0x38;
	[tilespmem:$0x1080] =	vst v63  }
0xe6: {  	_ =	swait.ge [sflag:s8], $0x80  }
0xe7: {  	[sflag:s8] =	ssyncset.done $0x0  }
0xe8: {  	[sflag:s8] =	ssyncadd.s32 $0xFFFFFF80  }
0xe9: {  	[tilespmem:s10], [sflag:$0x1] =	stream.indirect.gather [hbm4b:s1+s10], $0x20, s2, s10, $0xb8;
	[tilespmem:$0x1080] =	vst v63  }
0xea: {  	_ =	swait.ge [sflag:s12], $0x1000  }
0xeb: {  	[sflag:s12] =	ssyncset.done $0x0  }
0xec: {  	s26 =	rddreg [dreg:$0x1a];
	[sflag:s12] =	ssyncadd.s32 $0xFFFFF000  }
0xed: {  	[hbm4b:s26+s2] =	stream.linear.scatter [tilespmem:s10], [sflag:$0x2], $0x1000, $0x38;
	[tilespmem:$0x1080] =	vst v63  }
0xee: {  	_ =	swait.ge [sflag:s8], $0x1000  }
0xef: {  	[sflag:s8] =	ssyncset.done $0x0  }
0xf0: {  	s26 =	rddreg [dreg:$0x1b];
	[sflag:s8] =	ssyncadd.s32 $0xFFFFF000  }
0xf1: {  	[tilespmem:s2], [sflag:$0x2] =	stream.linear.gather [hbm4b:s26+s2], $0x80, $0x38;
	[tilespmem:$0x1080] =	vst v63  }
0xf2: {  	_ =	swait.ge [sflag:s8], $0x80  }
0xf3: {  	[sflag:s8] =	ssyncset.done $0x0  }
0xf4: {  	[sflag:s8] =	ssyncadd.s32 $0xFFFFFF80  }
0xf5: {  	[tilespmem:s10], [sflag:$0x1] =	stream.indirect.gather [hbm4b:s1+s10], $0x20, s2, s10, $0xb8;
	[tilespmem:$0x1080] =	vst v63  }
0xf6: {  	_ =	swait.ge [sflag:s12], $0x1000  }
0xf7: {  	[sflag:s12] =	ssyncset.done $0x0  }
0xf8: {  	s26 =	rddreg [dreg:$0x1c];
	[sflag:s12] =	ssyncadd.s32 $0xFFFFF000  }
0xf9: {  	[hbm4b:s26+s2] =	stream.linear.scatter [tilespmem:s10], [sflag:$0x2], $0x1000, $0x38;
	[tilespmem:$0x1080] =	vst v63  }
0xfa: {  	_ =	swait.ge [sflag:s8], $0x1000  }
0xfb: {  	[sflag:s8] =	ssyncset.done $0x0  }
0xfc: {  	s26 =	rddreg [dreg:$0x1d];
	[sflag:s8] =	ssyncadd.s32 $0xFFFFF000  }
0xfd: {  	[tilespmem:s2], [sflag:$0x2] =	stream.linear.gather [hbm4b:s26+s2], $0x80, $0x38;
	[tilespmem:$0x1080] =	vst v63  }
0xfe: {  	_ =	swait.ge [sflag:s8], $0x80  }
0xff: {  	[sflag:s8] =	ssyncset.done $0x0  }
0x100: {  	[sflag:s8] =	ssyncadd.s32 $0xFFFFFF80  }
0x101: {  	[tilespmem:s10], [sflag:$0x1] =	stream.indirect.gather [hbm4b:s1+s10], $0x20, s2, s10, $0xb8;
	[tilespmem:$0x1080] =	vst v63  }
0x102: {  	_ =	swait.ge [sflag:s12], $0x1000  }
0x103: {  	[sflag:s12] =	ssyncset.done $0x0  }
0x104: {  	s26 =	rddreg [dreg:$0x1e];
	[sflag:s12] =	ssyncadd.s32 $0xFFFFF000  }
0x105: {  	[hbm4b:s26+s2] =	stream.linear.scatter [tilespmem:s10], [sflag:$0x2], $0x1000, $0x38;
	[tilespmem:$0x1080] =	vst v63  }
0x106: {  	_ =	swait.ge [sflag:s8], $0x1000  }
0x107: {  	[sflag:s8] =	ssyncset.done $0x0  }
0x108: {  	s26 =	rddreg [dreg:$0x1f];
	[sflag:s8] =	ssyncadd.s32 $0xFFFFF000  }
0x109: {  	[tilespmem:s2], [sflag:$0x2] =	stream.linear.gather [hbm4b:s26+s2], $0x80, $0x38;
	[tilespmem:$0x1080] =	vst v63  }
0x10a: {  	_ =	swait.ge [sflag:s8], $0x80  }
0x10b: {  	[sflag:s8] =	ssyncset.done $0x0  }
0x10c: {  	[sflag:s8] =	ssyncadd.s32 $0xFFFFFF80  }
0x10d: {  	[tilespmem:s10], [sflag:$0x1] =	stream.indirect.gather [hbm4b:s1+s10], $0x20, s2, s10, $0xb8;
	[tilespmem:$0x1080] =	vst v63  }
0x10e: {  	_ =	swait.ge [sflag:s12], $0x1000  }
0x10f: {  	s26 =	sld [smem:$0x7DF]  }
0x110: {  	[sflag:s12] =	ssyncset.done $0x0  }
0x111: {  	[sflag:s12] =	ssyncadd.s32 $0xFFFFF000  }
0x112: {  	[hbm4b:s26+s2] =	stream.linear.scatter [tilespmem:s10], [sflag:$0x2], $0x1000, $0x38;
	[tilespmem:$0x1080] =	vst v63  }
0x113: {  	_ =	swait.ge [sflag:s8], $0x1000  }
0x114: {  	s26 =	sld [smem:$0x7E0]  }
0x115: {  	[sflag:s8] =	ssyncset.done $0x0  }
0x116: {  	[sflag:s8] =	ssyncadd.s32 $0xFFFFF000  }
0x117: {  	[tilespmem:s2], [sflag:$0x2] =	stream.linear.gather [hbm4b:s26+s2], $0x80, $0x38;
	[tilespmem:$0x1080] =	vst v63  }
0x118: {  	_ =	swait.ge [sflag:s8], $0x80  }
0x119: {  	[sflag:s8] =	ssyncset.done $0x0  }
0x11a: {  	[sflag:s8] =	ssyncadd.s32 $0xFFFFFF80  }
0x11b: {  	[tilespmem:s10], [sflag:$0x1] =	stream.indirect.gather [hbm4b:s1+s10], $0x20, s2, s10, $0xb8;
	[tilespmem:$0x1080] =	vst v63  }
0x11c: {  	_ =	swait.ge [sflag:s12], $0x1000  }
0x11d: {  	s26 =	sld [smem:$0x7E1]  }
0x11e: {  	[sflag:s12] =	ssyncset.done $0x0  }
0x11f: {  	[sflag:s12] =	ssyncadd.s32 $0xFFFFF000  }
0x120: {  	[hbm4b:s26+s2] =	stream.linear.scatter [tilespmem:s10], [sflag:$0x2], $0x1000, $0x38;
	[tilespmem:$0x1080] =	vst v63  }
0x121: {  	_ =	swait.ge [sflag:s8], $0x1000  }
0x122: {  	s26 =	sld [smem:$0x7E2]  }
0x123: {  	[sflag:s8] =	ssyncset.done $0x0  }
0x124: {  	[sflag:s8] =	ssyncadd.s32 $0xFFFFF000  }
0x125: {  	[tilespmem:s2], [sflag:$0x2] =	stream.linear.gather [hbm4b:s26+s2], $0x80, $0x38;
	[tilespmem:$0x1080] =	vst v63  }
0x126: {  	_ =	swait.ge [sflag:s8], $0x80  }
0x127: {  	[sflag:s8] =	ssyncset.done $0x0  }
0x128: {  	[sflag:s8] =	ssyncadd.s32 $0xFFFFFF80  }
0x129: {  	[tilespmem:s10], [sflag:$0x1] =	stream.indirect.gather [hbm4b:s1+s10], $0x20, s2, s10, $0xb8;
	[tilespmem:$0x1080] =	vst v63  }
0x12a: {  	_ =	swait.ge [sflag:s12], $0x1000  }
0x12b: {  	s26 =	sld [smem:$0x7E3]  }
0x12c: {  	[sflag:s12] =	ssyncset.done $0x0  }
0x12d: {  	[sflag:s12] =	ssyncadd.s32 $0xFFFFF000  }
0x12e: {  	[hbm4b:s26+s2] =	stream.linear.scatter [tilespmem:s10], [sflag:$0x2], $0x1000, $0x38;
	[tilespmem:$0x1080] =	vst v63  }
0x12f: {  	_ =	swait.ge [sflag:s8], $0x1000  }
0x130: {  	s26 =	sld [smem:$0x7E4]  }
0x131: {  	[sflag:s8] =	ssyncset.done $0x0  }
0x132: {  	[sflag:s8] =	ssyncadd.s32 $0xFFFFF000  }
0x133: {  	[tilespmem:s2], [sflag:$0x2] =	stream.linear.gather [hbm4b:s26+s2], $0x80, $0x38;
	[tilespmem:$0x1080] =	vst v63  }
0x134: {  	_ =	swait.ge [sflag:s8], $0x80  }
0x135: {  	[sflag:s8] =	ssyncset.done $0x0  }
0x136: {  	[sflag:s8] =	ssyncadd.s32 $0xFFFFFF80  }
0x137: {  	[tilespmem:s10], [sflag:$0x1] =	stream.indirect.gather [hbm4b:s1+s10], $0x20, s2, s10, $0xb8;
	[tilespmem:$0x1080] =	vst v63  }
0x138: {  	_ =	swait.ge [sflag:s12], $0x1000  }
0x139: {  	s26 =	sld [smem:$0x7E5]  }
0x13a: {  	[sflag:s12] =	ssyncset.done $0x0  }
0x13b: {  	[sflag:s12] =	ssyncadd.s32 $0xFFFFF000  }
0x13c: {  	[hbm4b:s26+s2] =	stream.linear.scatter [tilespmem:s10], [sflag:$0x2], $0x1000, $0x38;
	[tilespmem:$0x1080] =	vst v63  }
0x13d: {  	_ =	swait.ge [sflag:s8], $0x1000  }
0x13e: {  	s26 =	sld [smem:$0x7E6]  }
0x13f: {  	[sflag:s8] =	ssyncset.done $0x0  }
0x140: {  	[sflag:s8] =	ssyncadd.s32 $0xFFFFF000  }
0x141: {  	[tilespmem:s2], [sflag:$0x2] =	stream.linear.gather [hbm4b:s26+s2], $0x80, $0x38;
	[tilespmem:$0x1080] =	vst v63  }
0x142: {  	_ =	swait.ge [sflag:s8], $0x80  }
0x143: {  	[sflag:s8] =	ssyncset.done $0x0  }
0x144: {  	[sflag:s8] =	ssyncadd.s32 $0xFFFFFF80  }
0x145: {  	[tilespmem:s10], [sflag:$0x1] =	stream.indirect.gather [hbm4b:s1+s10], $0x20, s2, s10, $0xb8;
	[tilespmem:$0x1080] =	vst v63  }
0x146: {  	_ =	swait.ge [sflag:s12], $0x1000  }
0x147: {  	s26 =	sld [smem:$0x7E7]  }
0x148: {  	[sflag:s12] =	ssyncset.done $0x0  }
0x149: {  	[sflag:s12] =	ssyncadd.s32 $0xFFFFF000  }
0x14a: {  	[hbm4b:s26+s2] =	stream.linear.scatter [tilespmem:s10], [sflag:$0x2], $0x1000, $0x38;
	[tilespmem:$0x1080] =	vst v63  }
0x14b: {  	_ =	swait.ge [sflag:s8], $0x1000  }
0x14c: {  	s26 =	sld [smem:$0x7E8]  }
0x14d: {  	[sflag:s8] =	ssyncset.done $0x0  }
0x14e: {  	[sflag:s8] =	ssyncadd.s32 $0xFFFFF000  }
0x14f: {  	[tilespmem:s2], [sflag:$0x2] =	stream.linear.gather [hbm4b:s26+s2], $0x80, $0x38;
	[tilespmem:$0x1080] =	vst v63  }
0x150: {  	_ =	swait.ge [sflag:s8], $0x80  }
0x151: {  	[sflag:s8] =	ssyncset.done $0x0  }
0x152: {  	[sflag:s8] =	ssyncadd.s32 $0xFFFFFF80  }
0x153: {  	[tilespmem:s10], [sflag:$0x1] =	stream.indirect.gather [hbm4b:s1+s10], $0x20, s2, s10, $0xb8;
	[tilespmem:$0x1080] =	vst v63  }
0x154: {  	_ =	swait.ge [sflag:s12], $0x1000  }
0x155: {  	s26 =	sld [smem:$0x7E9]  }
0x156: {  	[sflag:s12] =	ssyncset.done $0x0  }
0x157: {  	[sflag:s12] =	ssyncadd.s32 $0xFFFFF000  }
0x158: {  	[hbm4b:s26+s2] =	stream.linear.scatter [tilespmem:s10], [sflag:$0x2], $0x1000, $0x38;
	[tilespmem:$0x1080] =	vst v63  }
0x159: {  	_ =	swait.ge [sflag:s8], $0x1000  }
0x15a: {  	s26 =	sld [smem:$0x7EA]  }
0x15b: {  	[sflag:s8] =	ssyncset.done $0x0  }
0x15c: {  	[sflag:s8] =	ssyncadd.s32 $0xFFFFF000  }
0x15d: {  	[tilespmem:s2], [sflag:$0x2] =	stream.linear.gather [hbm4b:s26+s2], $0x80, $0x38;
	[tilespmem:$0x1080] =	vst v63  }
0x15e: {  	_ =	swait.ge [sflag:s8], $0x80  }
0x15f: {  	[sflag:s8] =	ssyncset.done $0x0  }
0x160: {  	[sflag:s8] =	ssyncadd.s32 $0xFFFFFF80  }
0x161: {  	[tilespmem:s10], [sflag:$0x1] =	stream.indirect.gather [hbm4b:s1+s10], $0x20, s2, s10, $0xb8;
	[tilespmem:$0x1080] =	vst v63  }
0x162: {  	_ =	swait.ge [sflag:s12], $0x1000  }
0x163: {  	s26 =	sld [smem:$0x7EB]  }
0x164: {  	[sflag:s12] =	ssyncset.done $0x0  }
0x165: {  	[sflag:s12] =	ssyncadd.s32 $0xFFFFF000  }
0x166: {  	[hbm4b:s26+s2] =	stream.linear.scatter [tilespmem:s10], [sflag:$0x2], $0x1000, $0x38;
	[tilespmem:$0x1080] =	vst v63  }
0x167: {  	_ =	swait.ge [sflag:s8], $0x1000  }
0x168: {  	s26 =	sld [smem:$0x7EC]  }
0x169: {  	[sflag:s8] =	ssyncset.done $0x0  }
0x16a: {  	[sflag:s8] =	ssyncadd.s32 $0xFFFFF000  }
0x16b: {  	[tilespmem:s2], [sflag:$0x2] =	stream.linear.gather [hbm4b:s26+s2], $0x80, $0x38;
	[tilespmem:$0x1080] =	vst v63  }
0x16c: {  	_ =	swait.ge [sflag:s8], $0x80  }
0x16d: {  	[sflag:s8] =	ssyncset.done $0x0  }
0x16e: {  	[sflag:s8] =	ssyncadd.s32 $0xFFFFFF80  }
0x16f: {  	[tilespmem:s10], [sflag:$0x1] =	stream.indirect.gather [hbm4b:s1+s10], $0x20, s2, s10, $0xb8;
	[tilespmem:$0x1080] =	vst v63  }
0x170: {  	_ =	swait.ge [sflag:s12], $0x1000  }
0x171: {  	s26 =	sld [smem:$0x7ED]  }
0x172: {  	[sflag:s12] =	ssyncset.done $0x0  }
0x173: {  	[sflag:s12] =	ssyncadd.s32 $0xFFFFF000  }
0x174: {  	[hbm4b:s26+s2] =	stream.linear.scatter [tilespmem:s10], [sflag:$0x2], $0x1000, $0x38;
	[tilespmem:$0x1080] =	vst v63  }
0x175: {  	_ =	swait.ge [sflag:s8], $0x1000  }
0x176: {  	s26 =	sld [smem:$0x7EE]  }
0x177: {  	[sflag:s8] =	ssyncset.done $0x0  }
0x178: {  	[sflag:s8] =	ssyncadd.s32 $0xFFFFF000  }
0x179: {  	[tilespmem:s2], [sflag:$0x2] =	stream.linear.gather [hbm4b:s26+s2], $0x80, $0x38;
	[tilespmem:$0x1080] =	vst v63  }
0x17a: {  	_ =	swait.ge [sflag:s8], $0x80  }
0x17b: {  	[sflag:s8] =	ssyncset.done $0x0  }
0x17c: {  	[sflag:s8] =	ssyncadd.s32 $0xFFFFFF80  }
0x17d: {  	[tilespmem:s10], [sflag:$0x1] =	stream.indirect.gather [hbm4b:s1+s10], $0x20, s2, s10, $0xb8;
	[tilespmem:$0x1080] =	vst v63  }
0x17e: {  	_ =	swait.ge [sflag:s12], $0x1000  }
0x17f: {  	s26 =	sld [smem:$0x7EF]  }
0x180: {  	[sflag:s12] =	ssyncset.done $0x0  }
0x181: {  	[sflag:s12] =	ssyncadd.s32 $0xFFFFF000  }
0x182: {  	[hbm4b:s26+s2] =	stream.linear.scatter [tilespmem:s10], [sflag:$0x2], $0x1000, $0x38;
	[tilespmem:$0x1080] =	vst v63  }
0x183: {  	_ =	swait.ge [sflag:s8], $0x1000  }
0x184: {  	s26 =	sld [smem:$0x7F0]  }
0x185: {  	[sflag:s8] =	ssyncset.done $0x0  }
0x186: {  	[sflag:s8] =	ssyncadd.s32 $0xFFFFF000  }
0x187: {  	[tilespmem:s2], [sflag:$0x2] =	stream.linear.gather [hbm4b:s26+s2], $0x80, $0x38;
	[tilespmem:$0x1080] =	vst v63  }
0x188: {  	_ =	swait.ge [sflag:s8], $0x80  }
0x189: {  	[sflag:s8] =	ssyncset.done $0x0  }
0x18a: {  	[sflag:s8] =	ssyncadd.s32 $0xFFFFFF80  }
0x18b: {  	[tilespmem:s10], [sflag:$0x1] =	stream.indirect.gather [hbm4b:s1+s10], $0x20, s2, s10, $0xb8;
	[tilespmem:$0x1080] =	vst v63  }
0x18c: {  	_ =	swait.ge [sflag:s12], $0x1000  }
0x18d: {  	s26 =	sld [smem:$0x7F1]  }
0x18e: {  	[sflag:s12] =	ssyncset.done $0x0  }
0x18f: {  	[sflag:s12] =	ssyncadd.s32 $0xFFFFF000  }
0x190: {  	[hbm4b:s26+s2] =	stream.linear.scatter [tilespmem:s10], [sflag:$0x2], $0x1000, $0x38;
	[tilespmem:$0x1080] =	vst v63  }
0x191: {  	_ =	swait.ge [sflag:s8], $0x1000  }
0x192: {  	s26 =	sld [smem:$0x7F2]  }
0x193: {  	[sflag:s8] =	ssyncset.done $0x0  }
0x194: {  	[sflag:s8] =	ssyncadd.s32 $0xFFFFF000  }
0x195: {  	[tilespmem:s2], [sflag:$0x2] =	stream.linear.gather [hbm4b:s26+s2], $0x80, $0x38;
	[tilespmem:$0x1080] =	vst v63  }
0x196: {  	_ =	swait.ge [sflag:s8], $0x80  }
0x197: {  	[sflag:s8] =	ssyncset.done $0x0  }
0x198: {  	[sflag:s8] =	ssyncadd.s32 $0xFFFFFF80  }
0x199: {  	[tilespmem:s10], [sflag:$0x1] =	stream.indirect.gather [hbm4b:s1+s10], $0x20, s2, s10, $0xb8;
	[tilespmem:$0x1080] =	vst v63  }
0x19a: {  	_ =	swait.ge [sflag:s12], $0x1000  }
0x19b: {  	s26 =	sld [smem:$0x7F3]  }
0x19c: {  	[sflag:s12] =	ssyncset.done $0x0  }
0x19d: {  	[sflag:s12] =	ssyncadd.s32 $0xFFFFF000  }
0x19e: {  	[hbm4b:s26+s2] =	stream.linear.scatter [tilespmem:s10], [sflag:$0x2], $0x1000, $0x38;
	[tilespmem:$0x1080] =	vst v63  }
0x19f: {  	_ =	swait.ge [sflag:s8], $0x1000  }
0x1a0: {  	s26 =	sld [smem:$0x7F4]  }
0x1a1: {  	[sflag:s8] =	ssyncset.done $0x0  }
0x1a2: {  	[sflag:s8] =	ssyncadd.s32 $0xFFFFF000  }
0x1a3: {  	[tilespmem:s2], [sflag:$0x2] =	stream.linear.gather [hbm4b:s26+s2], $0x80, $0x38;
	[tilespmem:$0x1080] =	vst v63  }
0x1a4: {  	_ =	swait.ge [sflag:s8], $0x80  }
0x1a5: {  	[sflag:s8] =	ssyncset.done $0x0  }
0x1a6: {  	[sflag:s8] =	ssyncadd.s32 $0xFFFFFF80  }
0x1a7: {  	[tilespmem:s10], [sflag:$0x1] =	stream.indirect.gather [hbm4b:s1+s10], $0x20, s2, s10, $0xb8;
	[tilespmem:$0x1080] =	vst v63  }
0x1a8: {  	_ =	swait.ge [sflag:s12], $0x1000  }
0x1a9: {  	s26 =	sld [smem:$0x7F5]  }
0x1aa: {  	[sflag:s12] =	ssyncset.done $0x0  }
0x1ab: {  	[sflag:s12] =	ssyncadd.s32 $0xFFFFF000  }
0x1ac: {  	[hbm4b:s26+s2] =	stream.linear.scatter [tilespmem:s10], [sflag:$0x2], $0x1000, $0x38;
	[tilespmem:$0x1080] =	vst v63  }
0x1ad: {  	_ =	swait.ge [sflag:s8], $0x1000  }
0x1ae: {  	s26 =	sld [smem:$0x7F6]  }
0x1af: {  	[sflag:s8] =	ssyncset.done $0x0  }
0x1b0: {  	[sflag:s8] =	ssyncadd.s32 $0xFFFFF000  }
0x1b1: {  	[tilespmem:s2], [sflag:$0x2] =	stream.linear.gather [hbm4b:s26+s2], $0x80, $0x38;
	[tilespmem:$0x1080] =	vst v63  }
0x1b2: {  	_ =	swait.ge [sflag:s8], $0x80  }
0x1b3: {  	[sflag:s8] =	ssyncset.done $0x0  }
0x1b4: {  	[sflag:s8] =	ssyncadd.s32 $0xFFFFFF80  }
0x1b5: {  	[tilespmem:s10], [sflag:$0x1] =	stream.indirect.gather [hbm4b:s1+s10], $0x20, s2, s10, $0xb8;
	[tilespmem:$0x1080] =	vst v63  }
0x1b6: {  	_ =	swait.ge [sflag:s12], $0x1000  }
0x1b7: {  	s26 =	sld [smem:$0x7F7]  }
0x1b8: {  	[sflag:s12] =	ssyncset.done $0x0  }
0x1b9: {  	[sflag:s12] =	ssyncadd.s32 $0xFFFFF000  }
0x1ba: {  	[hbm4b:s26+s2] =	stream.linear.scatter [tilespmem:s10], [sflag:$0x2], $0x1000, $0x38;
	[tilespmem:$0x1080] =	vst v63  }
0x1bb: {  	_ =	swait.ge [sflag:s8], $0x1000  }
0x1bc: {  	s26 =	sld [smem:$0x7F8]  }
0x1bd: {  	[sflag:s8] =	ssyncset.done $0x0  }
0x1be: {  	[sflag:s8] =	ssyncadd.s32 $0xFFFFF000  }
0x1bf: {  	[tilespmem:s2], [sflag:$0x2] =	stream.linear.gather [hbm4b:s26+s2], $0x80, $0x38;
	[tilespmem:$0x1080] =	vst v63  }
0x1c0: {  	_ =	swait.ge [sflag:s8], $0x80  }
0x1c1: {  	[sflag:s8] =	ssyncset.done $0x0  }
0x1c2: {  	[sflag:s8] =	ssyncadd.s32 $0xFFFFFF80  }
0x1c3: {  	[tilespmem:s10], [sflag:$0x1] =	stream.indirect.gather [hbm4b:s1+s10], $0x20, s2, s10, $0xb8;
	[tilespmem:$0x1080] =	vst v63  }
0x1c4: {  	_ =	swait.ge [sflag:s12], $0x1000  }
0x1c5: {  	s26 =	sld [smem:$0x7F9]  }
0x1c6: {  	[sflag:s12] =	ssyncset.done $0x0  }
0x1c7: {  	[sflag:s12] =	ssyncadd.s32 $0xFFFFF000  }
0x1c8: {  	[hbm4b:s26+s2] =	stream.linear.scatter [tilespmem:s10], [sflag:$0x2], $0x1000, $0x38;
	[tilespmem:$0x1080] =	vst v63  }
0x1c9: {  	_ =	swait.ge [sflag:s8], $0x1000  }
0x1ca: {  	s26 =	sld [smem:$0x7FA]  }
0x1cb: {  	[sflag:s8] =	ssyncset.done $0x0  }
0x1cc: {  	[sflag:s8] =	ssyncadd.s32 $0xFFFFF000  }
0x1cd: {  	[tilespmem:s2], [sflag:$0x2] =	stream.linear.gather [hbm4b:s26+s2], $0x80, $0x38;
	[tilespmem:$0x1080] =	vst v63  }
0x1ce: {  	_ =	swait.ge [sflag:s8], $0x80  }
0x1cf: {  	[sflag:s8] =	ssyncset.done $0x0  }
0x1d0: {  	[sflag:s8] =	ssyncadd.s32 $0xFFFFFF80  }
0x1d1: {  	[tilespmem:s10], [sflag:$0x1] =	stream.indirect.gather [hbm4b:s1+s10], $0x20, s2, s10, $0xb8;
	[tilespmem:$0x1080] =	vst v63  }
0x1d2: {  	_ =	swait.ge [sflag:s12], $0x1000  }
0x1d3: {  	s26 =	sld [smem:$0x7FB]  }
0x1d4: {  	[sflag:s12] =	ssyncset.done $0x0  }
0x1d5: {  	[sflag:s12] =	ssyncadd.s32 $0xFFFFF000  }
0x1d6: {  	[hbm4b:s26+s2] =	stream.linear.scatter [tilespmem:s10], [sflag:$0x2], $0x1000, $0x38;
	[tilespmem:$0x1080] =	vst v63  }
0x1d7: {  	_ =	swait.ge [sflag:s8], $0x1000  }
0x1d8: {  	s26 =	sld [smem:$0x7FC]  }
0x1d9: {  	[sflag:s8] =	ssyncset.done $0x0  }
0x1da: {  	[sflag:s8] =	ssyncadd.s32 $0xFFFFF000  }
0x1db: {  	[tilespmem:s2], [sflag:$0x2] =	stream.linear.gather [hbm4b:s26+s2], $0x80, $0x38;
	[tilespmem:$0x1080] =	vst v63  }
0x1dc: {  	_ =	swait.ge [sflag:s8], $0x80  }
0x1dd: {  	[sflag:s8] =	ssyncset.done $0x0  }
0x1de: {  	[sflag:s8] =	ssyncadd.s32 $0xFFFFFF80  }
0x1df: {  	[tilespmem:s10], [sflag:$0x1] =	stream.indirect.gather [hbm4b:s1+s10], $0x20, s2, s10, $0xb8;
	[tilespmem:$0x1080] =	vst v63  }
0x1e0: {  	_ =	swait.ge [sflag:s12], $0x1000  }
0x1e1: {  	s26 =	sld [smem:$0x7FD]  }
0x1e2: {  	[sflag:s12] =	ssyncset.done $0x0  }
0x1e3: {  	[sflag:s12] =	ssyncadd.s32 $0xFFFFF000  }
0x1e4: {  	[hbm4b:s26+s2] =	stream.linear.scatter [tilespmem:s10], [sflag:$0x2], $0x1000, $0x38;
	[tilespmem:$0x1080] =	vst v63  }
0x1e5: {  	_ =	swait.ge [sflag:s8], $0x1000  }
0x1e6: {  	[sflag:s8] =	ssyncset.done $0x0  }
0x1e7: {  	[sflag:s8] =	ssyncadd.s32 $0xFFFFF000  }
0x1e8: {  	[tilespmem:s2], [sflag:$0x2] =	stream.linear.gather [hbm4b:s22+s2], $0x80, $0x38;
	[tilespmem:$0x1080] =	vst v63  }
0x1e9: {  	_ =	swait.ge [sflag:s8], $0x80  }
0x1ea: {  	[sflag:s8] =	ssyncset.done $0x0  }
0x1eb: {  	[sflag:s8] =	ssyncadd.s32 $0xFFFFFF80  }
0x1ec: {  	[tilespmem:s10], [sflag:$0x1] =	stream.indirect.gather [hbm4b:s1+s10], $0x20, s2, s10, $0xb8;
	[tilespmem:$0x1080] =	vst v63  }
0x1ed: {  	_ =	swait.ge [sflag:s12], $0x1000  }
0x1ee: {  	[sflag:s12] =	ssyncset.done $0x0  }
0x1ef: {  	[sflag:s12] =	ssyncadd.s32 $0xFFFFF000  }
0x1f0: {  	[hbm4b:s25+s2] =	stream.linear.scatter [tilespmem:s10], [sflag:$0x2], $0x1000, $0x38;
	[tilespmem:$0x1080] =	vst v63  }
0x1f1: {  	_ =	swait.ge [sflag:s8], $0x1000  }
0x1f2: {  	[sflag:s8] =	ssyncset.done $0x0  }
0x1f3: {  	[sflag:s8] =	ssyncadd.s32 $0xFFFFF000  }
0x1f4: {  	[tilespmem:s2], [sflag:$0x2] =	stream.linear.gather [hbm4b:s21+s2], $0x80, $0x38;
	[tilespmem:$0x1080] =	vst v63  }
0x1f5: {  	_ =	swait.ge [sflag:s8], $0x80  }
0x1f6: {  	[sflag:s8] =	ssyncset.done $0x0  }
0x1f7: {  	[sflag:s8] =	ssyncadd.s32 $0xFFFFFF80  }
0x1f8: {  	[tilespmem:s10], [sflag:$0x1] =	stream.indirect.gather [hbm4b:s1+s10], $0x20, s2, s10, $0xb8;
	[tilespmem:$0x1080] =	vst v63  }
0x1f9: {  	_ =	swait.ge [sflag:s12], $0x1000  }
0x1fa: {  	[sflag:s12] =	ssyncset.done $0x0  }
0x1fb: {  	[sflag:s12] =	ssyncadd.s32 $0xFFFFF000  }
0x1fc: {  	[hbm4b:s24+s2] =	stream.linear.scatter [tilespmem:s10], [sflag:$0x2], $0x1000, $0x38;
	[tilespmem:$0x1080] =	vst v63  }
0x1fd: {  	_ =	swait.ge [sflag:s8], $0x1000  }
0x1fe: {  	[sflag:s8] =	ssyncset.done $0x0  }
0x1ff: {  	[sflag:s8] =	ssyncadd.s32 $0xFFFFF000  }
0x200: {  	[tilespmem:s2], [sflag:$0x2] =	stream.linear.gather [hbm4b:s19+s2], $0x80, $0x38;
	[tilespmem:$0x1080] =	vst v63  }
0x201: {  	_ =	swait.ge [sflag:s8], $0x80  }
0x202: {  	[sflag:s8] =	ssyncset.done $0x0  }
0x203: {  	[sflag:s8] =	ssyncadd.s32 $0xFFFFFF80  }
0x204: {  	[tilespmem:s10], [sflag:$0x1] =	stream.indirect.gather [hbm4b:s1+s10], $0x20, s2, s10, $0xb8;
	[tilespmem:$0x1080] =	vst v63  }
0x205: {  	_ =	swait.ge [sflag:s12], $0x1000  }
0x206: {  	[sflag:s12] =	ssyncset.done $0x0  }
0x207: {  	[sflag:s12] =	ssyncadd.s32 $0xFFFFF000  }
0x208: {  	[hbm4b:s23+s2] =	stream.linear.scatter [tilespmem:s10], [sflag:$0x2], $0x1000, $0x38;
	[tilespmem:$0x1080] =	vst v63  }
0x209: {  	_ =	swait.ge [sflag:s8], $0x1000  }
0x20a: {  	[sflag:s8] =	ssyncset.done $0x0  }
0x20b: {  	[sflag:s8] =	ssyncadd.s32 $0xFFFFF000  }
0x20c: {  	[tilespmem:s2], [sflag:$0x2] =	stream.linear.gather [hbm4b:s17+s2], $0x80, $0x38;
	[tilespmem:$0x1080] =	vst v63  }
0x20d: {  	_ =	swait.ge [sflag:s8], $0x80  }
0x20e: {  	[sflag:s8] =	ssyncset.done $0x0  }
0x20f: {  	[sflag:s8] =	ssyncadd.s32 $0xFFFFFF80  }
0x210: {  	[tilespmem:s10], [sflag:$0x1] =	stream.indirect.gather [hbm4b:s1+s10], $0x20, s2, s10, $0xb8;
	[tilespmem:$0x1080] =	vst v63  }
0x211: {  	_ =	swait.ge [sflag:s12], $0x1000  }
0x212: {  	[sflag:s12] =	ssyncset.done $0x0  }
0x213: {  	[sflag:s12] =	ssyncadd.s32 $0xFFFFF000  }
0x214: {  	[hbm4b:s20+s2] =	stream.linear.scatter [tilespmem:s10], [sflag:$0x2], $0x1000, $0x38;
	[tilespmem:$0x1080] =	vst v63  }
0x215: {  	_ =	swait.ge [sflag:s8], $0x1000  }
0x216: {  	[sflag:s8] =	ssyncset.done $0x0  }
0x217: {  	[sflag:s8] =	ssyncadd.s32 $0xFFFFF000  }
0x218: {  	[tilespmem:s2], [sflag:$0x2] =	stream.linear.gather [hbm4b:s15+s2], $0x80, $0x38;
	[tilespmem:$0x1080] =	vst v63  }
0x219: {  	_ =	swait.ge [sflag:s8], $0x80  }
0x21a: {  	[sflag:s8] =	ssyncset.done $0x0  }
0x21b: {  	[sflag:s8] =	ssyncadd.s32 $0xFFFFFF80  }
0x21c: {  	[tilespmem:s10], [sflag:$0x1] =	stream.indirect.gather [hbm4b:s1+s10], $0x20, s2, s10, $0xb8;
	[tilespmem:$0x1080] =	vst v63  }
0x21d: {  	_ =	swait.ge [sflag:s12], $0x1000  }
0x21e: {  	[sflag:s12] =	ssyncset.done $0x0  }
0x21f: {  	[sflag:s12] =	ssyncadd.s32 $0xFFFFF000  }
0x220: {  	[hbm4b:s18+s2] =	stream.linear.scatter [tilespmem:s10], [sflag:$0x2], $0x1000, $0x38;
	[tilespmem:$0x1080] =	vst v63  }
0x221: {  	_ =	swait.ge [sflag:s8], $0x1000  }
0x222: {  	[sflag:s8] =	ssyncset.done $0x0  }
0x223: {  	[sflag:s8] =	ssyncadd.s32 $0xFFFFF000  }
0x224: {  	[tilespmem:s2], [sflag:$0x2] =	stream.linear.gather [hbm4b:s13+s2], $0x80, $0x38;
	[tilespmem:$0x1080] =	vst v63  }
0x225: {  	_ =	swait.ge [sflag:s8], $0x80  }
0x226: {  	[sflag:s8] =	ssyncset.done $0x0  }
0x227: {  	[sflag:s8] =	ssyncadd.s32 $0xFFFFFF80  }
0x228: {  	[tilespmem:s10], [sflag:$0x1] =	stream.indirect.gather [hbm4b:s1+s10], $0x20, s2, s10, $0xb8;
	[tilespmem:$0x1080] =	vst v63  }
0x229: {  	_ =	swait.ge [sflag:s12], $0x1000  }
0x22a: {  	[sflag:s12] =	ssyncset.done $0x0  }
0x22b: {  	[sflag:s12] =	ssyncadd.s32 $0xFFFFF000  }
0x22c: {  	[hbm4b:s16+s2] =	stream.linear.scatter [tilespmem:s10], [sflag:$0x2], $0x1000, $0x38;
	[tilespmem:$0x1080] =	vst v63  }
0x22d: {  	_ =	swait.ge [sflag:s8], $0x1000  }
0x22e: {  	[sflag:s8] =	ssyncset.done $0x0  }
0x22f: {  	[sflag:s8] =	ssyncadd.s32 $0xFFFFF000  }
0x230: {  	[tilespmem:s2], [sflag:$0x2] =	stream.linear.gather [hbm4b:s9+s2], $0x80, $0x38;
	[tilespmem:$0x1080] =	vst v63  }
0x231: {  	_ =	swait.ge [sflag:s8], $0x80  }
0x232: {  	[sflag:s8] =	ssyncset.done $0x0  }
0x233: {  	[sflag:s8] =	ssyncadd.s32 $0xFFFFFF80  }
0x234: {  	[tilespmem:s10], [sflag:$0x1] =	stream.indirect.gather [hbm4b:s1+s10], $0x20, s2, s10, $0xb8;
	[tilespmem:$0x1080] =	vst v63  }
0x235: {  	_ =	swait.ge [sflag:s12], $0x1000  }
0x236: {  	[sflag:s12] =	ssyncset.done $0x0  }
0x237: {  	[sflag:s12] =	ssyncadd.s32 $0xFFFFF000  }
0x238: {  	[hbm4b:s14+s2] =	stream.linear.scatter [tilespmem:s10], [sflag:$0x2], $0x1000, $0x38;
	[tilespmem:$0x1080] =	vst v63  }
0x239: {  	_ =	swait.ge [sflag:s8], $0x1000  }
0x23a: {  	[sflag:s8] =	ssyncset.done $0x0  }
0x23b: {  	[sflag:s8] =	ssyncadd.s32 $0xFFFFF000  }
0x23c: {  	[tilespmem:s2], [sflag:$0x2] =	stream.linear.gather [hbm4b:s6+s2], $0x80, $0x38;
	[tilespmem:$0x1080] =	vst v63  }
0x23d: {  	_ =	swait.ge [sflag:s8], $0x80  }
0x23e: {  	[sflag:s8] =	ssyncset.done $0x0  }
0x23f: {  	[sflag:s8] =	ssyncadd.s32 $0xFFFFFF80  }
0x240: {  	[tilespmem:s10], [sflag:$0x1] =	stream.indirect.gather [hbm4b:s1+s10], $0x20, s2, s10, $0xb8;
	[tilespmem:$0x1080] =	vst v63  }
0x241: {  	_ =	swait.ge [sflag:s12], $0x1000  }
0x242: {  	[sflag:s12] =	ssyncset.done $0x0  }
0x243: {  	[sflag:s12] =	ssyncadd.s32 $0xFFFFF000  }
0x244: {  	[hbm4b:s11+s2] =	stream.linear.scatter [tilespmem:s10], [sflag:$0x2], $0x1000, $0x38;
	[tilespmem:$0x1080] =	vst v63  }
0x245: {  	_ =	swait.ge [sflag:s8], $0x1000  }
0x246: {  	[sflag:s8] =	ssyncset.done $0x0  }
0x247: {  	[sflag:s8] =	ssyncadd.s32 $0xFFFFF000  }
0x248: {  	[tilespmem:s2], [sflag:$0x2] =	stream.linear.gather [hbm4b:s5+s2], $0x80, $0x38;
	[tilespmem:$0x1080] =	vst v63  }
0x249: {  	_ =	swait.ge [sflag:s8], $0x80  }
0x24a: {  	[sflag:s8] =	ssyncset.done $0x0  }
0x24b: {  	[sflag:s8] =	ssyncadd.s32 $0xFFFFFF80  }
0x24c: {  	[tilespmem:s10], [sflag:$0x1] =	stream.indirect.gather [hbm4b:s1+s10], $0x20, s2, s10, $0xb8;
	[tilespmem:$0x1080] =	vst v63  }
0x24d: {  	_ =	swait.ge [sflag:s12], $0x1000  }
0x24e: {  	[sflag:s12] =	ssyncset.done $0x0  }
0x24f: {  	[sflag:s12] =	ssyncadd.s32 $0xFFFFF000  }
0x250: {  	[hbm4b:s7+s2] =	stream.linear.scatter [tilespmem:s10], [sflag:$0x2], $0x1000, $0x38;
	[tilespmem:$0x1080] =	vst v63  }
0x251: {  	_ =	swait.ge [sflag:s8], $0x1000  }
0x252: {  	[sflag:s8] =	ssyncset.done $0x0  }
0x253: {  	s28 =	simm.s32 @!p0 $0x0;
	s26 =	simm.s32 @!p0 $0x2;
	[sflag:s8] =	ssyncadd.s32 $0xFFFFF000  }
0x254: {  	[tilespmem:s28], [sflag:$0x2] =	stream.linear.gather @!p0 [hbm4b:s3+s28], $0x80, $0x38;
	[tilespmem:$0x1080] =	vst v63  }
0x255: {  	_ =	swait.ge @!p0 [sflag:s26], $0x80  }
0x256: {  	s29 =	simm.s32 @!p0 $0x80;
	[sflag:s26] =	ssyncset.done @!p0 $0x0  }
0x257: {  	s30 =	simm.s32 @!p0 $0x1;
	s31 =	sadd.s32 $0xFFFFFFFF, s31;
	[sflag:s26] =	ssyncadd.s32 @!p0 $0xFFFFFF80  }
0x258: {  	[tilespmem:s29], [sflag:$0x1] =	stream.indirect.gather @!p0 [hbm4b:s1+s29], $0x20, s28, s29, $0xb8;
	[tilespmem:$0x1080] =	vst v63  }
0x259: {  	p2 =	sne.s32 s31, $0x0;
	_ =	swait.ge @!p0 [sflag:s30], $0x1000  }
.Ltmp1:
0x25a: {  	[sflag:s30] =	ssyncset.done @!p0 $0x0;
	(pc) =	sbr.rel @!p2 .LBB2_4-.Ltmp1, $4  }
0x25b: {  	[sflag:s30] =	ssyncadd.s32 @!p0 $0xFFFFF000  }
0x25c: {  	[hbm4b:s4+s28] =	stream.linear.scatter @!p0 [tilespmem:s29], [sflag:$0x2], $0x1000, $0x38;
	[tilespmem:$0x1080] =	vst v63  }
0x25d: {  	_ =	swait.ge @!p0 [sflag:s26], $0x1000  }
0x25e: {  	p1 =	por $0x1, $0x1;
	s0 =	rddreg [dreg:$0x3];
	[sflag:s26] =	ssyncset.done @!p0 $0x0  }
.LBB2_3:
0x25f: {  	[sflag:s26] =	ssyncadd.s32 @!p0 $0xFFFFF000  }
0x260: {  	[tilespmem:s2], [sflag:$0x2] =	stream.linear.gather [hbm4b:s0+s2], $0x80, $0x38;
	[tilespmem:$0x1080] =	vst v63  }
0x261: {  	_ =	swait.ge [sflag:s8], $0x80  }
0x262: {  	[sflag:s8] =	ssyncset.done $0x0  }
0x263: {  	[sflag:s8] =	ssyncadd.s32 $0xFFFFFF80  }
0x264: {  	[tilespmem:s10], [sflag:$0x1] =	stream.indirect.gather [hbm4b:s1+s10], $0x20, s2, s10, $0xb8;
	[tilespmem:$0x1080] =	vst v63  }
0x265: {  	_ =	swait.ge [sflag:s12], $0x1000  }
0x266: {  	[sflag:s12] =	ssyncset.done $0x0  }
0x267: {  	s0 =	rddreg [dreg:$0x4];
	[sflag:s12] =	ssyncadd.s32 $0xFFFFF000  }
0x268: {  	[hbm4b:s0+s2] =	stream.linear.scatter [tilespmem:s10], [sflag:$0x2], $0x1000, $0x38;
	[tilespmem:$0x1080] =	vst v63  }
0x269: {  	_ =	swait.ge [sflag:s8], $0x1000  }
0x26a: {  	[sflag:s8] =	ssyncset.done $0x0  }
0x26b: {  	s0 =	rddreg [dreg:$0x5];
	[sflag:s8] =	ssyncadd.s32 $0xFFFFF000  }
0x26c: {  	[tilespmem:s2], [sflag:$0x2] =	stream.linear.gather [hbm4b:s0+s2], $0x80, $0x38;
	[tilespmem:$0x1080] =	vst v63  }
0x26d: {  	_ =	swait.ge [sflag:s8], $0x80  }
0x26e: {  	[sflag:s8] =	ssyncset.done $0x0  }
0x26f: {  	[sflag:s8] =	ssyncadd.s32 $0xFFFFFF80  }
0x270: {  	[tilespmem:s10], [sflag:$0x1] =	stream.indirect.gather [hbm4b:s1+s10], $0x20, s2, s10, $0xb8;
	[tilespmem:$0x1080] =	vst v63  }
0x271: {  	_ =	swait.ge [sflag:s12], $0x1000  }
0x272: {  	[sflag:s12] =	ssyncset.done $0x0  }
0x273: {  	s0 =	rddreg [dreg:$0x6];
	[sflag:s12] =	ssyncadd.s32 $0xFFFFF000  }
0x274: {  	[hbm4b:s0+s2] =	stream.linear.scatter [tilespmem:s10], [sflag:$0x2], $0x1000, $0x38;
	[tilespmem:$0x1080] =	vst v63  }
0x275: {  	_ =	swait.ge [sflag:s8], $0x1000  }
0x276: {  	[sflag:s8] =	ssyncset.done $0x0  }
0x277: {  	s0 =	rddreg [dreg:$0x7];
	[sflag:s8] =	ssyncadd.s32 $0xFFFFF000  }
0x278: {  	[tilespmem:s2], [sflag:$0x2] =	stream.linear.gather [hbm4b:s0+s2], $0x80, $0x38;
	[tilespmem:$0x1080] =	vst v63  }
0x279: {  	_ =	swait.ge [sflag:s8], $0x80  }
0x27a: {  	[sflag:s8] =	ssyncset.done $0x0  }
0x27b: {  	[sflag:s8] =	ssyncadd.s32 $0xFFFFFF80  }
0x27c: {  	[tilespmem:s10], [sflag:$0x1] =	stream.indirect.gather [hbm4b:s1+s10], $0x20, s2, s10, $0xb8;
	[tilespmem:$0x1080] =	vst v63  }
0x27d: {  	_ =	swait.ge [sflag:s12], $0x1000  }
0x27e: {  	[sflag:s12] =	ssyncset.done $0x0  }
0x27f: {  	s0 =	rddreg [dreg:$0x8];
	[sflag:s12] =	ssyncadd.s32 $0xFFFFF000  }
0x280: {  	[hbm4b:s0+s2] =	stream.linear.scatter [tilespmem:s10], [sflag:$0x2], $0x1000, $0x38;
	[tilespmem:$0x1080] =	vst v63  }
0x281: {  	_ =	swait.ge [sflag:s8], $0x1000  }
0x282: {  	[sflag:s8] =	ssyncset.done $0x0  }
0x283: {  	s0 =	rddreg [dreg:$0x9];
	[sflag:s8] =	ssyncadd.s32 $0xFFFFF000  }
0x284: {  	[tilespmem:s2], [sflag:$0x2] =	stream.linear.gather [hbm4b:s0+s2], $0x80, $0x38;
	[tilespmem:$0x1080] =	vst v63  }
0x285: {  	_ =	swait.ge [sflag:s8], $0x80  }
0x286: {  	[sflag:s8] =	ssyncset.done $0x0  }
0x287: {  	[sflag:s8] =	ssyncadd.s32 $0xFFFFFF80  }
0x288: {  	[tilespmem:s10], [sflag:$0x1] =	stream.indirect.gather [hbm4b:s1+s10], $0x20, s2, s10, $0xb8;
	[tilespmem:$0x1080] =	vst v63  }
0x289: {  	_ =	swait.ge [sflag:s12], $0x1000  }
0x28a: {  	[sflag:s12] =	ssyncset.done $0x0  }
0x28b: {  	s0 =	rddreg [dreg:$0xa];
	[sflag:s12] =	ssyncadd.s32 $0xFFFFF000  }
0x28c: {  	[hbm4b:s0+s2] =	stream.linear.scatter [tilespmem:s10], [sflag:$0x2], $0x1000, $0x38;
	[tilespmem:$0x1080] =	vst v63  }
0x28d: {  	_ =	swait.ge [sflag:s8], $0x1000  }
0x28e: {  	[sflag:s8] =	ssyncset.done $0x0  }
0x28f: {  	s0 =	rddreg [dreg:$0xb];
	[sflag:s8] =	ssyncadd.s32 $0xFFFFF000  }
0x290: {  	[tilespmem:s2], [sflag:$0x2] =	stream.linear.gather [hbm4b:s0+s2], $0x80, $0x38;
	[tilespmem:$0x1080] =	vst v63  }
0x291: {  	_ =	swait.ge [sflag:s8], $0x80  }
0x292: {  	[sflag:s8] =	ssyncset.done $0x0  }
0x293: {  	[sflag:s8] =	ssyncadd.s32 $0xFFFFFF80  }
0x294: {  	[tilespmem:s10], [sflag:$0x1] =	stream.indirect.gather [hbm4b:s1+s10], $0x20, s2, s10, $0xb8;
	[tilespmem:$0x1080] =	vst v63  }
0x295: {  	_ =	swait.ge [sflag:s12], $0x1000  }
0x296: {  	[sflag:s12] =	ssyncset.done $0x0  }
0x297: {  	s0 =	rddreg [dreg:$0xc];
	[sflag:s12] =	ssyncadd.s32 $0xFFFFF000  }
0x298: {  	[hbm4b:s0+s2] =	stream.linear.scatter [tilespmem:s10], [sflag:$0x2], $0x1000, $0x38;
	[tilespmem:$0x1080] =	vst v63  }
0x299: {  	_ =	swait.ge [sflag:s8], $0x1000  }
0x29a: {  	[sflag:s8] =	ssyncset.done $0x0  }
0x29b: {  	s0 =	rddreg [dreg:$0xd];
	[sflag:s8] =	ssyncadd.s32 $0xFFFFF000  }
0x29c: {  	[tilespmem:s2], [sflag:$0x2] =	stream.linear.gather [hbm4b:s0+s2], $0x80, $0x38;
	[tilespmem:$0x1080] =	vst v63  }
0x29d: {  	_ =	swait.ge [sflag:s8], $0x80  }
0x29e: {  	[sflag:s8] =	ssyncset.done $0x0  }
0x29f: {  	[sflag:s8] =	ssyncadd.s32 $0xFFFFFF80  }
0x2a0: {  	[tilespmem:s10], [sflag:$0x1] =	stream.indirect.gather [hbm4b:s1+s10], $0x20, s2, s10, $0xb8;
	[tilespmem:$0x1080] =	vst v63  }
0x2a1: {  	_ =	swait.ge [sflag:s12], $0x1000  }
0x2a2: {  	[sflag:s12] =	ssyncset.done $0x0  }
0x2a3: {  	s0 =	rddreg [dreg:$0xe];
	[sflag:s12] =	ssyncadd.s32 $0xFFFFF000  }
0x2a4: {  	[hbm4b:s0+s2] =	stream.linear.scatter [tilespmem:s10], [sflag:$0x2], $0x1000, $0x38;
	[tilespmem:$0x1080] =	vst v63  }
0x2a5: {  	_ =	swait.ge [sflag:s8], $0x1000  }
0x2a6: {  	[sflag:s8] =	ssyncset.done $0x0  }
0x2a7: {  	s0 =	rddreg [dreg:$0xf];
	[sflag:s8] =	ssyncadd.s32 $0xFFFFF000  }
0x2a8: {  	[tilespmem:s2], [sflag:$0x2] =	stream.linear.gather [hbm4b:s0+s2], $0x80, $0x38;
	[tilespmem:$0x1080] =	vst v63  }
0x2a9: {  	_ =	swait.ge [sflag:s8], $0x80  }
0x2aa: {  	[sflag:s8] =	ssyncset.done $0x0  }
0x2ab: {  	[sflag:s8] =	ssyncadd.s32 $0xFFFFFF80  }
0x2ac: {  	[tilespmem:s10], [sflag:$0x1] =	stream.indirect.gather [hbm4b:s1+s10], $0x20, s2, s10, $0xb8;
	[tilespmem:$0x1080] =	vst v63  }
0x2ad: {  	_ =	swait.ge [sflag:s12], $0x1000  }
0x2ae: {  	[sflag:s12] =	ssyncset.done $0x0  }
0x2af: {  	s0 =	rddreg [dreg:$0x10];
	[sflag:s12] =	ssyncadd.s32 $0xFFFFF000  }
0x2b0: {  	[hbm4b:s0+s2] =	stream.linear.scatter [tilespmem:s10], [sflag:$0x2], $0x1000, $0x38;
	[tilespmem:$0x1080] =	vst v63  }
0x2b1: {  	_ =	swait.ge [sflag:s8], $0x1000  }
0x2b2: {  	[sflag:s8] =	ssyncset.done $0x0  }
0x2b3: {  	s0 =	rddreg [dreg:$0x11];
	[sflag:s8] =	ssyncadd.s32 $0xFFFFF000  }
0x2b4: {  	[tilespmem:s2], [sflag:$0x2] =	stream.linear.gather [hbm4b:s0+s2], $0x80, $0x38;
	[tilespmem:$0x1080] =	vst v63  }
0x2b5: {  	_ =	swait.ge [sflag:s8], $0x80  }
0x2b6: {  	[sflag:s8] =	ssyncset.done $0x0  }
0x2b7: {  	[sflag:s8] =	ssyncadd.s32 $0xFFFFFF80  }
0x2b8: {  	[tilespmem:s10], [sflag:$0x1] =	stream.indirect.gather [hbm4b:s1+s10], $0x20, s2, s10, $0xb8;
	[tilespmem:$0x1080] =	vst v63  }
0x2b9: {  	_ =	swait.ge [sflag:s12], $0x1000  }
0x2ba: {  	[sflag:s12] =	ssyncset.done $0x0  }
0x2bb: {  	s0 =	rddreg [dreg:$0x12];
	[sflag:s12] =	ssyncadd.s32 $0xFFFFF000  }
0x2bc: {  	[hbm4b:s0+s2] =	stream.linear.scatter [tilespmem:s10], [sflag:$0x2], $0x1000, $0x38;
	[tilespmem:$0x1080] =	vst v63  }
0x2bd: {  	_ =	swait.ge [sflag:s8], $0x1000  }
0x2be: {  	[sflag:s8] =	ssyncset.done $0x0  }
0x2bf: {  	s0 =	rddreg [dreg:$0x13];
	[sflag:s8] =	ssyncadd.s32 $0xFFFFF000  }
0x2c0: {  	[tilespmem:s2], [sflag:$0x2] =	stream.linear.gather [hbm4b:s0+s2], $0x80, $0x38;
	[tilespmem:$0x1080] =	vst v63  }
0x2c1: {  	_ =	swait.ge [sflag:s8], $0x80  }
0x2c2: {  	[sflag:s8] =	ssyncset.done $0x0  }
0x2c3: {  	[sflag:s8] =	ssyncadd.s32 $0xFFFFFF80  }
0x2c4: {  	[tilespmem:s10], [sflag:$0x1] =	stream.indirect.gather [hbm4b:s1+s10], $0x20, s2, s10, $0xb8;
	[tilespmem:$0x1080] =	vst v63  }
0x2c5: {  	_ =	swait.ge [sflag:s12], $0x1000  }
0x2c6: {  	[sflag:s12] =	ssyncset.done $0x0  }
0x2c7: {  	s0 =	rddreg [dreg:$0x14];
	[sflag:s12] =	ssyncadd.s32 $0xFFFFF000  }
0x2c8: {  	[hbm4b:s0+s2] =	stream.linear.scatter [tilespmem:s10], [sflag:$0x2], $0x1000, $0x38;
	[tilespmem:$0x1080] =	vst v63  }
0x2c9: {  	_ =	swait.ge [sflag:s8], $0x1000  }
0x2ca: {  	[sflag:s8] =	ssyncset.done $0x0  }
0x2cb: {  	s0 =	rddreg [dreg:$0x15];
	[sflag:s8] =	ssyncadd.s32 $0xFFFFF000  }
0x2cc: {  	[tilespmem:s2], [sflag:$0x2] =	stream.linear.gather [hbm4b:s0+s2], $0x80, $0x38;
	[tilespmem:$0x1080] =	vst v63  }
0x2cd: {  	_ =	swait.ge [sflag:s8], $0x80  }
0x2ce: {  	[sflag:s8] =	ssyncset.done $0x0  }
0x2cf: {  	[sflag:s8] =	ssyncadd.s32 $0xFFFFFF80  }
0x2d0: {  	[tilespmem:s10], [sflag:$0x1] =	stream.indirect.gather [hbm4b:s1+s10], $0x20, s2, s10, $0xb8;
	[tilespmem:$0x1080] =	vst v63  }
0x2d1: {  	_ =	swait.ge [sflag:s12], $0x1000  }
0x2d2: {  	[sflag:s12] =	ssyncset.done $0x0  }
0x2d3: {  	s0 =	rddreg [dreg:$0x16];
	[sflag:s12] =	ssyncadd.s32 $0xFFFFF000  }
0x2d4: {  	[hbm4b:s0+s2] =	stream.linear.scatter [tilespmem:s10], [sflag:$0x2], $0x1000, $0x38;
	[tilespmem:$0x1080] =	vst v63  }
0x2d5: {  	_ =	swait.ge [sflag:s8], $0x1000  }
0x2d6: {  	[sflag:s8] =	ssyncset.done $0x0  }
0x2d7: {  	s0 =	rddreg [dreg:$0x17];
	[sflag:s8] =	ssyncadd.s32 $0xFFFFF000  }
0x2d8: {  	[tilespmem:s2], [sflag:$0x2] =	stream.linear.gather [hbm4b:s0+s2], $0x80, $0x38;
	[tilespmem:$0x1080] =	vst v63  }
0x2d9: {  	_ =	swait.ge [sflag:s8], $0x80  }
0x2da: {  	[sflag:s8] =	ssyncset.done $0x0  }
0x2db: {  	[sflag:s8] =	ssyncadd.s32 $0xFFFFFF80  }
0x2dc: {  	[tilespmem:s10], [sflag:$0x1] =	stream.indirect.gather [hbm4b:s1+s10], $0x20, s2, s10, $0xb8;
	[tilespmem:$0x1080] =	vst v63  }
0x2dd: {  	_ =	swait.ge [sflag:s12], $0x1000  }
0x2de: {  	[sflag:s12] =	ssyncset.done $0x0  }
0x2df: {  	s0 =	rddreg [dreg:$0x18];
	[sflag:s12] =	ssyncadd.s32 $0xFFFFF000  }
0x2e0: {  	[hbm4b:s0+s2] =	stream.linear.scatter [tilespmem:s10], [sflag:$0x2], $0x1000, $0x38;
	[tilespmem:$0x1080] =	vst v63  }
0x2e1: {  	_ =	swait.ge [sflag:s8], $0x1000  }
0x2e2: {  	[sflag:s8] =	ssyncset.done $0x0  }
0x2e3: {  	s0 =	rddreg [dreg:$0x19];
	[sflag:s8] =	ssyncadd.s32 $0xFFFFF000  }
0x2e4: {  	[tilespmem:s2], [sflag:$0x2] =	stream.linear.gather [hbm4b:s0+s2], $0x80, $0x38;
	[tilespmem:$0x1080] =	vst v63  }
0x2e5: {  	_ =	swait.ge [sflag:s8], $0x80  }
0x2e6: {  	[sflag:s8] =	ssyncset.done $0x0  }
0x2e7: {  	[sflag:s8] =	ssyncadd.s32 $0xFFFFFF80  }
0x2e8: {  	[tilespmem:s10], [sflag:$0x1] =	stream.indirect.gather [hbm4b:s1+s10], $0x20, s2, s10, $0xb8;
	[tilespmem:$0x1080] =	vst v63  }
0x2e9: {  	_ =	swait.ge [sflag:s12], $0x1000  }
0x2ea: {  	[sflag:s12] =	ssyncset.done $0x0  }
0x2eb: {  	s0 =	rddreg [dreg:$0x1a];
	[sflag:s12] =	ssyncadd.s32 $0xFFFFF000  }
0x2ec: {  	[hbm4b:s0+s2] =	stream.linear.scatter [tilespmem:s10], [sflag:$0x2], $0x1000, $0x38;
	[tilespmem:$0x1080] =	vst v63  }
0x2ed: {  	_ =	swait.ge [sflag:s8], $0x1000  }
0x2ee: {  	[sflag:s8] =	ssyncset.done $0x0  }
0x2ef: {  	s0 =	rddreg [dreg:$0x1b];
	[sflag:s8] =	ssyncadd.s32 $0xFFFFF000  }
0x2f0: {  	[tilespmem:s2], [sflag:$0x2] =	stream.linear.gather [hbm4b:s0+s2], $0x80, $0x38;
	[tilespmem:$0x1080] =	vst v63  }
0x2f1: {  	_ =	swait.ge [sflag:s8], $0x80  }
0x2f2: {  	[sflag:s8] =	ssyncset.done $0x0  }
0x2f3: {  	[sflag:s8] =	ssyncadd.s32 $0xFFFFFF80  }
0x2f4: {  	[tilespmem:s10], [sflag:$0x1] =	stream.indirect.gather [hbm4b:s1+s10], $0x20, s2, s10, $0xb8;
	[tilespmem:$0x1080] =	vst v63  }
0x2f5: {  	_ =	swait.ge [sflag:s12], $0x1000  }
0x2f6: {  	[sflag:s12] =	ssyncset.done $0x0  }
0x2f7: {  	s0 =	rddreg [dreg:$0x1c];
	[sflag:s12] =	ssyncadd.s32 $0xFFFFF000  }
0x2f8: {  	[hbm4b:s0+s2] =	stream.linear.scatter [tilespmem:s10], [sflag:$0x2], $0x1000, $0x38;
	[tilespmem:$0x1080] =	vst v63  }
0x2f9: {  	_ =	swait.ge [sflag:s8], $0x1000  }
0x2fa: {  	[sflag:s8] =	ssyncset.done $0x0  }
0x2fb: {  	s0 =	rddreg [dreg:$0x1d];
	[sflag:s8] =	ssyncadd.s32 $0xFFFFF000  }
0x2fc: {  	[tilespmem:s2], [sflag:$0x2] =	stream.linear.gather [hbm4b:s0+s2], $0x80, $0x38;
	[tilespmem:$0x1080] =	vst v63  }
0x2fd: {  	_ =	swait.ge [sflag:s8], $0x80  }
0x2fe: {  	[sflag:s8] =	ssyncset.done $0x0  }
0x2ff: {  	[sflag:s8] =	ssyncadd.s32 $0xFFFFFF80  }
0x300: {  	[tilespmem:s10], [sflag:$0x1] =	stream.indirect.gather [hbm4b:s1+s10], $0x20, s2, s10, $0xb8;
	[tilespmem:$0x1080] =	vst v63  }
0x301: {  	_ =	swait.ge [sflag:s12], $0x1000  }
0x302: {  	[sflag:s12] =	ssyncset.done $0x0  }
0x303: {  	s0 =	rddreg [dreg:$0x1e];
	[sflag:s12] =	ssyncadd.s32 $0xFFFFF000  }
0x304: {  	[hbm4b:s0+s2] =	stream.linear.scatter [tilespmem:s10], [sflag:$0x2], $0x1000, $0x38;
	[tilespmem:$0x1080] =	vst v63  }
0x305: {  	_ =	swait.ge [sflag:s8], $0x1000  }
0x306: {  	[sflag:s8] =	ssyncset.done $0x0  }
0x307: {  	s0 =	rddreg [dreg:$0x1f];
	[sflag:s8] =	ssyncadd.s32 $0xFFFFF000  }
0x308: {  	[tilespmem:s2], [sflag:$0x2] =	stream.linear.gather [hbm4b:s0+s2], $0x80, $0x38;
	[tilespmem:$0x1080] =	vst v63  }
0x309: {  	_ =	swait.ge [sflag:s8], $0x80  }
0x30a: {  	[sflag:s8] =	ssyncset.done $0x0  }
0x30b: {  	[sflag:s8] =	ssyncadd.s32 $0xFFFFFF80  }
0x30c: {  	[tilespmem:s10], [sflag:$0x1] =	stream.indirect.gather [hbm4b:s1+s10], $0x20, s2, s10, $0xb8;
	[tilespmem:$0x1080] =	vst v63  }
0x30d: {  	_ =	swait.ge [sflag:s12], $0x1000  }
0x30e: {  	s0 =	sld [smem:$0x7DF]  }
0x30f: {  	[sflag:s12] =	ssyncset.done $0x0  }
0x310: {  	[sflag:s12] =	ssyncadd.s32 $0xFFFFF000  }
0x311: {  	[hbm4b:s0+s2] =	stream.linear.scatter [tilespmem:s10], [sflag:$0x2], $0x1000, $0x38;
	[tilespmem:$0x1080] =	vst v63  }
0x312: {  	_ =	swait.ge [sflag:s8], $0x1000  }
0x313: {  	s0 =	sld [smem:$0x7E0]  }
0x314: {  	[sflag:s8] =	ssyncset.done $0x0  }
0x315: {  	[sflag:s8] =	ssyncadd.s32 $0xFFFFF000  }
0x316: {  	[tilespmem:s2], [sflag:$0x2] =	stream.linear.gather [hbm4b:s0+s2], $0x80, $0x38;
	[tilespmem:$0x1080] =	vst v63  }
0x317: {  	_ =	swait.ge [sflag:s8], $0x80  }
0x318: {  	[sflag:s8] =	ssyncset.done $0x0  }
0x319: {  	[sflag:s8] =	ssyncadd.s32 $0xFFFFFF80  }
0x31a: {  	[tilespmem:s10], [sflag:$0x1] =	stream.indirect.gather [hbm4b:s1+s10], $0x20, s2, s10, $0xb8;
	[tilespmem:$0x1080] =	vst v63  }
0x31b: {  	_ =	swait.ge [sflag:s12], $0x1000  }
0x31c: {  	s0 =	sld [smem:$0x7E1]  }
0x31d: {  	[sflag:s12] =	ssyncset.done $0x0  }
0x31e: {  	[sflag:s12] =	ssyncadd.s32 $0xFFFFF000  }
0x31f: {  	[hbm4b:s0+s2] =	stream.linear.scatter [tilespmem:s10], [sflag:$0x2], $0x1000, $0x38;
	[tilespmem:$0x1080] =	vst v63  }
0x320: {  	_ =	swait.ge [sflag:s8], $0x1000  }
0x321: {  	s0 =	sld [smem:$0x7E2]  }
0x322: {  	[sflag:s8] =	ssyncset.done $0x0  }
0x323: {  	[sflag:s8] =	ssyncadd.s32 $0xFFFFF000  }
0x324: {  	[tilespmem:s2], [sflag:$0x2] =	stream.linear.gather [hbm4b:s0+s2], $0x80, $0x38;
	[tilespmem:$0x1080] =	vst v63  }
0x325: {  	_ =	swait.ge [sflag:s8], $0x80  }
0x326: {  	[sflag:s8] =	ssyncset.done $0x0  }
0x327: {  	[sflag:s8] =	ssyncadd.s32 $0xFFFFFF80  }
0x328: {  	[tilespmem:s10], [sflag:$0x1] =	stream.indirect.gather [hbm4b:s1+s10], $0x20, s2, s10, $0xb8;
	[tilespmem:$0x1080] =	vst v63  }
0x329: {  	_ =	swait.ge [sflag:s12], $0x1000  }
0x32a: {  	s0 =	sld [smem:$0x7E3]  }
0x32b: {  	[sflag:s12] =	ssyncset.done $0x0  }
0x32c: {  	[sflag:s12] =	ssyncadd.s32 $0xFFFFF000  }
0x32d: {  	[hbm4b:s0+s2] =	stream.linear.scatter [tilespmem:s10], [sflag:$0x2], $0x1000, $0x38;
	[tilespmem:$0x1080] =	vst v63  }
0x32e: {  	_ =	swait.ge [sflag:s8], $0x1000  }
0x32f: {  	s0 =	sld [smem:$0x7E4]  }
0x330: {  	[sflag:s8] =	ssyncset.done $0x0  }
0x331: {  	[sflag:s8] =	ssyncadd.s32 $0xFFFFF000  }
0x332: {  	[tilespmem:s2], [sflag:$0x2] =	stream.linear.gather [hbm4b:s0+s2], $0x80, $0x38;
	[tilespmem:$0x1080] =	vst v63  }
0x333: {  	_ =	swait.ge [sflag:s8], $0x80  }
0x334: {  	[sflag:s8] =	ssyncset.done $0x0  }
0x335: {  	[sflag:s8] =	ssyncadd.s32 $0xFFFFFF80  }
0x336: {  	[tilespmem:s10], [sflag:$0x1] =	stream.indirect.gather [hbm4b:s1+s10], $0x20, s2, s10, $0xb8;
	[tilespmem:$0x1080] =	vst v63  }
0x337: {  	_ =	swait.ge [sflag:s12], $0x1000  }
0x338: {  	s0 =	sld [smem:$0x7E5]  }
0x339: {  	[sflag:s12] =	ssyncset.done $0x0  }
0x33a: {  	[sflag:s12] =	ssyncadd.s32 $0xFFFFF000  }
0x33b: {  	[hbm4b:s0+s2] =	stream.linear.scatter [tilespmem:s10], [sflag:$0x2], $0x1000, $0x38;
	[tilespmem:$0x1080] =	vst v63  }
0x33c: {  	_ =	swait.ge [sflag:s8], $0x1000  }
0x33d: {  	s0 =	sld [smem:$0x7E6]  }
0x33e: {  	[sflag:s8] =	ssyncset.done $0x0  }
0x33f: {  	[sflag:s8] =	ssyncadd.s32 $0xFFFFF000  }
0x340: {  	[tilespmem:s2], [sflag:$0x2] =	stream.linear.gather [hbm4b:s0+s2], $0x80, $0x38;
	[tilespmem:$0x1080] =	vst v63  }
0x341: {  	_ =	swait.ge [sflag:s8], $0x80  }
0x342: {  	[sflag:s8] =	ssyncset.done $0x0  }
0x343: {  	[sflag:s8] =	ssyncadd.s32 $0xFFFFFF80  }
0x344: {  	[tilespmem:s10], [sflag:$0x1] =	stream.indirect.gather [hbm4b:s1+s10], $0x20, s2, s10, $0xb8;
	[tilespmem:$0x1080] =	vst v63  }
0x345: {  	_ =	swait.ge [sflag:s12], $0x1000  }
0x346: {  	s0 =	sld [smem:$0x7E7]  }
0x347: {  	[sflag:s12] =	ssyncset.done $0x0  }
0x348: {  	[sflag:s12] =	ssyncadd.s32 $0xFFFFF000  }
0x349: {  	[hbm4b:s0+s2] =	stream.linear.scatter [tilespmem:s10], [sflag:$0x2], $0x1000, $0x38;
	[tilespmem:$0x1080] =	vst v63  }
0x34a: {  	_ =	swait.ge [sflag:s8], $0x1000  }
0x34b: {  	s0 =	sld [smem:$0x7E8]  }
0x34c: {  	[sflag:s8] =	ssyncset.done $0x0  }
0x34d: {  	[sflag:s8] =	ssyncadd.s32 $0xFFFFF000  }
0x34e: {  	[tilespmem:s2], [sflag:$0x2] =	stream.linear.gather [hbm4b:s0+s2], $0x80, $0x38;
	[tilespmem:$0x1080] =	vst v63  }
0x34f: {  	_ =	swait.ge [sflag:s8], $0x80  }
0x350: {  	[sflag:s8] =	ssyncset.done $0x0  }
0x351: {  	[sflag:s8] =	ssyncadd.s32 $0xFFFFFF80  }
0x352: {  	[tilespmem:s10], [sflag:$0x1] =	stream.indirect.gather [hbm4b:s1+s10], $0x20, s2, s10, $0xb8;
	[tilespmem:$0x1080] =	vst v63  }
0x353: {  	_ =	swait.ge [sflag:s12], $0x1000  }
0x354: {  	s0 =	sld [smem:$0x7E9]  }
0x355: {  	[sflag:s12] =	ssyncset.done $0x0  }
0x356: {  	[sflag:s12] =	ssyncadd.s32 $0xFFFFF000  }
0x357: {  	[hbm4b:s0+s2] =	stream.linear.scatter [tilespmem:s10], [sflag:$0x2], $0x1000, $0x38;
	[tilespmem:$0x1080] =	vst v63  }
0x358: {  	_ =	swait.ge [sflag:s8], $0x1000  }
0x359: {  	s0 =	sld [smem:$0x7EA]  }
0x35a: {  	[sflag:s8] =	ssyncset.done $0x0  }
0x35b: {  	[sflag:s8] =	ssyncadd.s32 $0xFFFFF000  }
0x35c: {  	[tilespmem:s2], [sflag:$0x2] =	stream.linear.gather [hbm4b:s0+s2], $0x80, $0x38;
	[tilespmem:$0x1080] =	vst v63  }
0x35d: {  	_ =	swait.ge [sflag:s8], $0x80  }
0x35e: {  	[sflag:s8] =	ssyncset.done $0x0  }
0x35f: {  	[sflag:s8] =	ssyncadd.s32 $0xFFFFFF80  }
0x360: {  	[tilespmem:s10], [sflag:$0x1] =	stream.indirect.gather [hbm4b:s1+s10], $0x20, s2, s10, $0xb8;
	[tilespmem:$0x1080] =	vst v63  }
0x361: {  	_ =	swait.ge [sflag:s12], $0x1000  }
0x362: {  	s0 =	sld [smem:$0x7EB]  }
0x363: {  	[sflag:s12] =	ssyncset.done $0x0  }
0x364: {  	[sflag:s12] =	ssyncadd.s32 $0xFFFFF000  }
0x365: {  	[hbm4b:s0+s2] =	stream.linear.scatter [tilespmem:s10], [sflag:$0x2], $0x1000, $0x38;
	[tilespmem:$0x1080] =	vst v63  }
0x366: {  	_ =	swait.ge [sflag:s8], $0x1000  }
0x367: {  	s0 =	sld [smem:$0x7EC]  }
0x368: {  	[sflag:s8] =	ssyncset.done $0x0  }
0x369: {  	[sflag:s8] =	ssyncadd.s32 $0xFFFFF000  }
0x36a: {  	[tilespmem:s2], [sflag:$0x2] =	stream.linear.gather [hbm4b:s0+s2], $0x80, $0x38;
	[tilespmem:$0x1080] =	vst v63  }
0x36b: {  	_ =	swait.ge [sflag:s8], $0x80  }
0x36c: {  	[sflag:s8] =	ssyncset.done $0x0  }
0x36d: {  	[sflag:s8] =	ssyncadd.s32 $0xFFFFFF80  }
0x36e: {  	[tilespmem:s10], [sflag:$0x1] =	stream.indirect.gather [hbm4b:s1+s10], $0x20, s2, s10, $0xb8;
	[tilespmem:$0x1080] =	vst v63  }
0x36f: {  	_ =	swait.ge [sflag:s12], $0x1000  }
0x370: {  	s0 =	sld [smem:$0x7ED]  }
0x371: {  	[sflag:s12] =	ssyncset.done $0x0  }
0x372: {  	[sflag:s12] =	ssyncadd.s32 $0xFFFFF000  }
0x373: {  	[hbm4b:s0+s2] =	stream.linear.scatter [tilespmem:s10], [sflag:$0x2], $0x1000, $0x38;
	[tilespmem:$0x1080] =	vst v63  }
0x374: {  	_ =	swait.ge [sflag:s8], $0x1000  }
0x375: {  	s0 =	sld [smem:$0x7EE]  }
0x376: {  	[sflag:s8] =	ssyncset.done $0x0  }
0x377: {  	[sflag:s8] =	ssyncadd.s32 $0xFFFFF000  }
0x378: {  	[tilespmem:s2], [sflag:$0x2] =	stream.linear.gather [hbm4b:s0+s2], $0x80, $0x38;
	[tilespmem:$0x1080] =	vst v63  }
0x379: {  	_ =	swait.ge [sflag:s8], $0x80  }
0x37a: {  	[sflag:s8] =	ssyncset.done $0x0  }
0x37b: {  	[sflag:s8] =	ssyncadd.s32 $0xFFFFFF80  }
0x37c: {  	[tilespmem:s10], [sflag:$0x1] =	stream.indirect.gather [hbm4b:s1+s10], $0x20, s2, s10, $0xb8;
	[tilespmem:$0x1080] =	vst v63  }
0x37d: {  	_ =	swait.ge [sflag:s12], $0x1000  }
0x37e: {  	s0 =	sld [smem:$0x7EF]  }
0x37f: {  	[sflag:s12] =	ssyncset.done $0x0  }
0x380: {  	[sflag:s12] =	ssyncadd.s32 $0xFFFFF000  }
0x381: {  	[hbm4b:s0+s2] =	stream.linear.scatter [tilespmem:s10], [sflag:$0x2], $0x1000, $0x38;
	[tilespmem:$0x1080] =	vst v63  }
0x382: {  	_ =	swait.ge [sflag:s8], $0x1000  }
0x383: {  	s0 =	sld [smem:$0x7F0]  }
0x384: {  	[sflag:s8] =	ssyncset.done $0x0  }
0x385: {  	[sflag:s8] =	ssyncadd.s32 $0xFFFFF000  }
0x386: {  	[tilespmem:s2], [sflag:$0x2] =	stream.linear.gather [hbm4b:s0+s2], $0x80, $0x38;
	[tilespmem:$0x1080] =	vst v63  }
0x387: {  	_ =	swait.ge [sflag:s8], $0x80  }
0x388: {  	[sflag:s8] =	ssyncset.done $0x0  }
0x389: {  	[sflag:s8] =	ssyncadd.s32 $0xFFFFFF80  }
0x38a: {  	[tilespmem:s10], [sflag:$0x1] =	stream.indirect.gather [hbm4b:s1+s10], $0x20, s2, s10, $0xb8;
	[tilespmem:$0x1080] =	vst v63  }
0x38b: {  	_ =	swait.ge [sflag:s12], $0x1000  }
0x38c: {  	s0 =	sld [smem:$0x7F1]  }
0x38d: {  	[sflag:s12] =	ssyncset.done $0x0  }
0x38e: {  	[sflag:s12] =	ssyncadd.s32 $0xFFFFF000  }
0x38f: {  	[hbm4b:s0+s2] =	stream.linear.scatter [tilespmem:s10], [sflag:$0x2], $0x1000, $0x38;
	[tilespmem:$0x1080] =	vst v63  }
0x390: {  	_ =	swait.ge [sflag:s8], $0x1000  }
0x391: {  	s0 =	sld [smem:$0x7F2]  }
0x392: {  	[sflag:s8] =	ssyncset.done $0x0  }
0x393: {  	[sflag:s8] =	ssyncadd.s32 $0xFFFFF000  }
0x394: {  	[tilespmem:s2], [sflag:$0x2] =	stream.linear.gather [hbm4b:s0+s2], $0x80, $0x38;
	[tilespmem:$0x1080] =	vst v63  }
0x395: {  	_ =	swait.ge [sflag:s8], $0x80  }
0x396: {  	[sflag:s8] =	ssyncset.done $0x0  }
0x397: {  	[sflag:s8] =	ssyncadd.s32 $0xFFFFFF80  }
0x398: {  	[tilespmem:s10], [sflag:$0x1] =	stream.indirect.gather [hbm4b:s1+s10], $0x20, s2, s10, $0xb8;
	[tilespmem:$0x1080] =	vst v63  }
0x399: {  	_ =	swait.ge [sflag:s12], $0x1000  }
0x39a: {  	s0 =	sld [smem:$0x7F3]  }
0x39b: {  	[sflag:s12] =	ssyncset.done $0x0  }
0x39c: {  	[sflag:s12] =	ssyncadd.s32 $0xFFFFF000  }
0x39d: {  	[hbm4b:s0+s2] =	stream.linear.scatter [tilespmem:s10], [sflag:$0x2], $0x1000, $0x38;
	[tilespmem:$0x1080] =	vst v63  }
0x39e: {  	_ =	swait.ge [sflag:s8], $0x1000  }
0x39f: {  	s0 =	sld [smem:$0x7F4]  }
0x3a0: {  	[sflag:s8] =	ssyncset.done $0x0  }
0x3a1: {  	[sflag:s8] =	ssyncadd.s32 $0xFFFFF000  }
0x3a2: {  	[tilespmem:s2], [sflag:$0x2] =	stream.linear.gather [hbm4b:s0+s2], $0x80, $0x38;
	[tilespmem:$0x1080] =	vst v63  }
0x3a3: {  	_ =	swait.ge [sflag:s8], $0x80  }
0x3a4: {  	[sflag:s8] =	ssyncset.done $0x0  }
0x3a5: {  	[sflag:s8] =	ssyncadd.s32 $0xFFFFFF80  }
0x3a6: {  	[tilespmem:s10], [sflag:$0x1] =	stream.indirect.gather [hbm4b:s1+s10], $0x20, s2, s10, $0xb8;
	[tilespmem:$0x1080] =	vst v63  }
0x3a7: {  	_ =	swait.ge [sflag:s12], $0x1000  }
0x3a8: {  	s0 =	sld [smem:$0x7F5]  }
0x3a9: {  	[sflag:s12] =	ssyncset.done $0x0  }
0x3aa: {  	[sflag:s12] =	ssyncadd.s32 $0xFFFFF000  }
0x3ab: {  	[hbm4b:s0+s2] =	stream.linear.scatter [tilespmem:s10], [sflag:$0x2], $0x1000, $0x38;
	[tilespmem:$0x1080] =	vst v63  }
0x3ac: {  	_ =	swait.ge [sflag:s8], $0x1000  }
0x3ad: {  	s0 =	sld [smem:$0x7F6]  }
0x3ae: {  	[sflag:s8] =	ssyncset.done $0x0  }
0x3af: {  	[sflag:s8] =	ssyncadd.s32 $0xFFFFF000  }
0x3b0: {  	[tilespmem:s2], [sflag:$0x2] =	stream.linear.gather [hbm4b:s0+s2], $0x80, $0x38;
	[tilespmem:$0x1080] =	vst v63  }
0x3b1: {  	_ =	swait.ge [sflag:s8], $0x80  }
0x3b2: {  	[sflag:s8] =	ssyncset.done $0x0  }
0x3b3: {  	[sflag:s8] =	ssyncadd.s32 $0xFFFFFF80  }
0x3b4: {  	[tilespmem:s10], [sflag:$0x1] =	stream.indirect.gather [hbm4b:s1+s10], $0x20, s2, s10, $0xb8;
	[tilespmem:$0x1080] =	vst v63  }
0x3b5: {  	_ =	swait.ge [sflag:s12], $0x1000  }
0x3b6: {  	s0 =	sld [smem:$0x7F7]  }
0x3b7: {  	[sflag:s12] =	ssyncset.done $0x0  }
0x3b8: {  	[sflag:s12] =	ssyncadd.s32 $0xFFFFF000  }
0x3b9: {  	[hbm4b:s0+s2] =	stream.linear.scatter [tilespmem:s10], [sflag:$0x2], $0x1000, $0x38;
	[tilespmem:$0x1080] =	vst v63  }
0x3ba: {  	_ =	swait.ge [sflag:s8], $0x1000  }
0x3bb: {  	s0 =	sld [smem:$0x7F8]  }
0x3bc: {  	[sflag:s8] =	ssyncset.done $0x0  }
0x3bd: {  	[sflag:s8] =	ssyncadd.s32 $0xFFFFF000  }
0x3be: {  	[tilespmem:s2], [sflag:$0x2] =	stream.linear.gather [hbm4b:s0+s2], $0x80, $0x38;
	[tilespmem:$0x1080] =	vst v63  }
0x3bf: {  	_ =	swait.ge [sflag:s8], $0x80  }
0x3c0: {  	[sflag:s8] =	ssyncset.done $0x0  }
0x3c1: {  	[sflag:s8] =	ssyncadd.s32 $0xFFFFFF80  }
0x3c2: {  	[tilespmem:s10], [sflag:$0x1] =	stream.indirect.gather [hbm4b:s1+s10], $0x20, s2, s10, $0xb8;
	[tilespmem:$0x1080] =	vst v63  }
0x3c3: {  	_ =	swait.ge [sflag:s12], $0x1000  }
0x3c4: {  	s0 =	sld [smem:$0x7F9]  }
0x3c5: {  	[sflag:s12] =	ssyncset.done $0x0  }
0x3c6: {  	[sflag:s12] =	ssyncadd.s32 $0xFFFFF000  }
0x3c7: {  	[hbm4b:s0+s2] =	stream.linear.scatter [tilespmem:s10], [sflag:$0x2], $0x1000, $0x38;
	[tilespmem:$0x1080] =	vst v63  }
0x3c8: {  	_ =	swait.ge [sflag:s8], $0x1000  }
0x3c9: {  	s0 =	sld [smem:$0x7FA]  }
0x3ca: {  	[sflag:s8] =	ssyncset.done $0x0  }
0x3cb: {  	[sflag:s8] =	ssyncadd.s32 $0xFFFFF000  }
0x3cc: {  	[tilespmem:s2], [sflag:$0x2] =	stream.linear.gather [hbm4b:s0+s2], $0x80, $0x38;
	[tilespmem:$0x1080] =	vst v63  }
0x3cd: {  	_ =	swait.ge [sflag:s8], $0x80  }
0x3ce: {  	[sflag:s8] =	ssyncset.done $0x0  }
0x3cf: {  	[sflag:s8] =	ssyncadd.s32 $0xFFFFFF80  }
0x3d0: {  	[tilespmem:s10], [sflag:$0x1] =	stream.indirect.gather [hbm4b:s1+s10], $0x20, s2, s10, $0xb8;
	[tilespmem:$0x1080] =	vst v63  }
0x3d1: {  	_ =	swait.ge [sflag:s12], $0x1000  }
0x3d2: {  	s0 =	sld [smem:$0x7FB]  }
0x3d3: {  	[sflag:s12] =	ssyncset.done $0x0  }
0x3d4: {  	[sflag:s12] =	ssyncadd.s32 $0xFFFFF000  }
0x3d5: {  	[hbm4b:s0+s2] =	stream.linear.scatter [tilespmem:s10], [sflag:$0x2], $0x1000, $0x38;
	[tilespmem:$0x1080] =	vst v63  }
0x3d6: {  	_ =	swait.ge [sflag:s8], $0x1000  }
0x3d7: {  	s0 =	sld [smem:$0x7FC]  }
0x3d8: {  	[sflag:s8] =	ssyncset.done $0x0  }
0x3d9: {  	[sflag:s8] =	ssyncadd.s32 $0xFFFFF000  }
0x3da: {  	[tilespmem:s2], [sflag:$0x2] =	stream.linear.gather [hbm4b:s0+s2], $0x80, $0x38;
	[tilespmem:$0x1080] =	vst v63  }
0x3db: {  	_ =	swait.ge [sflag:s8], $0x80  }
0x3dc: {  	[sflag:s8] =	ssyncset.done $0x0  }
0x3dd: {  	[sflag:s8] =	ssyncadd.s32 $0xFFFFFF80  }
0x3de: {  	[tilespmem:s10], [sflag:$0x1] =	stream.indirect.gather [hbm4b:s1+s10], $0x20, s2, s10, $0xb8;
	[tilespmem:$0x1080] =	vst v63  }
0x3df: {  	_ =	swait.ge [sflag:s12], $0x1000  }
0x3e0: {  	s0 =	sld [smem:$0x7FD]  }
0x3e1: {  	[sflag:s12] =	ssyncset.done $0x0  }
0x3e2: {  	[sflag:s12] =	ssyncadd.s32 $0xFFFFF000  }
0x3e3: {  	[hbm4b:s0+s2] =	stream.linear.scatter [tilespmem:s10], [sflag:$0x2], $0x1000, $0x38;
	[tilespmem:$0x1080] =	vst v63  }
0x3e4: {  	_ =	swait.ge [sflag:s8], $0x1000  }
0x3e5: {  	[sflag:s8] =	ssyncset.done $0x0  }
0x3e6: {  	[sflag:s8] =	ssyncadd.s32 $0xFFFFF000  }
0x3e7: {  	[tilespmem:s2], [sflag:$0x2] =	stream.linear.gather [hbm4b:s22+s2], $0x80, $0x38;
	[tilespmem:$0x1080] =	vst v63  }
0x3e8: {  	_ =	swait.ge [sflag:s8], $0x80  }
0x3e9: {  	[sflag:s8] =	ssyncset.done $0x0  }
0x3ea: {  	[sflag:s8] =	ssyncadd.s32 $0xFFFFFF80  }
0x3eb: {  	[tilespmem:s10], [sflag:$0x1] =	stream.indirect.gather [hbm4b:s1+s10], $0x20, s2, s10, $0xb8;
	[tilespmem:$0x1080] =	vst v63  }
0x3ec: {  	_ =	swait.ge [sflag:s12], $0x1000  }
0x3ed: {  	[sflag:s12] =	ssyncset.done $0x0  }
0x3ee: {  	[sflag:s12] =	ssyncadd.s32 $0xFFFFF000  }
0x3ef: {  	[hbm4b:s25+s2] =	stream.linear.scatter [tilespmem:s10], [sflag:$0x2], $0x1000, $0x38;
	[tilespmem:$0x1080] =	vst v63  }
0x3f0: {  	_ =	swait.ge [sflag:s8], $0x1000  }
0x3f1: {  	[sflag:s8] =	ssyncset.done $0x0  }
0x3f2: {  	[sflag:s8] =	ssyncadd.s32 $0xFFFFF000  }
0x3f3: {  	[tilespmem:s2], [sflag:$0x2] =	stream.linear.gather [hbm4b:s21+s2], $0x80, $0x38;
	[tilespmem:$0x1080] =	vst v63  }
0x3f4: {  	_ =	swait.ge [sflag:s8], $0x80  }
0x3f5: {  	[sflag:s8] =	ssyncset.done $0x0  }
0x3f6: {  	[sflag:s8] =	ssyncadd.s32 $0xFFFFFF80  }
0x3f7: {  	[tilespmem:s10], [sflag:$0x1] =	stream.indirect.gather [hbm4b:s1+s10], $0x20, s2, s10, $0xb8;
	[tilespmem:$0x1080] =	vst v63  }
0x3f8: {  	_ =	swait.ge [sflag:s12], $0x1000  }
0x3f9: {  	[sflag:s12] =	ssyncset.done $0x0  }
0x3fa: {  	[sflag:s12] =	ssyncadd.s32 $0xFFFFF000  }
0x3fb: {  	[hbm4b:s24+s2] =	stream.linear.scatter [tilespmem:s10], [sflag:$0x2], $0x1000, $0x38;
	[tilespmem:$0x1080] =	vst v63  }
0x3fc: {  	_ =	swait.ge [sflag:s8], $0x1000  }
0x3fd: {  	[sflag:s8] =	ssyncset.done $0x0  }
0x3fe: {  	[sflag:s8] =	ssyncadd.s32 $0xFFFFF000  }
0x3ff: {  	[tilespmem:s2], [sflag:$0x2] =	stream.linear.gather [hbm4b:s19+s2], $0x80, $0x38;
	[tilespmem:$0x1080] =	vst v63  }
0x400: {  	_ =	swait.ge [sflag:s8], $0x80  }
0x401: {  	[sflag:s8] =	ssyncset.done $0x0  }
0x402: {  	[sflag:s8] =	ssyncadd.s32 $0xFFFFFF80  }
0x403: {  	[tilespmem:s10], [sflag:$0x1] =	stream.indirect.gather [hbm4b:s1+s10], $0x20, s2, s10, $0xb8;
	[tilespmem:$0x1080] =	vst v63  }
0x404: {  	_ =	swait.ge [sflag:s12], $0x1000  }
0x405: {  	[sflag:s12] =	ssyncset.done $0x0  }
0x406: {  	[sflag:s12] =	ssyncadd.s32 $0xFFFFF000  }
0x407: {  	[hbm4b:s23+s2] =	stream.linear.scatter [tilespmem:s10], [sflag:$0x2], $0x1000, $0x38;
	[tilespmem:$0x1080] =	vst v63  }
0x408: {  	_ =	swait.ge [sflag:s8], $0x1000  }
0x409: {  	[sflag:s8] =	ssyncset.done $0x0  }
0x40a: {  	[sflag:s8] =	ssyncadd.s32 $0xFFFFF000  }
0x40b: {  	[tilespmem:s2], [sflag:$0x2] =	stream.linear.gather [hbm4b:s17+s2], $0x80, $0x38;
	[tilespmem:$0x1080] =	vst v63  }
0x40c: {  	_ =	swait.ge [sflag:s8], $0x80  }
0x40d: {  	[sflag:s8] =	ssyncset.done $0x0  }
0x40e: {  	[sflag:s8] =	ssyncadd.s32 $0xFFFFFF80  }
0x40f: {  	[tilespmem:s10], [sflag:$0x1] =	stream.indirect.gather [hbm4b:s1+s10], $0x20, s2, s10, $0xb8;
	[tilespmem:$0x1080] =	vst v63  }
0x410: {  	_ =	swait.ge [sflag:s12], $0x1000  }
0x411: {  	[sflag:s12] =	ssyncset.done $0x0  }
0x412: {  	[sflag:s12] =	ssyncadd.s32 $0xFFFFF000  }
0x413: {  	[hbm4b:s20+s2] =	stream.linear.scatter [tilespmem:s10], [sflag:$0x2], $0x1000, $0x38;
	[tilespmem:$0x1080] =	vst v63  }
0x414: {  	_ =	swait.ge [sflag:s8], $0x1000  }
0x415: {  	[sflag:s8] =	ssyncset.done $0x0  }
0x416: {  	[sflag:s8] =	ssyncadd.s32 $0xFFFFF000  }
0x417: {  	[tilespmem:s2], [sflag:$0x2] =	stream.linear.gather [hbm4b:s15+s2], $0x80, $0x38;
	[tilespmem:$0x1080] =	vst v63  }
0x418: {  	_ =	swait.ge [sflag:s8], $0x80  }
0x419: {  	[sflag:s8] =	ssyncset.done $0x0  }
0x41a: {  	[sflag:s8] =	ssyncadd.s32 $0xFFFFFF80  }
0x41b: {  	[tilespmem:s10], [sflag:$0x1] =	stream.indirect.gather [hbm4b:s1+s10], $0x20, s2, s10, $0xb8;
	[tilespmem:$0x1080] =	vst v63  }
0x41c: {  	_ =	swait.ge [sflag:s12], $0x1000  }
0x41d: {  	[sflag:s12] =	ssyncset.done $0x0  }
0x41e: {  	[sflag:s12] =	ssyncadd.s32 $0xFFFFF000  }
0x41f: {  	[hbm4b:s18+s2] =	stream.linear.scatter [tilespmem:s10], [sflag:$0x2], $0x1000, $0x38;
	[tilespmem:$0x1080] =	vst v63  }
0x420: {  	_ =	swait.ge [sflag:s8], $0x1000  }
0x421: {  	[sflag:s8] =	ssyncset.done $0x0  }
0x422: {  	[sflag:s8] =	ssyncadd.s32 $0xFFFFF000  }
0x423: {  	[tilespmem:s2], [sflag:$0x2] =	stream.linear.gather [hbm4b:s13+s2], $0x80, $0x38;
	[tilespmem:$0x1080] =	vst v63  }
0x424: {  	_ =	swait.ge [sflag:s8], $0x80  }
0x425: {  	[sflag:s8] =	ssyncset.done $0x0  }
0x426: {  	[sflag:s8] =	ssyncadd.s32 $0xFFFFFF80  }
0x427: {  	[tilespmem:s10], [sflag:$0x1] =	stream.indirect.gather [hbm4b:s1+s10], $0x20, s2, s10, $0xb8;
	[tilespmem:$0x1080] =	vst v63  }
0x428: {  	_ =	swait.ge [sflag:s12], $0x1000  }
0x429: {  	[sflag:s12] =	ssyncset.done $0x0  }
0x42a: {  	[sflag:s12] =	ssyncadd.s32 $0xFFFFF000  }
0x42b: {  	[hbm4b:s16+s2] =	stream.linear.scatter [tilespmem:s10], [sflag:$0x2], $0x1000, $0x38;
	[tilespmem:$0x1080] =	vst v63  }
0x42c: {  	_ =	swait.ge [sflag:s8], $0x1000  }
0x42d: {  	[sflag:s8] =	ssyncset.done $0x0  }
0x42e: {  	[sflag:s8] =	ssyncadd.s32 $0xFFFFF000  }
0x42f: {  	[tilespmem:s2], [sflag:$0x2] =	stream.linear.gather [hbm4b:s9+s2], $0x80, $0x38;
	[tilespmem:$0x1080] =	vst v63  }
0x430: {  	_ =	swait.ge [sflag:s8], $0x80  }
0x431: {  	[sflag:s8] =	ssyncset.done $0x0  }
0x432: {  	[sflag:s8] =	ssyncadd.s32 $0xFFFFFF80  }
0x433: {  	[tilespmem:s10], [sflag:$0x1] =	stream.indirect.gather [hbm4b:s1+s10], $0x20, s2, s10, $0xb8;
	[tilespmem:$0x1080] =	vst v63  }
0x434: {  	_ =	swait.ge [sflag:s12], $0x1000  }
0x435: {  	[sflag:s12] =	ssyncset.done $0x0  }
0x436: {  	[sflag:s12] =	ssyncadd.s32 $0xFFFFF000  }
0x437: {  	[hbm4b:s14+s2] =	stream.linear.scatter [tilespmem:s10], [sflag:$0x2], $0x1000, $0x38;
	[tilespmem:$0x1080] =	vst v63  }
0x438: {  	_ =	swait.ge [sflag:s8], $0x1000  }
0x439: {  	[sflag:s8] =	ssyncset.done $0x0  }
0x43a: {  	[sflag:s8] =	ssyncadd.s32 $0xFFFFF000  }
0x43b: {  	[tilespmem:s2], [sflag:$0x2] =	stream.linear.gather [hbm4b:s6+s2], $0x80, $0x38;
	[tilespmem:$0x1080] =	vst v63  }
0x43c: {  	_ =	swait.ge [sflag:s8], $0x80  }
0x43d: {  	[sflag:s8] =	ssyncset.done $0x0  }
0x43e: {  	[sflag:s8] =	ssyncadd.s32 $0xFFFFFF80  }
0x43f: {  	[tilespmem:s10], [sflag:$0x1] =	stream.indirect.gather [hbm4b:s1+s10], $0x20, s2, s10, $0xb8;
	[tilespmem:$0x1080] =	vst v63  }
0x440: {  	_ =	swait.ge [sflag:s12], $0x1000  }
0x441: {  	[sflag:s12] =	ssyncset.done $0x0  }
0x442: {  	[sflag:s12] =	ssyncadd.s32 $0xFFFFF000  }
0x443: {  	[hbm4b:s11+s2] =	stream.linear.scatter [tilespmem:s10], [sflag:$0x2], $0x1000, $0x38;
	[tilespmem:$0x1080] =	vst v63  }
0x444: {  	_ =	swait.ge [sflag:s8], $0x1000  }
0x445: {  	[sflag:s8] =	ssyncset.done $0x0  }
0x446: {  	[sflag:s8] =	ssyncadd.s32 $0xFFFFF000  }
0x447: {  	[tilespmem:s2], [sflag:$0x2] =	stream.linear.gather [hbm4b:s5+s2], $0x80, $0x38;
	[tilespmem:$0x1080] =	vst v63  }
0x448: {  	_ =	swait.ge [sflag:s8], $0x80  }
0x449: {  	[sflag:s8] =	ssyncset.done $0x0  }
0x44a: {  	[sflag:s8] =	ssyncadd.s32 $0xFFFFFF80  }
0x44b: {  	[tilespmem:s10], [sflag:$0x1] =	stream.indirect.gather [hbm4b:s1+s10], $0x20, s2, s10, $0xb8;
	[tilespmem:$0x1080] =	vst v63  }
0x44c: {  	_ =	swait.ge [sflag:s12], $0x1000  }
0x44d: {  	[sflag:s12] =	ssyncset.done $0x0  }
0x44e: {  	[sflag:s12] =	ssyncadd.s32 $0xFFFFF000  }
0x44f: {  	[hbm4b:s7+s2] =	stream.linear.scatter [tilespmem:s10], [sflag:$0x2], $0x1000, $0x38;
	[tilespmem:$0x1080] =	vst v63  }
0x450: {  	_ =	swait.ge [sflag:s8], $0x1000  }
0x451: {  	[sflag:s8] =	ssyncset.done $0x0  }
0x452: {  	[sflag:s8] =	ssyncadd.s32 $0xFFFFF000  }
0x453: {  	[tilespmem:s28], [sflag:$0x2] =	stream.linear.gather @!p0 [hbm4b:s3+s28], $0x80, $0x38;
	[tilespmem:$0x1080] =	vst v63  }
0x454: {  	_ =	swait.ge @!p0 [sflag:s26], $0x80  }
0x455: {  	[sflag:s26] =	ssyncset.done @!p0 $0x0  }
0x456: {  	s31 =	sadd.s32 $0xFFFFFFFF, s31;
	[sflag:s26] =	ssyncadd.s32 @!p0 $0xFFFFFF80  }
0x457: {  	[tilespmem:s29], [sflag:$0x1] =	stream.indirect.gather @!p0 [hbm4b:s1+s29], $0x20, s28, s29, $0xb8;
	[tilespmem:$0x1080] =	vst v63  }
0x458: {  	p2 =	sne.s32 s31, $0x0;
	_ =	swait.ge @!p0 [sflag:s30], $0x1000  }
.Ltmp2:
0x459: {  	[sflag:s30] =	ssyncset.done @!p0 $0x0;
	(pc) =	sbr.rel @p2 .LBB2_3-.Ltmp2, $4  }
0x45a: {  	[sflag:s30] =	ssyncadd.s32 @!p0 $0xFFFFF000  }
0x45b: {  	[hbm4b:s4+s28] =	stream.linear.scatter @!p0 [tilespmem:s29], [sflag:$0x2], $0x1000, $0x38;
	[tilespmem:$0x1080] =	vst v63  }
0x45c: {  	_ =	swait.ge @!p0 [sflag:s26], $0x1000  }
0x45d: {  	s0 =	rddreg [dreg:$0x3];
	[sflag:s26] =	ssyncset.done @!p0 $0x0  }
.LBB2_4:
0x45e: {  	p1 =	por p0, !p1  }
0x45f: {  	[sflag:s26] =	ssyncadd.s32 @!p1 $0xFFFFF000  }
0x460: {  	[tilespmem:s2], [sflag:$0x2] =	stream.linear.gather [hbm4b:s0+s2], $0x80, $0x38;
	[tilespmem:$0x1080] =	vst v63  }
0x461: {  	_ =	swait.ge [sflag:s8], $0x80  }
0x462: {  	[sflag:s8] =	ssyncset.done $0x0  }
0x463: {  	[sflag:s8] =	ssyncadd.s32 $0xFFFFFF80  }
0x464: {  	[tilespmem:s10], [sflag:$0x1] =	stream.indirect.gather [hbm4b:s1+s10], $0x20, s2, s10, $0xb8;
	[tilespmem:$0x1080] =	vst v63  }
0x465: {  	_ =	swait.ge [sflag:s12], $0x1000  }
0x466: {  	[sflag:s12] =	ssyncset.done $0x0  }
0x467: {  	s28 =	rddreg [dreg:$0x4];
	[sflag:s12] =	ssyncadd.s32 $0xFFFFF000  }
0x468: {  	[hbm4b:s28+s2] =	stream.linear.scatter [tilespmem:s10], [sflag:$0x2], $0x1000, $0x38;
	[tilespmem:$0x1080] =	vst v63  }
0x469: {  	_ =	swait.ge [sflag:s8], $0x1000  }
0x46a: {  	[sflag:s8] =	ssyncset.done $0x0  }
0x46b: {  	s29 =	rddreg [dreg:$0x5];
	[sflag:s8] =	ssyncadd.s32 $0xFFFFF000  }
0x46c: {  	[tilespmem:s2], [sflag:$0x2] =	stream.linear.gather [hbm4b:s29+s2], $0x80, $0x38;
	[tilespmem:$0x1080] =	vst v63  }
0x46d: {  	_ =	swait.ge [sflag:s8], $0x80  }
0x46e: {  	[sflag:s8] =	ssyncset.done $0x0  }
0x46f: {  	[sflag:s8] =	ssyncadd.s32 $0xFFFFFF80  }
0x470: {  	[tilespmem:s10], [sflag:$0x1] =	stream.indirect.gather [hbm4b:s1+s10], $0x20, s2, s10, $0xb8;
	[tilespmem:$0x1080] =	vst v63  }
0x471: {  	_ =	swait.ge [sflag:s12], $0x1000  }
0x472: {  	[sflag:s12] =	ssyncset.done $0x0  }
0x473: {  	s30 =	rddreg [dreg:$0x6];
	[sflag:s12] =	ssyncadd.s32 $0xFFFFF000  }
0x474: {  	[hbm4b:s30+s2] =	stream.linear.scatter [tilespmem:s10], [sflag:$0x2], $0x1000, $0x38;
	[tilespmem:$0x1080] =	vst v63  }
0x475: {  	_ =	swait.ge [sflag:s8], $0x1000  }
0x476: {  	[sflag:s8] =	ssyncset.done $0x0  }
0x477: {  	s31 =	rddreg [dreg:$0x7];
	[sflag:s8] =	ssyncadd.s32 $0xFFFFF000  }
0x478: {  	[tilespmem:s2], [sflag:$0x2] =	stream.linear.gather [hbm4b:s31+s2], $0x80, $0x38;
	[tilespmem:$0x1080] =	vst v63  }
0x479: {  	_ =	swait.ge [sflag:s8], $0x80  }
0x47a: {  	[sflag:s8] =	ssyncset.done $0x0  }
0x47b: {  	[sflag:s8] =	ssyncadd.s32 $0xFFFFFF80  }
0x47c: {  	[tilespmem:s10], [sflag:$0x1] =	stream.indirect.gather [hbm4b:s1+s10], $0x20, s2, s10, $0xb8;
	[tilespmem:$0x1080] =	vst v63  }
0x47d: {  	_ =	swait.ge [sflag:s12], $0x1000  }
0x47e: {  	[sflag:s12] =	ssyncset.done $0x0  }
0x47f: {  	s26 =	rddreg [dreg:$0x8];
	[sflag:s12] =	ssyncadd.s32 $0xFFFFF000  }
0x480: {  	[hbm4b:s26+s2] =	stream.linear.scatter [tilespmem:s10], [sflag:$0x2], $0x1000, $0x38;
	[tilespmem:$0x1080] =	vst v63  }
0x481: {  	_ =	swait.ge [sflag:s8], $0x1000  }
0x482: {  	[sflag:s8] =	ssyncset.done $0x0  }
0x483: {  	s28 =	rddreg [dreg:$0x9];
	[sflag:s8] =	ssyncadd.s32 $0xFFFFF000  }
0x484: {  	[tilespmem:s2], [sflag:$0x2] =	stream.linear.gather [hbm4b:s28+s2], $0x80, $0x38;
	[tilespmem:$0x1080] =	vst v63  }
0x485: {  	_ =	swait.ge [sflag:s8], $0x80  }
0x486: {  	[sflag:s8] =	ssyncset.done $0x0  }
0x487: {  	[sflag:s8] =	ssyncadd.s32 $0xFFFFFF80  }
0x488: {  	[tilespmem:s10], [sflag:$0x1] =	stream.indirect.gather [hbm4b:s1+s10], $0x20, s2, s10, $0xb8;
	[tilespmem:$0x1080] =	vst v63  }
0x489: {  	_ =	swait.ge [sflag:s12], $0x1000  }
0x48a: {  	[sflag:s12] =	ssyncset.done $0x0  }
0x48b: {  	s29 =	rddreg [dreg:$0xa];
	[sflag:s12] =	ssyncadd.s32 $0xFFFFF000  }
0x48c: {  	[hbm4b:s29+s2] =	stream.linear.scatter [tilespmem:s10], [sflag:$0x2], $0x1000, $0x38;
	[tilespmem:$0x1080] =	vst v63  }
0x48d: {  	_ =	swait.ge [sflag:s8], $0x1000  }
0x48e: {  	[sflag:s8] =	ssyncset.done $0x0  }
0x48f: {  	s30 =	rddreg [dreg:$0xb];
	[sflag:s8] =	ssyncadd.s32 $0xFFFFF000  }
0x490: {  	[tilespmem:s2], [sflag:$0x2] =	stream.linear.gather [hbm4b:s30+s2], $0x80, $0x38;
	[tilespmem:$0x1080] =	vst v63  }
0x491: {  	_ =	swait.ge [sflag:s8], $0x80  }
0x492: {  	[sflag:s8] =	ssyncset.done $0x0  }
0x493: {  	[sflag:s8] =	ssyncadd.s32 $0xFFFFFF80  }
0x494: {  	[tilespmem:s10], [sflag:$0x1] =	stream.indirect.gather [hbm4b:s1+s10], $0x20, s2, s10, $0xb8;
	[tilespmem:$0x1080] =	vst v63  }
0x495: {  	_ =	swait.ge [sflag:s12], $0x1000  }
0x496: {  	[sflag:s12] =	ssyncset.done $0x0  }
0x497: {  	s31 =	rddreg [dreg:$0xc];
	[sflag:s12] =	ssyncadd.s32 $0xFFFFF000  }
0x498: {  	[hbm4b:s31+s2] =	stream.linear.scatter [tilespmem:s10], [sflag:$0x2], $0x1000, $0x38;
	[tilespmem:$0x1080] =	vst v63  }
0x499: {  	_ =	swait.ge [sflag:s8], $0x1000  }
0x49a: {  	[sflag:s8] =	ssyncset.done $0x0  }
0x49b: {  	s26 =	rddreg [dreg:$0xd];
	[sflag:s8] =	ssyncadd.s32 $0xFFFFF000  }
0x49c: {  	[tilespmem:s2], [sflag:$0x2] =	stream.linear.gather [hbm4b:s26+s2], $0x80, $0x38;
	[tilespmem:$0x1080] =	vst v63  }
0x49d: {  	_ =	swait.ge [sflag:s8], $0x80  }
0x49e: {  	[sflag:s8] =	ssyncset.done $0x0  }
0x49f: {  	[sflag:s8] =	ssyncadd.s32 $0xFFFFFF80  }
0x4a0: {  	[tilespmem:s10], [sflag:$0x1] =	stream.indirect.gather [hbm4b:s1+s10], $0x20, s2, s10, $0xb8;
	[tilespmem:$0x1080] =	vst v63  }
0x4a1: {  	_ =	swait.ge [sflag:s12], $0x1000  }
0x4a2: {  	[sflag:s12] =	ssyncset.done $0x0  }
0x4a3: {  	s28 =	rddreg [dreg:$0xe];
	[sflag:s12] =	ssyncadd.s32 $0xFFFFF000  }
0x4a4: {  	[hbm4b:s28+s2] =	stream.linear.scatter [tilespmem:s10], [sflag:$0x2], $0x1000, $0x38;
	[tilespmem:$0x1080] =	vst v63  }
0x4a5: {  	_ =	swait.ge [sflag:s8], $0x1000  }
0x4a6: {  	[sflag:s8] =	ssyncset.done $0x0  }
0x4a7: {  	s29 =	rddreg [dreg:$0xf];
	[sflag:s8] =	ssyncadd.s32 $0xFFFFF000  }
0x4a8: {  	[tilespmem:s2], [sflag:$0x2] =	stream.linear.gather [hbm4b:s29+s2], $0x80, $0x38;
	[tilespmem:$0x1080] =	vst v63  }
0x4a9: {  	_ =	swait.ge [sflag:s8], $0x80  }
0x4aa: {  	[sflag:s8] =	ssyncset.done $0x0  }
0x4ab: {  	[sflag:s8] =	ssyncadd.s32 $0xFFFFFF80  }
0x4ac: {  	[tilespmem:s10], [sflag:$0x1] =	stream.indirect.gather [hbm4b:s1+s10], $0x20, s2, s10, $0xb8;
	[tilespmem:$0x1080] =	vst v63  }
0x4ad: {  	_ =	swait.ge [sflag:s12], $0x1000  }
0x4ae: {  	[sflag:s12] =	ssyncset.done $0x0  }
0x4af: {  	s30 =	rddreg [dreg:$0x10];
	[sflag:s12] =	ssyncadd.s32 $0xFFFFF000  }
0x4b0: {  	[hbm4b:s30+s2] =	stream.linear.scatter [tilespmem:s10], [sflag:$0x2], $0x1000, $0x38;
	[tilespmem:$0x1080] =	vst v63  }
0x4b1: {  	_ =	swait.ge [sflag:s8], $0x1000  }
0x4b2: {  	[sflag:s8] =	ssyncset.done $0x0  }
0x4b3: {  	s31 =	rddreg [dreg:$0x11];
	[sflag:s8] =	ssyncadd.s32 $0xFFFFF000  }
0x4b4: {  	[tilespmem:s2], [sflag:$0x2] =	stream.linear.gather [hbm4b:s31+s2], $0x80, $0x38;
	[tilespmem:$0x1080] =	vst v63  }
0x4b5: {  	_ =	swait.ge [sflag:s8], $0x80  }
0x4b6: {  	[sflag:s8] =	ssyncset.done $0x0  }
0x4b7: {  	[sflag:s8] =	ssyncadd.s32 $0xFFFFFF80  }
0x4b8: {  	[tilespmem:s10], [sflag:$0x1] =	stream.indirect.gather [hbm4b:s1+s10], $0x20, s2, s10, $0xb8;
	[tilespmem:$0x1080] =	vst v63  }
0x4b9: {  	_ =	swait.ge [sflag:s12], $0x1000  }
0x4ba: {  	[sflag:s12] =	ssyncset.done $0x0  }
0x4bb: {  	s26 =	rddreg [dreg:$0x12];
	[sflag:s12] =	ssyncadd.s32 $0xFFFFF000  }
0x4bc: {  	[hbm4b:s26+s2] =	stream.linear.scatter [tilespmem:s10], [sflag:$0x2], $0x1000, $0x38;
	[tilespmem:$0x1080] =	vst v63  }
0x4bd: {  	_ =	swait.ge [sflag:s8], $0x1000  }
0x4be: {  	[sflag:s8] =	ssyncset.done $0x0  }
0x4bf: {  	s28 =	rddreg [dreg:$0x13];
	[sflag:s8] =	ssyncadd.s32 $0xFFFFF000  }
0x4c0: {  	[tilespmem:s2], [sflag:$0x2] =	stream.linear.gather [hbm4b:s28+s2], $0x80, $0x38;
	[tilespmem:$0x1080] =	vst v63  }
0x4c1: {  	_ =	swait.ge [sflag:s8], $0x80  }
0x4c2: {  	[sflag:s8] =	ssyncset.done $0x0  }
0x4c3: {  	[sflag:s8] =	ssyncadd.s32 $0xFFFFFF80  }
0x4c4: {  	[tilespmem:s10], [sflag:$0x1] =	stream.indirect.gather [hbm4b:s1+s10], $0x20, s2, s10, $0xb8;
	[tilespmem:$0x1080] =	vst v63  }
0x4c5: {  	_ =	swait.ge [sflag:s12], $0x1000  }
0x4c6: {  	[sflag:s12] =	ssyncset.done $0x0  }
0x4c7: {  	s29 =	rddreg [dreg:$0x14];
	[sflag:s12] =	ssyncadd.s32 $0xFFFFF000  }
0x4c8: {  	[hbm4b:s29+s2] =	stream.linear.scatter [tilespmem:s10], [sflag:$0x2], $0x1000, $0x38;
	[tilespmem:$0x1080] =	vst v63  }
0x4c9: {  	_ =	swait.ge [sflag:s8], $0x1000  }
0x4ca: {  	[sflag:s8] =	ssyncset.done $0x0  }
0x4cb: {  	s30 =	rddreg [dreg:$0x15];
	[sflag:s8] =	ssyncadd.s32 $0xFFFFF000  }
0x4cc: {  	[tilespmem:s2], [sflag:$0x2] =	stream.linear.gather [hbm4b:s30+s2], $0x80, $0x38;
	[tilespmem:$0x1080] =	vst v63  }
0x4cd: {  	_ =	swait.ge [sflag:s8], $0x80  }
0x4ce: {  	[sflag:s8] =	ssyncset.done $0x0  }
0x4cf: {  	[sflag:s8] =	ssyncadd.s32 $0xFFFFFF80  }
0x4d0: {  	[tilespmem:s10], [sflag:$0x1] =	stream.indirect.gather [hbm4b:s1+s10], $0x20, s2, s10, $0xb8;
	[tilespmem:$0x1080] =	vst v63  }
0x4d1: {  	_ =	swait.ge [sflag:s12], $0x1000  }
0x4d2: {  	[sflag:s12] =	ssyncset.done $0x0  }
0x4d3: {  	s31 =	rddreg [dreg:$0x16];
	[sflag:s12] =	ssyncadd.s32 $0xFFFFF000  }
0x4d4: {  	[hbm4b:s31+s2] =	stream.linear.scatter [tilespmem:s10], [sflag:$0x2], $0x1000, $0x38;
	[tilespmem:$0x1080] =	vst v63  }
0x4d5: {  	_ =	swait.ge [sflag:s8], $0x1000  }
0x4d6: {  	[sflag:s8] =	ssyncset.done $0x0  }
0x4d7: {  	s26 =	rddreg [dreg:$0x17];
	[sflag:s8] =	ssyncadd.s32 $0xFFFFF000  }
0x4d8: {  	[tilespmem:s2], [sflag:$0x2] =	stream.linear.gather [hbm4b:s26+s2], $0x80, $0x38;
	[tilespmem:$0x1080] =	vst v63  }
0x4d9: {  	_ =	swait.ge [sflag:s8], $0x80  }
0x4da: {  	[sflag:s8] =	ssyncset.done $0x0  }
0x4db: {  	[sflag:s8] =	ssyncadd.s32 $0xFFFFFF80  }
0x4dc: {  	[tilespmem:s10], [sflag:$0x1] =	stream.indirect.gather [hbm4b:s1+s10], $0x20, s2, s10, $0xb8;
	[tilespmem:$0x1080] =	vst v63  }
0x4dd: {  	_ =	swait.ge [sflag:s12], $0x1000  }
0x4de: {  	[sflag:s12] =	ssyncset.done $0x0  }
0x4df: {  	s28 =	rddreg [dreg:$0x18];
	[sflag:s12] =	ssyncadd.s32 $0xFFFFF000  }
0x4e0: {  	[hbm4b:s28+s2] =	stream.linear.scatter [tilespmem:s10], [sflag:$0x2], $0x1000, $0x38;
	[tilespmem:$0x1080] =	vst v63  }
0x4e1: {  	_ =	swait.ge [sflag:s8], $0x1000  }
0x4e2: {  	[sflag:s8] =	ssyncset.done $0x0  }
0x4e3: {  	s29 =	rddreg [dreg:$0x19];
	[sflag:s8] =	ssyncadd.s32 $0xFFFFF000  }
0x4e4: {  	[tilespmem:s2], [sflag:$0x2] =	stream.linear.gather [hbm4b:s29+s2], $0x80, $0x38;
	[tilespmem:$0x1080] =	vst v63  }
0x4e5: {  	_ =	swait.ge [sflag:s8], $0x80  }
0x4e6: {  	[sflag:s8] =	ssyncset.done $0x0  }
0x4e7: {  	[sflag:s8] =	ssyncadd.s32 $0xFFFFFF80  }
0x4e8: {  	[tilespmem:s10], [sflag:$0x1] =	stream.indirect.gather [hbm4b:s1+s10], $0x20, s2, s10, $0xb8;
	[tilespmem:$0x1080] =	vst v63  }
0x4e9: {  	_ =	swait.ge [sflag:s12], $0x1000  }
0x4ea: {  	[sflag:s12] =	ssyncset.done $0x0  }
0x4eb: {  	s30 =	rddreg [dreg:$0x1a];
	[sflag:s12] =	ssyncadd.s32 $0xFFFFF000  }
0x4ec: {  	[hbm4b:s30+s2] =	stream.linear.scatter [tilespmem:s10], [sflag:$0x2], $0x1000, $0x38;
	[tilespmem:$0x1080] =	vst v63  }
0x4ed: {  	_ =	swait.ge [sflag:s8], $0x1000  }
0x4ee: {  	[sflag:s8] =	ssyncset.done $0x0  }
0x4ef: {  	s31 =	rddreg [dreg:$0x1b];
	[sflag:s8] =	ssyncadd.s32 $0xFFFFF000  }
0x4f0: {  	[tilespmem:s2], [sflag:$0x2] =	stream.linear.gather [hbm4b:s31+s2], $0x80, $0x38;
	[tilespmem:$0x1080] =	vst v63  }
0x4f1: {  	_ =	swait.ge [sflag:s8], $0x80  }
0x4f2: {  	[sflag:s8] =	ssyncset.done $0x0  }
0x4f3: {  	[sflag:s8] =	ssyncadd.s32 $0xFFFFFF80  }
0x4f4: {  	[tilespmem:s10], [sflag:$0x1] =	stream.indirect.gather [hbm4b:s1+s10], $0x20, s2, s10, $0xb8;
	[tilespmem:$0x1080] =	vst v63  }
0x4f5: {  	_ =	swait.ge [sflag:s12], $0x1000  }
0x4f6: {  	[sflag:s12] =	ssyncset.done $0x0  }
0x4f7: {  	s26 =	rddreg [dreg:$0x1c];
	[sflag:s12] =	ssyncadd.s32 $0xFFFFF000  }
0x4f8: {  	[hbm4b:s26+s2] =	stream.linear.scatter [tilespmem:s10], [sflag:$0x2], $0x1000, $0x38;
	[tilespmem:$0x1080] =	vst v63  }
0x4f9: {  	_ =	swait.ge [sflag:s8], $0x1000  }
0x4fa: {  	[sflag:s8] =	ssyncset.done $0x0  }
0x4fb: {  	s28 =	rddreg [dreg:$0x1d];
	[sflag:s8] =	ssyncadd.s32 $0xFFFFF000  }
0x4fc: {  	[tilespmem:s2], [sflag:$0x2] =	stream.linear.gather [hbm4b:s28+s2], $0x80, $0x38;
	[tilespmem:$0x1080] =	vst v63  }
0x4fd: {  	_ =	swait.ge [sflag:s8], $0x80  }
0x4fe: {  	[sflag:s8] =	ssyncset.done $0x0  }
0x4ff: {  	[sflag:s8] =	ssyncadd.s32 $0xFFFFFF80  }
0x500: {  	[tilespmem:s10], [sflag:$0x1] =	stream.indirect.gather [hbm4b:s1+s10], $0x20, s2, s10, $0xb8;
	[tilespmem:$0x1080] =	vst v63  }
0x501: {  	_ =	swait.ge [sflag:s12], $0x1000  }
0x502: {  	[sflag:s12] =	ssyncset.done $0x0  }
0x503: {  	s29 =	rddreg [dreg:$0x1e];
	[sflag:s12] =	ssyncadd.s32 $0xFFFFF000  }
0x504: {  	[hbm4b:s29+s2] =	stream.linear.scatter [tilespmem:s10], [sflag:$0x2], $0x1000, $0x38;
	[tilespmem:$0x1080] =	vst v63  }
0x505: {  	_ =	swait.ge [sflag:s8], $0x1000  }
0x506: {  	[sflag:s8] =	ssyncset.done $0x0  }
0x507: {  	s30 =	rddreg [dreg:$0x1f];
	[sflag:s8] =	ssyncadd.s32 $0xFFFFF000  }
0x508: {  	[tilespmem:s2], [sflag:$0x2] =	stream.linear.gather [hbm4b:s30+s2], $0x80, $0x38;
	[tilespmem:$0x1080] =	vst v63  }
0x509: {  	_ =	swait.ge [sflag:s8], $0x80  }
0x50a: {  	[sflag:s8] =	ssyncset.done $0x0  }
0x50b: {  	[sflag:s8] =	ssyncadd.s32 $0xFFFFFF80  }
0x50c: {  	[tilespmem:s10], [sflag:$0x1] =	stream.indirect.gather [hbm4b:s1+s10], $0x20, s2, s10, $0xb8;
	[tilespmem:$0x1080] =	vst v63  }
0x50d: {  	_ =	swait.ge [sflag:s12], $0x1000  }
0x50e: {  	s31 =	sld [smem:$0x7DF]  }
0x50f: {  	[sflag:s12] =	ssyncset.done $0x0  }
0x510: {  	[sflag:s12] =	ssyncadd.s32 $0xFFFFF000  }
0x511: {  	[hbm4b:s31+s2] =	stream.linear.scatter [tilespmem:s10], [sflag:$0x2], $0x1000, $0x38;
	[tilespmem:$0x1080] =	vst v63  }
0x512: {  	_ =	swait.ge [sflag:s8], $0x1000  }
0x513: {  	s26 =	sld [smem:$0x7E0]  }
0x514: {  	[sflag:s8] =	ssyncset.done $0x0  }
0x515: {  	[sflag:s8] =	ssyncadd.s32 $0xFFFFF000  }
0x516: {  	[tilespmem:s2], [sflag:$0x2] =	stream.linear.gather [hbm4b:s26+s2], $0x80, $0x38;
	[tilespmem:$0x1080] =	vst v63  }
0x517: {  	_ =	swait.ge [sflag:s8], $0x80  }
0x518: {  	[sflag:s8] =	ssyncset.done $0x0  }
0x519: {  	[sflag:s8] =	ssyncadd.s32 $0xFFFFFF80  }
0x51a: {  	[tilespmem:s10], [sflag:$0x1] =	stream.indirect.gather [hbm4b:s1+s10], $0x20, s2, s10, $0xb8;
	[tilespmem:$0x1080] =	vst v63  }
0x51b: {  	_ =	swait.ge [sflag:s12], $0x1000  }
0x51c: {  	s28 =	sld [smem:$0x7E1]  }
0x51d: {  	[sflag:s12] =	ssyncset.done $0x0  }
0x51e: {  	[sflag:s12] =	ssyncadd.s32 $0xFFFFF000  }
0x51f: {  	[hbm4b:s28+s2] =	stream.linear.scatter [tilespmem:s10], [sflag:$0x2], $0x1000, $0x38;
	[tilespmem:$0x1080] =	vst v63  }
0x520: {  	_ =	swait.ge [sflag:s8], $0x1000  }
0x521: {  	s29 =	sld [smem:$0x7E2]  }
0x522: {  	[sflag:s8] =	ssyncset.done $0x0  }
0x523: {  	[sflag:s8] =	ssyncadd.s32 $0xFFFFF000  }
0x524: {  	[tilespmem:s2], [sflag:$0x2] =	stream.linear.gather [hbm4b:s29+s2], $0x80, $0x38;
	[tilespmem:$0x1080] =	vst v63  }
0x525: {  	_ =	swait.ge [sflag:s8], $0x80  }
0x526: {  	[sflag:s8] =	ssyncset.done $0x0  }
0x527: {  	[sflag:s8] =	ssyncadd.s32 $0xFFFFFF80  }
0x528: {  	[tilespmem:s10], [sflag:$0x1] =	stream.indirect.gather [hbm4b:s1+s10], $0x20, s2, s10, $0xb8;
	[tilespmem:$0x1080] =	vst v63  }
0x529: {  	_ =	swait.ge [sflag:s12], $0x1000  }
0x52a: {  	s30 =	sld [smem:$0x7E3]  }
0x52b: {  	[sflag:s12] =	ssyncset.done $0x0  }
0x52c: {  	[sflag:s12] =	ssyncadd.s32 $0xFFFFF000  }
0x52d: {  	[hbm4b:s30+s2] =	stream.linear.scatter [tilespmem:s10], [sflag:$0x2], $0x1000, $0x38;
	[tilespmem:$0x1080] =	vst v63  }
0x52e: {  	_ =	swait.ge [sflag:s8], $0x1000  }
0x52f: {  	s31 =	sld [smem:$0x7E4]  }
0x530: {  	[sflag:s8] =	ssyncset.done $0x0  }
0x531: {  	[sflag:s8] =	ssyncadd.s32 $0xFFFFF000  }
0x532: {  	[tilespmem:s2], [sflag:$0x2] =	stream.linear.gather [hbm4b:s31+s2], $0x80, $0x38;
	[tilespmem:$0x1080] =	vst v63  }
0x533: {  	_ =	swait.ge [sflag:s8], $0x80  }
0x534: {  	[sflag:s8] =	ssyncset.done $0x0  }
0x535: {  	[sflag:s8] =	ssyncadd.s32 $0xFFFFFF80  }
0x536: {  	[tilespmem:s10], [sflag:$0x1] =	stream.indirect.gather [hbm4b:s1+s10], $0x20, s2, s10, $0xb8;
	[tilespmem:$0x1080] =	vst v63  }
0x537: {  	_ =	swait.ge [sflag:s12], $0x1000  }
0x538: {  	s26 =	sld [smem:$0x7E5]  }
0x539: {  	[sflag:s12] =	ssyncset.done $0x0  }
0x53a: {  	[sflag:s12] =	ssyncadd.s32 $0xFFFFF000  }
0x53b: {  	[hbm4b:s26+s2] =	stream.linear.scatter [tilespmem:s10], [sflag:$0x2], $0x1000, $0x38;
	[tilespmem:$0x1080] =	vst v63  }
0x53c: {  	_ =	swait.ge [sflag:s8], $0x1000  }
0x53d: {  	s28 =	sld [smem:$0x7E6]  }
0x53e: {  	[sflag:s8] =	ssyncset.done $0x0  }
0x53f: {  	[sflag:s8] =	ssyncadd.s32 $0xFFFFF000  }
0x540: {  	[tilespmem:s2], [sflag:$0x2] =	stream.linear.gather [hbm4b:s28+s2], $0x80, $0x38;
	[tilespmem:$0x1080] =	vst v63  }
0x541: {  	_ =	swait.ge [sflag:s8], $0x80  }
0x542: {  	[sflag:s8] =	ssyncset.done $0x0  }
0x543: {  	[sflag:s8] =	ssyncadd.s32 $0xFFFFFF80  }
0x544: {  	[tilespmem:s10], [sflag:$0x1] =	stream.indirect.gather [hbm4b:s1+s10], $0x20, s2, s10, $0xb8;
	[tilespmem:$0x1080] =	vst v63  }
0x545: {  	_ =	swait.ge [sflag:s12], $0x1000  }
0x546: {  	s29 =	sld [smem:$0x7E7]  }
0x547: {  	[sflag:s12] =	ssyncset.done $0x0  }
0x548: {  	[sflag:s12] =	ssyncadd.s32 $0xFFFFF000  }
0x549: {  	[hbm4b:s29+s2] =	stream.linear.scatter [tilespmem:s10], [sflag:$0x2], $0x1000, $0x38;
	[tilespmem:$0x1080] =	vst v63  }
0x54a: {  	_ =	swait.ge [sflag:s8], $0x1000  }
0x54b: {  	s30 =	sld [smem:$0x7E8]  }
0x54c: {  	[sflag:s8] =	ssyncset.done $0x0  }
0x54d: {  	[sflag:s8] =	ssyncadd.s32 $0xFFFFF000  }
0x54e: {  	[tilespmem:s2], [sflag:$0x2] =	stream.linear.gather [hbm4b:s30+s2], $0x80, $0x38;
	[tilespmem:$0x1080] =	vst v63  }
0x54f: {  	_ =	swait.ge [sflag:s8], $0x80  }
0x550: {  	[sflag:s8] =	ssyncset.done $0x0  }
0x551: {  	[sflag:s8] =	ssyncadd.s32 $0xFFFFFF80  }
0x552: {  	[tilespmem:s10], [sflag:$0x1] =	stream.indirect.gather [hbm4b:s1+s10], $0x20, s2, s10, $0xb8;
	[tilespmem:$0x1080] =	vst v63  }
0x553: {  	_ =	swait.ge [sflag:s12], $0x1000  }
0x554: {  	s31 =	sld [smem:$0x7E9]  }
0x555: {  	[sflag:s12] =	ssyncset.done $0x0  }
0x556: {  	[sflag:s12] =	ssyncadd.s32 $0xFFFFF000  }
0x557: {  	[hbm4b:s31+s2] =	stream.linear.scatter [tilespmem:s10], [sflag:$0x2], $0x1000, $0x38;
	[tilespmem:$0x1080] =	vst v63  }
0x558: {  	_ =	swait.ge [sflag:s8], $0x1000  }
0x559: {  	s26 =	sld [smem:$0x7EA]  }
0x55a: {  	[sflag:s8] =	ssyncset.done $0x0  }
0x55b: {  	[sflag:s8] =	ssyncadd.s32 $0xFFFFF000  }
0x55c: {  	[tilespmem:s2], [sflag:$0x2] =	stream.linear.gather [hbm4b:s26+s2], $0x80, $0x38;
	[tilespmem:$0x1080] =	vst v63  }
0x55d: {  	_ =	swait.ge [sflag:s8], $0x80  }
0x55e: {  	[sflag:s8] =	ssyncset.done $0x0  }
0x55f: {  	[sflag:s8] =	ssyncadd.s32 $0xFFFFFF80  }
0x560: {  	[tilespmem:s10], [sflag:$0x1] =	stream.indirect.gather [hbm4b:s1+s10], $0x20, s2, s10, $0xb8;
	[tilespmem:$0x1080] =	vst v63  }
0x561: {  	_ =	swait.ge [sflag:s12], $0x1000  }
0x562: {  	s28 =	sld [smem:$0x7EB]  }
0x563: {  	[sflag:s12] =	ssyncset.done $0x0  }
0x564: {  	[sflag:s12] =	ssyncadd.s32 $0xFFFFF000  }
0x565: {  	[hbm4b:s28+s2] =	stream.linear.scatter [tilespmem:s10], [sflag:$0x2], $0x1000, $0x38;
	[tilespmem:$0x1080] =	vst v63  }
0x566: {  	_ =	swait.ge [sflag:s8], $0x1000  }
0x567: {  	s29 =	sld [smem:$0x7EC]  }
0x568: {  	[sflag:s8] =	ssyncset.done $0x0  }
0x569: {  	[sflag:s8] =	ssyncadd.s32 $0xFFFFF000  }
0x56a: {  	[tilespmem:s2], [sflag:$0x2] =	stream.linear.gather [hbm4b:s29+s2], $0x80, $0x38;
	[tilespmem:$0x1080] =	vst v63  }
0x56b: {  	_ =	swait.ge [sflag:s8], $0x80  }
0x56c: {  	[sflag:s8] =	ssyncset.done $0x0  }
0x56d: {  	[sflag:s8] =	ssyncadd.s32 $0xFFFFFF80  }
0x56e: {  	[tilespmem:s10], [sflag:$0x1] =	stream.indirect.gather [hbm4b:s1+s10], $0x20, s2, s10, $0xb8;
	[tilespmem:$0x1080] =	vst v63  }
0x56f: {  	_ =	swait.ge [sflag:s12], $0x1000  }
0x570: {  	s30 =	sld [smem:$0x7ED]  }
0x571: {  	[sflag:s12] =	ssyncset.done $0x0  }
0x572: {  	[sflag:s12] =	ssyncadd.s32 $0xFFFFF000  }
0x573: {  	[hbm4b:s30+s2] =	stream.linear.scatter [tilespmem:s10], [sflag:$0x2], $0x1000, $0x38;
	[tilespmem:$0x1080] =	vst v63  }
0x574: {  	_ =	swait.ge [sflag:s8], $0x1000  }
0x575: {  	s31 =	sld [smem:$0x7EE]  }
0x576: {  	[sflag:s8] =	ssyncset.done $0x0  }
0x577: {  	[sflag:s8] =	ssyncadd.s32 $0xFFFFF000  }
0x578: {  	[tilespmem:s2], [sflag:$0x2] =	stream.linear.gather [hbm4b:s31+s2], $0x80, $0x38;
	[tilespmem:$0x1080] =	vst v63  }
0x579: {  	_ =	swait.ge [sflag:s8], $0x80  }
0x57a: {  	[sflag:s8] =	ssyncset.done $0x0  }
0x57b: {  	[sflag:s8] =	ssyncadd.s32 $0xFFFFFF80  }
0x57c: {  	[tilespmem:s10], [sflag:$0x1] =	stream.indirect.gather [hbm4b:s1+s10], $0x20, s2, s10, $0xb8;
	[tilespmem:$0x1080] =	vst v63  }
0x57d: {  	_ =	swait.ge [sflag:s12], $0x1000  }
0x57e: {  	s26 =	sld [smem:$0x7EF]  }
0x57f: {  	[sflag:s12] =	ssyncset.done $0x0  }
0x580: {  	[sflag:s12] =	ssyncadd.s32 $0xFFFFF000  }
0x581: {  	[hbm4b:s26+s2] =	stream.linear.scatter [tilespmem:s10], [sflag:$0x2], $0x1000, $0x38;
	[tilespmem:$0x1080] =	vst v63  }
0x582: {  	_ =	swait.ge [sflag:s8], $0x1000  }
0x583: {  	s28 =	sld [smem:$0x7F0]  }
0x584: {  	[sflag:s8] =	ssyncset.done $0x0  }
0x585: {  	[sflag:s8] =	ssyncadd.s32 $0xFFFFF000  }
0x586: {  	[tilespmem:s2], [sflag:$0x2] =	stream.linear.gather [hbm4b:s28+s2], $0x80, $0x38;
	[tilespmem:$0x1080] =	vst v63  }
0x587: {  	_ =	swait.ge [sflag:s8], $0x80  }
0x588: {  	[sflag:s8] =	ssyncset.done $0x0  }
0x589: {  	[sflag:s8] =	ssyncadd.s32 $0xFFFFFF80  }
0x58a: {  	[tilespmem:s10], [sflag:$0x1] =	stream.indirect.gather [hbm4b:s1+s10], $0x20, s2, s10, $0xb8;
	[tilespmem:$0x1080] =	vst v63  }
0x58b: {  	_ =	swait.ge [sflag:s12], $0x1000  }
0x58c: {  	s29 =	sld [smem:$0x7F1]  }
0x58d: {  	[sflag:s12] =	ssyncset.done $0x0  }
0x58e: {  	[sflag:s12] =	ssyncadd.s32 $0xFFFFF000  }
0x58f: {  	[hbm4b:s29+s2] =	stream.linear.scatter [tilespmem:s10], [sflag:$0x2], $0x1000, $0x38;
	[tilespmem:$0x1080] =	vst v63  }
0x590: {  	_ =	swait.ge [sflag:s8], $0x1000  }
0x591: {  	s30 =	sld [smem:$0x7F2]  }
0x592: {  	[sflag:s8] =	ssyncset.done $0x0  }
0x593: {  	[sflag:s8] =	ssyncadd.s32 $0xFFFFF000  }
0x594: {  	[tilespmem:s2], [sflag:$0x2] =	stream.linear.gather [hbm4b:s30+s2], $0x80, $0x38;
	[tilespmem:$0x1080] =	vst v63  }
0x595: {  	_ =	swait.ge [sflag:s8], $0x80  }
0x596: {  	[sflag:s8] =	ssyncset.done $0x0  }
0x597: {  	[sflag:s8] =	ssyncadd.s32 $0xFFFFFF80  }
0x598: {  	[tilespmem:s10], [sflag:$0x1] =	stream.indirect.gather [hbm4b:s1+s10], $0x20, s2, s10, $0xb8;
	[tilespmem:$0x1080] =	vst v63  }
0x599: {  	_ =	swait.ge [sflag:s12], $0x1000  }
0x59a: {  	s31 =	sld [smem:$0x7F3]  }
0x59b: {  	[sflag:s12] =	ssyncset.done $0x0  }
0x59c: {  	[sflag:s12] =	ssyncadd.s32 $0xFFFFF000  }
0x59d: {  	[hbm4b:s31+s2] =	stream.linear.scatter [tilespmem:s10], [sflag:$0x2], $0x1000, $0x38;
	[tilespmem:$0x1080] =	vst v63  }
0x59e: {  	_ =	swait.ge [sflag:s8], $0x1000  }
0x59f: {  	s26 =	sld [smem:$0x7F4]  }
0x5a0: {  	[sflag:s8] =	ssyncset.done $0x0  }
0x5a1: {  	[sflag:s8] =	ssyncadd.s32 $0xFFFFF000  }
0x5a2: {  	[tilespmem:s2], [sflag:$0x2] =	stream.linear.gather [hbm4b:s26+s2], $0x80, $0x38;
	[tilespmem:$0x1080] =	vst v63  }
0x5a3: {  	_ =	swait.ge [sflag:s8], $0x80  }
0x5a4: {  	[sflag:s8] =	ssyncset.done $0x0  }
0x5a5: {  	[sflag:s8] =	ssyncadd.s32 $0xFFFFFF80  }
0x5a6: {  	[tilespmem:s10], [sflag:$0x1] =	stream.indirect.gather [hbm4b:s1+s10], $0x20, s2, s10, $0xb8;
	[tilespmem:$0x1080] =	vst v63  }
0x5a7: {  	_ =	swait.ge [sflag:s12], $0x1000  }
0x5a8: {  	s28 =	sld [smem:$0x7F5]  }
0x5a9: {  	[sflag:s12] =	ssyncset.done $0x0  }
0x5aa: {  	[sflag:s12] =	ssyncadd.s32 $0xFFFFF000  }
0x5ab: {  	[hbm4b:s28+s2] =	stream.linear.scatter [tilespmem:s10], [sflag:$0x2], $0x1000, $0x38;
	[tilespmem:$0x1080] =	vst v63  }
0x5ac: {  	_ =	swait.ge [sflag:s8], $0x1000  }
0x5ad: {  	s29 =	sld [smem:$0x7F6]  }
0x5ae: {  	[sflag:s8] =	ssyncset.done $0x0  }
0x5af: {  	[sflag:s8] =	ssyncadd.s32 $0xFFFFF000  }
0x5b0: {  	[tilespmem:s2], [sflag:$0x2] =	stream.linear.gather [hbm4b:s29+s2], $0x80, $0x38;
	[tilespmem:$0x1080] =	vst v63  }
0x5b1: {  	_ =	swait.ge [sflag:s8], $0x80  }
0x5b2: {  	[sflag:s8] =	ssyncset.done $0x0  }
0x5b3: {  	[sflag:s8] =	ssyncadd.s32 $0xFFFFFF80  }
0x5b4: {  	[tilespmem:s10], [sflag:$0x1] =	stream.indirect.gather [hbm4b:s1+s10], $0x20, s2, s10, $0xb8;
	[tilespmem:$0x1080] =	vst v63  }
0x5b5: {  	_ =	swait.ge [sflag:s12], $0x1000  }
0x5b6: {  	s30 =	sld [smem:$0x7F7]  }
0x5b7: {  	[sflag:s12] =	ssyncset.done $0x0  }
0x5b8: {  	[sflag:s12] =	ssyncadd.s32 $0xFFFFF000  }
0x5b9: {  	[hbm4b:s30+s2] =	stream.linear.scatter [tilespmem:s10], [sflag:$0x2], $0x1000, $0x38;
	[tilespmem:$0x1080] =	vst v63  }
0x5ba: {  	_ =	swait.ge [sflag:s8], $0x1000  }
0x5bb: {  	s31 =	sld [smem:$0x7F8]  }
0x5bc: {  	[sflag:s8] =	ssyncset.done $0x0  }
0x5bd: {  	[sflag:s8] =	ssyncadd.s32 $0xFFFFF000  }
0x5be: {  	[tilespmem:s2], [sflag:$0x2] =	stream.linear.gather [hbm4b:s31+s2], $0x80, $0x38;
	[tilespmem:$0x1080] =	vst v63  }
0x5bf: {  	_ =	swait.ge [sflag:s8], $0x80  }
0x5c0: {  	[sflag:s8] =	ssyncset.done $0x0  }
0x5c1: {  	[sflag:s8] =	ssyncadd.s32 $0xFFFFFF80  }
0x5c2: {  	[tilespmem:s10], [sflag:$0x1] =	stream.indirect.gather [hbm4b:s1+s10], $0x20, s2, s10, $0xb8;
	[tilespmem:$0x1080] =	vst v63  }
0x5c3: {  	_ =	swait.ge [sflag:s12], $0x1000  }
0x5c4: {  	s26 =	sld [smem:$0x7F9]  }
0x5c5: {  	[sflag:s12] =	ssyncset.done $0x0  }
0x5c6: {  	[sflag:s12] =	ssyncadd.s32 $0xFFFFF000  }
0x5c7: {  	[hbm4b:s26+s2] =	stream.linear.scatter [tilespmem:s10], [sflag:$0x2], $0x1000, $0x38;
	[tilespmem:$0x1080] =	vst v63  }
0x5c8: {  	_ =	swait.ge [sflag:s8], $0x1000  }
0x5c9: {  	s28 =	sld [smem:$0x7FA]  }
0x5ca: {  	[sflag:s8] =	ssyncset.done $0x0  }
0x5cb: {  	[sflag:s8] =	ssyncadd.s32 $0xFFFFF000  }
0x5cc: {  	[tilespmem:s2], [sflag:$0x2] =	stream.linear.gather [hbm4b:s28+s2], $0x80, $0x38;
	[tilespmem:$0x1080] =	vst v63  }
0x5cd: {  	_ =	swait.ge [sflag:s8], $0x80  }
0x5ce: {  	[sflag:s8] =	ssyncset.done $0x0  }
0x5cf: {  	[sflag:s8] =	ssyncadd.s32 $0xFFFFFF80  }
0x5d0: {  	[tilespmem:s10], [sflag:$0x1] =	stream.indirect.gather [hbm4b:s1+s10], $0x20, s2, s10, $0xb8;
	[tilespmem:$0x1080] =	vst v63  }
0x5d1: {  	_ =	swait.ge [sflag:s12], $0x1000  }
0x5d2: {  	s29 =	sld [smem:$0x7FB]  }
0x5d3: {  	[sflag:s12] =	ssyncset.done $0x0  }
0x5d4: {  	[sflag:s12] =	ssyncadd.s32 $0xFFFFF000  }
0x5d5: {  	[hbm4b:s29+s2] =	stream.linear.scatter [tilespmem:s10], [sflag:$0x2], $0x1000, $0x38;
	[tilespmem:$0x1080] =	vst v63  }
0x5d6: {  	_ =	swait.ge [sflag:s8], $0x1000  }
0x5d7: {  	s30 =	sld [smem:$0x7FC]  }
0x5d8: {  	[sflag:s8] =	ssyncset.done $0x0  }
0x5d9: {  	[sflag:s8] =	ssyncadd.s32 $0xFFFFF000  }
0x5da: {  	[tilespmem:s2], [sflag:$0x2] =	stream.linear.gather [hbm4b:s30+s2], $0x80, $0x38;
	[tilespmem:$0x1080] =	vst v63  }
0x5db: {  	_ =	swait.ge [sflag:s8], $0x80  }
0x5dc: {  	[sflag:s8] =	ssyncset.done $0x0  }
0x5dd: {  	[sflag:s8] =	ssyncadd.s32 $0xFFFFFF80  }
0x5de: {  	[tilespmem:s10], [sflag:$0x1] =	stream.indirect.gather [hbm4b:s1+s10], $0x20, s2, s10, $0xb8;
	[tilespmem:$0x1080] =	vst v63  }
0x5df: {  	_ =	swait.ge [sflag:s12], $0x1000  }
0x5e0: {  	s31 =	sld [smem:$0x7FD]  }
0x5e1: {  	[sflag:s12] =	ssyncset.done $0x0  }
0x5e2: {  	[sflag:s12] =	ssyncadd.s32 $0xFFFFF000  }
0x5e3: {  	[hbm4b:s31+s2] =	stream.linear.scatter [tilespmem:s10], [sflag:$0x2], $0x1000, $0x38;
	[tilespmem:$0x1080] =	vst v63  }
0x5e4: {  	_ =	swait.ge [sflag:s8], $0x1000  }
0x5e5: {  	[sflag:s8] =	ssyncset.done $0x0  }
0x5e6: {  	[sflag:s8] =	ssyncadd.s32 $0xFFFFF000  }
0x5e7: {  	[tilespmem:s2], [sflag:$0x2] =	stream.linear.gather [hbm4b:s22+s2], $0x80, $0x38;
	[tilespmem:$0x1080] =	vst v63  }
0x5e8: {  	_ =	swait.ge [sflag:s8], $0x80  }
0x5e9: {  	[sflag:s8] =	ssyncset.done $0x0  }
0x5ea: {  	[sflag:s8] =	ssyncadd.s32 $0xFFFFFF80  }
0x5eb: {  	[tilespmem:s10], [sflag:$0x1] =	stream.indirect.gather [hbm4b:s1+s10], $0x20, s2, s10, $0xb8;
	[tilespmem:$0x1080] =	vst v63  }
0x5ec: {  	_ =	swait.ge [sflag:s12], $0x1000  }
0x5ed: {  	[sflag:s12] =	ssyncset.done $0x0  }
0x5ee: {  	[sflag:s12] =	ssyncadd.s32 $0xFFFFF000  }
0x5ef: {  	[hbm4b:s25+s2] =	stream.linear.scatter [tilespmem:s10], [sflag:$0x2], $0x1000, $0x38;
	[tilespmem:$0x1080] =	vst v63  }
0x5f0: {  	_ =	swait.ge [sflag:s8], $0x1000  }
0x5f1: {  	[sflag:s8] =	ssyncset.done $0x0  }
0x5f2: {  	[sflag:s8] =	ssyncadd.s32 $0xFFFFF000  }
0x5f3: {  	[tilespmem:s2], [sflag:$0x2] =	stream.linear.gather [hbm4b:s21+s2], $0x80, $0x38;
	[tilespmem:$0x1080] =	vst v63  }
0x5f4: {  	_ =	swait.ge [sflag:s8], $0x80  }
0x5f5: {  	[sflag:s8] =	ssyncset.done $0x0  }
0x5f6: {  	[sflag:s8] =	ssyncadd.s32 $0xFFFFFF80  }
0x5f7: {  	[tilespmem:s10], [sflag:$0x1] =	stream.indirect.gather [hbm4b:s1+s10], $0x20, s2, s10, $0xb8;
	[tilespmem:$0x1080] =	vst v63  }
0x5f8: {  	_ =	swait.ge [sflag:s12], $0x1000  }
0x5f9: {  	[sflag:s12] =	ssyncset.done $0x0  }
0x5fa: {  	[sflag:s12] =	ssyncadd.s32 $0xFFFFF000  }
0x5fb: {  	[hbm4b:s24+s2] =	stream.linear.scatter [tilespmem:s10], [sflag:$0x2], $0x1000, $0x38;
	[tilespmem:$0x1080] =	vst v63  }
0x5fc: {  	_ =	swait.ge [sflag:s8], $0x1000  }
0x5fd: {  	[sflag:s8] =	ssyncset.done $0x0  }
0x5fe: {  	[sflag:s8] =	ssyncadd.s32 $0xFFFFF000  }
0x5ff: {  	[tilespmem:s2], [sflag:$0x2] =	stream.linear.gather [hbm4b:s19+s2], $0x80, $0x38;
	[tilespmem:$0x1080] =	vst v63  }
0x600: {  	_ =	swait.ge [sflag:s8], $0x80  }
0x601: {  	[sflag:s8] =	ssyncset.done $0x0  }
0x602: {  	[sflag:s8] =	ssyncadd.s32 $0xFFFFFF80  }
0x603: {  	[tilespmem:s10], [sflag:$0x1] =	stream.indirect.gather [hbm4b:s1+s10], $0x20, s2, s10, $0xb8;
	[tilespmem:$0x1080] =	vst v63  }
0x604: {  	_ =	swait.ge [sflag:s12], $0x1000  }
0x605: {  	[sflag:s12] =	ssyncset.done $0x0  }
0x606: {  	[sflag:s12] =	ssyncadd.s32 $0xFFFFF000  }
0x607: {  	[hbm4b:s23+s2] =	stream.linear.scatter [tilespmem:s10], [sflag:$0x2], $0x1000, $0x38;
	[tilespmem:$0x1080] =	vst v63  }
0x608: {  	_ =	swait.ge [sflag:s8], $0x1000  }
0x609: {  	[sflag:s8] =	ssyncset.done $0x0  }
0x60a: {  	[sflag:s8] =	ssyncadd.s32 $0xFFFFF000  }
0x60b: {  	[tilespmem:s2], [sflag:$0x2] =	stream.linear.gather [hbm4b:s17+s2], $0x80, $0x38;
	[tilespmem:$0x1080] =	vst v63  }
0x60c: {  	_ =	swait.ge [sflag:s8], $0x80  }
0x60d: {  	[sflag:s8] =	ssyncset.done $0x0  }
0x60e: {  	[sflag:s8] =	ssyncadd.s32 $0xFFFFFF80  }
0x60f: {  	[tilespmem:s10], [sflag:$0x1] =	stream.indirect.gather [hbm4b:s1+s10], $0x20, s2, s10, $0xb8;
	[tilespmem:$0x1080] =	vst v63  }
0x610: {  	_ =	swait.ge [sflag:s12], $0x1000  }
0x611: {  	[sflag:s12] =	ssyncset.done $0x0  }
0x612: {  	[sflag:s12] =	ssyncadd.s32 $0xFFFFF000  }
0x613: {  	[hbm4b:s20+s2] =	stream.linear.scatter [tilespmem:s10], [sflag:$0x2], $0x1000, $0x38;
	[tilespmem:$0x1080] =	vst v63  }
0x614: {  	_ =	swait.ge [sflag:s8], $0x1000  }
0x615: {  	[sflag:s8] =	ssyncset.done $0x0  }
0x616: {  	[sflag:s8] =	ssyncadd.s32 $0xFFFFF000  }
0x617: {  	[tilespmem:s2], [sflag:$0x2] =	stream.linear.gather [hbm4b:s15+s2], $0x80, $0x38;
	[tilespmem:$0x1080] =	vst v63  }
0x618: {  	_ =	swait.ge [sflag:s8], $0x80  }
0x619: {  	[sflag:s8] =	ssyncset.done $0x0  }
0x61a: {  	[sflag:s8] =	ssyncadd.s32 $0xFFFFFF80  }
0x61b: {  	[tilespmem:s10], [sflag:$0x1] =	stream.indirect.gather [hbm4b:s1+s10], $0x20, s2, s10, $0xb8;
	[tilespmem:$0x1080] =	vst v63  }
0x61c: {  	_ =	swait.ge [sflag:s12], $0x1000  }
0x61d: {  	[sflag:s12] =	ssyncset.done $0x0  }
0x61e: {  	[sflag:s12] =	ssyncadd.s32 $0xFFFFF000  }
0x61f: {  	[hbm4b:s18+s2] =	stream.linear.scatter [tilespmem:s10], [sflag:$0x2], $0x1000, $0x38;
	[tilespmem:$0x1080] =	vst v63  }
0x620: {  	_ =	swait.ge [sflag:s8], $0x1000  }
0x621: {  	[sflag:s8] =	ssyncset.done $0x0  }
0x622: {  	[sflag:s8] =	ssyncadd.s32 $0xFFFFF000  }
0x623: {  	[tilespmem:s2], [sflag:$0x2] =	stream.linear.gather [hbm4b:s13+s2], $0x80, $0x38;
	[tilespmem:$0x1080] =	vst v63  }
0x624: {  	_ =	swait.ge [sflag:s8], $0x80  }
0x625: {  	[sflag:s8] =	ssyncset.done $0x0  }
0x626: {  	[sflag:s8] =	ssyncadd.s32 $0xFFFFFF80  }
0x627: {  	[tilespmem:s10], [sflag:$0x1] =	stream.indirect.gather [hbm4b:s1+s10], $0x20, s2, s10, $0xb8;
	[tilespmem:$0x1080] =	vst v63  }
0x628: {  	_ =	swait.ge [sflag:s12], $0x1000  }
0x629: {  	[sflag:s12] =	ssyncset.done $0x0  }
0x62a: {  	[sflag:s12] =	ssyncadd.s32 $0xFFFFF000  }
0x62b: {  	[hbm4b:s16+s2] =	stream.linear.scatter [tilespmem:s10], [sflag:$0x2], $0x1000, $0x38;
	[tilespmem:$0x1080] =	vst v63  }
0x62c: {  	_ =	swait.ge [sflag:s8], $0x1000  }
0x62d: {  	[sflag:s8] =	ssyncset.done $0x0  }
0x62e: {  	[sflag:s8] =	ssyncadd.s32 $0xFFFFF000  }
0x62f: {  	[tilespmem:s2], [sflag:$0x2] =	stream.linear.gather [hbm4b:s9+s2], $0x80, $0x38;
	[tilespmem:$0x1080] =	vst v63  }
0x630: {  	_ =	swait.ge [sflag:s8], $0x80  }
0x631: {  	[sflag:s8] =	ssyncset.done $0x0  }
0x632: {  	[sflag:s8] =	ssyncadd.s32 $0xFFFFFF80  }
0x633: {  	[tilespmem:s10], [sflag:$0x1] =	stream.indirect.gather [hbm4b:s1+s10], $0x20, s2, s10, $0xb8;
	[tilespmem:$0x1080] =	vst v63  }
0x634: {  	_ =	swait.ge [sflag:s12], $0x1000  }
0x635: {  	[sflag:s12] =	ssyncset.done $0x0  }
0x636: {  	[sflag:s12] =	ssyncadd.s32 $0xFFFFF000  }
0x637: {  	[hbm4b:s14+s2] =	stream.linear.scatter [tilespmem:s10], [sflag:$0x2], $0x1000, $0x38;
	[tilespmem:$0x1080] =	vst v63  }
0x638: {  	_ =	swait.ge [sflag:s8], $0x1000  }
0x639: {  	[sflag:s8] =	ssyncset.done $0x0  }
0x63a: {  	[sflag:s8] =	ssyncadd.s32 $0xFFFFF000  }
0x63b: {  	[tilespmem:s2], [sflag:$0x2] =	stream.linear.gather [hbm4b:s6+s2], $0x80, $0x38;
	[tilespmem:$0x1080] =	vst v63  }
0x63c: {  	_ =	swait.ge [sflag:s8], $0x80  }
0x63d: {  	[sflag:s8] =	ssyncset.done $0x0  }
0x63e: {  	[sflag:s8] =	ssyncadd.s32 $0xFFFFFF80  }
0x63f: {  	[tilespmem:s10], [sflag:$0x1] =	stream.indirect.gather [hbm4b:s1+s10], $0x20, s2, s10, $0xb8;
	[tilespmem:$0x1080] =	vst v63  }
0x640: {  	_ =	swait.ge [sflag:s12], $0x1000  }
0x641: {  	[sflag:s12] =	ssyncset.done $0x0  }
0x642: {  	[sflag:s12] =	ssyncadd.s32 $0xFFFFF000  }
0x643: {  	[hbm4b:s11+s2] =	stream.linear.scatter [tilespmem:s10], [sflag:$0x2], $0x1000, $0x38;
	[tilespmem:$0x1080] =	vst v63  }
0x644: {  	_ =	swait.ge [sflag:s8], $0x1000  }
0x645: {  	[sflag:s8] =	ssyncset.done $0x0  }
0x646: {  	[sflag:s8] =	ssyncadd.s32 $0xFFFFF000  }
0x647: {  	[tilespmem:s2], [sflag:$0x2] =	stream.linear.gather [hbm4b:s5+s2], $0x80, $0x38;
	[tilespmem:$0x1080] =	vst v63  }
0x648: {  	_ =	swait.ge [sflag:s8], $0x80  }
0x649: {  	[sflag:s8] =	ssyncset.done $0x0  }
0x64a: {  	[sflag:s8] =	ssyncadd.s32 $0xFFFFFF80  }
0x64b: {  	[tilespmem:s10], [sflag:$0x1] =	stream.indirect.gather [hbm4b:s1+s10], $0x20, s2, s10, $0xb8;
	[tilespmem:$0x1080] =	vst v63  }
0x64c: {  	_ =	swait.ge [sflag:s12], $0x1000  }
0x64d: {  	[sflag:s12] =	ssyncset.done $0x0  }
0x64e: {  	[sflag:s12] =	ssyncadd.s32 $0xFFFFF000  }
0x64f: {  	[hbm4b:s7+s2] =	stream.linear.scatter [tilespmem:s10], [sflag:$0x2], $0x1000, $0x38;
	[tilespmem:$0x1080] =	vst v63  }
0x650: {  	_ =	swait.ge [sflag:s8], $0x1000  }
0x651: {  	[sflag:s8] =	ssyncset.done $0x0  }
0x652: {  	s0 =	simm.s32 @!p0 $0x0;
	s2 =	simm.s32 @!p0 $0x2;
	[sflag:s8] =	ssyncadd.s32 $0xFFFFF000  }
0x653: {  	[tilespmem:s0], [sflag:$0x2] =	stream.linear.gather @!p0 [hbm4b:s3+s0], $0x80, $0x38;
	[tilespmem:$0x1080] =	vst v63  }
0x654: {  	_ =	swait.ge @!p0 [sflag:s2], $0x80  }
0x655: {  	[sflag:s2] =	ssyncset.done @!p0 $0x0  }
0x656: {  	s3 =	simm.s32 @!p0 $0x80;
	[sflag:s2] =	ssyncadd.s32 @!p0 $0xFFFFFF80  }
0x657: {  	[tilespmem:s3], [sflag:$0x1] =	stream.indirect.gather @!p0 [hbm4b:s1+s3], $0x20, s0, s3, $0xb8;
	[tilespmem:$0x1080] =	vst v63  }
0x658: {  	s1 =	simm.s32 @!p0 $0x1  }
0x659: {  	_ =	swait.ge @!p0 [sflag:s1], $0x1000  }
0x65a: {  	[sflag:s1] =	ssyncset.done @!p0 $0x0  }
0x65b: {  	[sflag:s1] =	ssyncadd.s32 @!p0 $0xFFFFF000  }
0x65c: {  	[hbm4b:s4+s0] =	stream.linear.scatter @!p0 [tilespmem:s3], [sflag:$0x2], $0x1000, $0x38;
	[tilespmem:$0x1080] =	vst v63  }
0x65d: {  	_ =	swait.ge @!p0 [sflag:s2], $0x1000  }
0x65e: {  	[sflag:s2] =	ssyncset.done @!p0 $0x0  }
0x65f: {  	[sflag:s2] =	ssyncadd.s32 @!p0 $0xFFFFF000  }
0x660: {  	_ =	sfence.sel $0x180000  }
0x661: {  	[bflag:$0x0] =	sbarrier.arrive $0xFFFF  }
0x662: {  	_ =	strace $0x90000047  }
0x663: {  	[bflag:$0x2] =	sbarrier.arrive $0xFFFF  }
0x664: {  	s0 =	rddreg [dreg:$0x2]  }
0x665: {  	s0 =	sadd.s32 @!p0 $0x100000, s0  }
0x666: {  	[sflag:s0] =	ssyncadd.tile.s32 @!p0 $0x1;
	_ =	shalt  }
.LBB2_1:
.Ltmp3:
0x667: {  	(pc) =	sbr.rel .LBB2_4-.Ltmp3, $2  }
0x668: {  	_ =	sdelay $0x2  }
0x669: {  	_ = 	snop  }
.Lfunc_end2:
_tile_overlayer_lowered:
.L_overlay_start_2:
0x66a: {  	(tag) =	ssettag $0x2  }
0x66b: {  	s0 =	rddreg [dreg:$0x0];
	s2 =	stileid.u32  }
0x66c: {  	s1 =	rddreg [dreg:$0x1];
	p0 =	sne.s32 s2, $0x0  }
0x66d: {  	s3 =	rddreg [dreg:$0x2];
	[bflag:$0x3] =	sbarrier.arrive $0xFFFF;
	s2 =	simm.s32 @!p0 $0x1C02  }
0x66e: {  	[timem:s3], [sflag:s2] =	dma.local @!p0 [hbm:s0], s1  }
0x66f: {  	s0 =	simm.s32 @!p0 $0x2  }
0x670: {  	_ =	swait.ge @!p0 [sflag:s0], s1  }
0x671: {  	s1 =	ssub.s32 @!p0 $0x0, s1;
	[sflag:s0] =	ssyncset.done @!p0 $0x0  }
0x672: {  	[sflag:s0] =	ssyncadd.s32 @!p0 s1  }
0x673: {  	[bflag:$0x3] =	sbarrier.arrive $0xFFFF  }
0x674: {  	_ =	shalt  }

</sc_bundles>
